<compile_context>
chip_gen: v7x
topology: tpu7x:2x2x1
jax: 0.10.2.dev20260603
libtpu: 0.0.44.dev20260713+nightly
codegen_flags: <defaults>
</compile_context>

<pallas_src>
import functools

import jax
import jax.numpy as jnp
from jax import lax
from jax.experimental import pallas as pl
from jax.experimental.pallas import tpu as pltpu
from jax.experimental.pallas import tpu_sc as plsc

_N = 10000
_E = 320000
_H = 128
_R = 460

_N_PAD = 10112
_ROWS_PER_TILE = _N_PAD // 16
_R_PAD = 464
_CHUNK = 128
_NC, _NS = 2, 16
_NW = _NC * _NS
_E_PAD = 327680
_CHUNKS_PER_W = _E_PAD // (_CHUNK * _NW)
_IDX_BLK = 8
_SLOPE = (1.0 / 8.0 + 1.0 / 3.0) / 2.0


def _sc_accumulate(x, rel_pad, zeros_rows, src2d, dst2d, et2d):
  mesh = plsc.VectorSubcoreMesh(core_axis_name="c", subcore_axis_name="s",
                                num_cores=_NC, num_subcores=_NS)

  @functools.partial(
      pl.kernel,
      out_type=(
          jax.ShapeDtypeStruct((2 * _N_PAD, _H), jnp.float32),
          jax.ShapeDtypeStruct((_NW * _N_PAD,), jnp.float32),
      ),
      mesh=mesh,
      compiler_params=pltpu.CompilerParams(needs_layout_passes=False),
      scratch_types=[
          pltpu.VMEM((_IDX_BLK, _CHUNK), jnp.int32),
          pltpu.VMEM((_IDX_BLK, _CHUNK), jnp.int32),
          pltpu.VMEM((_IDX_BLK, _CHUNK), jnp.int32),
          pltpu.VMEM((_CHUNK, _H), jnp.float32),
          pltpu.VMEM((_CHUNK, _H), jnp.float32),
          pltpu.VMEM((_N_PAD,), jnp.float32),
          pltpu.VMEM_SHARED((_N_PAD, _H), jnp.float32),
          pltpu.VMEM_SHARED((_R_PAD, _H), jnp.float32),
          pltpu.SemaphoreType.DMA,
          pltpu.SemaphoreType.DMA,
      ],
  )
  def k(x_hbm, rel_hbm, z_hbm, src_hbm, dst_hbm, et_hbm, outs_hbm, outd_hbm,
        src_v, dst_v, et_v, bufx_v, bufr_v, deg_v, acc_sh, rel_sh,
        gsem, ssem):
    c = lax.axis_index("c")
    s = lax.axis_index("s")
    w = c * _NS + s
    row_base = s * _ROWS_PER_TILE

    pltpu.sync_copy(z_hbm, acc_sh.at[pl.ds(row_base, _ROWS_PER_TILE)])

    @pl.when(s == 0)
    def _():
      pltpu.sync_copy(rel_hbm, rel_sh)

    z = jnp.zeros((16,), jnp.float32)
    ones16 = jnp.ones((16,), jnp.float32)

    def zdeg(i, carry):
      deg_v[pl.ds(i * 16, 16)] = z
      return carry

    lax.fori_loop(0, _N_PAD // 16, zdeg, 0)
    plsc.subcore_barrier()

    cb = w * _CHUNKS_PER_W
    for b in range(_CHUNKS_PER_W // _IDX_BLK):
      pltpu.sync_copy(src_hbm.at[pl.ds(cb + b * _IDX_BLK, _IDX_BLK)], src_v)
      pltpu.sync_copy(dst_hbm.at[pl.ds(cb + b * _IDX_BLK, _IDX_BLK)], dst_v)
      pltpu.sync_copy(et_hbm.at[pl.ds(cb + b * _IDX_BLK, _IDX_BLK)], et_v)

      def chunk(j, carry):
        gx = pltpu.async_copy(x_hbm.at[src_v.at[j]], bufx_v, gsem)
        gr = pltpu.async_copy(rel_sh.at[et_v.at[j]], bufr_v, ssem)
        gx.wait()
        gr.wait()

        def addrow(i, carry):
          for g in range(_H // 16):
            lane = pl.ds(g * 16, 16)
            bufx_v[i, lane] = bufx_v[i, lane] + bufr_v[i, lane]
          return carry

        lax.fori_loop(0, _CHUNK, addrow, 0)
        pltpu.sync_copy(bufx_v, acc_sh.at[dst_v.at[j]], add=True)
        for g in range(_CHUNK // 16):
          d16 = dst_v[j, pl.ds(g * 16, 16)]
          plsc.addupdate_scatter(deg_v, [d16], ones16)
        return carry

      lax.fori_loop(0, _IDX_BLK, chunk, 0)

    plsc.subcore_barrier()

    out_base = c * _N_PAD + row_base
    pltpu.sync_copy(acc_sh.at[pl.ds(row_base, _ROWS_PER_TILE)],
                    outs_hbm.at[pl.ds(out_base, _ROWS_PER_TILE)])
    pltpu.sync_copy(deg_v, outd_hbm.at[pl.ds(w * _N_PAD, _N_PAD)])

  return k(x, rel_pad, zeros_rows, src2d, dst2d, et2d)


_BLK = 400


def _tc_body(sa_ref, sb_ref, deg_ref, x_ref, wn_ref, ws_ref, o_ref):
  ssum = sa_ref[0] + sb_ref[0]
  deg = jnp.sum(deg_ref[...], axis=0)
  r = 1.0 / jnp.maximum(deg, 1.0)
  h = jnp.dot(ssum * r, wn_ref[...], preferred_element_type=jnp.float32)
  h = h + jnp.dot(x_ref[...], ws_ref[...], preferred_element_type=jnp.float32)
  o_ref[...] = jnp.where(h > 0, h, h * _SLOPE)


def _tc_finish(S3, deg3, x, W_neigh, W_self):
  return pl.pallas_call(
      _tc_body,
      grid=(_N // _BLK,),
      in_specs=[
          pl.BlockSpec((1, _BLK, _H), lambda i: (0, i, 0)),
          pl.BlockSpec((1, _BLK, _H), lambda i: (1, i, 0)),
          pl.BlockSpec((_NW, _BLK, 1), lambda i: (0, i, 0)),
          pl.BlockSpec((_BLK, _H), lambda i: (i, 0)),
          pl.BlockSpec((_H, _H), lambda i: (0, 0)),
          pl.BlockSpec((_H, _H), lambda i: (0, 0)),
      ],
      out_specs=pl.BlockSpec((_BLK, _H), lambda i: (i, 0)),
      out_shape=jax.ShapeDtypeStruct((_N, _H), jnp.float32),
  )(S3, S3, deg3, x, W_neigh, W_self)


def kernel(x, edge_index, edge_type, rel_emb, W_neigh, W_self):
  src = edge_index[0].astype(jnp.int32)
  dst = edge_index[1].astype(jnp.int32)
  et = edge_type.astype(jnp.int32)
  pad = _E_PAD - _E
  src2d = jnp.concatenate([src, jnp.zeros((pad,), jnp.int32)]).reshape(-1, _CHUNK)
  dst2d = jnp.concatenate([dst, jnp.full((pad,), _N, jnp.int32)]).reshape(-1, _CHUNK)
  et2d = jnp.concatenate([et, jnp.zeros((pad,), jnp.int32)]).reshape(-1, _CHUNK)
  rel_pad = jnp.concatenate(
      [rel_emb, jnp.zeros((_R_PAD - _R, _H), jnp.float32)], axis=0)
  zeros_rows = jnp.zeros((_ROWS_PER_TILE, _H), jnp.float32)
  S, deg = _sc_accumulate(x, rel_pad, zeros_rows, src2d, dst2d, et2d)
  S3 = S.reshape(2, _N_PAD, _H)
  deg3 = deg.reshape(_NW, _N_PAD, 1)
  return _tc_finish(S3, deg3, x, W_neigh, W_self)

# --- scband reference (transcript-rebuilt; emitter-appended) ---
"""Pipeline reference for scband-recurrent-rgcn-74397423501962 (READ-ONLY COPY).

The authoritative reference and input builder live on the scoring server;
editing this copy changes nothing except your own understanding.
"""

import jax, jax.numpy as jnp
import numpy as np

N_NODES = 10000
N_EDGES = 320000
H_DIM = 128
N_RELS = 460  # num_rels * 2 (with inverse relations)


def setup_inputs(seed: int = 0) -> dict:
    key = jax.random.key(seed)
    k1, k2, k3, k4, k5, k6 = jax.random.split(key, 6)
    x = jax.random.normal(k1, (N_NODES, H_DIM), dtype=jnp.float32)
    edge_index = jax.random.randint(k2, (2, N_EDGES), 0, N_NODES, dtype=jnp.int64)
    edge_type = jax.random.randint(k3, (N_EDGES,), 0, N_RELS, dtype=jnp.int64)
    # learned parameters of the UnionRGCNLayer inside RGCNCell
    scale = 1.0 / np.sqrt(H_DIM)
    rel_emb = jax.random.normal(k4, (N_RELS, H_DIM), dtype=jnp.float32) * scale
    W_neigh = jax.random.normal(k5, (H_DIM, H_DIM), dtype=jnp.float32) * scale
    W_self = jax.random.normal(k6, (H_DIM, H_DIM), dtype=jnp.float32) * scale
    return {"x": x, "edge_index": edge_index, "edge_type": edge_type,
            "rel_emb": rel_emb, "W_neigh": W_neigh, "W_self": W_self}


def reference(x, edge_index, edge_type, rel_emb, W_neigh, W_self):
    # Faithful jax translation of one UnionRGCNLayer forward (encoder_name='convgcn',
    # opn='sub' composition h_src + rel, self_loop=True, activation=rrelu in eval mode).
    src = edge_index[0]
    dst = edge_index[1]
    # message: compose source node embedding with relation embedding, then project
    h_src = jnp.take(x, src, axis=0)                 # gather [E, H]
    r = jnp.take(rel_emb, edge_type, axis=0)         # gather [E, H]
    msg = (h_src + r) @ W_neigh                      # [E, H]
    # aggregate: scatter-add messages to destination nodes, mean-normalize by in-degree
    agg = jax.ops.segment_sum(msg, dst, num_segments=N_NODES)            # [N, H]
    deg = jax.ops.segment_sum(jnp.ones((N_EDGES,), jnp.float32), dst,
                              num_segments=N_NODES)                      # [N]
    deg = jnp.clip(deg, 1.0, None)
    h_neigh = agg / deg[:, None]
    # self-loop
    h = h_neigh + x @ W_self
    # rrelu in eval mode == leaky relu with slope (lower+upper)/2 = (1/8 + 1/3)/2
    slope = (1.0 / 8.0 + 1.0 / 3.0) / 2.0
    h = jnp.where(h > 0, h, h * slope)
    return h

if __name__ == "__main__":
    import jax
    _d = setup_inputs()
    print(jax.jit(kernel)(*tuple(_d.values())))

</pallas_src>

<mosaic_0001>
#map = affine_map<(d0, d1) -> (0, 0)>
#map1 = affine_map<(d0, d1) -> (0)>
module attributes {stable_mosaic.version = 14 : i64} {
  func.func @k(%arg0: i32, %arg1: i32, %arg2: memref<10000x128xf32, #tpu.memory_space<hbm>>, %arg3: memref<464x128xf32, #tpu.memory_space<hbm>>, %arg4: memref<632x128xf32, #tpu.memory_space<hbm>>, %arg5: memref<2560x128xi32, #tpu.memory_space<hbm>>, %arg6: memref<2560x128xi32, #tpu.memory_space<hbm>>, %arg7: memref<2560x128xi32, #tpu.memory_space<hbm>>, %arg8: memref<20224x128xf32, #tpu.memory_space<hbm>>, %arg9: memref<323584xf32, #tpu.memory_space<hbm>>, %arg10: memref<8x128xi32, #tpu.memory_space<vmem>>, %arg11: memref<8x128xi32, #tpu.memory_space<vmem>>, %arg12: memref<8x128xi32, #tpu.memory_space<vmem>>, %arg13: memref<128x128xf32, #tpu.memory_space<vmem>>, %arg14: memref<128x128xf32, #tpu.memory_space<vmem>>, %arg15: memref<10112xf32, #tpu.memory_space<vmem>>, %arg16: memref<10112x128xf32, #tpu.memory_space<vmem_shared>>, %arg17: memref<464x128xf32, #tpu.memory_space<vmem_shared>>, %arg18: memref<!tpu.dma_semaphore, #tpu.memory_space<semaphore_mem>>, %arg19: memref<!tpu.dma_semaphore, #tpu.memory_space<semaphore_mem>>) attributes {dimension_semantics = [#tpu.dimension_semantics<core_parallel>, #tpu.dimension_semantics<subcore_parallel>], iteration_bounds = array<i64: 2, 16>, scalar_prefetch = 0 : i64, scratch_operands = 10 : i64, tpu.core_type = #tpu.core_type<sc_vector_subcore>, window_params = [{transform_indices = #map}, {transform_indices = #map}, {transform_indices = #map}, {transform_indices = #map}, {transform_indices = #map}, {transform_indices = #map}, {transform_indices = #map}, {transform_indices = #map1}]} {
    %mul3A = arith.constant 16 : i32
    %mul3A_0 = arith.muli %arg0, %mul3A : i32
    %add3A = arith.addi %mul3A_0, %arg1 : i32
    %mul3A_1 = arith.constant 632 : i32
    %mul3A_2 = arith.muli %arg1, %mul3A_1 : i32
    "tpu.region"() ({
      %run_scoped3A = tpu.sem_alloc : memref<!tpu.dma_semaphore, #tpu.memory_space<semaphore_mem>>
      %dma_start3A = arith.constant 0 : i32
      %dma_start3A_141 = tpu.memref_slice %arg16[%mul3A_2, %dma_start3A] : memref<10112x128xf32, #tpu.memory_space<vmem_shared>> -> memref<632x128xf32, #tpu.memory_space<vmem_shared>>
      tpu.enqueue_dma source(%arg4 : memref<632x128xf32, #tpu.memory_space<hbm>>) target(%dma_start3A_141 : memref<632x128xf32, #tpu.memory_space<vmem_shared>>) target_semaphore(%run_scoped3A : memref<!tpu.dma_semaphore, #tpu.memory_space<semaphore_mem>>)
      %dma_wait3A = arith.constant 0 : i32
      %dma_wait3A_142 = tpu.memref_slice %arg16[%mul3A_2, %dma_wait3A] : memref<10112x128xf32, #tpu.memory_space<vmem_shared>> -> memref<632x128xf32, #tpu.memory_space<vmem_shared>>
      tpu.wait_dma2 semaphore(%run_scoped3A : memref<!tpu.dma_semaphore, #tpu.memory_space<semaphore_mem>>) src(%arg4 : memref<632x128xf32, #tpu.memory_space<hbm>>) dst(%dma_wait3A_142 : memref<632x128xf32, #tpu.memory_space<vmem_shared>>)
      tpu.yield
    }) : () -> ()
    %eq3A = arith.constant 0 : i32
    %eq3A_3 = arith.cmpi eq, %arg1, %eq3A : i32
    %convert_element_type3A = arith.extui %eq3A_3 : i1 to i32
    %cond3A = arith.constant 0 : i32
    %cond3A_4 = arith.cmpi ne, %convert_element_type3A, %cond3A : i32
    scf.if %cond3A_4 {
      "tpu.region"() ({
        %run_scoped3A = tpu.sem_alloc : memref<!tpu.dma_semaphore, #tpu.memory_space<semaphore_mem>>
        tpu.enqueue_dma source(%arg3 : memref<464x128xf32, #tpu.memory_space<hbm>>) target(%arg17 : memref<464x128xf32, #tpu.memory_space<vmem_shared>>) target_semaphore(%run_scoped3A : memref<!tpu.dma_semaphore, #tpu.memory_space<semaphore_mem>>)
        tpu.wait_dma2 semaphore(%run_scoped3A : memref<!tpu.dma_semaphore, #tpu.memory_space<semaphore_mem>>) src(%arg3 : memref<464x128xf32, #tpu.memory_space<hbm>>) dst(%arg17 : memref<464x128xf32, #tpu.memory_space<vmem_shared>>)
        tpu.yield
      }) : () -> ()
    } else {
    }
    %broadcast_in_dim3A = arith.constant 0.000000e+00 : f32
    %broadcast_in_dim3A_5 = vector.broadcast %broadcast_in_dim3A : f32 to vector<16xf32>
    %broadcast_in_dim3A_6 = arith.constant 1.000000e+00 : f32
    %broadcast_in_dim3A_7 = vector.broadcast %broadcast_in_dim3A_6 : f32 to vector<16xf32>
    %scan3A = arith.constant 0 : i32
    %scan3A_8 = arith.constant 0 : i32
    %scan3A_9 = arith.constant 632 : i32
    %scan3A_10 = arith.addi %scan3A_8, %scan3A_9 : i32
    %scan3A_11 = arith.constant 1 : i32
    scf.for %scan3A_141 = %scan3A_8 to %scan3A_10 step %scan3A_11  : i32 {
      %mul3A_142 = arith.constant 16 : i32
      %mul3A_143 = arith.muli %scan3A_141, %mul3A_142 : i32
      %swap3A = arith.index_cast %mul3A_143 : i32 to index
      %swap3A_144 = tpu.vector_load %arg15[%swap3A] {strides = array<i32>} : memref<10112xf32, #tpu.memory_space<vmem>>, vector<16xf32>,
      tpu.vector_store %arg15[%swap3A], %broadcast_in_dim3A_5 {strides = array<i32>} : memref<10112xf32, #tpu.memory_space<vmem>>, vector<16xf32>,
    }
    %scan3A_12 = arith.constant 632 : i32
    %barrier3A = arith.constant 0 : index
    tpu.barrier barrier_id(%barrier3A)
    %mul3A_13 = arith.constant 80 : i32
    %mul3A_14 = arith.muli %add3A, %mul3A_13 : i32
    %add3A_15 = arith.constant 0 : i32
    %add3A_16 = arith.addi %mul3A_14, %add3A_15 : i32
    "tpu.region"() ({
      %run_scoped3A = tpu.sem_alloc : memref<!tpu.dma_semaphore, #tpu.memory_space<semaphore_mem>>
      %dma_start3A = arith.constant 0 : i32
      %dma_start3A_141 = tpu.memref_slice %arg5[%add3A_16, %dma_start3A] : memref<2560x128xi32, #tpu.memory_space<hbm>> -> memref<8x128xi32, #tpu.memory_space<hbm>>
      %dma_start3A_142 = arith.constant 0 : i32
      %dma_start3A_143 = tpu.memref_slice %arg5[%add3A_16, %dma_start3A_142] : memref<2560x128xi32, #tpu.memory_space<hbm>> -> memref<8x128xi32, #tpu.memory_space<hbm>>
      tpu.enqueue_dma source(%dma_start3A_143 : memref<8x128xi32, #tpu.memory_space<hbm>>) target(%arg10 : memref<8x128xi32, #tpu.memory_space<vmem>>) target_semaphore(%run_scoped3A : memref<!tpu.dma_semaphore, #tpu.memory_space<semaphore_mem>>)
      %dma_wait3A = arith.constant 0 : i32
      %dma_wait3A_144 = tpu.memref_slice %arg5[%add3A_16, %dma_wait3A] : memref<2560x128xi32, #tpu.memory_space<hbm>> -> memref<8x128xi32, #tpu.memory_space<hbm>>
      %dma_wait3A_145 = arith.constant 0 : i32
      %dma_wait3A_146 = tpu.memref_slice %arg5[%add3A_16, %dma_wait3A_145] : memref<2560x128xi32, #tpu.memory_space<hbm>> -> memref<8x128xi32, #tpu.memory_space<hbm>>
      tpu.wait_dma2 semaphore(%run_scoped3A : memref<!tpu.dma_semaphore, #tpu.memory_space<semaphore_mem>>) src(%dma_wait3A_146 : memref<8x128xi32, #tpu.memory_space<hbm>>) dst(%arg10 : memref<8x128xi32, #tpu.memory_space<vmem>>)
      tpu.yield
    }) : () -> ()
    %add3A_17 = arith.constant 0 : i32
    %add3A_18 = arith.addi %mul3A_14, %add3A_17 : i32
    "tpu.region"() ({
      %run_scoped3A = tpu.sem_alloc : memref<!tpu.dma_semaphore, #tpu.memory_space<semaphore_mem>>
      %dma_start3A = arith.constant 0 : i32
      %dma_start3A_141 = tpu.memref_slice %arg6[%add3A_18, %dma_start3A] : memref<2560x128xi32, #tpu.memory_space<hbm>> -> memref<8x128xi32, #tpu.memory_space<hbm>>
      %dma_start3A_142 = arith.constant 0 : i32
      %dma_start3A_143 = tpu.memref_slice %arg6[%add3A_18, %dma_start3A_142] : memref<2560x128xi32, #tpu.memory_space<hbm>> -> memref<8x128xi32, #tpu.memory_space<hbm>>
      tpu.enqueue_dma source(%dma_start3A_143 : memref<8x128xi32, #tpu.memory_space<hbm>>) target(%arg11 : memref<8x128xi32, #tpu.memory_space<vmem>>) target_semaphore(%run_scoped3A : memref<!tpu.dma_semaphore, #tpu.memory_space<semaphore_mem>>)
      %dma_wait3A = arith.constant 0 : i32
      %dma_wait3A_144 = tpu.memref_slice %arg6[%add3A_18, %dma_wait3A] : memref<2560x128xi32, #tpu.memory_space<hbm>> -> memref<8x128xi32, #tpu.memory_space<hbm>>
      %dma_wait3A_145 = arith.constant 0 : i32
      %dma_wait3A_146 = tpu.memref_slice %arg6[%add3A_18, %dma_wait3A_145] : memref<2560x128xi32, #tpu.memory_space<hbm>> -> memref<8x128xi32, #tpu.memory_space<hbm>>
      tpu.wait_dma2 semaphore(%run_scoped3A : memref<!tpu.dma_semaphore, #tpu.memory_space<semaphore_mem>>) src(%dma_wait3A_146 : memref<8x128xi32, #tpu.memory_space<hbm>>) dst(%arg11 : memref<8x128xi32, #tpu.memory_space<vmem>>)
      tpu.yield
    }) : () -> ()
    %add3A_19 = arith.constant 0 : i32
    %add3A_20 = arith.addi %mul3A_14, %add3A_19 : i32
    "tpu.region"() ({
      %run_scoped3A = tpu.sem_alloc : memref<!tpu.dma_semaphore, #tpu.memory_space<semaphore_mem>>
      %dma_start3A = arith.constant 0 : i32
      %dma_start3A_141 = tpu.memref_slice %arg7[%add3A_20, %dma_start3A] : memref<2560x128xi32, #tpu.memory_space<hbm>> -> memref<8x128xi32, #tpu.memory_space<hbm>>
      %dma_start3A_142 = arith.constant 0 : i32
      %dma_start3A_143 = tpu.memref_slice %arg7[%add3A_20, %dma_start3A_142] : memref<2560x128xi32, #tpu.memory_space<hbm>> -> memref<8x128xi32, #tpu.memory_space<hbm>>
      tpu.enqueue_dma source(%dma_start3A_143 : memref<8x128xi32, #tpu.memory_space<hbm>>) target(%arg12 : memref<8x128xi32, #tpu.memory_space<vmem>>) target_semaphore(%run_scoped3A : memref<!tpu.dma_semaphore, #tpu.memory_space<semaphore_mem>>)
      %dma_wait3A = arith.constant 0 : i32
      %dma_wait3A_144 = tpu.memref_slice %arg7[%add3A_20, %dma_wait3A] : memref<2560x128xi32, #tpu.memory_space<hbm>> -> memref<8x128xi32, #tpu.memory_space<hbm>>
      %dma_wait3A_145 = arith.constant 0 : i32
      %dma_wait3A_146 = tpu.memref_slice %arg7[%add3A_20, %dma_wait3A_145] : memref<2560x128xi32, #tpu.memory_space<hbm>> -> memref<8x128xi32, #tpu.memory_space<hbm>>
      tpu.wait_dma2 semaphore(%run_scoped3A : memref<!tpu.dma_semaphore, #tpu.memory_space<semaphore_mem>>) src(%dma_wait3A_146 : memref<8x128xi32, #tpu.memory_space<hbm>>) dst(%arg12 : memref<8x128xi32, #tpu.memory_space<vmem>>)
      tpu.yield
    }) : () -> ()
    %scan3A_21 = arith.constant 0 : i32
    %scan3A_22 = arith.constant 0 : i32
    %scan3A_23 = arith.constant 8 : i32
    %scan3A_24 = arith.addi %scan3A_22, %scan3A_23 : i32
    %scan3A_25 = arith.constant 1 : i32
    scf.for %scan3A_141 = %scan3A_22 to %scan3A_24 step %scan3A_25  : i32 {
      %dma_start3A = arith.constant 0 : i32
      %dma_start3A_142 = tpu.memref_slice %arg10[%scan3A_141, %dma_start3A] : memref<8x128xi32, #tpu.memory_space<vmem>> -> memref<1x128xi32, #tpu.memory_space<vmem>>
      %dma_start3A_143 = tpu.memref_squeeze %dma_start3A_142 : memref<1x128xi32, #tpu.memory_space<vmem>> -> memref<128xi32, #tpu.memory_space<vmem>>
      %dma_start3A_144 = arith.constant 0 : i32
      %dma_start3A_145 = arith.constant 0 : i32
      %dma_start3A_146 = tpu.memref_slice %arg2[%dma_start3A_144, %dma_start3A_145] : memref<10000x128xf32, #tpu.memory_space<hbm>> -> memref<10000x128xf32, #tpu.memory_space<hbm>>
      tpu.enqueue_indirect_dma source(%dma_start3A_146 : memref<10000x128xf32, #tpu.memory_space<hbm>>) target(%arg13 : memref<128x128xf32, #tpu.memory_space<vmem>>) offsets(%dma_start3A_143 : memref<128xi32, #tpu.memory_space<vmem>>) semaphore(%arg18 : memref<!tpu.dma_semaphore, #tpu.memory_space<semaphore_mem>>)
      %dma_start3A_147 = arith.constant 0 : i32
      %dma_start3A_148 = tpu.memref_slice %arg12[%scan3A_141, %dma_start3A_147] : memref<8x128xi32, #tpu.memory_space<vmem>> -> memref<1x128xi32, #tpu.memory_space<vmem>>
      %dma_start3A_149 = tpu.memref_squeeze %dma_start3A_148 : memref<1x128xi32, #tpu.memory_space<vmem>> -> memref<128xi32, #tpu.memory_space<vmem>>
      %dma_start3A_150 = arith.constant 0 : i32
      %dma_start3A_151 = arith.constant 0 : i32
      %dma_start3A_152 = tpu.memref_slice %arg17[%dma_start3A_150, %dma_start3A_151] : memref<464x128xf32, #tpu.memory_space<vmem_shared>> -> memref<464x128xf32, #tpu.memory_space<vmem_shared>>
      tpu.enqueue_indirect_dma source(%dma_start3A_152 : memref<464x128xf32, #tpu.memory_space<vmem_shared>>) target(%arg14 : memref<128x128xf32, #tpu.memory_space<vmem>>) offsets(%dma_start3A_149 : memref<128xi32, #tpu.memory_space<vmem>>) semaphore(%arg19 : memref<!tpu.dma_semaphore, #tpu.memory_space<semaphore_mem>>)
      %dma_wait3A = arith.constant 0 : i32
      %dma_wait3A_153 = tpu.memref_slice %arg10[%scan3A_141, %dma_wait3A] : memref<8x128xi32, #tpu.memory_space<vmem>> -> memref<1x128xi32, #tpu.memory_space<vmem>>
      %dma_wait3A_154 = tpu.memref_squeeze %dma_wait3A_153 : memref<1x128xi32, #tpu.memory_space<vmem>> -> memref<128xi32, #tpu.memory_space<vmem>>
      %dma_wait3A_155 = arith.constant 0 : i32
      %dma_wait3A_156 = arith.constant 0 : i32
      %dma_wait3A_157 = tpu.memref_slice %arg2[%dma_wait3A_155, %dma_wait3A_156] : memref<10000x128xf32, #tpu.memory_space<hbm>> -> memref<10000x128xf32, #tpu.memory_space<hbm>>
      tpu.wait_indirect_dma semaphore(%arg18 : memref<!tpu.dma_semaphore, #tpu.memory_space<semaphore_mem>>) src(%dma_wait3A_157 : memref<10000x128xf32, #tpu.memory_space<hbm>>) dst(%arg13 : memref<128x128xf32, #tpu.memory_space<vmem>>)
      %dma_wait3A_158 = arith.constant 0 : i32
      %dma_wait3A_159 = tpu.memref_slice %arg12[%scan3A_141, %dma_wait3A_158] : memref<8x128xi32, #tpu.memory_space<vmem>> -> memref<1x128xi32, #tpu.memory_space<vmem>>
      %dma_wait3A_160 = tpu.memref_squeeze %dma_wait3A_159 : memref<1x128xi32, #tpu.memory_space<vmem>> -> memref<128xi32, #tpu.memory_space<vmem>>
      %dma_wait3A_161 = arith.constant 0 : i32
      %dma_wait3A_162 = arith.constant 0 : i32
      %dma_wait3A_163 = tpu.memref_slice %arg17[%dma_wait3A_161, %dma_wait3A_162] : memref<464x128xf32, #tpu.memory_space<vmem_shared>> -> memref<464x128xf32, #tpu.memory_space<vmem_shared>>
      tpu.wait_indirect_dma semaphore(%arg19 : memref<!tpu.dma_semaphore, #tpu.memory_space<semaphore_mem>>) src(%dma_wait3A_163 : memref<464x128xf32, #tpu.memory_space<vmem_shared>>) dst(%arg14 : memref<128x128xf32, #tpu.memory_space<vmem>>)
      %scan3A_164 = arith.constant 0 : i32
      %scan3A_165 = arith.constant 0 : i32
      %scan3A_166 = arith.constant 128 : i32
      %scan3A_167 = arith.addi %scan3A_165, %scan3A_166 : i32
      %scan3A_168 = arith.constant 1 : i32
      scf.for %scan3A_193 = %scan3A_165 to %scan3A_167 step %scan3A_168  : i32 {
        %get3A_194 = arith.index_cast %scan3A_193 : i32 to index
        %get3A_195 = arith.constant 0 : index
        %get3A_196 = tpu.vector_load %arg13[%get3A_194, %get3A_195] {strides = array<i32>} : memref<128x128xf32, #tpu.memory_space<vmem>>, vector<16xf32>,
        %get3A_197 = arith.index_cast %scan3A_193 : i32 to index
        %get3A_198 = arith.constant 0 : index
        %get3A_199 = tpu.vector_load %arg14[%get3A_197, %get3A_198] {strides = array<i32>} : memref<128x128xf32, #tpu.memory_space<vmem>>, vector<16xf32>,
        %add3A_200 = arith.addf %get3A_196, %get3A_199 : vector<16xf32>
        %swap3A = arith.index_cast %scan3A_193 : i32 to index
        %swap3A_201 = arith.constant 0 : index
        %swap3A_202 = tpu.vector_load %arg13[%swap3A, %swap3A_201] {strides = array<i32>} : memref<128x128xf32, #tpu.memory_space<vmem>>, vector<16xf32>,
        tpu.vector_store %arg13[%swap3A, %swap3A_201], %add3A_200 {strides = array<i32>} : memref<128x128xf32, #tpu.memory_space<vmem>>, vector<16xf32>,
        %get3A_203 = arith.index_cast %scan3A_193 : i32 to index
        %get3A_204 = arith.constant 16 : index
        %get3A_205 = tpu.vector_load %arg13[%get3A_203, %get3A_204] {strides = array<i32>} : memref<128x128xf32, #tpu.memory_space<vmem>>, vector<16xf32>,
        %get3A_206 = arith.index_cast %scan3A_193 : i32 to index
        %get3A_207 = arith.constant 16 : index
        %get3A_208 = tpu.vector_load %arg14[%get3A_206, %get3A_207] {strides = array<i32>} : memref<128x128xf32, #tpu.memory_space<vmem>>, vector<16xf32>,
        %add3A_209 = arith.addf %get3A_205, %get3A_208 : vector<16xf32>
        %swap3A_210 = arith.index_cast %scan3A_193 : i32 to index
        %swap3A_211 = arith.constant 16 : index
        %swap3A_212 = tpu.vector_load %arg13[%swap3A_210, %swap3A_211] {strides = array<i32>} : memref<128x128xf32, #tpu.memory_space<vmem>>, vector<16xf32>,
        tpu.vector_store %arg13[%swap3A_210, %swap3A_211], %add3A_209 {strides = array<i32>} : memref<128x128xf32, #tpu.memory_space<vmem>>, vector<16xf32>,
        %get3A_213 = arith.index_cast %scan3A_193 : i32 to index
        %get3A_214 = arith.constant 32 : index
        %get3A_215 = tpu.vector_load %arg13[%get3A_213, %get3A_214] {strides = array<i32>} : memref<128x128xf32, #tpu.memory_space<vmem>>, vector<16xf32>,
        %get3A_216 = arith.index_cast %scan3A_193 : i32 to index
        %get3A_217 = arith.constant 32 : index
        %get3A_218 = tpu.vector_load %arg14[%get3A_216, %get3A_217] {strides = array<i32>} : memref<128x128xf32, #tpu.memory_space<vmem>>, vector<16xf32>,
        %add3A_219 = arith.addf %get3A_215, %get3A_218 : vector<16xf32>
        %swap3A_220 = arith.index_cast %scan3A_193 : i32 to index
        %swap3A_221 = arith.constant 32 : index
        %swap3A_222 = tpu.vector_load %arg13[%swap3A_220, %swap3A_221] {strides = array<i32>} : memref<128x128xf32, #tpu.memory_space<vmem>>, vector<16xf32>,
        tpu.vector_store %arg13[%swap3A_220, %swap3A_221], %add3A_219 {strides = array<i32>} : memref<128x128xf32, #tpu.memory_space<vmem>>, vector<16xf32>,
        %get3A_223 = arith.index_cast %scan3A_193 : i32 to index
        %get3A_224 = arith.constant 48 : index
        %get3A_225 = tpu.vector_load %arg13[%get3A_223, %get3A_224] {strides = array<i32>} : memref<128x128xf32, #tpu.memory_space<vmem>>, vector<16xf32>,
        %get3A_226 = arith.index_cast %scan3A_193 : i32 to index
        %get3A_227 = arith.constant 48 : index
        %get3A_228 = tpu.vector_load %arg14[%get3A_226, %get3A_227] {strides = array<i32>} : memref<128x128xf32, #tpu.memory_space<vmem>>, vector<16xf32>,
        %add3A_229 = arith.addf %get3A_225, %get3A_228 : vector<16xf32>
        %swap3A_230 = arith.index_cast %scan3A_193 : i32 to index
        %swap3A_231 = arith.constant 48 : index
        %swap3A_232 = tpu.vector_load %arg13[%swap3A_230, %swap3A_231] {strides = array<i32>} : memref<128x128xf32, #tpu.memory_space<vmem>>, vector<16xf32>,
        tpu.vector_store %arg13[%swap3A_230, %swap3A_231], %add3A_229 {strides = array<i32>} : memref<128x128xf32, #tpu.memory_space<vmem>>, vector<16xf32>,
        %get3A_233 = arith.index_cast %scan3A_193 : i32 to index
        %get3A_234 = arith.constant 64 : index
        %get3A_235 = tpu.vector_load %arg13[%get3A_233, %get3A_234] {strides = array<i32>} : memref<128x128xf32, #tpu.memory_space<vmem>>, vector<16xf32>,
        %get3A_236 = arith.index_cast %scan3A_193 : i32 to index
        %get3A_237 = arith.constant 64 : index
        %get3A_238 = tpu.vector_load %arg14[%get3A_236, %get3A_237] {strides = array<i32>} : memref<128x128xf32, #tpu.memory_space<vmem>>, vector<16xf32>,
        %add3A_239 = arith.addf %get3A_235, %get3A_238 : vector<16xf32>
        %swap3A_240 = arith.index_cast %scan3A_193 : i32 to index
        %swap3A_241 = arith.constant 64 : index
        %swap3A_242 = tpu.vector_load %arg13[%swap3A_240, %swap3A_241] {strides = array<i32>} : memref<128x128xf32, #tpu.memory_space<vmem>>, vector<16xf32>,
        tpu.vector_store %arg13[%swap3A_240, %swap3A_241], %add3A_239 {strides = array<i32>} : memref<128x128xf32, #tpu.memory_space<vmem>>, vector<16xf32>,
        %get3A_243 = arith.index_cast %scan3A_193 : i32 to index
        %get3A_244 = arith.constant 80 : index
        %get3A_245 = tpu.vector_load %arg13[%get3A_243, %get3A_244] {strides = array<i32>} : memref<128x128xf32, #tpu.memory_space<vmem>>, vector<16xf32>,
        %get3A_246 = arith.index_cast %scan3A_193 : i32 to index
        %get3A_247 = arith.constant 80 : index
        %get3A_248 = tpu.vector_load %arg14[%get3A_246, %get3A_247] {strides = array<i32>} : memref<128x128xf32, #tpu.memory_space<vmem>>, vector<16xf32>,
        %add3A_249 = arith.addf %get3A_245, %get3A_248 : vector<16xf32>
        %swap3A_250 = arith.index_cast %scan3A_193 : i32 to index
        %swap3A_251 = arith.constant 80 : index
        %swap3A_252 = tpu.vector_load %arg13[%swap3A_250, %swap3A_251] {strides = array<i32>} : memref<128x128xf32, #tpu.memory_space<vmem>>, vector<16xf32>,
        tpu.vector_store %arg13[%swap3A_250, %swap3A_251], %add3A_249 {strides = array<i32>} : memref<128x128xf32, #tpu.memory_space<vmem>>, vector<16xf32>,
        %get3A_253 = arith.index_cast %scan3A_193 : i32 to index
        %get3A_254 = arith.constant 96 : index
        %get3A_255 = tpu.vector_load %arg13[%get3A_253, %get3A_254] {strides = array<i32>} : memref<128x128xf32, #tpu.memory_space<vmem>>, vector<16xf32>,
        %get3A_256 = arith.index_cast %scan3A_193 : i32 to index
        %get3A_257 = arith.constant 96 : index
        %get3A_258 = tpu.vector_load %arg14[%get3A_256, %get3A_257] {strides = array<i32>} : memref<128x128xf32, #tpu.memory_space<vmem>>, vector<16xf32>,
        %add3A_259 = arith.addf %get3A_255, %get3A_258 : vector<16xf32>
        %swap3A_260 = arith.index_cast %scan3A_193 : i32 to index
        %swap3A_261 = arith.constant 96 : index
        %swap3A_262 = tpu.vector_load %arg13[%swap3A_260, %swap3A_261] {strides = array<i32>} : memref<128x128xf32, #tpu.memory_space<vmem>>, vector<16xf32>,
        tpu.vector_store %arg13[%swap3A_260, %swap3A_261], %add3A_259 {strides = array<i32>} : memref<128x128xf32, #tpu.memory_space<vmem>>, vector<16xf32>,
        %get3A_263 = arith.index_cast %scan3A_193 : i32 to index
        %get3A_264 = arith.constant 112 : index
        %get3A_265 = tpu.vector_load %arg13[%get3A_263, %get3A_264] {strides = array<i32>} : memref<128x128xf32, #tpu.memory_space<vmem>>, vector<16xf32>,
        %get3A_266 = arith.index_cast %scan3A_193 : i32 to index
        %get3A_267 = arith.constant 112 : index
        %get3A_268 = tpu.vector_load %arg14[%get3A_266, %get3A_267] {strides = array<i32>} : memref<128x128xf32, #tpu.memory_space<vmem>>, vector<16xf32>,
        %add3A_269 = arith.addf %get3A_265, %get3A_268 : vector<16xf32>
        %swap3A_270 = arith.index_cast %scan3A_193 : i32 to index
        %swap3A_271 = arith.constant 112 : index
        %swap3A_272 = tpu.vector_load %arg13[%swap3A_270, %swap3A_271] {strides = array<i32>} : memref<128x128xf32, #tpu.memory_space<vmem>>, vector<16xf32>,
        tpu.vector_store %arg13[%swap3A_270, %swap3A_271], %add3A_269 {strides = array<i32>} : memref<128x128xf32, #tpu.memory_space<vmem>>, vector<16xf32>,
      }
      %scan3A_169 = arith.constant 128 : i32
      "tpu.region"() ({
        %run_scoped3A = tpu.sem_alloc : memref<!tpu.dma_semaphore, #tpu.memory_space<semaphore_mem>>
        %dma_start3A_193 = arith.constant 0 : i32
        %dma_start3A_194 = tpu.memref_slice %arg11[%scan3A_141, %dma_start3A_193] : memref<8x128xi32, #tpu.memory_space<vmem>> -> memref<1x128xi32, #tpu.memory_space<vmem>>
        %dma_start3A_195 = tpu.memref_squeeze %dma_start3A_194 : memref<1x128xi32, #tpu.memory_space<vmem>> -> memref<128xi32, #tpu.memory_space<vmem>>
        %dma_start3A_196 = arith.constant 0 : i32
        %dma_start3A_197 = arith.constant 0 : i32
        %dma_start3A_198 = tpu.memref_slice %arg16[%dma_start3A_196, %dma_start3A_197] : memref<10112x128xf32, #tpu.memory_space<vmem_shared>> -> memref<10112x128xf32, #tpu.memory_space<vmem_shared>>
        tpu.enqueue_indirect_dma source(%arg13 : memref<128x128xf32, #tpu.memory_space<vmem>>) target(%dma_start3A_198 : memref<10112x128xf32, #tpu.memory_space<vmem_shared>>) offsets(%dma_start3A_195 : memref<128xi32, #tpu.memory_space<vmem>>) semaphore(%run_scoped3A : memref<!tpu.dma_semaphore, #tpu.memory_space<semaphore_mem>>) {add = true}
        %dma_wait3A_199 = arith.constant 0 : i32
        %dma_wait3A_200 = tpu.memref_slice %arg11[%scan3A_141, %dma_wait3A_199] : memref<8x128xi32, #tpu.memory_space<vmem>> -> memref<1x128xi32, #tpu.memory_space<vmem>>
        %dma_wait3A_201 = tpu.memref_squeeze %dma_wait3A_200 : memref<1x128xi32, #tpu.memory_space<vmem>> -> memref<128xi32, #tpu.memory_space<vmem>>
        %dma_wait3A_202 = arith.constant 0 : i32
        %dma_wait3A_203 = arith.constant 0 : i32
        %dma_wait3A_204 = tpu.memref_slice %arg16[%dma_wait3A_202, %dma_wait3A_203] : memref<10112x128xf32, #tpu.memory_space<vmem_shared>> -> memref<10112x128xf32, #tpu.memory_space<vmem_shared>>
        tpu.wait_indirect_dma semaphore(%run_scoped3A : memref<!tpu.dma_semaphore, #tpu.memory_space<semaphore_mem>>) src(%arg13 : memref<128x128xf32, #tpu.memory_space<vmem>>) dst(%dma_wait3A_204 : memref<10112x128xf32, #tpu.memory_space<vmem_shared>>)
        tpu.yield
      }) : () -> ()
      %get3A = arith.index_cast %scan3A_141 : i32 to index
      %get3A_170 = arith.constant 0 : index
      %get3A_171 = tpu.vector_load %arg11[%get3A, %get3A_170] {strides = array<i32>} : memref<8x128xi32, #tpu.memory_space<vmem>>, vector<16xi32>,
      tpu.vector_store_idx %arg15[%get3A_171], %broadcast_in_dim3A_7 {add = true} : memref<10112xf32, #tpu.memory_space<vmem>>[vector<16xi32>], vector<16xf32>,
      %get3A_172 = arith.index_cast %scan3A_141 : i32 to index
      %get3A_173 = arith.constant 16 : index
      %get3A_174 = tpu.vector_load %arg11[%get3A_172, %get3A_173] {strides = array<i32>} : memref<8x128xi32, #tpu.memory_space<vmem>>, vector<16xi32>,
      tpu.vector_store_idx %arg15[%get3A_174], %broadcast_in_dim3A_7 {add = true} : memref<10112xf32, #tpu.memory_space<vmem>>[vector<16xi32>], vector<16xf32>,
      %get3A_175 = arith.index_cast %scan3A_141 : i32 to index
      %get3A_176 = arith.constant 32 : index
      %get3A_177 = tpu.vector_load %arg11[%get3A_175, %get3A_176] {strides = array<i32>} : memref<8x128xi32, #tpu.memory_space<vmem>>, vector<16xi32>,
      tpu.vector_store_idx %arg15[%get3A_177], %broadcast_in_dim3A_7 {add = true} : memref<10112xf32, #tpu.memory_space<vmem>>[vector<16xi32>], vector<16xf32>,
      %get3A_178 = arith.index_cast %scan3A_141 : i32 to index
      %get3A_179 = arith.constant 48 : index
      %get3A_180 = tpu.vector_load %arg11[%get3A_178, %get3A_179] {strides = array<i32>} : memref<8x128xi32, #tpu.memory_space<vmem>>, vector<16xi32>,
      tpu.vector_store_idx %arg15[%get3A_180], %broadcast_in_dim3A_7 {add = true} : memref<10112xf32, #tpu.memory_space<vmem>>[vector<16xi32>], vector<16xf32>,
      %get3A_181 = arith.index_cast %scan3A_141 : i32 to index
      %get3A_182 = arith.constant 64 : index
      %get3A_183 = tpu.vector_load %arg11[%get3A_181, %get3A_182] {strides = array<i32>} : memref<8x128xi32, #tpu.memory_space<vmem>>, vector<16xi32>,
      tpu.vector_store_idx %arg15[%get3A_183], %broadcast_in_dim3A_7 {add = true} : memref<10112xf32, #tpu.memory_space<vmem>>[vector<16xi32>], vector<16xf32>,
      %get3A_184 = arith.index_cast %scan3A_141 : i32 to index
      %get3A_185 = arith.constant 80 : index
      %get3A_186 = tpu.vector_load %arg11[%get3A_184, %get3A_185] {strides = array<i32>} : memref<8x128xi32, #tpu.memory_space<vmem>>, vector<16xi32>,
      tpu.vector_store_idx %arg15[%get3A_186], %broadcast_in_dim3A_7 {add = true} : memref<10112xf32, #tpu.memory_space<vmem>>[vector<16xi32>], vector<16xf32>,
      %get3A_187 = arith.index_cast %scan3A_141 : i32 to index
      %get3A_188 = arith.constant 96 : index
      %get3A_189 = tpu.vector_load %arg11[%get3A_187, %get3A_188] {strides = array<i32>} : memref<8x128xi32, #tpu.memory_space<vmem>>, vector<16xi32>,
      tpu.vector_store_idx %arg15[%get3A_189], %broadcast_in_dim3A_7 {add = true} : memref<10112xf32, #tpu.memory_space<vmem>>[vector<16xi32>], vector<16xf32>,
      %get3A_190 = arith.index_cast %scan3A_141 : i32 to index
      %get3A_191 = arith.constant 112 : index
      %get3A_192 = tpu.vector_load %arg11[%get3A_190, %get3A_191] {strides = array<i32>} : memref<8x128xi32, #tpu.memory_space<vmem>>, vector<16xi32>,
      tpu.vector_store_idx %arg15[%get3A_192], %broadcast_in_dim3A_7 {add = true} : memref<10112xf32, #tpu.memory_space<vmem>>[vector<16xi32>], vector<16xf32>,
    }
    %scan3A_26 = arith.constant 8 : i32
    %add3A_27 = arith.constant 8 : i32
    %add3A_28 = arith.addi %mul3A_14, %add3A_27 : i32
    "tpu.region"() ({
      %run_scoped3A = tpu.sem_alloc : memref<!tpu.dma_semaphore, #tpu.memory_space<semaphore_mem>>
      %dma_start3A = arith.constant 0 : i32
      %dma_start3A_141 = tpu.memref_slice %arg5[%add3A_28, %dma_start3A] : memref<2560x128xi32, #tpu.memory_space<hbm>> -> memref<8x128xi32, #tpu.memory_space<hbm>>
      %dma_start3A_142 = arith.constant 0 : i32
      %dma_start3A_143 = tpu.memref_slice %arg5[%add3A_28, %dma_start3A_142] : memref<2560x128xi32, #tpu.memory_space<hbm>> -> memref<8x128xi32, #tpu.memory_space<hbm>>
      tpu.enqueue_dma source(%dma_start3A_143 : memref<8x128xi32, #tpu.memory_space<hbm>>) target(%arg10 : memref<8x128xi32, #tpu.memory_space<vmem>>) target_semaphore(%run_scoped3A : memref<!tpu.dma_semaphore, #tpu.memory_space<semaphore_mem>>)
      %dma_wait3A = arith.constant 0 : i32
      %dma_wait3A_144 = tpu.memref_slice %arg5[%add3A_28, %dma_wait3A] : memref<2560x128xi32, #tpu.memory_space<hbm>> -> memref<8x128xi32, #tpu.memory_space<hbm>>
      %dma_wait3A_145 = arith.constant 0 : i32
      %dma_wait3A_146 = tpu.memref_slice %arg5[%add3A_28, %dma_wait3A_145] : memref<2560x128xi32, #tpu.memory_space<hbm>> -> memref<8x128xi32, #tpu.memory_space<hbm>>
      tpu.wait_dma2 semaphore(%run_scoped3A : memref<!tpu.dma_semaphore, #tpu.memory_space<semaphore_mem>>) src(%dma_wait3A_146 : memref<8x128xi32, #tpu.memory_space<hbm>>) dst(%arg10 : memref<8x128xi32, #tpu.memory_space<vmem>>)
      tpu.yield
    }) : () -> ()
    %add3A_29 = arith.constant 8 : i32
    %add3A_30 = arith.addi %mul3A_14, %add3A_29 : i32
    "tpu.region"() ({
      %run_scoped3A = tpu.sem_alloc : memref<!tpu.dma_semaphore, #tpu.memory_space<semaphore_mem>>
      %dma_start3A = arith.constant 0 : i32
      %dma_start3A_141 = tpu.memref_slice %arg6[%add3A_30, %dma_start3A] : memref<2560x128xi32, #tpu.memory_space<hbm>> -> memref<8x128xi32, #tpu.memory_space<hbm>>
      %dma_start3A_142 = arith.constant 0 : i32
      %dma_start3A_143 = tpu.memref_slice %arg6[%add3A_30, %dma_start3A_142] : memref<2560x128xi32, #tpu.memory_space<hbm>> -> memref<8x128xi32, #tpu.memory_space<hbm>>
      tpu.enqueue_dma source(%dma_start3A_143 : memref<8x128xi32, #tpu.memory_space<hbm>>) target(%arg11 : memref<8x128xi32, #tpu.memory_space<vmem>>) target_semaphore(%run_scoped3A : memref<!tpu.dma_semaphore, #tpu.memory_space<semaphore_mem>>)
      %dma_wait3A = arith.constant 0 : i32
      %dma_wait3A_144 = tpu.memref_slice %arg6[%add3A_30, %dma_wait3A] : memref<2560x128xi32, #tpu.memory_space<hbm>> -> memref<8x128xi32, #tpu.memory_space<hbm>>
      %dma_wait3A_145 = arith.constant 0 : i32
      %dma_wait3A_146 = tpu.memref_slice %arg6[%add3A_30, %dma_wait3A_145] : memref<2560x128xi32, #tpu.memory_space<hbm>> -> memref<8x128xi32, #tpu.memory_space<hbm>>
      tpu.wait_dma2 semaphore(%run_scoped3A : memref<!tpu.dma_semaphore, #tpu.memory_space<semaphore_mem>>) src(%dma_wait3A_146 : memref<8x128xi32, #tpu.memory_space<hbm>>) dst(%arg11 : memref<8x128xi32, #tpu.memory_space<vmem>>)
      tpu.yield
    }) : () -> ()
    %add3A_31 = arith.constant 8 : i32
    %add3A_32 = arith.addi %mul3A_14, %add3A_31 : i32
    "tpu.region"() ({
      %run_scoped3A = tpu.sem_alloc : memref<!tpu.dma_semaphore, #tpu.memory_space<semaphore_mem>>
      %dma_start3A = arith.constant 0 : i32
      %dma_start3A_141 = tpu.memref_slice %arg7[%add3A_32, %dma_start3A] : memref<2560x128xi32, #tpu.memory_space<hbm>> -> memref<8x128xi32, #tpu.memory_space<hbm>>
      %dma_start3A_142 = arith.constant 0 : i32
      %dma_start3A_143 = tpu.memref_slice %arg7[%add3A_32, %dma_start3A_142] : memref<2560x128xi32, #tpu.memory_space<hbm>> -> memref<8x128xi32, #tpu.memory_space<hbm>>
      tpu.enqueue_dma source(%dma_start3A_143 : memref<8x128xi32, #tpu.memory_space<hbm>>) target(%arg12 : memref<8x128xi32, #tpu.memory_space<vmem>>) target_semaphore(%run_scoped3A : memref<!tpu.dma_semaphore, #tpu.memory_space<semaphore_mem>>)
      %dma_wait3A = arith.constant 0 : i32
      %dma_wait3A_144 = tpu.memref_slice %arg7[%add3A_32, %dma_wait3A] : memref<2560x128xi32, #tpu.memory_space<hbm>> -> memref<8x128xi32, #tpu.memory_space<hbm>>
      %dma_wait3A_145 = arith.constant 0 : i32
      %dma_wait3A_146 = tpu.memref_slice %arg7[%add3A_32, %dma_wait3A_145] : memref<2560x128xi32, #tpu.memory_space<hbm>> -> memref<8x128xi32, #tpu.memory_space<hbm>>
      tpu.wait_dma2 semaphore(%run_scoped3A : memref<!tpu.dma_semaphore, #tpu.memory_space<semaphore_mem>>) src(%dma_wait3A_146 : memref<8x128xi32, #tpu.memory_space<hbm>>) dst(%arg12 : memref<8x128xi32, #tpu.memory_space<vmem>>)
      tpu.yield
    }) : () -> ()
    %scan3A_33 = arith.constant 0 : i32
    %scan3A_34 = arith.constant 0 : i32
    %scan3A_35 = arith.constant 8 : i32
    %scan3A_36 = arith.addi %scan3A_34, %scan3A_35 : i32
    %scan3A_37 = arith.constant 1 : i32
    scf.for %scan3A_141 = %scan3A_34 to %scan3A_36 step %scan3A_37  : i32 {
      %dma_start3A = arith.constant 0 : i32
      %dma_start3A_142 = tpu.memref_slice %arg10[%scan3A_141, %dma_start3A] : memref<8x128xi32, #tpu.memory_space<vmem>> -> memref<1x128xi32, #tpu.memory_space<vmem>>
      %dma_start3A_143 = tpu.memref_squeeze %dma_start3A_142 : memref<1x128xi32, #tpu.memory_space<vmem>> -> memref<128xi32, #tpu.memory_space<vmem>>
      %dma_start3A_144 = arith.constant 0 : i32
      %dma_start3A_145 = arith.constant 0 : i32
      %dma_start3A_146 = tpu.memref_slice %arg2[%dma_start3A_144, %dma_start3A_145] : memref<10000x128xf32, #tpu.memory_space<hbm>> -> memref<10000x128xf32, #tpu.memory_space<hbm>>
      tpu.enqueue_indirect_dma source(%dma_start3A_146 : memref<10000x128xf32, #tpu.memory_space<hbm>>) target(%arg13 : memref<128x128xf32, #tpu.memory_space<vmem>>) offsets(%dma_start3A_143 : memref<128xi32, #tpu.memory_space<vmem>>) semaphore(%arg18 : memref<!tpu.dma_semaphore, #tpu.memory_space<semaphore_mem>>)
      %dma_start3A_147 = arith.constant 0 : i32
      %dma_start3A_148 = tpu.memref_slice %arg12[%scan3A_141, %dma_start3A_147] : memref<8x128xi32, #tpu.memory_space<vmem>> -> memref<1x128xi32, #tpu.memory_space<vmem>>
      %dma_start3A_149 = tpu.memref_squeeze %dma_start3A_148 : memref<1x128xi32, #tpu.memory_space<vmem>> -> memref<128xi32, #tpu.memory_space<vmem>>
      %dma_start3A_150 = arith.constant 0 : i32
      %dma_start3A_151 = arith.constant 0 : i32
      %dma_start3A_152 = tpu.memref_slice %arg17[%dma_start3A_150, %dma_start3A_151] : memref<464x128xf32, #tpu.memory_space<vmem_shared>> -> memref<464x128xf32, #tpu.memory_space<vmem_shared>>
      tpu.enqueue_indirect_dma source(%dma_start3A_152 : memref<464x128xf32, #tpu.memory_space<vmem_shared>>) target(%arg14 : memref<128x128xf32, #tpu.memory_space<vmem>>) offsets(%dma_start3A_149 : memref<128xi32, #tpu.memory_space<vmem>>) semaphore(%arg19 : memref<!tpu.dma_semaphore, #tpu.memory_space<semaphore_mem>>)
      %dma_wait3A = arith.constant 0 : i32
      %dma_wait3A_153 = tpu.memref_slice %arg10[%scan3A_141, %dma_wait3A] : memref<8x128xi32, #tpu.memory_space<vmem>> -> memref<1x128xi32, #tpu.memory_space<vmem>>
      %dma_wait3A_154 = tpu.memref_squeeze %dma_wait3A_153 : memref<1x128xi32, #tpu.memory_space<vmem>> -> memref<128xi32, #tpu.memory_space<vmem>>
      %dma_wait3A_155 = arith.constant 0 : i32
      %dma_wait3A_156 = arith.constant 0 : i32
      %dma_wait3A_157 = tpu.memref_slice %arg2[%dma_wait3A_155, %dma_wait3A_156] : memref<10000x128xf32, #tpu.memory_space<hbm>> -> memref<10000x128xf32, #tpu.memory_space<hbm>>
      tpu.wait_indirect_dma semaphore(%arg18 : memref<!tpu.dma_semaphore, #tpu.memory_space<semaphore_mem>>) src(%dma_wait3A_157 : memref<10000x128xf32, #tpu.memory_space<hbm>>) dst(%arg13 : memref<128x128xf32, #tpu.memory_space<vmem>>)
      %dma_wait3A_158 = arith.constant 0 : i32
      %dma_wait3A_159 = tpu.memref_slice %arg12[%scan3A_141, %dma_wait3A_158] : memref<8x128xi32, #tpu.memory_space<vmem>> -> memref<1x128xi32, #tpu.memory_space<vmem>>
      %dma_wait3A_160 = tpu.memref_squeeze %dma_wait3A_159 : memref<1x128xi32, #tpu.memory_space<vmem>> -> memref<128xi32, #tpu.memory_space<vmem>>
      %dma_wait3A_161 = arith.constant 0 : i32
      %dma_wait3A_162 = arith.constant 0 : i32
      %dma_wait3A_163 = tpu.memref_slice %arg17[%dma_wait3A_161, %dma_wait3A_162] : memref<464x128xf32, #tpu.memory_space<vmem_shared>> -> memref<464x128xf32, #tpu.memory_space<vmem_shared>>
      tpu.wait_indirect_dma semaphore(%arg19 : memref<!tpu.dma_semaphore, #tpu.memory_space<semaphore_mem>>) src(%dma_wait3A_163 : memref<464x128xf32, #tpu.memory_space<vmem_shared>>) dst(%arg14 : memref<128x128xf32, #tpu.memory_space<vmem>>)
      %scan3A_164 = arith.constant 0 : i32
      %scan3A_165 = arith.constant 0 : i32
      %scan3A_166 = arith.constant 128 : i32
      %scan3A_167 = arith.addi %scan3A_165, %scan3A_166 : i32
      %scan3A_168 = arith.constant 1 : i32
      scf.for %scan3A_193 = %scan3A_165 to %scan3A_167 step %scan3A_168  : i32 {
        %get3A_194 = arith.index_cast %scan3A_193 : i32 to index
        %get3A_195 = arith.constant 0 : index
        %get3A_196 = tpu.vector_load %arg13[%get3A_194, %get3A_195] {strides = array<i32>} : memref<128x128xf32, #tpu.memory_space<vmem>>, vector<16xf32>,
        %get3A_197 = arith.index_cast %scan3A_193 : i32 to index
        %get3A_198 = arith.constant 0 : index
        %get3A_199 = tpu.vector_load %arg14[%get3A_197, %get3A_198] {strides = array<i32>} : memref<128x128xf32, #tpu.memory_space<vmem>>, vector<16xf32>,
        %add3A_200 = arith.addf %get3A_196, %get3A_199 : vector<16xf32>
        %swap3A = arith.index_cast %scan3A_193 : i32 to index
        %swap3A_201 = arith.constant 0 : index
        %swap3A_202 = tpu.vector_load %arg13[%swap3A, %swap3A_201] {strides = array<i32>} : memref<128x128xf32, #tpu.memory_space<vmem>>, vector<16xf32>,
        tpu.vector_store %arg13[%swap3A, %swap3A_201], %add3A_200 {strides = array<i32>} : memref<128x128xf32, #tpu.memory_space<vmem>>, vector<16xf32>,
        %get3A_203 = arith.index_cast %scan3A_193 : i32 to index
        %get3A_204 = arith.constant 16 : index
        %get3A_205 = tpu.vector_load %arg13[%get3A_203, %get3A_204] {strides = array<i32>} : memref<128x128xf32, #tpu.memory_space<vmem>>, vector<16xf32>,
        %get3A_206 = arith.index_cast %scan3A_193 : i32 to index
        %get3A_207 = arith.constant 16 : index
        %get3A_208 = tpu.vector_load %arg14[%get3A_206, %get3A_207] {strides = array<i32>} : memref<128x128xf32, #tpu.memory_space<vmem>>, vector<16xf32>,
        %add3A_209 = arith.addf %get3A_205, %get3A_208 : vector<16xf32>
        %swap3A_210 = arith.index_cast %scan3A_193 : i32 to index
        %swap3A_211 = arith.constant 16 : index
        %swap3A_212 = tpu.vector_load %arg13[%swap3A_210, %swap3A_211] {strides = array<i32>} : memref<128x128xf32, #tpu.memory_space<vmem>>, vector<16xf32>,
        tpu.vector_store %arg13[%swap3A_210, %swap3A_211], %add3A_209 {strides = array<i32>} : memref<128x128xf32, #tpu.memory_space<vmem>>, vector<16xf32>,
        %get3A_213 = arith.index_cast %scan3A_193 : i32 to index
        %get3A_214 = arith.constant 32 : index
        %get3A_215 = tpu.vector_load %arg13[%get3A_213, %get3A_214] {strides = array<i32>} : memref<128x128xf32, #tpu.memory_space<vmem>>, vector<16xf32>,
        %get3A_216 = arith.index_cast %scan3A_193 : i32 to index
        %get3A_217 = arith.constant 32 : index
        %get3A_218 = tpu.vector_load %arg14[%get3A_216, %get3A_217] {strides = array<i32>} : memref<128x128xf32, #tpu.memory_space<vmem>>, vector<16xf32>,
        %add3A_219 = arith.addf %get3A_215, %get3A_218 : vector<16xf32>
        %swap3A_220 = arith.index_cast %scan3A_193 : i32 to index
        %swap3A_221 = arith.constant 32 : index
        %swap3A_222 = tpu.vector_load %arg13[%swap3A_220, %swap3A_221] {strides = array<i32>} : memref<128x128xf32, #tpu.memory_space<vmem>>, vector<16xf32>,
        tpu.vector_store %arg13[%swap3A_220, %swap3A_221], %add3A_219 {strides = array<i32>} : memref<128x128xf32, #tpu.memory_space<vmem>>, vector<16xf32>,
        %get3A_223 = arith.index_cast %scan3A_193 : i32 to index
        %get3A_224 = arith.constant 48 : index
        %get3A_225 = tpu.vector_load %arg13[%get3A_223, %get3A_224] {strides = array<i32>} : memref<128x128xf32, #tpu.memory_space<vmem>>, vector<16xf32>,
        %get3A_226 = arith.index_cast %scan3A_193 : i32 to index
        %get3A_227 = arith.constant 48 : index
        %get3A_228 = tpu.vector_load %arg14[%get3A_226, %get3A_227] {strides = array<i32>} : memref<128x128xf32, #tpu.memory_space<vmem>>, vector<16xf32>,
        %add3A_229 = arith.addf %get3A_225, %get3A_228 : vector<16xf32>
        %swap3A_230 = arith.index_cast %scan3A_193 : i32 to index
        %swap3A_231 = arith.constant 48 : index
        %swap3A_232 = tpu.vector_load %arg13[%swap3A_230, %swap3A_231] {strides = array<i32>} : memref<128x128xf32, #tpu.memory_space<vmem>>, vector<16xf32>,
        tpu.vector_store %arg13[%swap3A_230, %swap3A_231], %add3A_229 {strides = array<i32>} : memref<128x128xf32, #tpu.memory_space<vmem>>, vector<16xf32>,
        %get3A_233 = arith.index_cast %scan3A_193 : i32 to index
        %get3A_234 = arith.constant 64 : index
        %get3A_235 = tpu.vector_load %arg13[%get3A_233, %get3A_234] {strides = array<i32>} : memref<128x128xf32, #tpu.memory_space<vmem>>, vector<16xf32>,
        %get3A_236 = arith.index_cast %scan3A_193 : i32 to index
        %get3A_237 = arith.constant 64 : index
        %get3A_238 = tpu.vector_load %arg14[%get3A_236, %get3A_237] {strides = array<i32>} : memref<128x128xf32, #tpu.memory_space<vmem>>, vector<16xf32>,
        %add3A_239 = arith.addf %get3A_235, %get3A_238 : vector<16xf32>
        %swap3A_240 = arith.index_cast %scan3A_193 : i32 to index
        %swap3A_241 = arith.constant 64 : index
        %swap3A_242 = tpu.vector_load %arg13[%swap3A_240, %swap3A_241] {strides = array<i32>} : memref<128x128xf32, #tpu.memory_space<vmem>>, vector<16xf32>,
        tpu.vector_store %arg13[%swap3A_240, %swap3A_241], %add3A_239 {strides = array<i32>} : memref<128x128xf32, #tpu.memory_space<vmem>>, vector<16xf32>,
        %get3A_243 = arith.index_cast %scan3A_193 : i32 to index
        %get3A_244 = arith.constant 80 : index
        %get3A_245 = tpu.vector_load %arg13[%get3A_243, %get3A_244] {strides = array<i32>} : memref<128x128xf32, #tpu.memory_space<vmem>>, vector<16xf32>,
        %get3A_246 = arith.index_cast %scan3A_193 : i32 to index
        %get3A_247 = arith.constant 80 : index
        %get3A_248 = tpu.vector_load %arg14[%get3A_246, %get3A_247] {strides = array<i32>} : memref<128x128xf32, #tpu.memory_space<vmem>>, vector<16xf32>,
        %add3A_249 = arith.addf %get3A_245, %get3A_248 : vector<16xf32>
        %swap3A_250 = arith.index_cast %scan3A_193 : i32 to index
        %swap3A_251 = arith.constant 80 : index
        %swap3A_252 = tpu.vector_load %arg13[%swap3A_250, %swap3A_251] {strides = array<i32>} : memref<128x128xf32, #tpu.memory_space<vmem>>, vector<16xf32>,
        tpu.vector_store %arg13[%swap3A_250, %swap3A_251], %add3A_249 {strides = array<i32>} : memref<128x128xf32, #tpu.memory_space<vmem>>, vector<16xf32>,
        %get3A_253 = arith.index_cast %scan3A_193 : i32 to index
        %get3A_254 = arith.constant 96 : index
        %get3A_255 = tpu.vector_load %arg13[%get3A_253, %get3A_254] {strides = array<i32>} : memref<128x128xf32, #tpu.memory_space<vmem>>, vector<16xf32>,
        %get3A_256 = arith.index_cast %scan3A_193 : i32 to index
        %get3A_257 = arith.constant 96 : index
        %get3A_258 = tpu.vector_load %arg14[%get3A_256, %get3A_257] {strides = array<i32>} : memref<128x128xf32, #tpu.memory_space<vmem>>, vector<16xf32>,
        %add3A_259 = arith.addf %get3A_255, %get3A_258 : vector<16xf32>
        %swap3A_260 = arith.index_cast %scan3A_193 : i32 to index
        %swap3A_261 = arith.constant 96 : index
        %swap3A_262 = tpu.vector_load %arg13[%swap3A_260, %swap3A_261] {strides = array<i32>} : memref<128x128xf32, #tpu.memory_space<vmem>>, vector<16xf32>,
        tpu.vector_store %arg13[%swap3A_260, %swap3A_261], %add3A_259 {strides = array<i32>} : memref<128x128xf32, #tpu.memory_space<vmem>>, vector<16xf32>,
        %get3A_263 = arith.index_cast %scan3A_193 : i32 to index
        %get3A_264 = arith.constant 112 : index
        %get3A_265 = tpu.vector_load %arg13[%get3A_263, %get3A_264] {strides = array<i32>} : memref<128x128xf32, #tpu.memory_space<vmem>>, vector<16xf32>,
        %get3A_266 = arith.index_cast %scan3A_193 : i32 to index
        %get3A_267 = arith.constant 112 : index
        %get3A_268 = tpu.vector_load %arg14[%get3A_266, %get3A_267] {strides = array<i32>} : memref<128x128xf32, #tpu.memory_space<vmem>>, vector<16xf32>,
        %add3A_269 = arith.addf %get3A_265, %get3A_268 : vector<16xf32>
        %swap3A_270 = arith.index_cast %scan3A_193 : i32 to index
        %swap3A_271 = arith.constant 112 : index
        %swap3A_272 = tpu.vector_load %arg13[%swap3A_270, %swap3A_271] {strides = array<i32>} : memref<128x128xf32, #tpu.memory_space<vmem>>, vector<16xf32>,
        tpu.vector_store %arg13[%swap3A_270, %swap3A_271], %add3A_269 {strides = array<i32>} : memref<128x128xf32, #tpu.memory_space<vmem>>, vector<16xf32>,
      }
      %scan3A_169 = arith.constant 128 : i32
      "tpu.region"() ({
        %run_scoped3A = tpu.sem_alloc : memref<!tpu.dma_semaphore, #tpu.memory_space<semaphore_mem>>
        %dma_start3A_193 = arith.constant 0 : i32
        %dma_start3A_194 = tpu.memref_slice %arg11[%scan3A_141, %dma_start3A_193] : memref<8x128xi32, #tpu.memory_space<vmem>> -> memref<1x128xi32, #tpu.memory_space<vmem>>
        %dma_start3A_195 = tpu.memref_squeeze %dma_start3A_194 : memref<1x128xi32, #tpu.memory_space<vmem>> -> memref<128xi32, #tpu.memory_space<vmem>>
        %dma_start3A_196 = arith.constant 0 : i32
        %dma_start3A_197 = arith.constant 0 : i32
        %dma_start3A_198 = tpu.memref_slice %arg16[%dma_start3A_196, %dma_start3A_197] : memref<10112x128xf32, #tpu.memory_space<vmem_shared>> -> memref<10112x128xf32, #tpu.memory_space<vmem_shared>>
        tpu.enqueue_indirect_dma source(%arg13 : memref<128x128xf32, #tpu.memory_space<vmem>>) target(%dma_start3A_198 : memref<10112x128xf32, #tpu.memory_space<vmem_shared>>) offsets(%dma_start3A_195 : memref<128xi32, #tpu.memory_space<vmem>>) semaphore(%run_scoped3A : memref<!tpu.dma_semaphore, #tpu.memory_space<semaphore_mem>>) {add = true}
        %dma_wait3A_199 = arith.constant 0 : i32
        %dma_wait3A_200 = tpu.memref_slice %arg11[%scan3A_141, %dma_wait3A_199] : memref<8x128xi32, #tpu.memory_space<vmem>> -> memref<1x128xi32, #tpu.memory_space<vmem>>
        %dma_wait3A_201 = tpu.memref_squeeze %dma_wait3A_200 : memref<1x128xi32, #tpu.memory_space<vmem>> -> memref<128xi32, #tpu.memory_space<vmem>>
        %dma_wait3A_202 = arith.constant 0 : i32
        %dma_wait3A_203 = arith.constant 0 : i32
        %dma_wait3A_204 = tpu.memref_slice %arg16[%dma_wait3A_202, %dma_wait3A_203] : memref<10112x128xf32, #tpu.memory_space<vmem_shared>> -> memref<10112x128xf32, #tpu.memory_space<vmem_shared>>
        tpu.wait_indirect_dma semaphore(%run_scoped3A : memref<!tpu.dma_semaphore, #tpu.memory_space<semaphore_mem>>) src(%arg13 : memref<128x128xf32, #tpu.memory_space<vmem>>) dst(%dma_wait3A_204 : memref<10112x128xf32, #tpu.memory_space<vmem_shared>>)
        tpu.yield
      }) : () -> ()
      %get3A = arith.index_cast %scan3A_141 : i32 to index
      %get3A_170 = arith.constant 0 : index
      %get3A_171 = tpu.vector_load %arg11[%get3A, %get3A_170] {strides = array<i32>} : memref<8x128xi32, #tpu.memory_space<vmem>>, vector<16xi32>,
      tpu.vector_store_idx %arg15[%get3A_171], %broadcast_in_dim3A_7 {add = true} : memref<10112xf32, #tpu.memory_space<vmem>>[vector<16xi32>], vector<16xf32>,
      %get3A_172 = arith.index_cast %scan3A_141 : i32 to index
      %get3A_173 = arith.constant 16 : index
      %get3A_174 = tpu.vector_load %arg11[%get3A_172, %get3A_173] {strides = array<i32>} : memref<8x128xi32, #tpu.memory_space<vmem>>, vector<16xi32>,
      tpu.vector_store_idx %arg15[%get3A_174], %broadcast_in_dim3A_7 {add = true} : memref<10112xf32, #tpu.memory_space<vmem>>[vector<16xi32>], vector<16xf32>,
      %get3A_175 = arith.index_cast %scan3A_141 : i32 to index
      %get3A_176 = arith.constant 32 : index
      %get3A_177 = tpu.vector_load %arg11[%get3A_175, %get3A_176] {strides = array<i32>} : memref<8x128xi32, #tpu.memory_space<vmem>>, vector<16xi32>,
      tpu.vector_store_idx %arg15[%get3A_177], %broadcast_in_dim3A_7 {add = true} : memref<10112xf32, #tpu.memory_space<vmem>>[vector<16xi32>], vector<16xf32>,
      %get3A_178 = arith.index_cast %scan3A_141 : i32 to index
      %get3A_179 = arith.constant 48 : index
      %get3A_180 = tpu.vector_load %arg11[%get3A_178, %get3A_179] {strides = array<i32>} : memref<8x128xi32, #tpu.memory_space<vmem>>, vector<16xi32>,
      tpu.vector_store_idx %arg15[%get3A_180], %broadcast_in_dim3A_7 {add = true} : memref<10112xf32, #tpu.memory_space<vmem>>[vector<16xi32>], vector<16xf32>,
      %get3A_181 = arith.index_cast %scan3A_141 : i32 to index
      %get3A_182 = arith.constant 64 : index
      %get3A_183 = tpu.vector_load %arg11[%get3A_181, %get3A_182] {strides = array<i32>} : memref<8x128xi32, #tpu.memory_space<vmem>>, vector<16xi32>,
      tpu.vector_store_idx %arg15[%get3A_183], %broadcast_in_dim3A_7 {add = true} : memref<10112xf32, #tpu.memory_space<vmem>>[vector<16xi32>], vector<16xf32>,
      %get3A_184 = arith.index_cast %scan3A_141 : i32 to index
      %get3A_185 = arith.constant 80 : index
      %get3A_186 = tpu.vector_load %arg11[%get3A_184, %get3A_185] {strides = array<i32>} : memref<8x128xi32, #tpu.memory_space<vmem>>, vector<16xi32>,
      tpu.vector_store_idx %arg15[%get3A_186], %broadcast_in_dim3A_7 {add = true} : memref<10112xf32, #tpu.memory_space<vmem>>[vector<16xi32>], vector<16xf32>,
      %get3A_187 = arith.index_cast %scan3A_141 : i32 to index
      %get3A_188 = arith.constant 96 : index
      %get3A_189 = tpu.vector_load %arg11[%get3A_187, %get3A_188] {strides = array<i32>} : memref<8x128xi32, #tpu.memory_space<vmem>>, vector<16xi32>,
      tpu.vector_store_idx %arg15[%get3A_189], %broadcast_in_dim3A_7 {add = true} : memref<10112xf32, #tpu.memory_space<vmem>>[vector<16xi32>], vector<16xf32>,
      %get3A_190 = arith.index_cast %scan3A_141 : i32 to index
      %get3A_191 = arith.constant 112 : index
      %get3A_192 = tpu.vector_load %arg11[%get3A_190, %get3A_191] {strides = array<i32>} : memref<8x128xi32, #tpu.memory_space<vmem>>, vector<16xi32>,
      tpu.vector_store_idx %arg15[%get3A_192], %broadcast_in_dim3A_7 {add = true} : memref<10112xf32, #tpu.memory_space<vmem>>[vector<16xi32>], vector<16xf32>,
    }
    %scan3A_38 = arith.constant 8 : i32
    %add3A_39 = arith.constant 16 : i32
    %add3A_40 = arith.addi %mul3A_14, %add3A_39 : i32
    "tpu.region"() ({
      %run_scoped3A = tpu.sem_alloc : memref<!tpu.dma_semaphore, #tpu.memory_space<semaphore_mem>>
      %dma_start3A = arith.constant 0 : i32
      %dma_start3A_141 = tpu.memref_slice %arg5[%add3A_40, %dma_start3A] : memref<2560x128xi32, #tpu.memory_space<hbm>> -> memref<8x128xi32, #tpu.memory_space<hbm>>
      %dma_start3A_142 = arith.constant 0 : i32
      %dma_start3A_143 = tpu.memref_slice %arg5[%add3A_40, %dma_start3A_142] : memref<2560x128xi32, #tpu.memory_space<hbm>> -> memref<8x128xi32, #tpu.memory_space<hbm>>
      tpu.enqueue_dma source(%dma_start3A_143 : memref<8x128xi32, #tpu.memory_space<hbm>>) target(%arg10 : memref<8x128xi32, #tpu.memory_space<vmem>>) target_semaphore(%run_scoped3A : memref<!tpu.dma_semaphore, #tpu.memory_space<semaphore_mem>>)
      %dma_wait3A = arith.constant 0 : i32
      %dma_wait3A_144 = tpu.memref_slice %arg5[%add3A_40, %dma_wait3A] : memref<2560x128xi32, #tpu.memory_space<hbm>> -> memref<8x128xi32, #tpu.memory_space<hbm>>
      %dma_wait3A_145 = arith.constant 0 : i32
      %dma_wait3A_146 = tpu.memref_slice %arg5[%add3A_40, %dma_wait3A_145] : memref<2560x128xi32, #tpu.memory_space<hbm>> -> memref<8x128xi32, #tpu.memory_space<hbm>>
      tpu.wait_dma2 semaphore(%run_scoped3A : memref<!tpu.dma_semaphore, #tpu.memory_space<semaphore_mem>>) src(%dma_wait3A_146 : memref<8x128xi32, #tpu.memory_space<hbm>>) dst(%arg10 : memref<8x128xi32, #tpu.memory_space<vmem>>)
      tpu.yield
    }) : () -> ()
    %add3A_41 = arith.constant 16 : i32
    %add3A_42 = arith.addi %mul3A_14, %add3A_41 : i32
    "tpu.region"() ({
      %run_scoped3A = tpu.sem_alloc : memref<!tpu.dma_semaphore, #tpu.memory_space<semaphore_mem>>
      %dma_start3A = arith.constant 0 : i32
      %dma_start3A_141 = tpu.memref_slice %arg6[%add3A_42, %dma_start3A] : memref<2560x128xi32, #tpu.memory_space<hbm>> -> memref<8x128xi32, #tpu.memory_space<hbm>>
      %dma_start3A_142 = arith.constant 0 : i32
      %dma_start3A_143 = tpu.memref_slice %arg6[%add3A_42, %dma_start3A_142] : memref<2560x128xi32, #tpu.memory_space<hbm>> -> memref<8x128xi32, #tpu.memory_space<hbm>>
      tpu.enqueue_dma source(%dma_start3A_143 : memref<8x128xi32, #tpu.memory_space<hbm>>) target(%arg11 : memref<8x128xi32, #tpu.memory_space<vmem>>) target_semaphore(%run_scoped3A : memref<!tpu.dma_semaphore, #tpu.memory_space<semaphore_mem>>)
      %dma_wait3A = arith.constant 0 : i32
      %dma_wait3A_144 = tpu.memref_slice %arg6[%add3A_42, %dma_wait3A] : memref<2560x128xi32, #tpu.memory_space<hbm>> -> memref<8x128xi32, #tpu.memory_space<hbm>>
      %dma_wait3A_145 = arith.constant 0 : i32
      %dma_wait3A_146 = tpu.memref_slice %arg6[%add3A_42, %dma_wait3A_145] : memref<2560x128xi32, #tpu.memory_space<hbm>> -> memref<8x128xi32, #tpu.memory_space<hbm>>
      tpu.wait_dma2 semaphore(%run_scoped3A : memref<!tpu.dma_semaphore, #tpu.memory_space<semaphore_mem>>) src(%dma_wait3A_146 : memref<8x128xi32, #tpu.memory_space<hbm>>) dst(%arg11 : memref<8x128xi32, #tpu.memory_space<vmem>>)
      tpu.yield
    }) : () -> ()
    %add3A_43 = arith.constant 16 : i32
    %add3A_44 = arith.addi %mul3A_14, %add3A_43 : i32
    "tpu.region"() ({
      %run_scoped3A = tpu.sem_alloc : memref<!tpu.dma_semaphore, #tpu.memory_space<semaphore_mem>>
      %dma_start3A = arith.constant 0 : i32
      %dma_start3A_141 = tpu.memref_slice %arg7[%add3A_44, %dma_start3A] : memref<2560x128xi32, #tpu.memory_space<hbm>> -> memref<8x128xi32, #tpu.memory_space<hbm>>
      %dma_start3A_142 = arith.constant 0 : i32
      %dma_start3A_143 = tpu.memref_slice %arg7[%add3A_44, %dma_start3A_142] : memref<2560x128xi32, #tpu.memory_space<hbm>> -> memref<8x128xi32, #tpu.memory_space<hbm>>
      tpu.enqueue_dma source(%dma_start3A_143 : memref<8x128xi32, #tpu.memory_space<hbm>>) target(%arg12 : memref<8x128xi32, #tpu.memory_space<vmem>>) target_semaphore(%run_scoped3A : memref<!tpu.dma_semaphore, #tpu.memory_space<semaphore_mem>>)
      %dma_wait3A = arith.constant 0 : i32
      %dma_wait3A_144 = tpu.memref_slice %arg7[%add3A_44, %dma_wait3A] : memref<2560x128xi32, #tpu.memory_space<hbm>> -> memref<8x128xi32, #tpu.memory_space<hbm>>
      %dma_wait3A_145 = arith.constant 0 : i32
      %dma_wait3A_146 = tpu.memref_slice %arg7[%add3A_44, %dma_wait3A_145] : memref<2560x128xi32, #tpu.memory_space<hbm>> -> memref<8x128xi32, #tpu.memory_space<hbm>>
      tpu.wait_dma2 semaphore(%run_scoped3A : memref<!tpu.dma_semaphore, #tpu.memory_space<semaphore_mem>>) src(%dma_wait3A_146 : memref<8x128xi32, #tpu.memory_space<hbm>>) dst(%arg12 : memref<8x128xi32, #tpu.memory_space<vmem>>)
      tpu.yield
    }) : () -> ()
    %scan3A_45 = arith.constant 0 : i32
    %scan3A_46 = arith.constant 0 : i32
    %scan3A_47 = arith.constant 8 : i32
    %scan3A_48 = arith.addi %scan3A_46, %scan3A_47 : i32
    %scan3A_49 = arith.constant 1 : i32
    scf.for %scan3A_141 = %scan3A_46 to %scan3A_48 step %scan3A_49  : i32 {
      %dma_start3A = arith.constant 0 : i32
      %dma_start3A_142 = tpu.memref_slice %arg10[%scan3A_141, %dma_start3A] : memref<8x128xi32, #tpu.memory_space<vmem>> -> memref<1x128xi32, #tpu.memory_space<vmem>>
      %dma_start3A_143 = tpu.memref_squeeze %dma_start3A_142 : memref<1x128xi32, #tpu.memory_space<vmem>> -> memref<128xi32, #tpu.memory_space<vmem>>
      %dma_start3A_144 = arith.constant 0 : i32
      %dma_start3A_145 = arith.constant 0 : i32
      %dma_start3A_146 = tpu.memref_slice %arg2[%dma_start3A_144, %dma_start3A_145] : memref<10000x128xf32, #tpu.memory_space<hbm>> -> memref<10000x128xf32, #tpu.memory_space<hbm>>
      tpu.enqueue_indirect_dma source(%dma_start3A_146 : memref<10000x128xf32, #tpu.memory_space<hbm>>) target(%arg13 : memref<128x128xf32, #tpu.memory_space<vmem>>) offsets(%dma_start3A_143 : memref<128xi32, #tpu.memory_space<vmem>>) semaphore(%arg18 : memref<!tpu.dma_semaphore, #tpu.memory_space<semaphore_mem>>)
      %dma_start3A_147 = arith.constant 0 : i32
      %dma_start3A_148 = tpu.memref_slice %arg12[%scan3A_141, %dma_start3A_147] : memref<8x128xi32, #tpu.memory_space<vmem>> -> memref<1x128xi32, #tpu.memory_space<vmem>>
      %dma_start3A_149 = tpu.memref_squeeze %dma_start3A_148 : memref<1x128xi32, #tpu.memory_space<vmem>> -> memref<128xi32, #tpu.memory_space<vmem>>
      %dma_start3A_150 = arith.constant 0 : i32
      %dma_start3A_151 = arith.constant 0 : i32
      %dma_start3A_152 = tpu.memref_slice %arg17[%dma_start3A_150, %dma_start3A_151] : memref<464x128xf32, #tpu.memory_space<vmem_shared>> -> memref<464x128xf32, #tpu.memory_space<vmem_shared>>
      tpu.enqueue_indirect_dma source(%dma_start3A_152 : memref<464x128xf32, #tpu.memory_space<vmem_shared>>) target(%arg14 : memref<128x128xf32, #tpu.memory_space<vmem>>) offsets(%dma_start3A_149 : memref<128xi32, #tpu.memory_space<vmem>>) semaphore(%arg19 : memref<!tpu.dma_semaphore, #tpu.memory_space<semaphore_mem>>)
      %dma_wait3A = arith.constant 0 : i32
      %dma_wait3A_153 = tpu.memref_slice %arg10[%scan3A_141, %dma_wait3A] : memref<8x128xi32, #tpu.memory_space<vmem>> -> memref<1x128xi32, #tpu.memory_space<vmem>>
      %dma_wait3A_154 = tpu.memref_squeeze %dma_wait3A_153 : memref<1x128xi32, #tpu.memory_space<vmem>> -> memref<128xi32, #tpu.memory_space<vmem>>
      %dma_wait3A_155 = arith.constant 0 : i32
      %dma_wait3A_156 = arith.constant 0 : i32
      %dma_wait3A_157 = tpu.memref_slice %arg2[%dma_wait3A_155, %dma_wait3A_156] : memref<10000x128xf32, #tpu.memory_space<hbm>> -> memref<10000x128xf32, #tpu.memory_space<hbm>>
      tpu.wait_indirect_dma semaphore(%arg18 : memref<!tpu.dma_semaphore, #tpu.memory_space<semaphore_mem>>) src(%dma_wait3A_157 : memref<10000x128xf32, #tpu.memory_space<hbm>>) dst(%arg13 : memref<128x128xf32, #tpu.memory_space<vmem>>)
      %dma_wait3A_158 = arith.constant 0 : i32
      %dma_wait3A_159 = tpu.memref_slice %arg12[%scan3A_141, %dma_wait3A_158] : memref<8x128xi32, #tpu.memory_space<vmem>> -> memref<1x128xi32, #tpu.memory_space<vmem>>
      %dma_wait3A_160 = tpu.memref_squeeze %dma_wait3A_159 : memref<1x128xi32, #tpu.memory_space<vmem>> -> memref<128xi32, #tpu.memory_space<vmem>>
      %dma_wait3A_161 = arith.constant 0 : i32
      %dma_wait3A_162 = arith.constant 0 : i32
      %dma_wait3A_163 = tpu.memref_slice %arg17[%dma_wait3A_161, %dma_wait3A_162] : memref<464x128xf32, #tpu.memory_space<vmem_shared>> -> memref<464x128xf32, #tpu.memory_space<vmem_shared>>
      tpu.wait_indirect_dma semaphore(%arg19 : memref<!tpu.dma_semaphore, #tpu.memory_space<semaphore_mem>>) src(%dma_wait3A_163 : memref<464x128xf32, #tpu.memory_space<vmem_shared>>) dst(%arg14 : memref<128x128xf32, #tpu.memory_space<vmem>>)
      %scan3A_164 = arith.constant 0 : i32
      %scan3A_165 = arith.constant 0 : i32
      %scan3A_166 = arith.constant 128 : i32
      %scan3A_167 = arith.addi %scan3A_165, %scan3A_166 : i32
      %scan3A_168 = arith.constant 1 : i32
      scf.for %scan3A_193 = %scan3A_165 to %scan3A_167 step %scan3A_168  : i32 {
        %get3A_194 = arith.index_cast %scan3A_193 : i32 to index
        %get3A_195 = arith.constant 0 : index
        %get3A_196 = tpu.vector_load %arg13[%get3A_194, %get3A_195] {strides = array<i32>} : memref<128x128xf32, #tpu.memory_space<vmem>>, vector<16xf32>,
        %get3A_197 = arith.index_cast %scan3A_193 : i32 to index
        %get3A_198 = arith.constant 0 : index
        %get3A_199 = tpu.vector_load %arg14[%get3A_197, %get3A_198] {strides = array<i32>} : memref<128x128xf32, #tpu.memory_space<vmem>>, vector<16xf32>,
        %add3A_200 = arith.addf %get3A_196, %get3A_199 : vector<16xf32>
        %swap3A = arith.index_cast %scan3A_193 : i32 to index
        %swap3A_201 = arith.constant 0 : index
        %swap3A_202 = tpu.vector_load %arg13[%swap3A, %swap3A_201] {strides = array<i32>} : memref<128x128xf32, #tpu.memory_space<vmem>>, vector<16xf32>,
        tpu.vector_store %arg13[%swap3A, %swap3A_201], %add3A_200 {strides = array<i32>} : memref<128x128xf32, #tpu.memory_space<vmem>>, vector<16xf32>,
        %get3A_203 = arith.index_cast %scan3A_193 : i32 to index
        %get3A_204 = arith.constant 16 : index
        %get3A_205 = tpu.vector_load %arg13[%get3A_203, %get3A_204] {strides = array<i32>} : memref<128x128xf32, #tpu.memory_space<vmem>>, vector<16xf32>,
        %get3A_206 = arith.index_cast %scan3A_193 : i32 to index
        %get3A_207 = arith.constant 16 : index
        %get3A_208 = tpu.vector_load %arg14[%get3A_206, %get3A_207] {strides = array<i32>} : memref<128x128xf32, #tpu.memory_space<vmem>>, vector<16xf32>,
        %add3A_209 = arith.addf %get3A_205, %get3A_208 : vector<16xf32>
        %swap3A_210 = arith.index_cast %scan3A_193 : i32 to index
        %swap3A_211 = arith.constant 16 : index
        %swap3A_212 = tpu.vector_load %arg13[%swap3A_210, %swap3A_211] {strides = array<i32>} : memref<128x128xf32, #tpu.memory_space<vmem>>, vector<16xf32>,
        tpu.vector_store %arg13[%swap3A_210, %swap3A_211], %add3A_209 {strides = array<i32>} : memref<128x128xf32, #tpu.memory_space<vmem>>, vector<16xf32>,
        %get3A_213 = arith.index_cast %scan3A_193 : i32 to index
        %get3A_214 = arith.constant 32 : index
        %get3A_215 = tpu.vector_load %arg13[%get3A_213, %get3A_214] {strides = array<i32>} : memref<128x128xf32, #tpu.memory_space<vmem>>, vector<16xf32>,
        %get3A_216 = arith.index_cast %scan3A_193 : i32 to index
        %get3A_217 = arith.constant 32 : index
        %get3A_218 = tpu.vector_load %arg14[%get3A_216, %get3A_217] {strides = array<i32>} : memref<128x128xf32, #tpu.memory_space<vmem>>, vector<16xf32>,
        %add3A_219 = arith.addf %get3A_215, %get3A_218 : vector<16xf32>
        %swap3A_220 = arith.index_cast %scan3A_193 : i32 to index
        %swap3A_221 = arith.constant 32 : index
        %swap3A_222 = tpu.vector_load %arg13[%swap3A_220, %swap3A_221] {strides = array<i32>} : memref<128x128xf32, #tpu.memory_space<vmem>>, vector<16xf32>,
        tpu.vector_store %arg13[%swap3A_220, %swap3A_221], %add3A_219 {strides = array<i32>} : memref<128x128xf32, #tpu.memory_space<vmem>>, vector<16xf32>,
        %get3A_223 = arith.index_cast %scan3A_193 : i32 to index
        %get3A_224 = arith.constant 48 : index
        %get3A_225 = tpu.vector_load %arg13[%get3A_223, %get3A_224] {strides = array<i32>} : memref<128x128xf32, #tpu.memory_space<vmem>>, vector<16xf32>,
        %get3A_226 = arith.index_cast %scan3A_193 : i32 to index
        %get3A_227 = arith.constant 48 : index
        %get3A_228 = tpu.vector_load %arg14[%get3A_226, %get3A_227] {strides = array<i32>} : memref<128x128xf32, #tpu.memory_space<vmem>>, vector<16xf32>,
        %add3A_229 = arith.addf %get3A_225, %get3A_228 : vector<16xf32>
        %swap3A_230 = arith.index_cast %scan3A_193 : i32 to index
        %swap3A_231 = arith.constant 48 : index
        %swap3A_232 = tpu.vector_load %arg13[%swap3A_230, %swap3A_231] {strides = array<i32>} : memref<128x128xf32, #tpu.memory_space<vmem>>, vector<16xf32>,
        tpu.vector_store %arg13[%swap3A_230, %swap3A_231], %add3A_229 {strides = array<i32>} : memref<128x128xf32, #tpu.memory_space<vmem>>, vector<16xf32>,
        %get3A_233 = arith.index_cast %scan3A_193 : i32 to index
        %get3A_234 = arith.constant 64 : index
        %get3A_235 = tpu.vector_load %arg13[%get3A_233, %get3A_234] {strides = array<i32>} : memref<128x128xf32, #tpu.memory_space<vmem>>, vector<16xf32>,
        %get3A_236 = arith.index_cast %scan3A_193 : i32 to index
        %get3A_237 = arith.constant 64 : index
        %get3A_238 = tpu.vector_load %arg14[%get3A_236, %get3A_237] {strides = array<i32>} : memref<128x128xf32, #tpu.memory_space<vmem>>, vector<16xf32>,
        %add3A_239 = arith.addf %get3A_235, %get3A_238 : vector<16xf32>
        %swap3A_240 = arith.index_cast %scan3A_193 : i32 to index
        %swap3A_241 = arith.constant 64 : index
        %swap3A_242 = tpu.vector_load %arg13[%swap3A_240, %swap3A_241] {strides = array<i32>} : memref<128x128xf32, #tpu.memory_space<vmem>>, vector<16xf32>,
        tpu.vector_store %arg13[%swap3A_240, %swap3A_241], %add3A_239 {strides = array<i32>} : memref<128x128xf32, #tpu.memory_space<vmem>>, vector<16xf32>,
        %get3A_243 = arith.index_cast %scan3A_193 : i32 to index
        %get3A_244 = arith.constant 80 : index
        %get3A_245 = tpu.vector_load %arg13[%get3A_243, %get3A_244] {strides = array<i32>} : memref<128x128xf32, #tpu.memory_space<vmem>>, vector<16xf32>,
        %get3A_246 = arith.index_cast %scan3A_193 : i32 to index
        %get3A_247 = arith.constant 80 : index
        %get3A_248 = tpu.vector_load %arg14[%get3A_246, %get3A_247] {strides = array<i32>} : memref<128x128xf32, #tpu.memory_space<vmem>>, vector<16xf32>,
        %add3A_249 = arith.addf %get3A_245, %get3A_248 : vector<16xf32>
        %swap3A_250 = arith.index_cast %scan3A_193 : i32 to index
        %swap3A_251 = arith.constant 80 : index
        %swap3A_252 = tpu.vector_load %arg13[%swap3A_250, %swap3A_251] {strides = array<i32>} : memref<128x128xf32, #tpu.memory_space<vmem>>, vector<16xf32>,
        tpu.vector_store %arg13[%swap3A_250, %swap3A_251], %add3A_249 {strides = array<i32>} : memref<128x128xf32, #tpu.memory_space<vmem>>, vector<16xf32>,
        %get3A_253 = arith.index_cast %scan3A_193 : i32 to index
        %get3A_254 = arith.constant 96 : index
        %get3A_255 = tpu.vector_load %arg13[%get3A_253, %get3A_254] {strides = array<i32>} : memref<128x128xf32, #tpu.memory_space<vmem>>, vector<16xf32>,
        %get3A_256 = arith.index_cast %scan3A_193 : i32 to index
        %get3A_257 = arith.constant 96 : index
        %get3A_258 = tpu.vector_load %arg14[%get3A_256, %get3A_257] {strides = array<i32>} : memref<128x128xf32, #tpu.memory_space<vmem>>, vector<16xf32>,
        %add3A_259 = arith.addf %get3A_255, %get3A_258 : vector<16xf32>
        %swap3A_260 = arith.index_cast %scan3A_193 : i32 to index
        %swap3A_261 = arith.constant 96 : index
        %swap3A_262 = tpu.vector_load %arg13[%swap3A_260, %swap3A_261] {strides = array<i32>} : memref<128x128xf32, #tpu.memory_space<vmem>>, vector<16xf32>,
        tpu.vector_store %arg13[%swap3A_260, %swap3A_261], %add3A_259 {strides = array<i32>} : memref<128x128xf32, #tpu.memory_space<vmem>>, vector<16xf32>,
        %get3A_263 = arith.index_cast %scan3A_193 : i32 to index
        %get3A_264 = arith.constant 112 : index
        %get3A_265 = tpu.vector_load %arg13[%get3A_263, %get3A_264] {strides = array<i32>} : memref<128x128xf32, #tpu.memory_space<vmem>>, vector<16xf32>,
        %get3A_266 = arith.index_cast %scan3A_193 : i32 to index
        %get3A_267 = arith.constant 112 : index
        %get3A_268 = tpu.vector_load %arg14[%get3A_266, %get3A_267] {strides = array<i32>} : memref<128x128xf32, #tpu.memory_space<vmem>>, vector<16xf32>,
        %add3A_269 = arith.addf %get3A_265, %get3A_268 : vector<16xf32>
        %swap3A_270 = arith.index_cast %scan3A_193 : i32 to index
        %swap3A_271 = arith.constant 112 : index
        %swap3A_272 = tpu.vector_load %arg13[%swap3A_270, %swap3A_271] {strides = array<i32>} : memref<128x128xf32, #tpu.memory_space<vmem>>, vector<16xf32>,
        tpu.vector_store %arg13[%swap3A_270, %swap3A_271], %add3A_269 {strides = array<i32>} : memref<128x128xf32, #tpu.memory_space<vmem>>, vector<16xf32>,
      }
      %scan3A_169 = arith.constant 128 : i32
      "tpu.region"() ({
        %run_scoped3A = tpu.sem_alloc : memref<!tpu.dma_semaphore, #tpu.memory_space<semaphore_mem>>
        %dma_start3A_193 = arith.constant 0 : i32
        %dma_start3A_194 = tpu.memref_slice %arg11[%scan3A_141, %dma_start3A_193] : memref<8x128xi32, #tpu.memory_space<vmem>> -> memref<1x128xi32, #tpu.memory_space<vmem>>
        %dma_start3A_195 = tpu.memref_squeeze %dma_start3A_194 : memref<1x128xi32, #tpu.memory_space<vmem>> -> memref<128xi32, #tpu.memory_space<vmem>>
        %dma_start3A_196 = arith.constant 0 : i32
        %dma_start3A_197 = arith.constant 0 : i32
        %dma_start3A_198 = tpu.memref_slice %arg16[%dma_start3A_196, %dma_start3A_197] : memref<10112x128xf32, #tpu.memory_space<vmem_shared>> -> memref<10112x128xf32, #tpu.memory_space<vmem_shared>>
        tpu.enqueue_indirect_dma source(%arg13 : memref<128x128xf32, #tpu.memory_space<vmem>>) target(%dma_start3A_198 : memref<10112x128xf32, #tpu.memory_space<vmem_shared>>) offsets(%dma_start3A_195 : memref<128xi32, #tpu.memory_space<vmem>>) semaphore(%run_scoped3A : memref<!tpu.dma_semaphore, #tpu.memory_space<semaphore_mem>>) {add = true}
        %dma_wait3A_199 = arith.constant 0 : i32
        %dma_wait3A_200 = tpu.memref_slice %arg11[%scan3A_141, %dma_wait3A_199] : memref<8x128xi32, #tpu.memory_space<vmem>> -> memref<1x128xi32, #tpu.memory_space<vmem>>
        %dma_wait3A_201 = tpu.memref_squeeze %dma_wait3A_200 : memref<1x128xi32, #tpu.memory_space<vmem>> -> memref<128xi32, #tpu.memory_space<vmem>>
        %dma_wait3A_202 = arith.constant 0 : i32
        %dma_wait3A_203 = arith.constant 0 : i32
        %dma_wait3A_204 = tpu.memref_slice %arg16[%dma_wait3A_202, %dma_wait3A_203] : memref<10112x128xf32, #tpu.memory_space<vmem_shared>> -> memref<10112x128xf32, #tpu.memory_space<vmem_shared>>
        tpu.wait_indirect_dma semaphore(%run_scoped3A : memref<!tpu.dma_semaphore, #tpu.memory_space<semaphore_mem>>) src(%arg13 : memref<128x128xf32, #tpu.memory_space<vmem>>) dst(%dma_wait3A_204 : memref<10112x128xf32, #tpu.memory_space<vmem_shared>>)
        tpu.yield
      }) : () -> ()
      %get3A = arith.index_cast %scan3A_141 : i32 to index
      %get3A_170 = arith.constant 0 : index
      %get3A_171 = tpu.vector_load %arg11[%get3A, %get3A_170] {strides = array<i32>} : memref<8x128xi32, #tpu.memory_space<vmem>>, vector<16xi32>,
      tpu.vector_store_idx %arg15[%get3A_171], %broadcast_in_dim3A_7 {add = true} : memref<10112xf32, #tpu.memory_space<vmem>>[vector<16xi32>], vector<16xf32>,
      %get3A_172 = arith.index_cast %scan3A_141 : i32 to index
      %get3A_173 = arith.constant 16 : index
      %get3A_174 = tpu.vector_load %arg11[%get3A_172, %get3A_173] {strides = array<i32>} : memref<8x128xi32, #tpu.memory_space<vmem>>, vector<16xi32>,
      tpu.vector_store_idx %arg15[%get3A_174], %broadcast_in_dim3A_7 {add = true} : memref<10112xf32, #tpu.memory_space<vmem>>[vector<16xi32>], vector<16xf32>,
      %get3A_175 = arith.index_cast %scan3A_141 : i32 to index
      %get3A_176 = arith.constant 32 : index
      %get3A_177 = tpu.vector_load %arg11[%get3A_175, %get3A_176] {strides = array<i32>} : memref<8x128xi32, #tpu.memory_space<vmem>>, vector<16xi32>,
      tpu.vector_store_idx %arg15[%get3A_177], %broadcast_in_dim3A_7 {add = true} : memref<10112xf32, #tpu.memory_space<vmem>>[vector<16xi32>], vector<16xf32>,
      %get3A_178 = arith.index_cast %scan3A_141 : i32 to index
      %get3A_179 = arith.constant 48 : index
      %get3A_180 = tpu.vector_load %arg11[%get3A_178, %get3A_179] {strides = array<i32>} : memref<8x128xi32, #tpu.memory_space<vmem>>, vector<16xi32>,
      tpu.vector_store_idx %arg15[%get3A_180], %broadcast_in_dim3A_7 {add = true} : memref<10112xf32, #tpu.memory_space<vmem>>[vector<16xi32>], vector<16xf32>,
      %get3A_181 = arith.index_cast %scan3A_141 : i32 to index
      %get3A_182 = arith.constant 64 : index
      %get3A_183 = tpu.vector_load %arg11[%get3A_181, %get3A_182] {strides = array<i32>} : memref<8x128xi32, #tpu.memory_space<vmem>>, vector<16xi32>,
      tpu.vector_store_idx %arg15[%get3A_183], %broadcast_in_dim3A_7 {add = true} : memref<10112xf32, #tpu.memory_space<vmem>>[vector<16xi32>], vector<16xf32>,
      %get3A_184 = arith.index_cast %scan3A_141 : i32 to index
      %get3A_185 = arith.constant 80 : index
      %get3A_186 = tpu.vector_load %arg11[%get3A_184, %get3A_185] {strides = array<i32>} : memref<8x128xi32, #tpu.memory_space<vmem>>, vector<16xi32>,
      tpu.vector_store_idx %arg15[%get3A_186], %broadcast_in_dim3A_7 {add = true} : memref<10112xf32, #tpu.memory_space<vmem>>[vector<16xi32>], vector<16xf32>,
      %get3A_187 = arith.index_cast %scan3A_141 : i32 to index
      %get3A_188 = arith.constant 96 : index
      %get3A_189 = tpu.vector_load %arg11[%get3A_187, %get3A_188] {strides = array<i32>} : memref<8x128xi32, #tpu.memory_space<vmem>>, vector<16xi32>,
      tpu.vector_store_idx %arg15[%get3A_189], %broadcast_in_dim3A_7 {add = true} : memref<10112xf32, #tpu.memory_space<vmem>>[vector<16xi32>], vector<16xf32>,
      %get3A_190 = arith.index_cast %scan3A_141 : i32 to index
      %get3A_191 = arith.constant 112 : index
      %get3A_192 = tpu.vector_load %arg11[%get3A_190, %get3A_191] {strides = array<i32>} : memref<8x128xi32, #tpu.memory_space<vmem>>, vector<16xi32>,
      tpu.vector_store_idx %arg15[%get3A_192], %broadcast_in_dim3A_7 {add = true} : memref<10112xf32, #tpu.memory_space<vmem>>[vector<16xi32>], vector<16xf32>,
    }
    %scan3A_50 = arith.constant 8 : i32
    %add3A_51 = arith.constant 24 : i32
    %add3A_52 = arith.addi %mul3A_14, %add3A_51 : i32
    "tpu.region"() ({
      %run_scoped3A = tpu.sem_alloc : memref<!tpu.dma_semaphore, #tpu.memory_space<semaphore_mem>>
      %dma_start3A = arith.constant 0 : i32
      %dma_start3A_141 = tpu.memref_slice %arg5[%add3A_52, %dma_start3A] : memref<2560x128xi32, #tpu.memory_space<hbm>> -> memref<8x128xi32, #tpu.memory_space<hbm>>
      %dma_start3A_142 = arith.constant 0 : i32
      %dma_start3A_143 = tpu.memref_slice %arg5[%add3A_52, %dma_start3A_142] : memref<2560x128xi32, #tpu.memory_space<hbm>> -> memref<8x128xi32, #tpu.memory_space<hbm>>
      tpu.enqueue_dma source(%dma_start3A_143 : memref<8x128xi32, #tpu.memory_space<hbm>>) target(%arg10 : memref<8x128xi32, #tpu.memory_space<vmem>>) target_semaphore(%run_scoped3A : memref<!tpu.dma_semaphore, #tpu.memory_space<semaphore_mem>>)
      %dma_wait3A = arith.constant 0 : i32
      %dma_wait3A_144 = tpu.memref_slice %arg5[%add3A_52, %dma_wait3A] : memref<2560x128xi32, #tpu.memory_space<hbm>> -> memref<8x128xi32, #tpu.memory_space<hbm>>
      %dma_wait3A_145 = arith.constant 0 : i32
      %dma_wait3A_146 = tpu.memref_slice %arg5[%add3A_52, %dma_wait3A_145] : memref<2560x128xi32, #tpu.memory_space<hbm>> -> memref<8x128xi32, #tpu.memory_space<hbm>>
      tpu.wait_dma2 semaphore(%run_scoped3A : memref<!tpu.dma_semaphore, #tpu.memory_space<semaphore_mem>>) src(%dma_wait3A_146 : memref<8x128xi32, #tpu.memory_space<hbm>>) dst(%arg10 : memref<8x128xi32, #tpu.memory_space<vmem>>)
      tpu.yield
    }) : () -> ()
    %add3A_53 = arith.constant 24 : i32
    %add3A_54 = arith.addi %mul3A_14, %add3A_53 : i32
    "tpu.region"() ({
      %run_scoped3A = tpu.sem_alloc : memref<!tpu.dma_semaphore, #tpu.memory_space<semaphore_mem>>
      %dma_start3A = arith.constant 0 : i32
      %dma_start3A_141 = tpu.memref_slice %arg6[%add3A_54, %dma_start3A] : memref<2560x128xi32, #tpu.memory_space<hbm>> -> memref<8x128xi32, #tpu.memory_space<hbm>>
      %dma_start3A_142 = arith.constant 0 : i32
      %dma_start3A_143 = tpu.memref_slice %arg6[%add3A_54, %dma_start3A_142] : memref<2560x128xi32, #tpu.memory_space<hbm>> -> memref<8x128xi32, #tpu.memory_space<hbm>>
      tpu.enqueue_dma source(%dma_start3A_143 : memref<8x128xi32, #tpu.memory_space<hbm>>) target(%arg11 : memref<8x128xi32, #tpu.memory_space<vmem>>) target_semaphore(%run_scoped3A : memref<!tpu.dma_semaphore, #tpu.memory_space<semaphore_mem>>)
      %dma_wait3A = arith.constant 0 : i32
      %dma_wait3A_144 = tpu.memref_slice %arg6[%add3A_54, %dma_wait3A] : memref<2560x128xi32, #tpu.memory_space<hbm>> -> memref<8x128xi32, #tpu.memory_space<hbm>>
      %dma_wait3A_145 = arith.constant 0 : i32
      %dma_wait3A_146 = tpu.memref_slice %arg6[%add3A_54, %dma_wait3A_145] : memref<2560x128xi32, #tpu.memory_space<hbm>> -> memref<8x128xi32, #tpu.memory_space<hbm>>
      tpu.wait_dma2 semaphore(%run_scoped3A : memref<!tpu.dma_semaphore, #tpu.memory_space<semaphore_mem>>) src(%dma_wait3A_146 : memref<8x128xi32, #tpu.memory_space<hbm>>) dst(%arg11 : memref<8x128xi32, #tpu.memory_space<vmem>>)
      tpu.yield
    }) : () -> ()
    %add3A_55 = arith.constant 24 : i32
    %add3A_56 = arith.addi %mul3A_14, %add3A_55 : i32
    "tpu.region"() ({
      %run_scoped3A = tpu.sem_alloc : memref<!tpu.dma_semaphore, #tpu.memory_space<semaphore_mem>>
      %dma_start3A = arith.constant 0 : i32
      %dma_start3A_141 = tpu.memref_slice %arg7[%add3A_56, %dma_start3A] : memref<2560x128xi32, #tpu.memory_space<hbm>> -> memref<8x128xi32, #tpu.memory_space<hbm>>
      %dma_start3A_142 = arith.constant 0 : i32
      %dma_start3A_143 = tpu.memref_slice %arg7[%add3A_56, %dma_start3A_142] : memref<2560x128xi32, #tpu.memory_space<hbm>> -> memref<8x128xi32, #tpu.memory_space<hbm>>
      tpu.enqueue_dma source(%dma_start3A_143 : memref<8x128xi32, #tpu.memory_space<hbm>>) target(%arg12 : memref<8x128xi32, #tpu.memory_space<vmem>>) target_semaphore(%run_scoped3A : memref<!tpu.dma_semaphore, #tpu.memory_space<semaphore_mem>>)
      %dma_wait3A = arith.constant 0 : i32
      %dma_wait3A_144 = tpu.memref_slice %arg7[%add3A_56, %dma_wait3A] : memref<2560x128xi32, #tpu.memory_space<hbm>> -> memref<8x128xi32, #tpu.memory_space<hbm>>
      %dma_wait3A_145 = arith.constant 0 : i32
      %dma_wait3A_146 = tpu.memref_slice %arg7[%add3A_56, %dma_wait3A_145] : memref<2560x128xi32, #tpu.memory_space<hbm>> -> memref<8x128xi32, #tpu.memory_space<hbm>>
      tpu.wait_dma2 semaphore(%run_scoped3A : memref<!tpu.dma_semaphore, #tpu.memory_space<semaphore_mem>>) src(%dma_wait3A_146 : memref<8x128xi32, #tpu.memory_space<hbm>>) dst(%arg12 : memref<8x128xi32, #tpu.memory_space<vmem>>)
      tpu.yield
    }) : () -> ()
    %scan3A_57 = arith.constant 0 : i32
    %scan3A_58 = arith.constant 0 : i32
    %scan3A_59 = arith.constant 8 : i32
    %scan3A_60 = arith.addi %scan3A_58, %scan3A_59 : i32
    %scan3A_61 = arith.constant 1 : i32
    scf.for %scan3A_141 = %scan3A_58 to %scan3A_60 step %scan3A_61  : i32 {
      %dma_start3A = arith.constant 0 : i32
      %dma_start3A_142 = tpu.memref_slice %arg10[%scan3A_141, %dma_start3A] : memref<8x128xi32, #tpu.memory_space<vmem>> -> memref<1x128xi32, #tpu.memory_space<vmem>>
      %dma_start3A_143 = tpu.memref_squeeze %dma_start3A_142 : memref<1x128xi32, #tpu.memory_space<vmem>> -> memref<128xi32, #tpu.memory_space<vmem>>
      %dma_start3A_144 = arith.constant 0 : i32
      %dma_start3A_145 = arith.constant 0 : i32
      %dma_start3A_146 = tpu.memref_slice %arg2[%dma_start3A_144, %dma_start3A_145] : memref<10000x128xf32, #tpu.memory_space<hbm>> -> memref<10000x128xf32, #tpu.memory_space<hbm>>
      tpu.enqueue_indirect_dma source(%dma_start3A_146 : memref<10000x128xf32, #tpu.memory_space<hbm>>) target(%arg13 : memref<128x128xf32, #tpu.memory_space<vmem>>) offsets(%dma_start3A_143 : memref<128xi32, #tpu.memory_space<vmem>>) semaphore(%arg18 : memref<!tpu.dma_semaphore, #tpu.memory_space<semaphore_mem>>)
      %dma_start3A_147 = arith.constant 0 : i32
      %dma_start3A_148 = tpu.memref_slice %arg12[%scan3A_141, %dma_start3A_147] : memref<8x128xi32, #tpu.memory_space<vmem>> -> memref<1x128xi32, #tpu.memory_space<vmem>>
      %dma_start3A_149 = tpu.memref_squeeze %dma_start3A_148 : memref<1x128xi32, #tpu.memory_space<vmem>> -> memref<128xi32, #tpu.memory_space<vmem>>
      %dma_start3A_150 = arith.constant 0 : i32
      %dma_start3A_151 = arith.constant 0 : i32
      %dma_start3A_152 = tpu.memref_slice %arg17[%dma_start3A_150, %dma_start3A_151] : memref<464x128xf32, #tpu.memory_space<vmem_shared>> -> memref<464x128xf32, #tpu.memory_space<vmem_shared>>
      tpu.enqueue_indirect_dma source(%dma_start3A_152 : memref<464x128xf32, #tpu.memory_space<vmem_shared>>) target(%arg14 : memref<128x128xf32, #tpu.memory_space<vmem>>) offsets(%dma_start3A_149 : memref<128xi32, #tpu.memory_space<vmem>>) semaphore(%arg19 : memref<!tpu.dma_semaphore, #tpu.memory_space<semaphore_mem>>)
      %dma_wait3A = arith.constant 0 : i32
      %dma_wait3A_153 = tpu.memref_slice %arg10[%scan3A_141, %dma_wait3A] : memref<8x128xi32, #tpu.memory_space<vmem>> -> memref<1x128xi32, #tpu.memory_space<vmem>>
      %dma_wait3A_154 = tpu.memref_squeeze %dma_wait3A_153 : memref<1x128xi32, #tpu.memory_space<vmem>> -> memref<128xi32, #tpu.memory_space<vmem>>
      %dma_wait3A_155 = arith.constant 0 : i32
      %dma_wait3A_156 = arith.constant 0 : i32
      %dma_wait3A_157 = tpu.memref_slice %arg2[%dma_wait3A_155, %dma_wait3A_156] : memref<10000x128xf32, #tpu.memory_space<hbm>> -> memref<10000x128xf32, #tpu.memory_space<hbm>>
      tpu.wait_indirect_dma semaphore(%arg18 : memref<!tpu.dma_semaphore, #tpu.memory_space<semaphore_mem>>) src(%dma_wait3A_157 : memref<10000x128xf32, #tpu.memory_space<hbm>>) dst(%arg13 : memref<128x128xf32, #tpu.memory_space<vmem>>)
      %dma_wait3A_158 = arith.constant 0 : i32
      %dma_wait3A_159 = tpu.memref_slice %arg12[%scan3A_141, %dma_wait3A_158] : memref<8x128xi32, #tpu.memory_space<vmem>> -> memref<1x128xi32, #tpu.memory_space<vmem>>
      %dma_wait3A_160 = tpu.memref_squeeze %dma_wait3A_159 : memref<1x128xi32, #tpu.memory_space<vmem>> -> memref<128xi32, #tpu.memory_space<vmem>>
      %dma_wait3A_161 = arith.constant 0 : i32
      %dma_wait3A_162 = arith.constant 0 : i32
      %dma_wait3A_163 = tpu.memref_slice %arg17[%dma_wait3A_161, %dma_wait3A_162] : memref<464x128xf32, #tpu.memory_space<vmem_shared>> -> memref<464x128xf32, #tpu.memory_space<vmem_shared>>
      tpu.wait_indirect_dma semaphore(%arg19 : memref<!tpu.dma_semaphore, #tpu.memory_space<semaphore_mem>>) src(%dma_wait3A_163 : memref<464x128xf32, #tpu.memory_space<vmem_shared>>) dst(%arg14 : memref<128x128xf32, #tpu.memory_space<vmem>>)
      %scan3A_164 = arith.constant 0 : i32
      %scan3A_165 = arith.constant 0 : i32
      %scan3A_166 = arith.constant 128 : i32
      %scan3A_167 = arith.addi %scan3A_165, %scan3A_166 : i32
      %scan3A_168 = arith.constant 1 : i32
      scf.for %scan3A_193 = %scan3A_165 to %scan3A_167 step %scan3A_168  : i32 {
        %get3A_194 = arith.index_cast %scan3A_193 : i32 to index
        %get3A_195 = arith.constant 0 : index
        %get3A_196 = tpu.vector_load %arg13[%get3A_194, %get3A_195] {strides = array<i32>} : memref<128x128xf32, #tpu.memory_space<vmem>>, vector<16xf32>,
        %get3A_197 = arith.index_cast %scan3A_193 : i32 to index
        %get3A_198 = arith.constant 0 : index
        %get3A_199 = tpu.vector_load %arg14[%get3A_197, %get3A_198] {strides = array<i32>} : memref<128x128xf32, #tpu.memory_space<vmem>>, vector<16xf32>,
        %add3A_200 = arith.addf %get3A_196, %get3A_199 : vector<16xf32>
        %swap3A = arith.index_cast %scan3A_193 : i32 to index
        %swap3A_201 = arith.constant 0 : index
        %swap3A_202 = tpu.vector_load %arg13[%swap3A, %swap3A_201] {strides = array<i32>} : memref<128x128xf32, #tpu.memory_space<vmem>>, vector<16xf32>,
        tpu.vector_store %arg13[%swap3A, %swap3A_201], %add3A_200 {strides = array<i32>} : memref<128x128xf32, #tpu.memory_space<vmem>>, vector<16xf32>,
        %get3A_203 = arith.index_cast %scan3A_193 : i32 to index
        %get3A_204 = arith.constant 16 : index
        %get3A_205 = tpu.vector_load %arg13[%get3A_203, %get3A_204] {strides = array<i32>} : memref<128x128xf32, #tpu.memory_space<vmem>>, vector<16xf32>,
        %get3A_206 = arith.index_cast %scan3A_193 : i32 to index
        %get3A_207 = arith.constant 16 : index
        %get3A_208 = tpu.vector_load %arg14[%get3A_206, %get3A_207] {strides = array<i32>} : memref<128x128xf32, #tpu.memory_space<vmem>>, vector<16xf32>,
        %add3A_209 = arith.addf %get3A_205, %get3A_208 : vector<16xf32>
        %swap3A_210 = arith.index_cast %scan3A_193 : i32 to index
        %swap3A_211 = arith.constant 16 : index
        %swap3A_212 = tpu.vector_load %arg13[%swap3A_210, %swap3A_211] {strides = array<i32>} : memref<128x128xf32, #tpu.memory_space<vmem>>, vector<16xf32>,
        tpu.vector_store %arg13[%swap3A_210, %swap3A_211], %add3A_209 {strides = array<i32>} : memref<128x128xf32, #tpu.memory_space<vmem>>, vector<16xf32>,
        %get3A_213 = arith.index_cast %scan3A_193 : i32 to index
        %get3A_214 = arith.constant 32 : index
        %get3A_215 = tpu.vector_load %arg13[%get3A_213, %get3A_214] {strides = array<i32>} : memref<128x128xf32, #tpu.memory_space<vmem>>, vector<16xf32>,
        %get3A_216 = arith.index_cast %scan3A_193 : i32 to index
        %get3A_217 = arith.constant 32 : index
        %get3A_218 = tpu.vector_load %arg14[%get3A_216, %get3A_217] {strides = array<i32>} : memref<128x128xf32, #tpu.memory_space<vmem>>, vector<16xf32>,
        %add3A_219 = arith.addf %get3A_215, %get3A_218 : vector<16xf32>
        %swap3A_220 = arith.index_cast %scan3A_193 : i32 to index
        %swap3A_221 = arith.constant 32 : index
        %swap3A_222 = tpu.vector_load %arg13[%swap3A_220, %swap3A_221] {strides = array<i32>} : memref<128x128xf32, #tpu.memory_space<vmem>>, vector<16xf32>,
        tpu.vector_store %arg13[%swap3A_220, %swap3A_221], %add3A_219 {strides = array<i32>} : memref<128x128xf32, #tpu.memory_space<vmem>>, vector<16xf32>,
        %get3A_223 = arith.index_cast %scan3A_193 : i32 to index
        %get3A_224 = arith.constant 48 : index
        %get3A_225 = tpu.vector_load %arg13[%get3A_223, %get3A_224] {strides = array<i32>} : memref<128x128xf32, #tpu.memory_space<vmem>>, vector<16xf32>,
        %get3A_226 = arith.index_cast %scan3A_193 : i32 to index
        %get3A_227 = arith.constant 48 : index
        %get3A_228 = tpu.vector_load %arg14[%get3A_226, %get3A_227] {strides = array<i32>} : memref<128x128xf32, #tpu.memory_space<vmem>>, vector<16xf32>,
        %add3A_229 = arith.addf %get3A_225, %get3A_228 : vector<16xf32>
        %swap3A_230 = arith.index_cast %scan3A_193 : i32 to index
        %swap3A_231 = arith.constant 48 : index
        %swap3A_232 = tpu.vector_load %arg13[%swap3A_230, %swap3A_231] {strides = array<i32>} : memref<128x128xf32, #tpu.memory_space<vmem>>, vector<16xf32>,
        tpu.vector_store %arg13[%swap3A_230, %swap3A_231], %add3A_229 {strides = array<i32>} : memref<128x128xf32, #tpu.memory_space<vmem>>, vector<16xf32>,
        %get3A_233 = arith.index_cast %scan3A_193 : i32 to index
        %get3A_234 = arith.constant 64 : index
        %get3A_235 = tpu.vector_load %arg13[%get3A_233, %get3A_234] {strides = array<i32>} : memref<128x128xf32, #tpu.memory_space<vmem>>, vector<16xf32>,
        %get3A_236 = arith.index_cast %scan3A_193 : i32 to index
        %get3A_237 = arith.constant 64 : index
        %get3A_238 = tpu.vector_load %arg14[%get3A_236, %get3A_237] {strides = array<i32>} : memref<128x128xf32, #tpu.memory_space<vmem>>, vector<16xf32>,
        %add3A_239 = arith.addf %get3A_235, %get3A_238 : vector<16xf32>
        %swap3A_240 = arith.index_cast %scan3A_193 : i32 to index
        %swap3A_241 = arith.constant 64 : index
        %swap3A_242 = tpu.vector_load %arg13[%swap3A_240, %swap3A_241] {strides = array<i32>} : memref<128x128xf32, #tpu.memory_space<vmem>>, vector<16xf32>,
        tpu.vector_store %arg13[%swap3A_240, %swap3A_241], %add3A_239 {strides = array<i32>} : memref<128x128xf32, #tpu.memory_space<vmem>>, vector<16xf32>,
        %get3A_243 = arith.index_cast %scan3A_193 : i32 to index
        %get3A_244 = arith.constant 80 : index
        %get3A_245 = tpu.vector_load %arg13[%get3A_243, %get3A_244] {strides = array<i32>} : memref<128x128xf32, #tpu.memory_space<vmem>>, vector<16xf32>,
        %get3A_246 = arith.index_cast %scan3A_193 : i32 to index
        %get3A_247 = arith.constant 80 : index
        %get3A_248 = tpu.vector_load %arg14[%get3A_246, %get3A_247] {strides = array<i32>} : memref<128x128xf32, #tpu.memory_space<vmem>>, vector<16xf32>,
        %add3A_249 = arith.addf %get3A_245, %get3A_248 : vector<16xf32>
        %swap3A_250 = arith.index_cast %scan3A_193 : i32 to index
        %swap3A_251 = arith.constant 80 : index
        %swap3A_252 = tpu.vector_load %arg13[%swap3A_250, %swap3A_251] {strides = array<i32>} : memref<128x128xf32, #tpu.memory_space<vmem>>, vector<16xf32>,
        tpu.vector_store %arg13[%swap3A_250, %swap3A_251], %add3A_249 {strides = array<i32>} : memref<128x128xf32, #tpu.memory_space<vmem>>, vector<16xf32>,
        %get3A_253 = arith.index_cast %scan3A_193 : i32 to index
        %get3A_254 = arith.constant 96 : index
        %get3A_255 = tpu.vector_load %arg13[%get3A_253, %get3A_254] {strides = array<i32>} : memref<128x128xf32, #tpu.memory_space<vmem>>, vector<16xf32>,
        %get3A_256 = arith.index_cast %scan3A_193 : i32 to index
        %get3A_257 = arith.constant 96 : index
        %get3A_258 = tpu.vector_load %arg14[%get3A_256, %get3A_257] {strides = array<i32>} : memref<128x128xf32, #tpu.memory_space<vmem>>, vector<16xf32>,
        %add3A_259 = arith.addf %get3A_255, %get3A_258 : vector<16xf32>
        %swap3A_260 = arith.index_cast %scan3A_193 : i32 to index
        %swap3A_261 = arith.constant 96 : index
        %swap3A_262 = tpu.vector_load %arg13[%swap3A_260, %swap3A_261] {strides = array<i32>} : memref<128x128xf32, #tpu.memory_space<vmem>>, vector<16xf32>,
        tpu.vector_store %arg13[%swap3A_260, %swap3A_261], %add3A_259 {strides = array<i32>} : memref<128x128xf32, #tpu.memory_space<vmem>>, vector<16xf32>,
        %get3A_263 = arith.index_cast %scan3A_193 : i32 to index
        %get3A_264 = arith.constant 112 : index
        %get3A_265 = tpu.vector_load %arg13[%get3A_263, %get3A_264] {strides = array<i32>} : memref<128x128xf32, #tpu.memory_space<vmem>>, vector<16xf32>,
        %get3A_266 = arith.index_cast %scan3A_193 : i32 to index
        %get3A_267 = arith.constant 112 : index
        %get3A_268 = tpu.vector_load %arg14[%get3A_266, %get3A_267] {strides = array<i32>} : memref<128x128xf32, #tpu.memory_space<vmem>>, vector<16xf32>,
        %add3A_269 = arith.addf %get3A_265, %get3A_268 : vector<16xf32>
        %swap3A_270 = arith.index_cast %scan3A_193 : i32 to index
        %swap3A_271 = arith.constant 112 : index
        %swap3A_272 = tpu.vector_load %arg13[%swap3A_270, %swap3A_271] {strides = array<i32>} : memref<128x128xf32, #tpu.memory_space<vmem>>, vector<16xf32>,
        tpu.vector_store %arg13[%swap3A_270, %swap3A_271], %add3A_269 {strides = array<i32>} : memref<128x128xf32, #tpu.memory_space<vmem>>, vector<16xf32>,
      }
      %scan3A_169 = arith.constant 128 : i32
      "tpu.region"() ({
        %run_scoped3A = tpu.sem_alloc : memref<!tpu.dma_semaphore, #tpu.memory_space<semaphore_mem>>
        %dma_start3A_193 = arith.constant 0 : i32
        %dma_start3A_194 = tpu.memref_slice %arg11[%scan3A_141, %dma_start3A_193] : memref<8x128xi32, #tpu.memory_space<vmem>> -> memref<1x128xi32, #tpu.memory_space<vmem>>
        %dma_start3A_195 = tpu.memref_squeeze %dma_start3A_194 : memref<1x128xi32, #tpu.memory_space<vmem>> -> memref<128xi32, #tpu.memory_space<vmem>>
        %dma_start3A_196 = arith.constant 0 : i32
        %dma_start3A_197 = arith.constant 0 : i32
        %dma_start3A_198 = tpu.memref_slice %arg16[%dma_start3A_196, %dma_start3A_197] : memref<10112x128xf32, #tpu.memory_space<vmem_shared>> -> memref<10112x128xf32, #tpu.memory_space<vmem_shared>>
        tpu.enqueue_indirect_dma source(%arg13 : memref<128x128xf32, #tpu.memory_space<vmem>>) target(%dma_start3A_198 : memref<10112x128xf32, #tpu.memory_space<vmem_shared>>) offsets(%dma_start3A_195 : memref<128xi32, #tpu.memory_space<vmem>>) semaphore(%run_scoped3A : memref<!tpu.dma_semaphore, #tpu.memory_space<semaphore_mem>>) {add = true}
        %dma_wait3A_199 = arith.constant 0 : i32
        %dma_wait3A_200 = tpu.memref_slice %arg11[%scan3A_141, %dma_wait3A_199] : memref<8x128xi32, #tpu.memory_space<vmem>> -> memref<1x128xi32, #tpu.memory_space<vmem>>
        %dma_wait3A_201 = tpu.memref_squeeze %dma_wait3A_200 : memref<1x128xi32, #tpu.memory_space<vmem>> -> memref<128xi32, #tpu.memory_space<vmem>>
        %dma_wait3A_202 = arith.constant 0 : i32
        %dma_wait3A_203 = arith.constant 0 : i32
        %dma_wait3A_204 = tpu.memref_slice %arg16[%dma_wait3A_202, %dma_wait3A_203] : memref<10112x128xf32, #tpu.memory_space<vmem_shared>> -> memref<10112x128xf32, #tpu.memory_space<vmem_shared>>
        tpu.wait_indirect_dma semaphore(%run_scoped3A : memref<!tpu.dma_semaphore, #tpu.memory_space<semaphore_mem>>) src(%arg13 : memref<128x128xf32, #tpu.memory_space<vmem>>) dst(%dma_wait3A_204 : memref<10112x128xf32, #tpu.memory_space<vmem_shared>>)
        tpu.yield
      }) : () -> ()
      %get3A = arith.index_cast %scan3A_141 : i32 to index
      %get3A_170 = arith.constant 0 : index
      %get3A_171 = tpu.vector_load %arg11[%get3A, %get3A_170] {strides = array<i32>} : memref<8x128xi32, #tpu.memory_space<vmem>>, vector<16xi32>,
      tpu.vector_store_idx %arg15[%get3A_171], %broadcast_in_dim3A_7 {add = true} : memref<10112xf32, #tpu.memory_space<vmem>>[vector<16xi32>], vector<16xf32>,
      %get3A_172 = arith.index_cast %scan3A_141 : i32 to index
      %get3A_173 = arith.constant 16 : index
      %get3A_174 = tpu.vector_load %arg11[%get3A_172, %get3A_173] {strides = array<i32>} : memref<8x128xi32, #tpu.memory_space<vmem>>, vector<16xi32>,
      tpu.vector_store_idx %arg15[%get3A_174], %broadcast_in_dim3A_7 {add = true} : memref<10112xf32, #tpu.memory_space<vmem>>[vector<16xi32>], vector<16xf32>,
      %get3A_175 = arith.index_cast %scan3A_141 : i32 to index
      %get3A_176 = arith.constant 32 : index
      %get3A_177 = tpu.vector_load %arg11[%get3A_175, %get3A_176] {strides = array<i32>} : memref<8x128xi32, #tpu.memory_space<vmem>>, vector<16xi32>,
      tpu.vector_store_idx %arg15[%get3A_177], %broadcast_in_dim3A_7 {add = true} : memref<10112xf32, #tpu.memory_space<vmem>>[vector<16xi32>], vector<16xf32>,
      %get3A_178 = arith.index_cast %scan3A_141 : i32 to index
      %get3A_179 = arith.constant 48 : index
      %get3A_180 = tpu.vector_load %arg11[%get3A_178, %get3A_179] {strides = array<i32>} : memref<8x128xi32, #tpu.memory_space<vmem>>, vector<16xi32>,
      tpu.vector_store_idx %arg15[%get3A_180], %broadcast_in_dim3A_7 {add = true} : memref<10112xf32, #tpu.memory_space<vmem>>[vector<16xi32>], vector<16xf32>,
      %get3A_181 = arith.index_cast %scan3A_141 : i32 to index
      %get3A_182 = arith.constant 64 : index
      %get3A_183 = tpu.vector_load %arg11[%get3A_181, %get3A_182] {strides = array<i32>} : memref<8x128xi32, #tpu.memory_space<vmem>>, vector<16xi32>,
      tpu.vector_store_idx %arg15[%get3A_183], %broadcast_in_dim3A_7 {add = true} : memref<10112xf32, #tpu.memory_space<vmem>>[vector<16xi32>], vector<16xf32>,
      %get3A_184 = arith.index_cast %scan3A_141 : i32 to index
      %get3A_185 = arith.constant 80 : index
      %get3A_186 = tpu.vector_load %arg11[%get3A_184, %get3A_185] {strides = array<i32>} : memref<8x128xi32, #tpu.memory_space<vmem>>, vector<16xi32>,
      tpu.vector_store_idx %arg15[%get3A_186], %broadcast_in_dim3A_7 {add = true} : memref<10112xf32, #tpu.memory_space<vmem>>[vector<16xi32>], vector<16xf32>,
      %get3A_187 = arith.index_cast %scan3A_141 : i32 to index
      %get3A_188 = arith.constant 96 : index
      %get3A_189 = tpu.vector_load %arg11[%get3A_187, %get3A_188] {strides = array<i32>} : memref<8x128xi32, #tpu.memory_space<vmem>>, vector<16xi32>,
      tpu.vector_store_idx %arg15[%get3A_189], %broadcast_in_dim3A_7 {add = true} : memref<10112xf32, #tpu.memory_space<vmem>>[vector<16xi32>], vector<16xf32>,
      %get3A_190 = arith.index_cast %scan3A_141 : i32 to index
      %get3A_191 = arith.constant 112 : index
      %get3A_192 = tpu.vector_load %arg11[%get3A_190, %get3A_191] {strides = array<i32>} : memref<8x128xi32, #tpu.memory_space<vmem>>, vector<16xi32>,
      tpu.vector_store_idx %arg15[%get3A_192], %broadcast_in_dim3A_7 {add = true} : memref<10112xf32, #tpu.memory_space<vmem>>[vector<16xi32>], vector<16xf32>,
    }
    %scan3A_62 = arith.constant 8 : i32
    %add3A_63 = arith.constant 32 : i32
    %add3A_64 = arith.addi %mul3A_14, %add3A_63 : i32
    "tpu.region"() ({
      %run_scoped3A = tpu.sem_alloc : memref<!tpu.dma_semaphore, #tpu.memory_space<semaphore_mem>>
      %dma_start3A = arith.constant 0 : i32
      %dma_start3A_141 = tpu.memref_slice %arg5[%add3A_64, %dma_start3A] : memref<2560x128xi32, #tpu.memory_space<hbm>> -> memref<8x128xi32, #tpu.memory_space<hbm>>
      %dma_start3A_142 = arith.constant 0 : i32
      %dma_start3A_143 = tpu.memref_slice %arg5[%add3A_64, %dma_start3A_142] : memref<2560x128xi32, #tpu.memory_space<hbm>> -> memref<8x128xi32, #tpu.memory_space<hbm>>
      tpu.enqueue_dma source(%dma_start3A_143 : memref<8x128xi32, #tpu.memory_space<hbm>>) target(%arg10 : memref<8x128xi32, #tpu.memory_space<vmem>>) target_semaphore(%run_scoped3A : memref<!tpu.dma_semaphore, #tpu.memory_space<semaphore_mem>>)
      %dma_wait3A = arith.constant 0 : i32
      %dma_wait3A_144 = tpu.memref_slice %arg5[%add3A_64, %dma_wait3A] : memref<2560x128xi32, #tpu.memory_space<hbm>> -> memref<8x128xi32, #tpu.memory_space<hbm>>
      %dma_wait3A_145 = arith.constant 0 : i32
      %dma_wait3A_146 = tpu.memref_slice %arg5[%add3A_64, %dma_wait3A_145] : memref<2560x128xi32, #tpu.memory_space<hbm>> -> memref<8x128xi32, #tpu.memory_space<hbm>>
      tpu.wait_dma2 semaphore(%run_scoped3A : memref<!tpu.dma_semaphore, #tpu.memory_space<semaphore_mem>>) src(%dma_wait3A_146 : memref<8x128xi32, #tpu.memory_space<hbm>>) dst(%arg10 : memref<8x128xi32, #tpu.memory_space<vmem>>)
      tpu.yield
    }) : () -> ()
    %add3A_65 = arith.constant 32 : i32
    %add3A_66 = arith.addi %mul3A_14, %add3A_65 : i32
    "tpu.region"() ({
      %run_scoped3A = tpu.sem_alloc : memref<!tpu.dma_semaphore, #tpu.memory_space<semaphore_mem>>
      %dma_start3A = arith.constant 0 : i32
      %dma_start3A_141 = tpu.memref_slice %arg6[%add3A_66, %dma_start3A] : memref<2560x128xi32, #tpu.memory_space<hbm>> -> memref<8x128xi32, #tpu.memory_space<hbm>>
      %dma_start3A_142 = arith.constant 0 : i32
      %dma_start3A_143 = tpu.memref_slice %arg6[%add3A_66, %dma_start3A_142] : memref<2560x128xi32, #tpu.memory_space<hbm>> -> memref<8x128xi32, #tpu.memory_space<hbm>>
      tpu.enqueue_dma source(%dma_start3A_143 : memref<8x128xi32, #tpu.memory_space<hbm>>) target(%arg11 : memref<8x128xi32, #tpu.memory_space<vmem>>) target_semaphore(%run_scoped3A : memref<!tpu.dma_semaphore, #tpu.memory_space<semaphore_mem>>)
      %dma_wait3A = arith.constant 0 : i32
      %dma_wait3A_144 = tpu.memref_slice %arg6[%add3A_66, %dma_wait3A] : memref<2560x128xi32, #tpu.memory_space<hbm>> -> memref<8x128xi32, #tpu.memory_space<hbm>>
      %dma_wait3A_145 = arith.constant 0 : i32
      %dma_wait3A_146 = tpu.memref_slice %arg6[%add3A_66, %dma_wait3A_145] : memref<2560x128xi32, #tpu.memory_space<hbm>> -> memref<8x128xi32, #tpu.memory_space<hbm>>
      tpu.wait_dma2 semaphore(%run_scoped3A : memref<!tpu.dma_semaphore, #tpu.memory_space<semaphore_mem>>) src(%dma_wait3A_146 : memref<8x128xi32, #tpu.memory_space<hbm>>) dst(%arg11 : memref<8x128xi32, #tpu.memory_space<vmem>>)
      tpu.yield
    }) : () -> ()
    %add3A_67 = arith.constant 32 : i32
    %add3A_68 = arith.addi %mul3A_14, %add3A_67 : i32
    "tpu.region"() ({
      %run_scoped3A = tpu.sem_alloc : memref<!tpu.dma_semaphore, #tpu.memory_space<semaphore_mem>>
      %dma_start3A = arith.constant 0 : i32
      %dma_start3A_141 = tpu.memref_slice %arg7[%add3A_68, %dma_start3A] : memref<2560x128xi32, #tpu.memory_space<hbm>> -> memref<8x128xi32, #tpu.memory_space<hbm>>
      %dma_start3A_142 = arith.constant 0 : i32
      %dma_start3A_143 = tpu.memref_slice %arg7[%add3A_68, %dma_start3A_142] : memref<2560x128xi32, #tpu.memory_space<hbm>> -> memref<8x128xi32, #tpu.memory_space<hbm>>
      tpu.enqueue_dma source(%dma_start3A_143 : memref<8x128xi32, #tpu.memory_space<hbm>>) target(%arg12 : memref<8x128xi32, #tpu.memory_space<vmem>>) target_semaphore(%run_scoped3A : memref<!tpu.dma_semaphore, #tpu.memory_space<semaphore_mem>>)
      %dma_wait3A = arith.constant 0 : i32
      %dma_wait3A_144 = tpu.memref_slice %arg7[%add3A_68, %dma_wait3A] : memref<2560x128xi32, #tpu.memory_space<hbm>> -> memref<8x128xi32, #tpu.memory_space<hbm>>
      %dma_wait3A_145 = arith.constant 0 : i32
      %dma_wait3A_146 = tpu.memref_slice %arg7[%add3A_68, %dma_wait3A_145] : memref<2560x128xi32, #tpu.memory_space<hbm>> -> memref<8x128xi32, #tpu.memory_space<hbm>>
      tpu.wait_dma2 semaphore(%run_scoped3A : memref<!tpu.dma_semaphore, #tpu.memory_space<semaphore_mem>>) src(%dma_wait3A_146 : memref<8x128xi32, #tpu.memory_space<hbm>>) dst(%arg12 : memref<8x128xi32, #tpu.memory_space<vmem>>)
      tpu.yield
    }) : () -> ()
    %scan3A_69 = arith.constant 0 : i32
    %scan3A_70 = arith.constant 0 : i32
    %scan3A_71 = arith.constant 8 : i32
    %scan3A_72 = arith.addi %scan3A_70, %scan3A_71 : i32
    %scan3A_73 = arith.constant 1 : i32
    scf.for %scan3A_141 = %scan3A_70 to %scan3A_72 step %scan3A_73  : i32 {
      %dma_start3A = arith.constant 0 : i32
      %dma_start3A_142 = tpu.memref_slice %arg10[%scan3A_141, %dma_start3A] : memref<8x128xi32, #tpu.memory_space<vmem>> -> memref<1x128xi32, #tpu.memory_space<vmem>>
      %dma_start3A_143 = tpu.memref_squeeze %dma_start3A_142 : memref<1x128xi32, #tpu.memory_space<vmem>> -> memref<128xi32, #tpu.memory_space<vmem>>
      %dma_start3A_144 = arith.constant 0 : i32
      %dma_start3A_145 = arith.constant 0 : i32
      %dma_start3A_146 = tpu.memref_slice %arg2[%dma_start3A_144, %dma_start3A_145] : memref<10000x128xf32, #tpu.memory_space<hbm>> -> memref<10000x128xf32, #tpu.memory_space<hbm>>
      tpu.enqueue_indirect_dma source(%dma_start3A_146 : memref<10000x128xf32, #tpu.memory_space<hbm>>) target(%arg13 : memref<128x128xf32, #tpu.memory_space<vmem>>) offsets(%dma_start3A_143 : memref<128xi32, #tpu.memory_space<vmem>>) semaphore(%arg18 : memref<!tpu.dma_semaphore, #tpu.memory_space<semaphore_mem>>)
      %dma_start3A_147 = arith.constant 0 : i32
      %dma_start3A_148 = tpu.memref_slice %arg12[%scan3A_141, %dma_start3A_147] : memref<8x128xi32, #tpu.memory_space<vmem>> -> memref<1x128xi32, #tpu.memory_space<vmem>>
      %dma_start3A_149 = tpu.memref_squeeze %dma_start3A_148 : memref<1x128xi32, #tpu.memory_space<vmem>> -> memref<128xi32, #tpu.memory_space<vmem>>
      %dma_start3A_150 = arith.constant 0 : i32
      %dma_start3A_151 = arith.constant 0 : i32
      %dma_start3A_152 = tpu.memref_slice %arg17[%dma_start3A_150, %dma_start3A_151] : memref<464x128xf32, #tpu.memory_space<vmem_shared>> -> memref<464x128xf32, #tpu.memory_space<vmem_shared>>
      tpu.enqueue_indirect_dma source(%dma_start3A_152 : memref<464x128xf32, #tpu.memory_space<vmem_shared>>) target(%arg14 : memref<128x128xf32, #tpu.memory_space<vmem>>) offsets(%dma_start3A_149 : memref<128xi32, #tpu.memory_space<vmem>>) semaphore(%arg19 : memref<!tpu.dma_semaphore, #tpu.memory_space<semaphore_mem>>)
      %dma_wait3A = arith.constant 0 : i32
      %dma_wait3A_153 = tpu.memref_slice %arg10[%scan3A_141, %dma_wait3A] : memref<8x128xi32, #tpu.memory_space<vmem>> -> memref<1x128xi32, #tpu.memory_space<vmem>>
      %dma_wait3A_154 = tpu.memref_squeeze %dma_wait3A_153 : memref<1x128xi32, #tpu.memory_space<vmem>> -> memref<128xi32, #tpu.memory_space<vmem>>
      %dma_wait3A_155 = arith.constant 0 : i32
      %dma_wait3A_156 = arith.constant 0 : i32
      %dma_wait3A_157 = tpu.memref_slice %arg2[%dma_wait3A_155, %dma_wait3A_156] : memref<10000x128xf32, #tpu.memory_space<hbm>> -> memref<10000x128xf32, #tpu.memory_space<hbm>>
      tpu.wait_indirect_dma semaphore(%arg18 : memref<!tpu.dma_semaphore, #tpu.memory_space<semaphore_mem>>) src(%dma_wait3A_157 : memref<10000x128xf32, #tpu.memory_space<hbm>>) dst(%arg13 : memref<128x128xf32, #tpu.memory_space<vmem>>)
      %dma_wait3A_158 = arith.constant 0 : i32
      %dma_wait3A_159 = tpu.memref_slice %arg12[%scan3A_141, %dma_wait3A_158] : memref<8x128xi32, #tpu.memory_space<vmem>> -> memref<1x128xi32, #tpu.memory_space<vmem>>
      %dma_wait3A_160 = tpu.memref_squeeze %dma_wait3A_159 : memref<1x128xi32, #tpu.memory_space<vmem>> -> memref<128xi32, #tpu.memory_space<vmem>>
      %dma_wait3A_161 = arith.constant 0 : i32
      %dma_wait3A_162 = arith.constant 0 : i32
      %dma_wait3A_163 = tpu.memref_slice %arg17[%dma_wait3A_161, %dma_wait3A_162] : memref<464x128xf32, #tpu.memory_space<vmem_shared>> -> memref<464x128xf32, #tpu.memory_space<vmem_shared>>
      tpu.wait_indirect_dma semaphore(%arg19 : memref<!tpu.dma_semaphore, #tpu.memory_space<semaphore_mem>>) src(%dma_wait3A_163 : memref<464x128xf32, #tpu.memory_space<vmem_shared>>) dst(%arg14 : memref<128x128xf32, #tpu.memory_space<vmem>>)
      %scan3A_164 = arith.constant 0 : i32
      %scan3A_165 = arith.constant 0 : i32
      %scan3A_166 = arith.constant 128 : i32
      %scan3A_167 = arith.addi %scan3A_165, %scan3A_166 : i32
      %scan3A_168 = arith.constant 1 : i32
      scf.for %scan3A_193 = %scan3A_165 to %scan3A_167 step %scan3A_168  : i32 {
        %get3A_194 = arith.index_cast %scan3A_193 : i32 to index
        %get3A_195 = arith.constant 0 : index
        %get3A_196 = tpu.vector_load %arg13[%get3A_194, %get3A_195] {strides = array<i32>} : memref<128x128xf32, #tpu.memory_space<vmem>>, vector<16xf32>,
        %get3A_197 = arith.index_cast %scan3A_193 : i32 to index
        %get3A_198 = arith.constant 0 : index
        %get3A_199 = tpu.vector_load %arg14[%get3A_197, %get3A_198] {strides = array<i32>} : memref<128x128xf32, #tpu.memory_space<vmem>>, vector<16xf32>,
        %add3A_200 = arith.addf %get3A_196, %get3A_199 : vector<16xf32>
        %swap3A = arith.index_cast %scan3A_193 : i32 to index
        %swap3A_201 = arith.constant 0 : index
        %swap3A_202 = tpu.vector_load %arg13[%swap3A, %swap3A_201] {strides = array<i32>} : memref<128x128xf32, #tpu.memory_space<vmem>>, vector<16xf32>,
        tpu.vector_store %arg13[%swap3A, %swap3A_201], %add3A_200 {strides = array<i32>} : memref<128x128xf32, #tpu.memory_space<vmem>>, vector<16xf32>,
        %get3A_203 = arith.index_cast %scan3A_193 : i32 to index
        %get3A_204 = arith.constant 16 : index
        %get3A_205 = tpu.vector_load %arg13[%get3A_203, %get3A_204] {strides = array<i32>} : memref<128x128xf32, #tpu.memory_space<vmem>>, vector<16xf32>,
        %get3A_206 = arith.index_cast %scan3A_193 : i32 to index
        %get3A_207 = arith.constant 16 : index
        %get3A_208 = tpu.vector_load %arg14[%get3A_206, %get3A_207] {strides = array<i32>} : memref<128x128xf32, #tpu.memory_space<vmem>>, vector<16xf32>,
        %add3A_209 = arith.addf %get3A_205, %get3A_208 : vector<16xf32>
        %swap3A_210 = arith.index_cast %scan3A_193 : i32 to index
        %swap3A_211 = arith.constant 16 : index
        %swap3A_212 = tpu.vector_load %arg13[%swap3A_210, %swap3A_211] {strides = array<i32>} : memref<128x128xf32, #tpu.memory_space<vmem>>, vector<16xf32>,
        tpu.vector_store %arg13[%swap3A_210, %swap3A_211], %add3A_209 {strides = array<i32>} : memref<128x128xf32, #tpu.memory_space<vmem>>, vector<16xf32>,
        %get3A_213 = arith.index_cast %scan3A_193 : i32 to index
        %get3A_214 = arith.constant 32 : index
        %get3A_215 = tpu.vector_load %arg13[%get3A_213, %get3A_214] {strides = array<i32>} : memref<128x128xf32, #tpu.memory_space<vmem>>, vector<16xf32>,
        %get3A_216 = arith.index_cast %scan3A_193 : i32 to index
        %get3A_217 = arith.constant 32 : index
        %get3A_218 = tpu.vector_load %arg14[%get3A_216, %get3A_217] {strides = array<i32>} : memref<128x128xf32, #tpu.memory_space<vmem>>, vector<16xf32>,
        %add3A_219 = arith.addf %get3A_215, %get3A_218 : vector<16xf32>
        %swap3A_220 = arith.index_cast %scan3A_193 : i32 to index
        %swap3A_221 = arith.constant 32 : index
        %swap3A_222 = tpu.vector_load %arg13[%swap3A_220, %swap3A_221] {strides = array<i32>} : memref<128x128xf32, #tpu.memory_space<vmem>>, vector<16xf32>,
        tpu.vector_store %arg13[%swap3A_220, %swap3A_221], %add3A_219 {strides = array<i32>} : memref<128x128xf32, #tpu.memory_space<vmem>>, vector<16xf32>,
        %get3A_223 = arith.index_cast %scan3A_193 : i32 to index
        %get3A_224 = arith.constant 48 : index
        %get3A_225 = tpu.vector_load %arg13[%get3A_223, %get3A_224] {strides = array<i32>} : memref<128x128xf32, #tpu.memory_space<vmem>>, vector<16xf32>,
        %get3A_226 = arith.index_cast %scan3A_193 : i32 to index
        %get3A_227 = arith.constant 48 : index
        %get3A_228 = tpu.vector_load %arg14[%get3A_226, %get3A_227] {strides = array<i32>} : memref<128x128xf32, #tpu.memory_space<vmem>>, vector<16xf32>,
        %add3A_229 = arith.addf %get3A_225, %get3A_228 : vector<16xf32>
        %swap3A_230 = arith.index_cast %scan3A_193 : i32 to index
        %swap3A_231 = arith.constant 48 : index
        %swap3A_232 = tpu.vector_load %arg13[%swap3A_230, %swap3A_231] {strides = array<i32>} : memref<128x128xf32, #tpu.memory_space<vmem>>, vector<16xf32>,
        tpu.vector_store %arg13[%swap3A_230, %swap3A_231], %add3A_229 {strides = array<i32>} : memref<128x128xf32, #tpu.memory_space<vmem>>, vector<16xf32>,
        %get3A_233 = arith.index_cast %scan3A_193 : i32 to index
        %get3A_234 = arith.constant 64 : index
        %get3A_235 = tpu.vector_load %arg13[%get3A_233, %get3A_234] {strides = array<i32>} : memref<128x128xf32, #tpu.memory_space<vmem>>, vector<16xf32>,
        %get3A_236 = arith.index_cast %scan3A_193 : i32 to index
        %get3A_237 = arith.constant 64 : index
        %get3A_238 = tpu.vector_load %arg14[%get3A_236, %get3A_237] {strides = array<i32>} : memref<128x128xf32, #tpu.memory_space<vmem>>, vector<16xf32>,
        %add3A_239 = arith.addf %get3A_235, %get3A_238 : vector<16xf32>
        %swap3A_240 = arith.index_cast %scan3A_193 : i32 to index
        %swap3A_241 = arith.constant 64 : index
        %swap3A_242 = tpu.vector_load %arg13[%swap3A_240, %swap3A_241] {strides = array<i32>} : memref<128x128xf32, #tpu.memory_space<vmem>>, vector<16xf32>,
        tpu.vector_store %arg13[%swap3A_240, %swap3A_241], %add3A_239 {strides = array<i32>} : memref<128x128xf32, #tpu.memory_space<vmem>>, vector<16xf32>,
        %get3A_243 = arith.index_cast %scan3A_193 : i32 to index
        %get3A_244 = arith.constant 80 : index
        %get3A_245 = tpu.vector_load %arg13[%get3A_243, %get3A_244] {strides = array<i32>} : memref<128x128xf32, #tpu.memory_space<vmem>>, vector<16xf32>,
        %get3A_246 = arith.index_cast %scan3A_193 : i32 to index
        %get3A_247 = arith.constant 80 : index
        %get3A_248 = tpu.vector_load %arg14[%get3A_246, %get3A_247] {strides = array<i32>} : memref<128x128xf32, #tpu.memory_space<vmem>>, vector<16xf32>,
        %add3A_249 = arith.addf %get3A_245, %get3A_248 : vector<16xf32>
        %swap3A_250 = arith.index_cast %scan3A_193 : i32 to index
        %swap3A_251 = arith.constant 80 : index
        %swap3A_252 = tpu.vector_load %arg13[%swap3A_250, %swap3A_251] {strides = array<i32>} : memref<128x128xf32, #tpu.memory_space<vmem>>, vector<16xf32>,
        tpu.vector_store %arg13[%swap3A_250, %swap3A_251], %add3A_249 {strides = array<i32>} : memref<128x128xf32, #tpu.memory_space<vmem>>, vector<16xf32>,
        %get3A_253 = arith.index_cast %scan3A_193 : i32 to index
        %get3A_254 = arith.constant 96 : index
        %get3A_255 = tpu.vector_load %arg13[%get3A_253, %get3A_254] {strides = array<i32>} : memref<128x128xf32, #tpu.memory_space<vmem>>, vector<16xf32>,
        %get3A_256 = arith.index_cast %scan3A_193 : i32 to index
        %get3A_257 = arith.constant 96 : index
        %get3A_258 = tpu.vector_load %arg14[%get3A_256, %get3A_257] {strides = array<i32>} : memref<128x128xf32, #tpu.memory_space<vmem>>, vector<16xf32>,
        %add3A_259 = arith.addf %get3A_255, %get3A_258 : vector<16xf32>
        %swap3A_260 = arith.index_cast %scan3A_193 : i32 to index
        %swap3A_261 = arith.constant 96 : index
        %swap3A_262 = tpu.vector_load %arg13[%swap3A_260, %swap3A_261] {strides = array<i32>} : memref<128x128xf32, #tpu.memory_space<vmem>>, vector<16xf32>,
        tpu.vector_store %arg13[%swap3A_260, %swap3A_261], %add3A_259 {strides = array<i32>} : memref<128x128xf32, #tpu.memory_space<vmem>>, vector<16xf32>,
        %get3A_263 = arith.index_cast %scan3A_193 : i32 to index
        %get3A_264 = arith.constant 112 : index
        %get3A_265 = tpu.vector_load %arg13[%get3A_263, %get3A_264] {strides = array<i32>} : memref<128x128xf32, #tpu.memory_space<vmem>>, vector<16xf32>,
        %get3A_266 = arith.index_cast %scan3A_193 : i32 to index
        %get3A_267 = arith.constant 112 : index
        %get3A_268 = tpu.vector_load %arg14[%get3A_266, %get3A_267] {strides = array<i32>} : memref<128x128xf32, #tpu.memory_space<vmem>>, vector<16xf32>,
        %add3A_269 = arith.addf %get3A_265, %get3A_268 : vector<16xf32>
        %swap3A_270 = arith.index_cast %scan3A_193 : i32 to index
        %swap3A_271 = arith.constant 112 : index
        %swap3A_272 = tpu.vector_load %arg13[%swap3A_270, %swap3A_271] {strides = array<i32>} : memref<128x128xf32, #tpu.memory_space<vmem>>, vector<16xf32>,
        tpu.vector_store %arg13[%swap3A_270, %swap3A_271], %add3A_269 {strides = array<i32>} : memref<128x128xf32, #tpu.memory_space<vmem>>, vector<16xf32>,
      }
      %scan3A_169 = arith.constant 128 : i32
      "tpu.region"() ({
        %run_scoped3A = tpu.sem_alloc : memref<!tpu.dma_semaphore, #tpu.memory_space<semaphore_mem>>
        %dma_start3A_193 = arith.constant 0 : i32
        %dma_start3A_194 = tpu.memref_slice %arg11[%scan3A_141, %dma_start3A_193] : memref<8x128xi32, #tpu.memory_space<vmem>> -> memref<1x128xi32, #tpu.memory_space<vmem>>
        %dma_start3A_195 = tpu.memref_squeeze %dma_start3A_194 : memref<1x128xi32, #tpu.memory_space<vmem>> -> memref<128xi32, #tpu.memory_space<vmem>>
        %dma_start3A_196 = arith.constant 0 : i32
        %dma_start3A_197 = arith.constant 0 : i32
        %dma_start3A_198 = tpu.memref_slice %arg16[%dma_start3A_196, %dma_start3A_197] : memref<10112x128xf32, #tpu.memory_space<vmem_shared>> -> memref<10112x128xf32, #tpu.memory_space<vmem_shared>>
        tpu.enqueue_indirect_dma source(%arg13 : memref<128x128xf32, #tpu.memory_space<vmem>>) target(%dma_start3A_198 : memref<10112x128xf32, #tpu.memory_space<vmem_shared>>) offsets(%dma_start3A_195 : memref<128xi32, #tpu.memory_space<vmem>>) semaphore(%run_scoped3A : memref<!tpu.dma_semaphore, #tpu.memory_space<semaphore_mem>>) {add = true}
        %dma_wait3A_199 = arith.constant 0 : i32
        %dma_wait3A_200 = tpu.memref_slice %arg11[%scan3A_141, %dma_wait3A_199] : memref<8x128xi32, #tpu.memory_space<vmem>> -> memref<1x128xi32, #tpu.memory_space<vmem>>
        %dma_wait3A_201 = tpu.memref_squeeze %dma_wait3A_200 : memref<1x128xi32, #tpu.memory_space<vmem>> -> memref<128xi32, #tpu.memory_space<vmem>>
        %dma_wait3A_202 = arith.constant 0 : i32
        %dma_wait3A_203 = arith.constant 0 : i32
        %dma_wait3A_204 = tpu.memref_slice %arg16[%dma_wait3A_202, %dma_wait3A_203] : memref<10112x128xf32, #tpu.memory_space<vmem_shared>> -> memref<10112x128xf32, #tpu.memory_space<vmem_shared>>
        tpu.wait_indirect_dma semaphore(%run_scoped3A : memref<!tpu.dma_semaphore, #tpu.memory_space<semaphore_mem>>) src(%arg13 : memref<128x128xf32, #tpu.memory_space<vmem>>) dst(%dma_wait3A_204 : memref<10112x128xf32, #tpu.memory_space<vmem_shared>>)
        tpu.yield
      }) : () -> ()
      %get3A = arith.index_cast %scan3A_141 : i32 to index
      %get3A_170 = arith.constant 0 : index
      %get3A_171 = tpu.vector_load %arg11[%get3A, %get3A_170] {strides = array<i32>} : memref<8x128xi32, #tpu.memory_space<vmem>>, vector<16xi32>,
      tpu.vector_store_idx %arg15[%get3A_171], %broadcast_in_dim3A_7 {add = true} : memref<10112xf32, #tpu.memory_space<vmem>>[vector<16xi32>], vector<16xf32>,
      %get3A_172 = arith.index_cast %scan3A_141 : i32 to index
      %get3A_173 = arith.constant 16 : index
      %get3A_174 = tpu.vector_load %arg11[%get3A_172, %get3A_173] {strides = array<i32>} : memref<8x128xi32, #tpu.memory_space<vmem>>, vector<16xi32>,
      tpu.vector_store_idx %arg15[%get3A_174], %broadcast_in_dim3A_7 {add = true} : memref<10112xf32, #tpu.memory_space<vmem>>[vector<16xi32>], vector<16xf32>,
      %get3A_175 = arith.index_cast %scan3A_141 : i32 to index
      %get3A_176 = arith.constant 32 : index
      %get3A_177 = tpu.vector_load %arg11[%get3A_175, %get3A_176] {strides = array<i32>} : memref<8x128xi32, #tpu.memory_space<vmem>>, vector<16xi32>,
      tpu.vector_store_idx %arg15[%get3A_177], %broadcast_in_dim3A_7 {add = true} : memref<10112xf32, #tpu.memory_space<vmem>>[vector<16xi32>], vector<16xf32>,
      %get3A_178 = arith.index_cast %scan3A_141 : i32 to index
      %get3A_179 = arith.constant 48 : index
      %get3A_180 = tpu.vector_load %arg11[%get3A_178, %get3A_179] {strides = array<i32>} : memref<8x128xi32, #tpu.memory_space<vmem>>, vector<16xi32>,
      tpu.vector_store_idx %arg15[%get3A_180], %broadcast_in_dim3A_7 {add = true} : memref<10112xf32, #tpu.memory_space<vmem>>[vector<16xi32>], vector<16xf32>,
      %get3A_181 = arith.index_cast %scan3A_141 : i32 to index
      %get3A_182 = arith.constant 64 : index
      %get3A_183 = tpu.vector_load %arg11[%get3A_181, %get3A_182] {strides = array<i32>} : memref<8x128xi32, #tpu.memory_space<vmem>>, vector<16xi32>,
      tpu.vector_store_idx %arg15[%get3A_183], %broadcast_in_dim3A_7 {add = true} : memref<10112xf32, #tpu.memory_space<vmem>>[vector<16xi32>], vector<16xf32>,
      %get3A_184 = arith.index_cast %scan3A_141 : i32 to index
      %get3A_185 = arith.constant 80 : index
      %get3A_186 = tpu.vector_load %arg11[%get3A_184, %get3A_185] {strides = array<i32>} : memref<8x128xi32, #tpu.memory_space<vmem>>, vector<16xi32>,
      tpu.vector_store_idx %arg15[%get3A_186], %broadcast_in_dim3A_7 {add = true} : memref<10112xf32, #tpu.memory_space<vmem>>[vector<16xi32>], vector<16xf32>,
      %get3A_187 = arith.index_cast %scan3A_141 : i32 to index
      %get3A_188 = arith.constant 96 : index
      %get3A_189 = tpu.vector_load %arg11[%get3A_187, %get3A_188] {strides = array<i32>} : memref<8x128xi32, #tpu.memory_space<vmem>>, vector<16xi32>,
      tpu.vector_store_idx %arg15[%get3A_189], %broadcast_in_dim3A_7 {add = true} : memref<10112xf32, #tpu.memory_space<vmem>>[vector<16xi32>], vector<16xf32>,
      %get3A_190 = arith.index_cast %scan3A_141 : i32 to index
      %get3A_191 = arith.constant 112 : index
      %get3A_192 = tpu.vector_load %arg11[%get3A_190, %get3A_191] {strides = array<i32>} : memref<8x128xi32, #tpu.memory_space<vmem>>, vector<16xi32>,
      tpu.vector_store_idx %arg15[%get3A_192], %broadcast_in_dim3A_7 {add = true} : memref<10112xf32, #tpu.memory_space<vmem>>[vector<16xi32>], vector<16xf32>,
    }
    %scan3A_74 = arith.constant 8 : i32
    %add3A_75 = arith.constant 40 : i32
    %add3A_76 = arith.addi %mul3A_14, %add3A_75 : i32
    "tpu.region"() ({
      %run_scoped3A = tpu.sem_alloc : memref<!tpu.dma_semaphore, #tpu.memory_space<semaphore_mem>>
      %dma_start3A = arith.constant 0 : i32
      %dma_start3A_141 = tpu.memref_slice %arg5[%add3A_76, %dma_start3A] : memref<2560x128xi32, #tpu.memory_space<hbm>> -> memref<8x128xi32, #tpu.memory_space<hbm>>
      %dma_start3A_142 = arith.constant 0 : i32
      %dma_start3A_143 = tpu.memref_slice %arg5[%add3A_76, %dma_start3A_142] : memref<2560x128xi32, #tpu.memory_space<hbm>> -> memref<8x128xi32, #tpu.memory_space<hbm>>
      tpu.enqueue_dma source(%dma_start3A_143 : memref<8x128xi32, #tpu.memory_space<hbm>>) target(%arg10 : memref<8x128xi32, #tpu.memory_space<vmem>>) target_semaphore(%run_scoped3A : memref<!tpu.dma_semaphore, #tpu.memory_space<semaphore_mem>>)
      %dma_wait3A = arith.constant 0 : i32
      %dma_wait3A_144 = tpu.memref_slice %arg5[%add3A_76, %dma_wait3A] : memref<2560x128xi32, #tpu.memory_space<hbm>> -> memref<8x128xi32, #tpu.memory_space<hbm>>
      %dma_wait3A_145 = arith.constant 0 : i32
      %dma_wait3A_146 = tpu.memref_slice %arg5[%add3A_76, %dma_wait3A_145] : memref<2560x128xi32, #tpu.memory_space<hbm>> -> memref<8x128xi32, #tpu.memory_space<hbm>>
      tpu.wait_dma2 semaphore(%run_scoped3A : memref<!tpu.dma_semaphore, #tpu.memory_space<semaphore_mem>>) src(%dma_wait3A_146 : memref<8x128xi32, #tpu.memory_space<hbm>>) dst(%arg10 : memref<8x128xi32, #tpu.memory_space<vmem>>)
      tpu.yield
    }) : () -> ()
    %add3A_77 = arith.constant 40 : i32
    %add3A_78 = arith.addi %mul3A_14, %add3A_77 : i32
    "tpu.region"() ({
      %run_scoped3A = tpu.sem_alloc : memref<!tpu.dma_semaphore, #tpu.memory_space<semaphore_mem>>
      %dma_start3A = arith.constant 0 : i32
      %dma_start3A_141 = tpu.memref_slice %arg6[%add3A_78, %dma_start3A] : memref<2560x128xi32, #tpu.memory_space<hbm>> -> memref<8x128xi32, #tpu.memory_space<hbm>>
      %dma_start3A_142 = arith.constant 0 : i32
      %dma_start3A_143 = tpu.memref_slice %arg6[%add3A_78, %dma_start3A_142] : memref<2560x128xi32, #tpu.memory_space<hbm>> -> memref<8x128xi32, #tpu.memory_space<hbm>>
      tpu.enqueue_dma source(%dma_start3A_143 : memref<8x128xi32, #tpu.memory_space<hbm>>) target(%arg11 : memref<8x128xi32, #tpu.memory_space<vmem>>) target_semaphore(%run_scoped3A : memref<!tpu.dma_semaphore, #tpu.memory_space<semaphore_mem>>)
      %dma_wait3A = arith.constant 0 : i32
      %dma_wait3A_144 = tpu.memref_slice %arg6[%add3A_78, %dma_wait3A] : memref<2560x128xi32, #tpu.memory_space<hbm>> -> memref<8x128xi32, #tpu.memory_space<hbm>>
      %dma_wait3A_145 = arith.constant 0 : i32
      %dma_wait3A_146 = tpu.memref_slice %arg6[%add3A_78, %dma_wait3A_145] : memref<2560x128xi32, #tpu.memory_space<hbm>> -> memref<8x128xi32, #tpu.memory_space<hbm>>
      tpu.wait_dma2 semaphore(%run_scoped3A : memref<!tpu.dma_semaphore, #tpu.memory_space<semaphore_mem>>) src(%dma_wait3A_146 : memref<8x128xi32, #tpu.memory_space<hbm>>) dst(%arg11 : memref<8x128xi32, #tpu.memory_space<vmem>>)
      tpu.yield
    }) : () -> ()
    %add3A_79 = arith.constant 40 : i32
    %add3A_80 = arith.addi %mul3A_14, %add3A_79 : i32
    "tpu.region"() ({
      %run_scoped3A = tpu.sem_alloc : memref<!tpu.dma_semaphore, #tpu.memory_space<semaphore_mem>>
      %dma_start3A = arith.constant 0 : i32
      %dma_start3A_141 = tpu.memref_slice %arg7[%add3A_80, %dma_start3A] : memref<2560x128xi32, #tpu.memory_space<hbm>> -> memref<8x128xi32, #tpu.memory_space<hbm>>
      %dma_start3A_142 = arith.constant 0 : i32
      %dma_start3A_143 = tpu.memref_slice %arg7[%add3A_80, %dma_start3A_142] : memref<2560x128xi32, #tpu.memory_space<hbm>> -> memref<8x128xi32, #tpu.memory_space<hbm>>
      tpu.enqueue_dma source(%dma_start3A_143 : memref<8x128xi32, #tpu.memory_space<hbm>>) target(%arg12 : memref<8x128xi32, #tpu.memory_space<vmem>>) target_semaphore(%run_scoped3A : memref<!tpu.dma_semaphore, #tpu.memory_space<semaphore_mem>>)
      %dma_wait3A = arith.constant 0 : i32
      %dma_wait3A_144 = tpu.memref_slice %arg7[%add3A_80, %dma_wait3A] : memref<2560x128xi32, #tpu.memory_space<hbm>> -> memref<8x128xi32, #tpu.memory_space<hbm>>
      %dma_wait3A_145 = arith.constant 0 : i32
      %dma_wait3A_146 = tpu.memref_slice %arg7[%add3A_80, %dma_wait3A_145] : memref<2560x128xi32, #tpu.memory_space<hbm>> -> memref<8x128xi32, #tpu.memory_space<hbm>>
      tpu.wait_dma2 semaphore(%run_scoped3A : memref<!tpu.dma_semaphore, #tpu.memory_space<semaphore_mem>>) src(%dma_wait3A_146 : memref<8x128xi32, #tpu.memory_space<hbm>>) dst(%arg12 : memref<8x128xi32, #tpu.memory_space<vmem>>)
      tpu.yield
    }) : () -> ()
    %scan3A_81 = arith.constant 0 : i32
    %scan3A_82 = arith.constant 0 : i32
    %scan3A_83 = arith.constant 8 : i32
    %scan3A_84 = arith.addi %scan3A_82, %scan3A_83 : i32
    %scan3A_85 = arith.constant 1 : i32
    scf.for %scan3A_141 = %scan3A_82 to %scan3A_84 step %scan3A_85  : i32 {
      %dma_start3A = arith.constant 0 : i32
      %dma_start3A_142 = tpu.memref_slice %arg10[%scan3A_141, %dma_start3A] : memref<8x128xi32, #tpu.memory_space<vmem>> -> memref<1x128xi32, #tpu.memory_space<vmem>>
      %dma_start3A_143 = tpu.memref_squeeze %dma_start3A_142 : memref<1x128xi32, #tpu.memory_space<vmem>> -> memref<128xi32, #tpu.memory_space<vmem>>
      %dma_start3A_144 = arith.constant 0 : i32
      %dma_start3A_145 = arith.constant 0 : i32
      %dma_start3A_146 = tpu.memref_slice %arg2[%dma_start3A_144, %dma_start3A_145] : memref<10000x128xf32, #tpu.memory_space<hbm>> -> memref<10000x128xf32, #tpu.memory_space<hbm>>
      tpu.enqueue_indirect_dma source(%dma_start3A_146 : memref<10000x128xf32, #tpu.memory_space<hbm>>) target(%arg13 : memref<128x128xf32, #tpu.memory_space<vmem>>) offsets(%dma_start3A_143 : memref<128xi32, #tpu.memory_space<vmem>>) semaphore(%arg18 : memref<!tpu.dma_semaphore, #tpu.memory_space<semaphore_mem>>)
      %dma_start3A_147 = arith.constant 0 : i32
      %dma_start3A_148 = tpu.memref_slice %arg12[%scan3A_141, %dma_start3A_147] : memref<8x128xi32, #tpu.memory_space<vmem>> -> memref<1x128xi32, #tpu.memory_space<vmem>>
      %dma_start3A_149 = tpu.memref_squeeze %dma_start3A_148 : memref<1x128xi32, #tpu.memory_space<vmem>> -> memref<128xi32, #tpu.memory_space<vmem>>
      %dma_start3A_150 = arith.constant 0 : i32
      %dma_start3A_151 = arith.constant 0 : i32
      %dma_start3A_152 = tpu.memref_slice %arg17[%dma_start3A_150, %dma_start3A_151] : memref<464x128xf32, #tpu.memory_space<vmem_shared>> -> memref<464x128xf32, #tpu.memory_space<vmem_shared>>
      tpu.enqueue_indirect_dma source(%dma_start3A_152 : memref<464x128xf32, #tpu.memory_space<vmem_shared>>) target(%arg14 : memref<128x128xf32, #tpu.memory_space<vmem>>) offsets(%dma_start3A_149 : memref<128xi32, #tpu.memory_space<vmem>>) semaphore(%arg19 : memref<!tpu.dma_semaphore, #tpu.memory_space<semaphore_mem>>)
      %dma_wait3A = arith.constant 0 : i32
      %dma_wait3A_153 = tpu.memref_slice %arg10[%scan3A_141, %dma_wait3A] : memref<8x128xi32, #tpu.memory_space<vmem>> -> memref<1x128xi32, #tpu.memory_space<vmem>>
      %dma_wait3A_154 = tpu.memref_squeeze %dma_wait3A_153 : memref<1x128xi32, #tpu.memory_space<vmem>> -> memref<128xi32, #tpu.memory_space<vmem>>
      %dma_wait3A_155 = arith.constant 0 : i32
      %dma_wait3A_156 = arith.constant 0 : i32
      %dma_wait3A_157 = tpu.memref_slice %arg2[%dma_wait3A_155, %dma_wait3A_156] : memref<10000x128xf32, #tpu.memory_space<hbm>> -> memref<10000x128xf32, #tpu.memory_space<hbm>>
      tpu.wait_indirect_dma semaphore(%arg18 : memref<!tpu.dma_semaphore, #tpu.memory_space<semaphore_mem>>) src(%dma_wait3A_157 : memref<10000x128xf32, #tpu.memory_space<hbm>>) dst(%arg13 : memref<128x128xf32, #tpu.memory_space<vmem>>)
      %dma_wait3A_158 = arith.constant 0 : i32
      %dma_wait3A_159 = tpu.memref_slice %arg12[%scan3A_141, %dma_wait3A_158] : memref<8x128xi32, #tpu.memory_space<vmem>> -> memref<1x128xi32, #tpu.memory_space<vmem>>
      %dma_wait3A_160 = tpu.memref_squeeze %dma_wait3A_159 : memref<1x128xi32, #tpu.memory_space<vmem>> -> memref<128xi32, #tpu.memory_space<vmem>>
      %dma_wait3A_161 = arith.constant 0 : i32
      %dma_wait3A_162 = arith.constant 0 : i32
      %dma_wait3A_163 = tpu.memref_slice %arg17[%dma_wait3A_161, %dma_wait3A_162] : memref<464x128xf32, #tpu.memory_space<vmem_shared>> -> memref<464x128xf32, #tpu.memory_space<vmem_shared>>
      tpu.wait_indirect_dma semaphore(%arg19 : memref<!tpu.dma_semaphore, #tpu.memory_space<semaphore_mem>>) src(%dma_wait3A_163 : memref<464x128xf32, #tpu.memory_space<vmem_shared>>) dst(%arg14 : memref<128x128xf32, #tpu.memory_space<vmem>>)
      %scan3A_164 = arith.constant 0 : i32
      %scan3A_165 = arith.constant 0 : i32
      %scan3A_166 = arith.constant 128 : i32
      %scan3A_167 = arith.addi %scan3A_165, %scan3A_166 : i32
      %scan3A_168 = arith.constant 1 : i32
      scf.for %scan3A_193 = %scan3A_165 to %scan3A_167 step %scan3A_168  : i32 {
        %get3A_194 = arith.index_cast %scan3A_193 : i32 to index
        %get3A_195 = arith.constant 0 : index
        %get3A_196 = tpu.vector_load %arg13[%get3A_194, %get3A_195] {strides = array<i32>} : memref<128x128xf32, #tpu.memory_space<vmem>>, vector<16xf32>,
        %get3A_197 = arith.index_cast %scan3A_193 : i32 to index
        %get3A_198 = arith.constant 0 : index
        %get3A_199 = tpu.vector_load %arg14[%get3A_197, %get3A_198] {strides = array<i32>} : memref<128x128xf32, #tpu.memory_space<vmem>>, vector<16xf32>,
        %add3A_200 = arith.addf %get3A_196, %get3A_199 : vector<16xf32>
        %swap3A = arith.index_cast %scan3A_193 : i32 to index
        %swap3A_201 = arith.constant 0 : index
        %swap3A_202 = tpu.vector_load %arg13[%swap3A, %swap3A_201] {strides = array<i32>} : memref<128x128xf32, #tpu.memory_space<vmem>>, vector<16xf32>,
        tpu.vector_store %arg13[%swap3A, %swap3A_201], %add3A_200 {strides = array<i32>} : memref<128x128xf32, #tpu.memory_space<vmem>>, vector<16xf32>,
        %get3A_203 = arith.index_cast %scan3A_193 : i32 to index
        %get3A_204 = arith.constant 16 : index
        %get3A_205 = tpu.vector_load %arg13[%get3A_203, %get3A_204] {strides = array<i32>} : memref<128x128xf32, #tpu.memory_space<vmem>>, vector<16xf32>,
        %get3A_206 = arith.index_cast %scan3A_193 : i32 to index
        %get3A_207 = arith.constant 16 : index
        %get3A_208 = tpu.vector_load %arg14[%get3A_206, %get3A_207] {strides = array<i32>} : memref<128x128xf32, #tpu.memory_space<vmem>>, vector<16xf32>,
        %add3A_209 = arith.addf %get3A_205, %get3A_208 : vector<16xf32>
        %swap3A_210 = arith.index_cast %scan3A_193 : i32 to index
        %swap3A_211 = arith.constant 16 : index
        %swap3A_212 = tpu.vector_load %arg13[%swap3A_210, %swap3A_211] {strides = array<i32>} : memref<128x128xf32, #tpu.memory_space<vmem>>, vector<16xf32>,
        tpu.vector_store %arg13[%swap3A_210, %swap3A_211], %add3A_209 {strides = array<i32>} : memref<128x128xf32, #tpu.memory_space<vmem>>, vector<16xf32>,
        %get3A_213 = arith.index_cast %scan3A_193 : i32 to index
        %get3A_214 = arith.constant 32 : index
        %get3A_215 = tpu.vector_load %arg13[%get3A_213, %get3A_214] {strides = array<i32>} : memref<128x128xf32, #tpu.memory_space<vmem>>, vector<16xf32>,
        %get3A_216 = arith.index_cast %scan3A_193 : i32 to index
        %get3A_217 = arith.constant 32 : index
        %get3A_218 = tpu.vector_load %arg14[%get3A_216, %get3A_217] {strides = array<i32>} : memref<128x128xf32, #tpu.memory_space<vmem>>, vector<16xf32>,
        %add3A_219 = arith.addf %get3A_215, %get3A_218 : vector<16xf32>
        %swap3A_220 = arith.index_cast %scan3A_193 : i32 to index
        %swap3A_221 = arith.constant 32 : index
        %swap3A_222 = tpu.vector_load %arg13[%swap3A_220, %swap3A_221] {strides = array<i32>} : memref<128x128xf32, #tpu.memory_space<vmem>>, vector<16xf32>,
        tpu.vector_store %arg13[%swap3A_220, %swap3A_221], %add3A_219 {strides = array<i32>} : memref<128x128xf32, #tpu.memory_space<vmem>>, vector<16xf32>,
        %get3A_223 = arith.index_cast %scan3A_193 : i32 to index
        %get3A_224 = arith.constant 48 : index
        %get3A_225 = tpu.vector_load %arg13[%get3A_223, %get3A_224] {strides = array<i32>} : memref<128x128xf32, #tpu.memory_space<vmem>>, vector<16xf32>,
        %get3A_226 = arith.index_cast %scan3A_193 : i32 to index
        %get3A_227 = arith.constant 48 : index
        %get3A_228 = tpu.vector_load %arg14[%get3A_226, %get3A_227] {strides = array<i32>} : memref<128x128xf32, #tpu.memory_space<vmem>>, vector<16xf32>,
        %add3A_229 = arith.addf %get3A_225, %get3A_228 : vector<16xf32>
        %swap3A_230 = arith.index_cast %scan3A_193 : i32 to index
        %swap3A_231 = arith.constant 48 : index
        %swap3A_232 = tpu.vector_load %arg13[%swap3A_230, %swap3A_231] {strides = array<i32>} : memref<128x128xf32, #tpu.memory_space<vmem>>, vector<16xf32>,
        tpu.vector_store %arg13[%swap3A_230, %swap3A_231], %add3A_229 {strides = array<i32>} : memref<128x128xf32, #tpu.memory_space<vmem>>, vector<16xf32>,
        %get3A_233 = arith.index_cast %scan3A_193 : i32 to index
        %get3A_234 = arith.constant 64 : index
        %get3A_235 = tpu.vector_load %arg13[%get3A_233, %get3A_234] {strides = array<i32>} : memref<128x128xf32, #tpu.memory_space<vmem>>, vector<16xf32>,
        %get3A_236 = arith.index_cast %scan3A_193 : i32 to index
        %get3A_237 = arith.constant 64 : index
        %get3A_238 = tpu.vector_load %arg14[%get3A_236, %get3A_237] {strides = array<i32>} : memref<128x128xf32, #tpu.memory_space<vmem>>, vector<16xf32>,
        %add3A_239 = arith.addf %get3A_235, %get3A_238 : vector<16xf32>
        %swap3A_240 = arith.index_cast %scan3A_193 : i32 to index
        %swap3A_241 = arith.constant 64 : index
        %swap3A_242 = tpu.vector_load %arg13[%swap3A_240, %swap3A_241] {strides = array<i32>} : memref<128x128xf32, #tpu.memory_space<vmem>>, vector<16xf32>,
        tpu.vector_store %arg13[%swap3A_240, %swap3A_241], %add3A_239 {strides = array<i32>} : memref<128x128xf32, #tpu.memory_space<vmem>>, vector<16xf32>,
        %get3A_243 = arith.index_cast %scan3A_193 : i32 to index
        %get3A_244 = arith.constant 80 : index
        %get3A_245 = tpu.vector_load %arg13[%get3A_243, %get3A_244] {strides = array<i32>} : memref<128x128xf32, #tpu.memory_space<vmem>>, vector<16xf32>,
        %get3A_246 = arith.index_cast %scan3A_193 : i32 to index
        %get3A_247 = arith.constant 80 : index
        %get3A_248 = tpu.vector_load %arg14[%get3A_246, %get3A_247] {strides = array<i32>} : memref<128x128xf32, #tpu.memory_space<vmem>>, vector<16xf32>,
        %add3A_249 = arith.addf %get3A_245, %get3A_248 : vector<16xf32>
        %swap3A_250 = arith.index_cast %scan3A_193 : i32 to index
        %swap3A_251 = arith.constant 80 : index
        %swap3A_252 = tpu.vector_load %arg13[%swap3A_250, %swap3A_251] {strides = array<i32>} : memref<128x128xf32, #tpu.memory_space<vmem>>, vector<16xf32>,
        tpu.vector_store %arg13[%swap3A_250, %swap3A_251], %add3A_249 {strides = array<i32>} : memref<128x128xf32, #tpu.memory_space<vmem>>, vector<16xf32>,
        %get3A_253 = arith.index_cast %scan3A_193 : i32 to index
        %get3A_254 = arith.constant 96 : index
        %get3A_255 = tpu.vector_load %arg13[%get3A_253, %get3A_254] {strides = array<i32>} : memref<128x128xf32, #tpu.memory_space<vmem>>, vector<16xf32>,
        %get3A_256 = arith.index_cast %scan3A_193 : i32 to index
        %get3A_257 = arith.constant 96 : index
        %get3A_258 = tpu.vector_load %arg14[%get3A_256, %get3A_257] {strides = array<i32>} : memref<128x128xf32, #tpu.memory_space<vmem>>, vector<16xf32>,
        %add3A_259 = arith.addf %get3A_255, %get3A_258 : vector<16xf32>
        %swap3A_260 = arith.index_cast %scan3A_193 : i32 to index
        %swap3A_261 = arith.constant 96 : index
        %swap3A_262 = tpu.vector_load %arg13[%swap3A_260, %swap3A_261] {strides = array<i32>} : memref<128x128xf32, #tpu.memory_space<vmem>>, vector<16xf32>,
        tpu.vector_store %arg13[%swap3A_260, %swap3A_261], %add3A_259 {strides = array<i32>} : memref<128x128xf32, #tpu.memory_space<vmem>>, vector<16xf32>,
        %get3A_263 = arith.index_cast %scan3A_193 : i32 to index
        %get3A_264 = arith.constant 112 : index
        %get3A_265 = tpu.vector_load %arg13[%get3A_263, %get3A_264] {strides = array<i32>} : memref<128x128xf32, #tpu.memory_space<vmem>>, vector<16xf32>,
        %get3A_266 = arith.index_cast %scan3A_193 : i32 to index
        %get3A_267 = arith.constant 112 : index
        %get3A_268 = tpu.vector_load %arg14[%get3A_266, %get3A_267] {strides = array<i32>} : memref<128x128xf32, #tpu.memory_space<vmem>>, vector<16xf32>,
        %add3A_269 = arith.addf %get3A_265, %get3A_268 : vector<16xf32>
        %swap3A_270 = arith.index_cast %scan3A_193 : i32 to index
        %swap3A_271 = arith.constant 112 : index
        %swap3A_272 = tpu.vector_load %arg13[%swap3A_270, %swap3A_271] {strides = array<i32>} : memref<128x128xf32, #tpu.memory_space<vmem>>, vector<16xf32>,
        tpu.vector_store %arg13[%swap3A_270, %swap3A_271], %add3A_269 {strides = array<i32>} : memref<128x128xf32, #tpu.memory_space<vmem>>, vector<16xf32>,
      }
      %scan3A_169 = arith.constant 128 : i32
      "tpu.region"() ({
        %run_scoped3A = tpu.sem_alloc : memref<!tpu.dma_semaphore, #tpu.memory_space<semaphore_mem>>
        %dma_start3A_193 = arith.constant 0 : i32
        %dma_start3A_194 = tpu.memref_slice %arg11[%scan3A_141, %dma_start3A_193] : memref<8x128xi32, #tpu.memory_space<vmem>> -> memref<1x128xi32, #tpu.memory_space<vmem>>
        %dma_start3A_195 = tpu.memref_squeeze %dma_start3A_194 : memref<1x128xi32, #tpu.memory_space<vmem>> -> memref<128xi32, #tpu.memory_space<vmem>>
        %dma_start3A_196 = arith.constant 0 : i32
        %dma_start3A_197 = arith.constant 0 : i32
        %dma_start3A_198 = tpu.memref_slice %arg16[%dma_start3A_196, %dma_start3A_197] : memref<10112x128xf32, #tpu.memory_space<vmem_shared>> -> memref<10112x128xf32, #tpu.memory_space<vmem_shared>>
        tpu.enqueue_indirect_dma source(%arg13 : memref<128x128xf32, #tpu.memory_space<vmem>>) target(%dma_start3A_198 : memref<10112x128xf32, #tpu.memory_space<vmem_shared>>) offsets(%dma_start3A_195 : memref<128xi32, #tpu.memory_space<vmem>>) semaphore(%run_scoped3A : memref<!tpu.dma_semaphore, #tpu.memory_space<semaphore_mem>>) {add = true}
        %dma_wait3A_199 = arith.constant 0 : i32
        %dma_wait3A_200 = tpu.memref_slice %arg11[%scan3A_141, %dma_wait3A_199] : memref<8x128xi32, #tpu.memory_space<vmem>> -> memref<1x128xi32, #tpu.memory_space<vmem>>
        %dma_wait3A_201 = tpu.memref_squeeze %dma_wait3A_200 : memref<1x128xi32, #tpu.memory_space<vmem>> -> memref<128xi32, #tpu.memory_space<vmem>>
        %dma_wait3A_202 = arith.constant 0 : i32
        %dma_wait3A_203 = arith.constant 0 : i32
        %dma_wait3A_204 = tpu.memref_slice %arg16[%dma_wait3A_202, %dma_wait3A_203] : memref<10112x128xf32, #tpu.memory_space<vmem_shared>> -> memref<10112x128xf32, #tpu.memory_space<vmem_shared>>
        tpu.wait_indirect_dma semaphore(%run_scoped3A : memref<!tpu.dma_semaphore, #tpu.memory_space<semaphore_mem>>) src(%arg13 : memref<128x128xf32, #tpu.memory_space<vmem>>) dst(%dma_wait3A_204 : memref<10112x128xf32, #tpu.memory_space<vmem_shared>>)
        tpu.yield
      }) : () -> ()
      %get3A = arith.index_cast %scan3A_141 : i32 to index
      %get3A_170 = arith.constant 0 : index
      %get3A_171 = tpu.vector_load %arg11[%get3A, %get3A_170] {strides = array<i32>} : memref<8x128xi32, #tpu.memory_space<vmem>>, vector<16xi32>,
      tpu.vector_store_idx %arg15[%get3A_171], %broadcast_in_dim3A_7 {add = true} : memref<10112xf32, #tpu.memory_space<vmem>>[vector<16xi32>], vector<16xf32>,
      %get3A_172 = arith.index_cast %scan3A_141 : i32 to index
      %get3A_173 = arith.constant 16 : index
      %get3A_174 = tpu.vector_load %arg11[%get3A_172, %get3A_173] {strides = array<i32>} : memref<8x128xi32, #tpu.memory_space<vmem>>, vector<16xi32>,
      tpu.vector_store_idx %arg15[%get3A_174], %broadcast_in_dim3A_7 {add = true} : memref<10112xf32, #tpu.memory_space<vmem>>[vector<16xi32>], vector<16xf32>,
      %get3A_175 = arith.index_cast %scan3A_141 : i32 to index
      %get3A_176 = arith.constant 32 : index
      %get3A_177 = tpu.vector_load %arg11[%get3A_175, %get3A_176] {strides = array<i32>} : memref<8x128xi32, #tpu.memory_space<vmem>>, vector<16xi32>,
      tpu.vector_store_idx %arg15[%get3A_177], %broadcast_in_dim3A_7 {add = true} : memref<10112xf32, #tpu.memory_space<vmem>>[vector<16xi32>], vector<16xf32>,
      %get3A_178 = arith.index_cast %scan3A_141 : i32 to index
      %get3A_179 = arith.constant 48 : index
      %get3A_180 = tpu.vector_load %arg11[%get3A_178, %get3A_179] {strides = array<i32>} : memref<8x128xi32, #tpu.memory_space<vmem>>, vector<16xi32>,
      tpu.vector_store_idx %arg15[%get3A_180], %broadcast_in_dim3A_7 {add = true} : memref<10112xf32, #tpu.memory_space<vmem>>[vector<16xi32>], vector<16xf32>,
      %get3A_181 = arith.index_cast %scan3A_141 : i32 to index
      %get3A_182 = arith.constant 64 : index
      %get3A_183 = tpu.vector_load %arg11[%get3A_181, %get3A_182] {strides = array<i32>} : memref<8x128xi32, #tpu.memory_space<vmem>>, vector<16xi32>,
      tpu.vector_store_idx %arg15[%get3A_183], %broadcast_in_dim3A_7 {add = true} : memref<10112xf32, #tpu.memory_space<vmem>>[vector<16xi32>], vector<16xf32>,
      %get3A_184 = arith.index_cast %scan3A_141 : i32 to index
      %get3A_185 = arith.constant 80 : index
      %get3A_186 = tpu.vector_load %arg11[%get3A_184, %get3A_185] {strides = array<i32>} : memref<8x128xi32, #tpu.memory_space<vmem>>, vector<16xi32>,
      tpu.vector_store_idx %arg15[%get3A_186], %broadcast_in_dim3A_7 {add = true} : memref<10112xf32, #tpu.memory_space<vmem>>[vector<16xi32>], vector<16xf32>,
      %get3A_187 = arith.index_cast %scan3A_141 : i32 to index
      %get3A_188 = arith.constant 96 : index
      %get3A_189 = tpu.vector_load %arg11[%get3A_187, %get3A_188] {strides = array<i32>} : memref<8x128xi32, #tpu.memory_space<vmem>>, vector<16xi32>,
      tpu.vector_store_idx %arg15[%get3A_189], %broadcast_in_dim3A_7 {add = true} : memref<10112xf32, #tpu.memory_space<vmem>>[vector<16xi32>], vector<16xf32>,
      %get3A_190 = arith.index_cast %scan3A_141 : i32 to index
      %get3A_191 = arith.constant 112 : index
      %get3A_192 = tpu.vector_load %arg11[%get3A_190, %get3A_191] {strides = array<i32>} : memref<8x128xi32, #tpu.memory_space<vmem>>, vector<16xi32>,
      tpu.vector_store_idx %arg15[%get3A_192], %broadcast_in_dim3A_7 {add = true} : memref<10112xf32, #tpu.memory_space<vmem>>[vector<16xi32>], vector<16xf32>,
    }
    %scan3A_86 = arith.constant 8 : i32
    %add3A_87 = arith.constant 48 : i32
    %add3A_88 = arith.addi %mul3A_14, %add3A_87 : i32
    "tpu.region"() ({
      %run_scoped3A = tpu.sem_alloc : memref<!tpu.dma_semaphore, #tpu.memory_space<semaphore_mem>>
      %dma_start3A = arith.constant 0 : i32
      %dma_start3A_141 = tpu.memref_slice %arg5[%add3A_88, %dma_start3A] : memref<2560x128xi32, #tpu.memory_space<hbm>> -> memref<8x128xi32, #tpu.memory_space<hbm>>
      %dma_start3A_142 = arith.constant 0 : i32
      %dma_start3A_143 = tpu.memref_slice %arg5[%add3A_88, %dma_start3A_142] : memref<2560x128xi32, #tpu.memory_space<hbm>> -> memref<8x128xi32, #tpu.memory_space<hbm>>
      tpu.enqueue_dma source(%dma_start3A_143 : memref<8x128xi32, #tpu.memory_space<hbm>>) target(%arg10 : memref<8x128xi32, #tpu.memory_space<vmem>>) target_semaphore(%run_scoped3A : memref<!tpu.dma_semaphore, #tpu.memory_space<semaphore_mem>>)
      %dma_wait3A = arith.constant 0 : i32
      %dma_wait3A_144 = tpu.memref_slice %arg5[%add3A_88, %dma_wait3A] : memref<2560x128xi32, #tpu.memory_space<hbm>> -> memref<8x128xi32, #tpu.memory_space<hbm>>
      %dma_wait3A_145 = arith.constant 0 : i32
      %dma_wait3A_146 = tpu.memref_slice %arg5[%add3A_88, %dma_wait3A_145] : memref<2560x128xi32, #tpu.memory_space<hbm>> -> memref<8x128xi32, #tpu.memory_space<hbm>>
      tpu.wait_dma2 semaphore(%run_scoped3A : memref<!tpu.dma_semaphore, #tpu.memory_space<semaphore_mem>>) src(%dma_wait3A_146 : memref<8x128xi32, #tpu.memory_space<hbm>>) dst(%arg10 : memref<8x128xi32, #tpu.memory_space<vmem>>)
      tpu.yield
    }) : () -> ()
    %add3A_89 = arith.constant 48 : i32
    %add3A_90 = arith.addi %mul3A_14, %add3A_89 : i32
    "tpu.region"() ({
      %run_scoped3A = tpu.sem_alloc : memref<!tpu.dma_semaphore, #tpu.memory_space<semaphore_mem>>
      %dma_start3A = arith.constant 0 : i32
      %dma_start3A_141 = tpu.memref_slice %arg6[%add3A_90, %dma_start3A] : memref<2560x128xi32, #tpu.memory_space<hbm>> -> memref<8x128xi32, #tpu.memory_space<hbm>>
      %dma_start3A_142 = arith.constant 0 : i32
      %dma_start3A_143 = tpu.memref_slice %arg6[%add3A_90, %dma_start3A_142] : memref<2560x128xi32, #tpu.memory_space<hbm>> -> memref<8x128xi32, #tpu.memory_space<hbm>>
      tpu.enqueue_dma source(%dma_start3A_143 : memref<8x128xi32, #tpu.memory_space<hbm>>) target(%arg11 : memref<8x128xi32, #tpu.memory_space<vmem>>) target_semaphore(%run_scoped3A : memref<!tpu.dma_semaphore, #tpu.memory_space<semaphore_mem>>)
      %dma_wait3A = arith.constant 0 : i32
      %dma_wait3A_144 = tpu.memref_slice %arg6[%add3A_90, %dma_wait3A] : memref<2560x128xi32, #tpu.memory_space<hbm>> -> memref<8x128xi32, #tpu.memory_space<hbm>>
      %dma_wait3A_145 = arith.constant 0 : i32
      %dma_wait3A_146 = tpu.memref_slice %arg6[%add3A_90, %dma_wait3A_145] : memref<2560x128xi32, #tpu.memory_space<hbm>> -> memref<8x128xi32, #tpu.memory_space<hbm>>
      tpu.wait_dma2 semaphore(%run_scoped3A : memref<!tpu.dma_semaphore, #tpu.memory_space<semaphore_mem>>) src(%dma_wait3A_146 : memref<8x128xi32, #tpu.memory_space<hbm>>) dst(%arg11 : memref<8x128xi32, #tpu.memory_space<vmem>>)
      tpu.yield
    }) : () -> ()
    %add3A_91 = arith.constant 48 : i32
    %add3A_92 = arith.addi %mul3A_14, %add3A_91 : i32
    "tpu.region"() ({
      %run_scoped3A = tpu.sem_alloc : memref<!tpu.dma_semaphore, #tpu.memory_space<semaphore_mem>>
      %dma_start3A = arith.constant 0 : i32
      %dma_start3A_141 = tpu.memref_slice %arg7[%add3A_92, %dma_start3A] : memref<2560x128xi32, #tpu.memory_space<hbm>> -> memref<8x128xi32, #tpu.memory_space<hbm>>
      %dma_start3A_142 = arith.constant 0 : i32
      %dma_start3A_143 = tpu.memref_slice %arg7[%add3A_92, %dma_start3A_142] : memref<2560x128xi32, #tpu.memory_space<hbm>> -> memref<8x128xi32, #tpu.memory_space<hbm>>
      tpu.enqueue_dma source(%dma_start3A_143 : memref<8x128xi32, #tpu.memory_space<hbm>>) target(%arg12 : memref<8x128xi32, #tpu.memory_space<vmem>>) target_semaphore(%run_scoped3A : memref<!tpu.dma_semaphore, #tpu.memory_space<semaphore_mem>>)
      %dma_wait3A = arith.constant 0 : i32
      %dma_wait3A_144 = tpu.memref_slice %arg7[%add3A_92, %dma_wait3A] : memref<2560x128xi32, #tpu.memory_space<hbm>> -> memref<8x128xi32, #tpu.memory_space<hbm>>
      %dma_wait3A_145 = arith.constant 0 : i32
      %dma_wait3A_146 = tpu.memref_slice %arg7[%add3A_92, %dma_wait3A_145] : memref<2560x128xi32, #tpu.memory_space<hbm>> -> memref<8x128xi32, #tpu.memory_space<hbm>>
      tpu.wait_dma2 semaphore(%run_scoped3A : memref<!tpu.dma_semaphore, #tpu.memory_space<semaphore_mem>>) src(%dma_wait3A_146 : memref<8x128xi32, #tpu.memory_space<hbm>>) dst(%arg12 : memref<8x128xi32, #tpu.memory_space<vmem>>)
      tpu.yield
    }) : () -> ()
    %scan3A_93 = arith.constant 0 : i32
    %scan3A_94 = arith.constant 0 : i32
    %scan3A_95 = arith.constant 8 : i32
    %scan3A_96 = arith.addi %scan3A_94, %scan3A_95 : i32
    %scan3A_97 = arith.constant 1 : i32
    scf.for %scan3A_141 = %scan3A_94 to %scan3A_96 step %scan3A_97  : i32 {
      %dma_start3A = arith.constant 0 : i32
      %dma_start3A_142 = tpu.memref_slice %arg10[%scan3A_141, %dma_start3A] : memref<8x128xi32, #tpu.memory_space<vmem>> -> memref<1x128xi32, #tpu.memory_space<vmem>>
      %dma_start3A_143 = tpu.memref_squeeze %dma_start3A_142 : memref<1x128xi32, #tpu.memory_space<vmem>> -> memref<128xi32, #tpu.memory_space<vmem>>
      %dma_start3A_144 = arith.constant 0 : i32
      %dma_start3A_145 = arith.constant 0 : i32
      %dma_start3A_146 = tpu.memref_slice %arg2[%dma_start3A_144, %dma_start3A_145] : memref<10000x128xf32, #tpu.memory_space<hbm>> -> memref<10000x128xf32, #tpu.memory_space<hbm>>
      tpu.enqueue_indirect_dma source(%dma_start3A_146 : memref<10000x128xf32, #tpu.memory_space<hbm>>) target(%arg13 : memref<128x128xf32, #tpu.memory_space<vmem>>) offsets(%dma_start3A_143 : memref<128xi32, #tpu.memory_space<vmem>>) semaphore(%arg18 : memref<!tpu.dma_semaphore, #tpu.memory_space<semaphore_mem>>)
      %dma_start3A_147 = arith.constant 0 : i32
      %dma_start3A_148 = tpu.memref_slice %arg12[%scan3A_141, %dma_start3A_147] : memref<8x128xi32, #tpu.memory_space<vmem>> -> memref<1x128xi32, #tpu.memory_space<vmem>>
      %dma_start3A_149 = tpu.memref_squeeze %dma_start3A_148 : memref<1x128xi32, #tpu.memory_space<vmem>> -> memref<128xi32, #tpu.memory_space<vmem>>
      %dma_start3A_150 = arith.constant 0 : i32
      %dma_start3A_151 = arith.constant 0 : i32
      %dma_start3A_152 = tpu.memref_slice %arg17[%dma_start3A_150, %dma_start3A_151] : memref<464x128xf32, #tpu.memory_space<vmem_shared>> -> memref<464x128xf32, #tpu.memory_space<vmem_shared>>
      tpu.enqueue_indirect_dma source(%dma_start3A_152 : memref<464x128xf32, #tpu.memory_space<vmem_shared>>) target(%arg14 : memref<128x128xf32, #tpu.memory_space<vmem>>) offsets(%dma_start3A_149 : memref<128xi32, #tpu.memory_space<vmem>>) semaphore(%arg19 : memref<!tpu.dma_semaphore, #tpu.memory_space<semaphore_mem>>)
      %dma_wait3A = arith.constant 0 : i32
      %dma_wait3A_153 = tpu.memref_slice %arg10[%scan3A_141, %dma_wait3A] : memref<8x128xi32, #tpu.memory_space<vmem>> -> memref<1x128xi32, #tpu.memory_space<vmem>>
      %dma_wait3A_154 = tpu.memref_squeeze %dma_wait3A_153 : memref<1x128xi32, #tpu.memory_space<vmem>> -> memref<128xi32, #tpu.memory_space<vmem>>
      %dma_wait3A_155 = arith.constant 0 : i32
      %dma_wait3A_156 = arith.constant 0 : i32
      %dma_wait3A_157 = tpu.memref_slice %arg2[%dma_wait3A_155, %dma_wait3A_156] : memref<10000x128xf32, #tpu.memory_space<hbm>> -> memref<10000x128xf32, #tpu.memory_space<hbm>>
      tpu.wait_indirect_dma semaphore(%arg18 : memref<!tpu.dma_semaphore, #tpu.memory_space<semaphore_mem>>) src(%dma_wait3A_157 : memref<10000x128xf32, #tpu.memory_space<hbm>>) dst(%arg13 : memref<128x128xf32, #tpu.memory_space<vmem>>)
      %dma_wait3A_158 = arith.constant 0 : i32
      %dma_wait3A_159 = tpu.memref_slice %arg12[%scan3A_141, %dma_wait3A_158] : memref<8x128xi32, #tpu.memory_space<vmem>> -> memref<1x128xi32, #tpu.memory_space<vmem>>
      %dma_wait3A_160 = tpu.memref_squeeze %dma_wait3A_159 : memref<1x128xi32, #tpu.memory_space<vmem>> -> memref<128xi32, #tpu.memory_space<vmem>>
      %dma_wait3A_161 = arith.constant 0 : i32
      %dma_wait3A_162 = arith.constant 0 : i32
      %dma_wait3A_163 = tpu.memref_slice %arg17[%dma_wait3A_161, %dma_wait3A_162] : memref<464x128xf32, #tpu.memory_space<vmem_shared>> -> memref<464x128xf32, #tpu.memory_space<vmem_shared>>
      tpu.wait_indirect_dma semaphore(%arg19 : memref<!tpu.dma_semaphore, #tpu.memory_space<semaphore_mem>>) src(%dma_wait3A_163 : memref<464x128xf32, #tpu.memory_space<vmem_shared>>) dst(%arg14 : memref<128x128xf32, #tpu.memory_space<vmem>>)
      %scan3A_164 = arith.constant 0 : i32
      %scan3A_165 = arith.constant 0 : i32
      %scan3A_166 = arith.constant 128 : i32
      %scan3A_167 = arith.addi %scan3A_165, %scan3A_166 : i32
      %scan3A_168 = arith.constant 1 : i32
      scf.for %scan3A_193 = %scan3A_165 to %scan3A_167 step %scan3A_168  : i32 {
        %get3A_194 = arith.index_cast %scan3A_193 : i32 to index
        %get3A_195 = arith.constant 0 : index
        %get3A_196 = tpu.vector_load %arg13[%get3A_194, %get3A_195] {strides = array<i32>} : memref<128x128xf32, #tpu.memory_space<vmem>>, vector<16xf32>,
        %get3A_197 = arith.index_cast %scan3A_193 : i32 to index
        %get3A_198 = arith.constant 0 : index
        %get3A_199 = tpu.vector_load %arg14[%get3A_197, %get3A_198] {strides = array<i32>} : memref<128x128xf32, #tpu.memory_space<vmem>>, vector<16xf32>,
        %add3A_200 = arith.addf %get3A_196, %get3A_199 : vector<16xf32>
        %swap3A = arith.index_cast %scan3A_193 : i32 to index
        %swap3A_201 = arith.constant 0 : index
        %swap3A_202 = tpu.vector_load %arg13[%swap3A, %swap3A_201] {strides = array<i32>} : memref<128x128xf32, #tpu.memory_space<vmem>>, vector<16xf32>,
        tpu.vector_store %arg13[%swap3A, %swap3A_201], %add3A_200 {strides = array<i32>} : memref<128x128xf32, #tpu.memory_space<vmem>>, vector<16xf32>,
        %get3A_203 = arith.index_cast %scan3A_193 : i32 to index
        %get3A_204 = arith.constant 16 : index
        %get3A_205 = tpu.vector_load %arg13[%get3A_203, %get3A_204] {strides = array<i32>} : memref<128x128xf32, #tpu.memory_space<vmem>>, vector<16xf32>,
        %get3A_206 = arith.index_cast %scan3A_193 : i32 to index
        %get3A_207 = arith.constant 16 : index
        %get3A_208 = tpu.vector_load %arg14[%get3A_206, %get3A_207] {strides = array<i32>} : memref<128x128xf32, #tpu.memory_space<vmem>>, vector<16xf32>,
        %add3A_209 = arith.addf %get3A_205, %get3A_208 : vector<16xf32>
        %swap3A_210 = arith.index_cast %scan3A_193 : i32 to index
        %swap3A_211 = arith.constant 16 : index
        %swap3A_212 = tpu.vector_load %arg13[%swap3A_210, %swap3A_211] {strides = array<i32>} : memref<128x128xf32, #tpu.memory_space<vmem>>, vector<16xf32>,
        tpu.vector_store %arg13[%swap3A_210, %swap3A_211], %add3A_209 {strides = array<i32>} : memref<128x128xf32, #tpu.memory_space<vmem>>, vector<16xf32>,
        %get3A_213 = arith.index_cast %scan3A_193 : i32 to index
        %get3A_214 = arith.constant 32 : index
        %get3A_215 = tpu.vector_load %arg13[%get3A_213, %get3A_214] {strides = array<i32>} : memref<128x128xf32, #tpu.memory_space<vmem>>, vector<16xf32>,
        %get3A_216 = arith.index_cast %scan3A_193 : i32 to index
        %get3A_217 = arith.constant 32 : index
        %get3A_218 = tpu.vector_load %arg14[%get3A_216, %get3A_217] {strides = array<i32>} : memref<128x128xf32, #tpu.memory_space<vmem>>, vector<16xf32>,
        %add3A_219 = arith.addf %get3A_215, %get3A_218 : vector<16xf32>
        %swap3A_220 = arith.index_cast %scan3A_193 : i32 to index
        %swap3A_221 = arith.constant 32 : index
        %swap3A_222 = tpu.vector_load %arg13[%swap3A_220, %swap3A_221] {strides = array<i32>} : memref<128x128xf32, #tpu.memory_space<vmem>>, vector<16xf32>,
        tpu.vector_store %arg13[%swap3A_220, %swap3A_221], %add3A_219 {strides = array<i32>} : memref<128x128xf32, #tpu.memory_space<vmem>>, vector<16xf32>,
        %get3A_223 = arith.index_cast %scan3A_193 : i32 to index
        %get3A_224 = arith.constant 48 : index
        %get3A_225 = tpu.vector_load %arg13[%get3A_223, %get3A_224] {strides = array<i32>} : memref<128x128xf32, #tpu.memory_space<vmem>>, vector<16xf32>,
        %get3A_226 = arith.index_cast %scan3A_193 : i32 to index
        %get3A_227 = arith.constant 48 : index
        %get3A_228 = tpu.vector_load %arg14[%get3A_226, %get3A_227] {strides = array<i32>} : memref<128x128xf32, #tpu.memory_space<vmem>>, vector<16xf32>,
        %add3A_229 = arith.addf %get3A_225, %get3A_228 : vector<16xf32>
        %swap3A_230 = arith.index_cast %scan3A_193 : i32 to index
        %swap3A_231 = arith.constant 48 : index
        %swap3A_232 = tpu.vector_load %arg13[%swap3A_230, %swap3A_231] {strides = array<i32>} : memref<128x128xf32, #tpu.memory_space<vmem>>, vector<16xf32>,
        tpu.vector_store %arg13[%swap3A_230, %swap3A_231], %add3A_229 {strides = array<i32>} : memref<128x128xf32, #tpu.memory_space<vmem>>, vector<16xf32>,
        %get3A_233 = arith.index_cast %scan3A_193 : i32 to index
        %get3A_234 = arith.constant 64 : index
        %get3A_235 = tpu.vector_load %arg13[%get3A_233, %get3A_234] {strides = array<i32>} : memref<128x128xf32, #tpu.memory_space<vmem>>, vector<16xf32>,
        %get3A_236 = arith.index_cast %scan3A_193 : i32 to index
        %get3A_237 = arith.constant 64 : index
        %get3A_238 = tpu.vector_load %arg14[%get3A_236, %get3A_237] {strides = array<i32>} : memref<128x128xf32, #tpu.memory_space<vmem>>, vector<16xf32>,
        %add3A_239 = arith.addf %get3A_235, %get3A_238 : vector<16xf32>
        %swap3A_240 = arith.index_cast %scan3A_193 : i32 to index
        %swap3A_241 = arith.constant 64 : index
        %swap3A_242 = tpu.vector_load %arg13[%swap3A_240, %swap3A_241] {strides = array<i32>} : memref<128x128xf32, #tpu.memory_space<vmem>>, vector<16xf32>,
        tpu.vector_store %arg13[%swap3A_240, %swap3A_241], %add3A_239 {strides = array<i32>} : memref<128x128xf32, #tpu.memory_space<vmem>>, vector<16xf32>,
        %get3A_243 = arith.index_cast %scan3A_193 : i32 to index
        %get3A_244 = arith.constant 80 : index
        %get3A_245 = tpu.vector_load %arg13[%get3A_243, %get3A_244] {strides = array<i32>} : memref<128x128xf32, #tpu.memory_space<vmem>>, vector<16xf32>,
        %get3A_246 = arith.index_cast %scan3A_193 : i32 to index
        %get3A_247 = arith.constant 80 : index
        %get3A_248 = tpu.vector_load %arg14[%get3A_246, %get3A_247] {strides = array<i32>} : memref<128x128xf32, #tpu.memory_space<vmem>>, vector<16xf32>,
        %add3A_249 = arith.addf %get3A_245, %get3A_248 : vector<16xf32>
        %swap3A_250 = arith.index_cast %scan3A_193 : i32 to index
        %swap3A_251 = arith.constant 80 : index
        %swap3A_252 = tpu.vector_load %arg13[%swap3A_250, %swap3A_251] {strides = array<i32>} : memref<128x128xf32, #tpu.memory_space<vmem>>, vector<16xf32>,
        tpu.vector_store %arg13[%swap3A_250, %swap3A_251], %add3A_249 {strides = array<i32>} : memref<128x128xf32, #tpu.memory_space<vmem>>, vector<16xf32>,
        %get3A_253 = arith.index_cast %scan3A_193 : i32 to index
        %get3A_254 = arith.constant 96 : index
        %get3A_255 = tpu.vector_load %arg13[%get3A_253, %get3A_254] {strides = array<i32>} : memref<128x128xf32, #tpu.memory_space<vmem>>, vector<16xf32>,
        %get3A_256 = arith.index_cast %scan3A_193 : i32 to index
        %get3A_257 = arith.constant 96 : index
        %get3A_258 = tpu.vector_load %arg14[%get3A_256, %get3A_257] {strides = array<i32>} : memref<128x128xf32, #tpu.memory_space<vmem>>, vector<16xf32>,
        %add3A_259 = arith.addf %get3A_255, %get3A_258 : vector<16xf32>
        %swap3A_260 = arith.index_cast %scan3A_193 : i32 to index
        %swap3A_261 = arith.constant 96 : index
        %swap3A_262 = tpu.vector_load %arg13[%swap3A_260, %swap3A_261] {strides = array<i32>} : memref<128x128xf32, #tpu.memory_space<vmem>>, vector<16xf32>,
        tpu.vector_store %arg13[%swap3A_260, %swap3A_261], %add3A_259 {strides = array<i32>} : memref<128x128xf32, #tpu.memory_space<vmem>>, vector<16xf32>,
        %get3A_263 = arith.index_cast %scan3A_193 : i32 to index
        %get3A_264 = arith.constant 112 : index
        %get3A_265 = tpu.vector_load %arg13[%get3A_263, %get3A_264] {strides = array<i32>} : memref<128x128xf32, #tpu.memory_space<vmem>>, vector<16xf32>,
        %get3A_266 = arith.index_cast %scan3A_193 : i32 to index
        %get3A_267 = arith.constant 112 : index
        %get3A_268 = tpu.vector_load %arg14[%get3A_266, %get3A_267] {strides = array<i32>} : memref<128x128xf32, #tpu.memory_space<vmem>>, vector<16xf32>,
        %add3A_269 = arith.addf %get3A_265, %get3A_268 : vector<16xf32>
        %swap3A_270 = arith.index_cast %scan3A_193 : i32 to index
        %swap3A_271 = arith.constant 112 : index
        %swap3A_272 = tpu.vector_load %arg13[%swap3A_270, %swap3A_271] {strides = array<i32>} : memref<128x128xf32, #tpu.memory_space<vmem>>, vector<16xf32>,
        tpu.vector_store %arg13[%swap3A_270, %swap3A_271], %add3A_269 {strides = array<i32>} : memref<128x128xf32, #tpu.memory_space<vmem>>, vector<16xf32>,
      }
      %scan3A_169 = arith.constant 128 : i32
      "tpu.region"() ({
        %run_scoped3A = tpu.sem_alloc : memref<!tpu.dma_semaphore, #tpu.memory_space<semaphore_mem>>
        %dma_start3A_193 = arith.constant 0 : i32
        %dma_start3A_194 = tpu.memref_slice %arg11[%scan3A_141, %dma_start3A_193] : memref<8x128xi32, #tpu.memory_space<vmem>> -> memref<1x128xi32, #tpu.memory_space<vmem>>
        %dma_start3A_195 = tpu.memref_squeeze %dma_start3A_194 : memref<1x128xi32, #tpu.memory_space<vmem>> -> memref<128xi32, #tpu.memory_space<vmem>>
        %dma_start3A_196 = arith.constant 0 : i32
        %dma_start3A_197 = arith.constant 0 : i32
        %dma_start3A_198 = tpu.memref_slice %arg16[%dma_start3A_196, %dma_start3A_197] : memref<10112x128xf32, #tpu.memory_space<vmem_shared>> -> memref<10112x128xf32, #tpu.memory_space<vmem_shared>>
        tpu.enqueue_indirect_dma source(%arg13 : memref<128x128xf32, #tpu.memory_space<vmem>>) target(%dma_start3A_198 : memref<10112x128xf32, #tpu.memory_space<vmem_shared>>) offsets(%dma_start3A_195 : memref<128xi32, #tpu.memory_space<vmem>>) semaphore(%run_scoped3A : memref<!tpu.dma_semaphore, #tpu.memory_space<semaphore_mem>>) {add = true}
        %dma_wait3A_199 = arith.constant 0 : i32
        %dma_wait3A_200 = tpu.memref_slice %arg11[%scan3A_141, %dma_wait3A_199] : memref<8x128xi32, #tpu.memory_space<vmem>> -> memref<1x128xi32, #tpu.memory_space<vmem>>
        %dma_wait3A_201 = tpu.memref_squeeze %dma_wait3A_200 : memref<1x128xi32, #tpu.memory_space<vmem>> -> memref<128xi32, #tpu.memory_space<vmem>>
        %dma_wait3A_202 = arith.constant 0 : i32
        %dma_wait3A_203 = arith.constant 0 : i32
        %dma_wait3A_204 = tpu.memref_slice %arg16[%dma_wait3A_202, %dma_wait3A_203] : memref<10112x128xf32, #tpu.memory_space<vmem_shared>> -> memref<10112x128xf32, #tpu.memory_space<vmem_shared>>
        tpu.wait_indirect_dma semaphore(%run_scoped3A : memref<!tpu.dma_semaphore, #tpu.memory_space<semaphore_mem>>) src(%arg13 : memref<128x128xf32, #tpu.memory_space<vmem>>) dst(%dma_wait3A_204 : memref<10112x128xf32, #tpu.memory_space<vmem_shared>>)
        tpu.yield
      }) : () -> ()
      %get3A = arith.index_cast %scan3A_141 : i32 to index
      %get3A_170 = arith.constant 0 : index
      %get3A_171 = tpu.vector_load %arg11[%get3A, %get3A_170] {strides = array<i32>} : memref<8x128xi32, #tpu.memory_space<vmem>>, vector<16xi32>,
      tpu.vector_store_idx %arg15[%get3A_171], %broadcast_in_dim3A_7 {add = true} : memref<10112xf32, #tpu.memory_space<vmem>>[vector<16xi32>], vector<16xf32>,
      %get3A_172 = arith.index_cast %scan3A_141 : i32 to index
      %get3A_173 = arith.constant 16 : index
      %get3A_174 = tpu.vector_load %arg11[%get3A_172, %get3A_173] {strides = array<i32>} : memref<8x128xi32, #tpu.memory_space<vmem>>, vector<16xi32>,
      tpu.vector_store_idx %arg15[%get3A_174], %broadcast_in_dim3A_7 {add = true} : memref<10112xf32, #tpu.memory_space<vmem>>[vector<16xi32>], vector<16xf32>,
      %get3A_175 = arith.index_cast %scan3A_141 : i32 to index
      %get3A_176 = arith.constant 32 : index
      %get3A_177 = tpu.vector_load %arg11[%get3A_175, %get3A_176] {strides = array<i32>} : memref<8x128xi32, #tpu.memory_space<vmem>>, vector<16xi32>,
      tpu.vector_store_idx %arg15[%get3A_177], %broadcast_in_dim3A_7 {add = true} : memref<10112xf32, #tpu.memory_space<vmem>>[vector<16xi32>], vector<16xf32>,
      %get3A_178 = arith.index_cast %scan3A_141 : i32 to index
      %get3A_179 = arith.constant 48 : index
      %get3A_180 = tpu.vector_load %arg11[%get3A_178, %get3A_179] {strides = array<i32>} : memref<8x128xi32, #tpu.memory_space<vmem>>, vector<16xi32>,
      tpu.vector_store_idx %arg15[%get3A_180], %broadcast_in_dim3A_7 {add = true} : memref<10112xf32, #tpu.memory_space<vmem>>[vector<16xi32>], vector<16xf32>,
      %get3A_181 = arith.index_cast %scan3A_141 : i32 to index
      %get3A_182 = arith.constant 64 : index
      %get3A_183 = tpu.vector_load %arg11[%get3A_181, %get3A_182] {strides = array<i32>} : memref<8x128xi32, #tpu.memory_space<vmem>>, vector<16xi32>,
      tpu.vector_store_idx %arg15[%get3A_183], %broadcast_in_dim3A_7 {add = true} : memref<10112xf32, #tpu.memory_space<vmem>>[vector<16xi32>], vector<16xf32>,
      %get3A_184 = arith.index_cast %scan3A_141 : i32 to index
      %get3A_185 = arith.constant 80 : index
      %get3A_186 = tpu.vector_load %arg11[%get3A_184, %get3A_185] {strides = array<i32>} : memref<8x128xi32, #tpu.memory_space<vmem>>, vector<16xi32>,
      tpu.vector_store_idx %arg15[%get3A_186], %broadcast_in_dim3A_7 {add = true} : memref<10112xf32, #tpu.memory_space<vmem>>[vector<16xi32>], vector<16xf32>,
      %get3A_187 = arith.index_cast %scan3A_141 : i32 to index
      %get3A_188 = arith.constant 96 : index
      %get3A_189 = tpu.vector_load %arg11[%get3A_187, %get3A_188] {strides = array<i32>} : memref<8x128xi32, #tpu.memory_space<vmem>>, vector<16xi32>,
      tpu.vector_store_idx %arg15[%get3A_189], %broadcast_in_dim3A_7 {add = true} : memref<10112xf32, #tpu.memory_space<vmem>>[vector<16xi32>], vector<16xf32>,
      %get3A_190 = arith.index_cast %scan3A_141 : i32 to index
      %get3A_191 = arith.constant 112 : index
      %get3A_192 = tpu.vector_load %arg11[%get3A_190, %get3A_191] {strides = array<i32>} : memref<8x128xi32, #tpu.memory_space<vmem>>, vector<16xi32>,
      tpu.vector_store_idx %arg15[%get3A_192], %broadcast_in_dim3A_7 {add = true} : memref<10112xf32, #tpu.memory_space<vmem>>[vector<16xi32>], vector<16xf32>,
    }
    %scan3A_98 = arith.constant 8 : i32
    %add3A_99 = arith.constant 56 : i32
    %add3A_100 = arith.addi %mul3A_14, %add3A_99 : i32
    "tpu.region"() ({
      %run_scoped3A = tpu.sem_alloc : memref<!tpu.dma_semaphore, #tpu.memory_space<semaphore_mem>>
      %dma_start3A = arith.constant 0 : i32
      %dma_start3A_141 = tpu.memref_slice %arg5[%add3A_100, %dma_start3A] : memref<2560x128xi32, #tpu.memory_space<hbm>> -> memref<8x128xi32, #tpu.memory_space<hbm>>
      %dma_start3A_142 = arith.constant 0 : i32
      %dma_start3A_143 = tpu.memref_slice %arg5[%add3A_100, %dma_start3A_142] : memref<2560x128xi32, #tpu.memory_space<hbm>> -> memref<8x128xi32, #tpu.memory_space<hbm>>
      tpu.enqueue_dma source(%dma_start3A_143 : memref<8x128xi32, #tpu.memory_space<hbm>>) target(%arg10 : memref<8x128xi32, #tpu.memory_space<vmem>>) target_semaphore(%run_scoped3A : memref<!tpu.dma_semaphore, #tpu.memory_space<semaphore_mem>>)
      %dma_wait3A = arith.constant 0 : i32
      %dma_wait3A_144 = tpu.memref_slice %arg5[%add3A_100, %dma_wait3A] : memref<2560x128xi32, #tpu.memory_space<hbm>> -> memref<8x128xi32, #tpu.memory_space<hbm>>
      %dma_wait3A_145 = arith.constant 0 : i32
      %dma_wait3A_146 = tpu.memref_slice %arg5[%add3A_100, %dma_wait3A_145] : memref<2560x128xi32, #tpu.memory_space<hbm>> -> memref<8x128xi32, #tpu.memory_space<hbm>>
      tpu.wait_dma2 semaphore(%run_scoped3A : memref<!tpu.dma_semaphore, #tpu.memory_space<semaphore_mem>>) src(%dma_wait3A_146 : memref<8x128xi32, #tpu.memory_space<hbm>>) dst(%arg10 : memref<8x128xi32, #tpu.memory_space<vmem>>)
      tpu.yield
    }) : () -> ()
    %add3A_101 = arith.constant 56 : i32
    %add3A_102 = arith.addi %mul3A_14, %add3A_101 : i32
    "tpu.region"() ({
      %run_scoped3A = tpu.sem_alloc : memref<!tpu.dma_semaphore, #tpu.memory_space<semaphore_mem>>
      %dma_start3A = arith.constant 0 : i32
      %dma_start3A_141 = tpu.memref_slice %arg6[%add3A_102, %dma_start3A] : memref<2560x128xi32, #tpu.memory_space<hbm>> -> memref<8x128xi32, #tpu.memory_space<hbm>>
      %dma_start3A_142 = arith.constant 0 : i32
      %dma_start3A_143 = tpu.memref_slice %arg6[%add3A_102, %dma_start3A_142] : memref<2560x128xi32, #tpu.memory_space<hbm>> -> memref<8x128xi32, #tpu.memory_space<hbm>>
      tpu.enqueue_dma source(%dma_start3A_143 : memref<8x128xi32, #tpu.memory_space<hbm>>) target(%arg11 : memref<8x128xi32, #tpu.memory_space<vmem>>) target_semaphore(%run_scoped3A : memref<!tpu.dma_semaphore, #tpu.memory_space<semaphore_mem>>)
      %dma_wait3A = arith.constant 0 : i32
      %dma_wait3A_144 = tpu.memref_slice %arg6[%add3A_102, %dma_wait3A] : memref<2560x128xi32, #tpu.memory_space<hbm>> -> memref<8x128xi32, #tpu.memory_space<hbm>>
      %dma_wait3A_145 = arith.constant 0 : i32
      %dma_wait3A_146 = tpu.memref_slice %arg6[%add3A_102, %dma_wait3A_145] : memref<2560x128xi32, #tpu.memory_space<hbm>> -> memref<8x128xi32, #tpu.memory_space<hbm>>
      tpu.wait_dma2 semaphore(%run_scoped3A : memref<!tpu.dma_semaphore, #tpu.memory_space<semaphore_mem>>) src(%dma_wait3A_146 : memref<8x128xi32, #tpu.memory_space<hbm>>) dst(%arg11 : memref<8x128xi32, #tpu.memory_space<vmem>>)
      tpu.yield
    }) : () -> ()
    %add3A_103 = arith.constant 56 : i32
    %add3A_104 = arith.addi %mul3A_14, %add3A_103 : i32
    "tpu.region"() ({
      %run_scoped3A = tpu.sem_alloc : memref<!tpu.dma_semaphore, #tpu.memory_space<semaphore_mem>>
      %dma_start3A = arith.constant 0 : i32
      %dma_start3A_141 = tpu.memref_slice %arg7[%add3A_104, %dma_start3A] : memref<2560x128xi32, #tpu.memory_space<hbm>> -> memref<8x128xi32, #tpu.memory_space<hbm>>
      %dma_start3A_142 = arith.constant 0 : i32
      %dma_start3A_143 = tpu.memref_slice %arg7[%add3A_104, %dma_start3A_142] : memref<2560x128xi32, #tpu.memory_space<hbm>> -> memref<8x128xi32, #tpu.memory_space<hbm>>
      tpu.enqueue_dma source(%dma_start3A_143 : memref<8x128xi32, #tpu.memory_space<hbm>>) target(%arg12 : memref<8x128xi32, #tpu.memory_space<vmem>>) target_semaphore(%run_scoped3A : memref<!tpu.dma_semaphore, #tpu.memory_space<semaphore_mem>>)
      %dma_wait3A = arith.constant 0 : i32
      %dma_wait3A_144 = tpu.memref_slice %arg7[%add3A_104, %dma_wait3A] : memref<2560x128xi32, #tpu.memory_space<hbm>> -> memref<8x128xi32, #tpu.memory_space<hbm>>
      %dma_wait3A_145 = arith.constant 0 : i32
      %dma_wait3A_146 = tpu.memref_slice %arg7[%add3A_104, %dma_wait3A_145] : memref<2560x128xi32, #tpu.memory_space<hbm>> -> memref<8x128xi32, #tpu.memory_space<hbm>>
      tpu.wait_dma2 semaphore(%run_scoped3A : memref<!tpu.dma_semaphore, #tpu.memory_space<semaphore_mem>>) src(%dma_wait3A_146 : memref<8x128xi32, #tpu.memory_space<hbm>>) dst(%arg12 : memref<8x128xi32, #tpu.memory_space<vmem>>)
      tpu.yield
    }) : () -> ()
    %scan3A_105 = arith.constant 0 : i32
    %scan3A_106 = arith.constant 0 : i32
    %scan3A_107 = arith.constant 8 : i32
    %scan3A_108 = arith.addi %scan3A_106, %scan3A_107 : i32
    %scan3A_109 = arith.constant 1 : i32
    scf.for %scan3A_141 = %scan3A_106 to %scan3A_108 step %scan3A_109  : i32 {
      %dma_start3A = arith.constant 0 : i32
      %dma_start3A_142 = tpu.memref_slice %arg10[%scan3A_141, %dma_start3A] : memref<8x128xi32, #tpu.memory_space<vmem>> -> memref<1x128xi32, #tpu.memory_space<vmem>>
      %dma_start3A_143 = tpu.memref_squeeze %dma_start3A_142 : memref<1x128xi32, #tpu.memory_space<vmem>> -> memref<128xi32, #tpu.memory_space<vmem>>
      %dma_start3A_144 = arith.constant 0 : i32
      %dma_start3A_145 = arith.constant 0 : i32
      %dma_start3A_146 = tpu.memref_slice %arg2[%dma_start3A_144, %dma_start3A_145] : memref<10000x128xf32, #tpu.memory_space<hbm>> -> memref<10000x128xf32, #tpu.memory_space<hbm>>
      tpu.enqueue_indirect_dma source(%dma_start3A_146 : memref<10000x128xf32, #tpu.memory_space<hbm>>) target(%arg13 : memref<128x128xf32, #tpu.memory_space<vmem>>) offsets(%dma_start3A_143 : memref<128xi32, #tpu.memory_space<vmem>>) semaphore(%arg18 : memref<!tpu.dma_semaphore, #tpu.memory_space<semaphore_mem>>)
      %dma_start3A_147 = arith.constant 0 : i32
      %dma_start3A_148 = tpu.memref_slice %arg12[%scan3A_141, %dma_start3A_147] : memref<8x128xi32, #tpu.memory_space<vmem>> -> memref<1x128xi32, #tpu.memory_space<vmem>>
      %dma_start3A_149 = tpu.memref_squeeze %dma_start3A_148 : memref<1x128xi32, #tpu.memory_space<vmem>> -> memref<128xi32, #tpu.memory_space<vmem>>
      %dma_start3A_150 = arith.constant 0 : i32
      %dma_start3A_151 = arith.constant 0 : i32
      %dma_start3A_152 = tpu.memref_slice %arg17[%dma_start3A_150, %dma_start3A_151] : memref<464x128xf32, #tpu.memory_space<vmem_shared>> -> memref<464x128xf32, #tpu.memory_space<vmem_shared>>
      tpu.enqueue_indirect_dma source(%dma_start3A_152 : memref<464x128xf32, #tpu.memory_space<vmem_shared>>) target(%arg14 : memref<128x128xf32, #tpu.memory_space<vmem>>) offsets(%dma_start3A_149 : memref<128xi32, #tpu.memory_space<vmem>>) semaphore(%arg19 : memref<!tpu.dma_semaphore, #tpu.memory_space<semaphore_mem>>)
      %dma_wait3A = arith.constant 0 : i32
      %dma_wait3A_153 = tpu.memref_slice %arg10[%scan3A_141, %dma_wait3A] : memref<8x128xi32, #tpu.memory_space<vmem>> -> memref<1x128xi32, #tpu.memory_space<vmem>>
      %dma_wait3A_154 = tpu.memref_squeeze %dma_wait3A_153 : memref<1x128xi32, #tpu.memory_space<vmem>> -> memref<128xi32, #tpu.memory_space<vmem>>
      %dma_wait3A_155 = arith.constant 0 : i32
      %dma_wait3A_156 = arith.constant 0 : i32
      %dma_wait3A_157 = tpu.memref_slice %arg2[%dma_wait3A_155, %dma_wait3A_156] : memref<10000x128xf32, #tpu.memory_space<hbm>> -> memref<10000x128xf32, #tpu.memory_space<hbm>>
      tpu.wait_indirect_dma semaphore(%arg18 : memref<!tpu.dma_semaphore, #tpu.memory_space<semaphore_mem>>) src(%dma_wait3A_157 : memref<10000x128xf32, #tpu.memory_space<hbm>>) dst(%arg13 : memref<128x128xf32, #tpu.memory_space<vmem>>)
      %dma_wait3A_158 = arith.constant 0 : i32
      %dma_wait3A_159 = tpu.memref_slice %arg12[%scan3A_141, %dma_wait3A_158] : memref<8x128xi32, #tpu.memory_space<vmem>> -> memref<1x128xi32, #tpu.memory_space<vmem>>
      %dma_wait3A_160 = tpu.memref_squeeze %dma_wait3A_159 : memref<1x128xi32, #tpu.memory_space<vmem>> -> memref<128xi32, #tpu.memory_space<vmem>>
      %dma_wait3A_161 = arith.constant 0 : i32
      %dma_wait3A_162 = arith.constant 0 : i32
      %dma_wait3A_163 = tpu.memref_slice %arg17[%dma_wait3A_161, %dma_wait3A_162] : memref<464x128xf32, #tpu.memory_space<vmem_shared>> -> memref<464x128xf32, #tpu.memory_space<vmem_shared>>
      tpu.wait_indirect_dma semaphore(%arg19 : memref<!tpu.dma_semaphore, #tpu.memory_space<semaphore_mem>>) src(%dma_wait3A_163 : memref<464x128xf32, #tpu.memory_space<vmem_shared>>) dst(%arg14 : memref<128x128xf32, #tpu.memory_space<vmem>>)
      %scan3A_164 = arith.constant 0 : i32
      %scan3A_165 = arith.constant 0 : i32
      %scan3A_166 = arith.constant 128 : i32
      %scan3A_167 = arith.addi %scan3A_165, %scan3A_166 : i32
      %scan3A_168 = arith.constant 1 : i32
      scf.for %scan3A_193 = %scan3A_165 to %scan3A_167 step %scan3A_168  : i32 {
        %get3A_194 = arith.index_cast %scan3A_193 : i32 to index
        %get3A_195 = arith.constant 0 : index
        %get3A_196 = tpu.vector_load %arg13[%get3A_194, %get3A_195] {strides = array<i32>} : memref<128x128xf32, #tpu.memory_space<vmem>>, vector<16xf32>,
        %get3A_197 = arith.index_cast %scan3A_193 : i32 to index
        %get3A_198 = arith.constant 0 : index
        %get3A_199 = tpu.vector_load %arg14[%get3A_197, %get3A_198] {strides = array<i32>} : memref<128x128xf32, #tpu.memory_space<vmem>>, vector<16xf32>,
        %add3A_200 = arith.addf %get3A_196, %get3A_199 : vector<16xf32>
        %swap3A = arith.index_cast %scan3A_193 : i32 to index
        %swap3A_201 = arith.constant 0 : index
        %swap3A_202 = tpu.vector_load %arg13[%swap3A, %swap3A_201] {strides = array<i32>} : memref<128x128xf32, #tpu.memory_space<vmem>>, vector<16xf32>,
        tpu.vector_store %arg13[%swap3A, %swap3A_201], %add3A_200 {strides = array<i32>} : memref<128x128xf32, #tpu.memory_space<vmem>>, vector<16xf32>,
        %get3A_203 = arith.index_cast %scan3A_193 : i32 to index
        %get3A_204 = arith.constant 16 : index
        %get3A_205 = tpu.vector_load %arg13[%get3A_203, %get3A_204] {strides = array<i32>} : memref<128x128xf32, #tpu.memory_space<vmem>>, vector<16xf32>,
        %get3A_206 = arith.index_cast %scan3A_193 : i32 to index
        %get3A_207 = arith.constant 16 : index
        %get3A_208 = tpu.vector_load %arg14[%get3A_206, %get3A_207] {strides = array<i32>} : memref<128x128xf32, #tpu.memory_space<vmem>>, vector<16xf32>,
        %add3A_209 = arith.addf %get3A_205, %get3A_208 : vector<16xf32>
        %swap3A_210 = arith.index_cast %scan3A_193 : i32 to index
        %swap3A_211 = arith.constant 16 : index
        %swap3A_212 = tpu.vector_load %arg13[%swap3A_210, %swap3A_211] {strides = array<i32>} : memref<128x128xf32, #tpu.memory_space<vmem>>, vector<16xf32>,
        tpu.vector_store %arg13[%swap3A_210, %swap3A_211], %add3A_209 {strides = array<i32>} : memref<128x128xf32, #tpu.memory_space<vmem>>, vector<16xf32>,
        %get3A_213 = arith.index_cast %scan3A_193 : i32 to index
        %get3A_214 = arith.constant 32 : index
        %get3A_215 = tpu.vector_load %arg13[%get3A_213, %get3A_214] {strides = array<i32>} : memref<128x128xf32, #tpu.memory_space<vmem>>, vector<16xf32>,
        %get3A_216 = arith.index_cast %scan3A_193 : i32 to index
        %get3A_217 = arith.constant 32 : index
        %get3A_218 = tpu.vector_load %arg14[%get3A_216, %get3A_217] {strides = array<i32>} : memref<128x128xf32, #tpu.memory_space<vmem>>, vector<16xf32>,
        %add3A_219 = arith.addf %get3A_215, %get3A_218 : vector<16xf32>
        %swap3A_220 = arith.index_cast %scan3A_193 : i32 to index
        %swap3A_221 = arith.constant 32 : index
        %swap3A_222 = tpu.vector_load %arg13[%swap3A_220, %swap3A_221] {strides = array<i32>} : memref<128x128xf32, #tpu.memory_space<vmem>>, vector<16xf32>,
        tpu.vector_store %arg13[%swap3A_220, %swap3A_221], %add3A_219 {strides = array<i32>} : memref<128x128xf32, #tpu.memory_space<vmem>>, vector<16xf32>,
        %get3A_223 = arith.index_cast %scan3A_193 : i32 to index
        %get3A_224 = arith.constant 48 : index
        %get3A_225 = tpu.vector_load %arg13[%get3A_223, %get3A_224] {strides = array<i32>} : memref<128x128xf32, #tpu.memory_space<vmem>>, vector<16xf32>,
        %get3A_226 = arith.index_cast %scan3A_193 : i32 to index
        %get3A_227 = arith.constant 48 : index
        %get3A_228 = tpu.vector_load %arg14[%get3A_226, %get3A_227] {strides = array<i32>} : memref<128x128xf32, #tpu.memory_space<vmem>>, vector<16xf32>,
        %add3A_229 = arith.addf %get3A_225, %get3A_228 : vector<16xf32>
        %swap3A_230 = arith.index_cast %scan3A_193 : i32 to index
        %swap3A_231 = arith.constant 48 : index
        %swap3A_232 = tpu.vector_load %arg13[%swap3A_230, %swap3A_231] {strides = array<i32>} : memref<128x128xf32, #tpu.memory_space<vmem>>, vector<16xf32>,
        tpu.vector_store %arg13[%swap3A_230, %swap3A_231], %add3A_229 {strides = array<i32>} : memref<128x128xf32, #tpu.memory_space<vmem>>, vector<16xf32>,
        %get3A_233 = arith.index_cast %scan3A_193 : i32 to index
        %get3A_234 = arith.constant 64 : index
        %get3A_235 = tpu.vector_load %arg13[%get3A_233, %get3A_234] {strides = array<i32>} : memref<128x128xf32, #tpu.memory_space<vmem>>, vector<16xf32>,
        %get3A_236 = arith.index_cast %scan3A_193 : i32 to index
        %get3A_237 = arith.constant 64 : index
        %get3A_238 = tpu.vector_load %arg14[%get3A_236, %get3A_237] {strides = array<i32>} : memref<128x128xf32, #tpu.memory_space<vmem>>, vector<16xf32>,
        %add3A_239 = arith.addf %get3A_235, %get3A_238 : vector<16xf32>
        %swap3A_240 = arith.index_cast %scan3A_193 : i32 to index
        %swap3A_241 = arith.constant 64 : index
        %swap3A_242 = tpu.vector_load %arg13[%swap3A_240, %swap3A_241] {strides = array<i32>} : memref<128x128xf32, #tpu.memory_space<vmem>>, vector<16xf32>,
        tpu.vector_store %arg13[%swap3A_240, %swap3A_241], %add3A_239 {strides = array<i32>} : memref<128x128xf32, #tpu.memory_space<vmem>>, vector<16xf32>,
        %get3A_243 = arith.index_cast %scan3A_193 : i32 to index
        %get3A_244 = arith.constant 80 : index
        %get3A_245 = tpu.vector_load %arg13[%get3A_243, %get3A_244] {strides = array<i32>} : memref<128x128xf32, #tpu.memory_space<vmem>>, vector<16xf32>,
        %get3A_246 = arith.index_cast %scan3A_193 : i32 to index
        %get3A_247 = arith.constant 80 : index
        %get3A_248 = tpu.vector_load %arg14[%get3A_246, %get3A_247] {strides = array<i32>} : memref<128x128xf32, #tpu.memory_space<vmem>>, vector<16xf32>,
        %add3A_249 = arith.addf %get3A_245, %get3A_248 : vector<16xf32>
        %swap3A_250 = arith.index_cast %scan3A_193 : i32 to index
        %swap3A_251 = arith.constant 80 : index
        %swap3A_252 = tpu.vector_load %arg13[%swap3A_250, %swap3A_251] {strides = array<i32>} : memref<128x128xf32, #tpu.memory_space<vmem>>, vector<16xf32>,
        tpu.vector_store %arg13[%swap3A_250, %swap3A_251], %add3A_249 {strides = array<i32>} : memref<128x128xf32, #tpu.memory_space<vmem>>, vector<16xf32>,
        %get3A_253 = arith.index_cast %scan3A_193 : i32 to index
        %get3A_254 = arith.constant 96 : index
        %get3A_255 = tpu.vector_load %arg13[%get3A_253, %get3A_254] {strides = array<i32>} : memref<128x128xf32, #tpu.memory_space<vmem>>, vector<16xf32>,
        %get3A_256 = arith.index_cast %scan3A_193 : i32 to index
        %get3A_257 = arith.constant 96 : index
        %get3A_258 = tpu.vector_load %arg14[%get3A_256, %get3A_257] {strides = array<i32>} : memref<128x128xf32, #tpu.memory_space<vmem>>, vector<16xf32>,
        %add3A_259 = arith.addf %get3A_255, %get3A_258 : vector<16xf32>
        %swap3A_260 = arith.index_cast %scan3A_193 : i32 to index
        %swap3A_261 = arith.constant 96 : index
        %swap3A_262 = tpu.vector_load %arg13[%swap3A_260, %swap3A_261] {strides = array<i32>} : memref<128x128xf32, #tpu.memory_space<vmem>>, vector<16xf32>,
        tpu.vector_store %arg13[%swap3A_260, %swap3A_261], %add3A_259 {strides = array<i32>} : memref<128x128xf32, #tpu.memory_space<vmem>>, vector<16xf32>,
        %get3A_263 = arith.index_cast %scan3A_193 : i32 to index
        %get3A_264 = arith.constant 112 : index
        %get3A_265 = tpu.vector_load %arg13[%get3A_263, %get3A_264] {strides = array<i32>} : memref<128x128xf32, #tpu.memory_space<vmem>>, vector<16xf32>,
        %get3A_266 = arith.index_cast %scan3A_193 : i32 to index
        %get3A_267 = arith.constant 112 : index
        %get3A_268 = tpu.vector_load %arg14[%get3A_266, %get3A_267] {strides = array<i32>} : memref<128x128xf32, #tpu.memory_space<vmem>>, vector<16xf32>,
        %add3A_269 = arith.addf %get3A_265, %get3A_268 : vector<16xf32>
        %swap3A_270 = arith.index_cast %scan3A_193 : i32 to index
        %swap3A_271 = arith.constant 112 : index
        %swap3A_272 = tpu.vector_load %arg13[%swap3A_270, %swap3A_271] {strides = array<i32>} : memref<128x128xf32, #tpu.memory_space<vmem>>, vector<16xf32>,
        tpu.vector_store %arg13[%swap3A_270, %swap3A_271], %add3A_269 {strides = array<i32>} : memref<128x128xf32, #tpu.memory_space<vmem>>, vector<16xf32>,
      }
      %scan3A_169 = arith.constant 128 : i32
      "tpu.region"() ({
        %run_scoped3A = tpu.sem_alloc : memref<!tpu.dma_semaphore, #tpu.memory_space<semaphore_mem>>
        %dma_start3A_193 = arith.constant 0 : i32
        %dma_start3A_194 = tpu.memref_slice %arg11[%scan3A_141, %dma_start3A_193] : memref<8x128xi32, #tpu.memory_space<vmem>> -> memref<1x128xi32, #tpu.memory_space<vmem>>
        %dma_start3A_195 = tpu.memref_squeeze %dma_start3A_194 : memref<1x128xi32, #tpu.memory_space<vmem>> -> memref<128xi32, #tpu.memory_space<vmem>>
        %dma_start3A_196 = arith.constant 0 : i32
        %dma_start3A_197 = arith.constant 0 : i32
        %dma_start3A_198 = tpu.memref_slice %arg16[%dma_start3A_196, %dma_start3A_197] : memref<10112x128xf32, #tpu.memory_space<vmem_shared>> -> memref<10112x128xf32, #tpu.memory_space<vmem_shared>>
        tpu.enqueue_indirect_dma source(%arg13 : memref<128x128xf32, #tpu.memory_space<vmem>>) target(%dma_start3A_198 : memref<10112x128xf32, #tpu.memory_space<vmem_shared>>) offsets(%dma_start3A_195 : memref<128xi32, #tpu.memory_space<vmem>>) semaphore(%run_scoped3A : memref<!tpu.dma_semaphore, #tpu.memory_space<semaphore_mem>>) {add = true}
        %dma_wait3A_199 = arith.constant 0 : i32
        %dma_wait3A_200 = tpu.memref_slice %arg11[%scan3A_141, %dma_wait3A_199] : memref<8x128xi32, #tpu.memory_space<vmem>> -> memref<1x128xi32, #tpu.memory_space<vmem>>
        %dma_wait3A_201 = tpu.memref_squeeze %dma_wait3A_200 : memref<1x128xi32, #tpu.memory_space<vmem>> -> memref<128xi32, #tpu.memory_space<vmem>>
        %dma_wait3A_202 = arith.constant 0 : i32
        %dma_wait3A_203 = arith.constant 0 : i32
        %dma_wait3A_204 = tpu.memref_slice %arg16[%dma_wait3A_202, %dma_wait3A_203] : memref<10112x128xf32, #tpu.memory_space<vmem_shared>> -> memref<10112x128xf32, #tpu.memory_space<vmem_shared>>
        tpu.wait_indirect_dma semaphore(%run_scoped3A : memref<!tpu.dma_semaphore, #tpu.memory_space<semaphore_mem>>) src(%arg13 : memref<128x128xf32, #tpu.memory_space<vmem>>) dst(%dma_wait3A_204 : memref<10112x128xf32, #tpu.memory_space<vmem_shared>>)
        tpu.yield
      }) : () -> ()
      %get3A = arith.index_cast %scan3A_141 : i32 to index
      %get3A_170 = arith.constant 0 : index
      %get3A_171 = tpu.vector_load %arg11[%get3A, %get3A_170] {strides = array<i32>} : memref<8x128xi32, #tpu.memory_space<vmem>>, vector<16xi32>,
      tpu.vector_store_idx %arg15[%get3A_171], %broadcast_in_dim3A_7 {add = true} : memref<10112xf32, #tpu.memory_space<vmem>>[vector<16xi32>], vector<16xf32>,
      %get3A_172 = arith.index_cast %scan3A_141 : i32 to index
      %get3A_173 = arith.constant 16 : index
      %get3A_174 = tpu.vector_load %arg11[%get3A_172, %get3A_173] {strides = array<i32>} : memref<8x128xi32, #tpu.memory_space<vmem>>, vector<16xi32>,
      tpu.vector_store_idx %arg15[%get3A_174], %broadcast_in_dim3A_7 {add = true} : memref<10112xf32, #tpu.memory_space<vmem>>[vector<16xi32>], vector<16xf32>,
      %get3A_175 = arith.index_cast %scan3A_141 : i32 to index
      %get3A_176 = arith.constant 32 : index
      %get3A_177 = tpu.vector_load %arg11[%get3A_175, %get3A_176] {strides = array<i32>} : memref<8x128xi32, #tpu.memory_space<vmem>>, vector<16xi32>,
      tpu.vector_store_idx %arg15[%get3A_177], %broadcast_in_dim3A_7 {add = true} : memref<10112xf32, #tpu.memory_space<vmem>>[vector<16xi32>], vector<16xf32>,
      %get3A_178 = arith.index_cast %scan3A_141 : i32 to index
      %get3A_179 = arith.constant 48 : index
      %get3A_180 = tpu.vector_load %arg11[%get3A_178, %get3A_179] {strides = array<i32>} : memref<8x128xi32, #tpu.memory_space<vmem>>, vector<16xi32>,
      tpu.vector_store_idx %arg15[%get3A_180], %broadcast_in_dim3A_7 {add = true} : memref<10112xf32, #tpu.memory_space<vmem>>[vector<16xi32>], vector<16xf32>,
      %get3A_181 = arith.index_cast %scan3A_141 : i32 to index
      %get3A_182 = arith.constant 64 : index
      %get3A_183 = tpu.vector_load %arg11[%get3A_181, %get3A_182] {strides = array<i32>} : memref<8x128xi32, #tpu.memory_space<vmem>>, vector<16xi32>,
      tpu.vector_store_idx %arg15[%get3A_183], %broadcast_in_dim3A_7 {add = true} : memref<10112xf32, #tpu.memory_space<vmem>>[vector<16xi32>], vector<16xf32>,
      %get3A_184 = arith.index_cast %scan3A_141 : i32 to index
      %get3A_185 = arith.constant 80 : index
      %get3A_186 = tpu.vector_load %arg11[%get3A_184, %get3A_185] {strides = array<i32>} : memref<8x128xi32, #tpu.memory_space<vmem>>, vector<16xi32>,
      tpu.vector_store_idx %arg15[%get3A_186], %broadcast_in_dim3A_7 {add = true} : memref<10112xf32, #tpu.memory_space<vmem>>[vector<16xi32>], vector<16xf32>,
      %get3A_187 = arith.index_cast %scan3A_141 : i32 to index
      %get3A_188 = arith.constant 96 : index
      %get3A_189 = tpu.vector_load %arg11[%get3A_187, %get3A_188] {strides = array<i32>} : memref<8x128xi32, #tpu.memory_space<vmem>>, vector<16xi32>,
      tpu.vector_store_idx %arg15[%get3A_189], %broadcast_in_dim3A_7 {add = true} : memref<10112xf32, #tpu.memory_space<vmem>>[vector<16xi32>], vector<16xf32>,
      %get3A_190 = arith.index_cast %scan3A_141 : i32 to index
      %get3A_191 = arith.constant 112 : index
      %get3A_192 = tpu.vector_load %arg11[%get3A_190, %get3A_191] {strides = array<i32>} : memref<8x128xi32, #tpu.memory_space<vmem>>, vector<16xi32>,
      tpu.vector_store_idx %arg15[%get3A_192], %broadcast_in_dim3A_7 {add = true} : memref<10112xf32, #tpu.memory_space<vmem>>[vector<16xi32>], vector<16xf32>,
    }
    %scan3A_110 = arith.constant 8 : i32
    %add3A_111 = arith.constant 64 : i32
    %add3A_112 = arith.addi %mul3A_14, %add3A_111 : i32
    "tpu.region"() ({
      %run_scoped3A = tpu.sem_alloc : memref<!tpu.dma_semaphore, #tpu.memory_space<semaphore_mem>>
      %dma_start3A = arith.constant 0 : i32
      %dma_start3A_141 = tpu.memref_slice %arg5[%add3A_112, %dma_start3A] : memref<2560x128xi32, #tpu.memory_space<hbm>> -> memref<8x128xi32, #tpu.memory_space<hbm>>
      %dma_start3A_142 = arith.constant 0 : i32
      %dma_start3A_143 = tpu.memref_slice %arg5[%add3A_112, %dma_start3A_142] : memref<2560x128xi32, #tpu.memory_space<hbm>> -> memref<8x128xi32, #tpu.memory_space<hbm>>
      tpu.enqueue_dma source(%dma_start3A_143 : memref<8x128xi32, #tpu.memory_space<hbm>>) target(%arg10 : memref<8x128xi32, #tpu.memory_space<vmem>>) target_semaphore(%run_scoped3A : memref<!tpu.dma_semaphore, #tpu.memory_space<semaphore_mem>>)
      %dma_wait3A = arith.constant 0 : i32
      %dma_wait3A_144 = tpu.memref_slice %arg5[%add3A_112, %dma_wait3A] : memref<2560x128xi32, #tpu.memory_space<hbm>> -> memref<8x128xi32, #tpu.memory_space<hbm>>
      %dma_wait3A_145 = arith.constant 0 : i32
      %dma_wait3A_146 = tpu.memref_slice %arg5[%add3A_112, %dma_wait3A_145] : memref<2560x128xi32, #tpu.memory_space<hbm>> -> memref<8x128xi32, #tpu.memory_space<hbm>>
      tpu.wait_dma2 semaphore(%run_scoped3A : memref<!tpu.dma_semaphore, #tpu.memory_space<semaphore_mem>>) src(%dma_wait3A_146 : memref<8x128xi32, #tpu.memory_space<hbm>>) dst(%arg10 : memref<8x128xi32, #tpu.memory_space<vmem>>)
      tpu.yield
    }) : () -> ()
    %add3A_113 = arith.constant 64 : i32
    %add3A_114 = arith.addi %mul3A_14, %add3A_113 : i32
    "tpu.region"() ({
      %run_scoped3A = tpu.sem_alloc : memref<!tpu.dma_semaphore, #tpu.memory_space<semaphore_mem>>
      %dma_start3A = arith.constant 0 : i32
      %dma_start3A_141 = tpu.memref_slice %arg6[%add3A_114, %dma_start3A] : memref<2560x128xi32, #tpu.memory_space<hbm>> -> memref<8x128xi32, #tpu.memory_space<hbm>>
      %dma_start3A_142 = arith.constant 0 : i32
      %dma_start3A_143 = tpu.memref_slice %arg6[%add3A_114, %dma_start3A_142] : memref<2560x128xi32, #tpu.memory_space<hbm>> -> memref<8x128xi32, #tpu.memory_space<hbm>>
      tpu.enqueue_dma source(%dma_start3A_143 : memref<8x128xi32, #tpu.memory_space<hbm>>) target(%arg11 : memref<8x128xi32, #tpu.memory_space<vmem>>) target_semaphore(%run_scoped3A : memref<!tpu.dma_semaphore, #tpu.memory_space<semaphore_mem>>)
      %dma_wait3A = arith.constant 0 : i32
      %dma_wait3A_144 = tpu.memref_slice %arg6[%add3A_114, %dma_wait3A] : memref<2560x128xi32, #tpu.memory_space<hbm>> -> memref<8x128xi32, #tpu.memory_space<hbm>>
      %dma_wait3A_145 = arith.constant 0 : i32
      %dma_wait3A_146 = tpu.memref_slice %arg6[%add3A_114, %dma_wait3A_145] : memref<2560x128xi32, #tpu.memory_space<hbm>> -> memref<8x128xi32, #tpu.memory_space<hbm>>
      tpu.wait_dma2 semaphore(%run_scoped3A : memref<!tpu.dma_semaphore, #tpu.memory_space<semaphore_mem>>) src(%dma_wait3A_146 : memref<8x128xi32, #tpu.memory_space<hbm>>) dst(%arg11 : memref<8x128xi32, #tpu.memory_space<vmem>>)
      tpu.yield
    }) : () -> ()
    %add3A_115 = arith.constant 64 : i32
    %add3A_116 = arith.addi %mul3A_14, %add3A_115 : i32
    "tpu.region"() ({
      %run_scoped3A = tpu.sem_alloc : memref<!tpu.dma_semaphore, #tpu.memory_space<semaphore_mem>>
      %dma_start3A = arith.constant 0 : i32
      %dma_start3A_141 = tpu.memref_slice %arg7[%add3A_116, %dma_start3A] : memref<2560x128xi32, #tpu.memory_space<hbm>> -> memref<8x128xi32, #tpu.memory_space<hbm>>
      %dma_start3A_142 = arith.constant 0 : i32
      %dma_start3A_143 = tpu.memref_slice %arg7[%add3A_116, %dma_start3A_142] : memref<2560x128xi32, #tpu.memory_space<hbm>> -> memref<8x128xi32, #tpu.memory_space<hbm>>
      tpu.enqueue_dma source(%dma_start3A_143 : memref<8x128xi32, #tpu.memory_space<hbm>>) target(%arg12 : memref<8x128xi32, #tpu.memory_space<vmem>>) target_semaphore(%run_scoped3A : memref<!tpu.dma_semaphore, #tpu.memory_space<semaphore_mem>>)
      %dma_wait3A = arith.constant 0 : i32
      %dma_wait3A_144 = tpu.memref_slice %arg7[%add3A_116, %dma_wait3A] : memref<2560x128xi32, #tpu.memory_space<hbm>> -> memref<8x128xi32, #tpu.memory_space<hbm>>
      %dma_wait3A_145 = arith.constant 0 : i32
      %dma_wait3A_146 = tpu.memref_slice %arg7[%add3A_116, %dma_wait3A_145] : memref<2560x128xi32, #tpu.memory_space<hbm>> -> memref<8x128xi32, #tpu.memory_space<hbm>>
      tpu.wait_dma2 semaphore(%run_scoped3A : memref<!tpu.dma_semaphore, #tpu.memory_space<semaphore_mem>>) src(%dma_wait3A_146 : memref<8x128xi32, #tpu.memory_space<hbm>>) dst(%arg12 : memref<8x128xi32, #tpu.memory_space<vmem>>)
      tpu.yield
    }) : () -> ()
    %scan3A_117 = arith.constant 0 : i32
    %scan3A_118 = arith.constant 0 : i32
    %scan3A_119 = arith.constant 8 : i32
    %scan3A_120 = arith.addi %scan3A_118, %scan3A_119 : i32
    %scan3A_121 = arith.constant 1 : i32
    scf.for %scan3A_141 = %scan3A_118 to %scan3A_120 step %scan3A_121  : i32 {
      %dma_start3A = arith.constant 0 : i32
      %dma_start3A_142 = tpu.memref_slice %arg10[%scan3A_141, %dma_start3A] : memref<8x128xi32, #tpu.memory_space<vmem>> -> memref<1x128xi32, #tpu.memory_space<vmem>>
      %dma_start3A_143 = tpu.memref_squeeze %dma_start3A_142 : memref<1x128xi32, #tpu.memory_space<vmem>> -> memref<128xi32, #tpu.memory_space<vmem>>
      %dma_start3A_144 = arith.constant 0 : i32
      %dma_start3A_145 = arith.constant 0 : i32
      %dma_start3A_146 = tpu.memref_slice %arg2[%dma_start3A_144, %dma_start3A_145] : memref<10000x128xf32, #tpu.memory_space<hbm>> -> memref<10000x128xf32, #tpu.memory_space<hbm>>
      tpu.enqueue_indirect_dma source(%dma_start3A_146 : memref<10000x128xf32, #tpu.memory_space<hbm>>) target(%arg13 : memref<128x128xf32, #tpu.memory_space<vmem>>) offsets(%dma_start3A_143 : memref<128xi32, #tpu.memory_space<vmem>>) semaphore(%arg18 : memref<!tpu.dma_semaphore, #tpu.memory_space<semaphore_mem>>)
      %dma_start3A_147 = arith.constant 0 : i32
      %dma_start3A_148 = tpu.memref_slice %arg12[%scan3A_141, %dma_start3A_147] : memref<8x128xi32, #tpu.memory_space<vmem>> -> memref<1x128xi32, #tpu.memory_space<vmem>>
      %dma_start3A_149 = tpu.memref_squeeze %dma_start3A_148 : memref<1x128xi32, #tpu.memory_space<vmem>> -> memref<128xi32, #tpu.memory_space<vmem>>
      %dma_start3A_150 = arith.constant 0 : i32
      %dma_start3A_151 = arith.constant 0 : i32
      %dma_start3A_152 = tpu.memref_slice %arg17[%dma_start3A_150, %dma_start3A_151] : memref<464x128xf32, #tpu.memory_space<vmem_shared>> -> memref<464x128xf32, #tpu.memory_space<vmem_shared>>
      tpu.enqueue_indirect_dma source(%dma_start3A_152 : memref<464x128xf32, #tpu.memory_space<vmem_shared>>) target(%arg14 : memref<128x128xf32, #tpu.memory_space<vmem>>) offsets(%dma_start3A_149 : memref<128xi32, #tpu.memory_space<vmem>>) semaphore(%arg19 : memref<!tpu.dma_semaphore, #tpu.memory_space<semaphore_mem>>)
      %dma_wait3A = arith.constant 0 : i32
      %dma_wait3A_153 = tpu.memref_slice %arg10[%scan3A_141, %dma_wait3A] : memref<8x128xi32, #tpu.memory_space<vmem>> -> memref<1x128xi32, #tpu.memory_space<vmem>>
      %dma_wait3A_154 = tpu.memref_squeeze %dma_wait3A_153 : memref<1x128xi32, #tpu.memory_space<vmem>> -> memref<128xi32, #tpu.memory_space<vmem>>
      %dma_wait3A_155 = arith.constant 0 : i32
      %dma_wait3A_156 = arith.constant 0 : i32
      %dma_wait3A_157 = tpu.memref_slice %arg2[%dma_wait3A_155, %dma_wait3A_156] : memref<10000x128xf32, #tpu.memory_space<hbm>> -> memref<10000x128xf32, #tpu.memory_space<hbm>>
      tpu.wait_indirect_dma semaphore(%arg18 : memref<!tpu.dma_semaphore, #tpu.memory_space<semaphore_mem>>) src(%dma_wait3A_157 : memref<10000x128xf32, #tpu.memory_space<hbm>>) dst(%arg13 : memref<128x128xf32, #tpu.memory_space<vmem>>)
      %dma_wait3A_158 = arith.constant 0 : i32
      %dma_wait3A_159 = tpu.memref_slice %arg12[%scan3A_141, %dma_wait3A_158] : memref<8x128xi32, #tpu.memory_space<vmem>> -> memref<1x128xi32, #tpu.memory_space<vmem>>
      %dma_wait3A_160 = tpu.memref_squeeze %dma_wait3A_159 : memref<1x128xi32, #tpu.memory_space<vmem>> -> memref<128xi32, #tpu.memory_space<vmem>>
      %dma_wait3A_161 = arith.constant 0 : i32
      %dma_wait3A_162 = arith.constant 0 : i32
      %dma_wait3A_163 = tpu.memref_slice %arg17[%dma_wait3A_161, %dma_wait3A_162] : memref<464x128xf32, #tpu.memory_space<vmem_shared>> -> memref<464x128xf32, #tpu.memory_space<vmem_shared>>
      tpu.wait_indirect_dma semaphore(%arg19 : memref<!tpu.dma_semaphore, #tpu.memory_space<semaphore_mem>>) src(%dma_wait3A_163 : memref<464x128xf32, #tpu.memory_space<vmem_shared>>) dst(%arg14 : memref<128x128xf32, #tpu.memory_space<vmem>>)
      %scan3A_164 = arith.constant 0 : i32
      %scan3A_165 = arith.constant 0 : i32
      %scan3A_166 = arith.constant 128 : i32
      %scan3A_167 = arith.addi %scan3A_165, %scan3A_166 : i32
      %scan3A_168 = arith.constant 1 : i32
      scf.for %scan3A_193 = %scan3A_165 to %scan3A_167 step %scan3A_168  : i32 {
        %get3A_194 = arith.index_cast %scan3A_193 : i32 to index
        %get3A_195 = arith.constant 0 : index
        %get3A_196 = tpu.vector_load %arg13[%get3A_194, %get3A_195] {strides = array<i32>} : memref<128x128xf32, #tpu.memory_space<vmem>>, vector<16xf32>,
        %get3A_197 = arith.index_cast %scan3A_193 : i32 to index
        %get3A_198 = arith.constant 0 : index
        %get3A_199 = tpu.vector_load %arg14[%get3A_197, %get3A_198] {strides = array<i32>} : memref<128x128xf32, #tpu.memory_space<vmem>>, vector<16xf32>,
        %add3A_200 = arith.addf %get3A_196, %get3A_199 : vector<16xf32>
        %swap3A = arith.index_cast %scan3A_193 : i32 to index
        %swap3A_201 = arith.constant 0 : index
        %swap3A_202 = tpu.vector_load %arg13[%swap3A, %swap3A_201] {strides = array<i32>} : memref<128x128xf32, #tpu.memory_space<vmem>>, vector<16xf32>,
        tpu.vector_store %arg13[%swap3A, %swap3A_201], %add3A_200 {strides = array<i32>} : memref<128x128xf32, #tpu.memory_space<vmem>>, vector<16xf32>,
        %get3A_203 = arith.index_cast %scan3A_193 : i32 to index
        %get3A_204 = arith.constant 16 : index
        %get3A_205 = tpu.vector_load %arg13[%get3A_203, %get3A_204] {strides = array<i32>} : memref<128x128xf32, #tpu.memory_space<vmem>>, vector<16xf32>,
        %get3A_206 = arith.index_cast %scan3A_193 : i32 to index
        %get3A_207 = arith.constant 16 : index
        %get3A_208 = tpu.vector_load %arg14[%get3A_206, %get3A_207] {strides = array<i32>} : memref<128x128xf32, #tpu.memory_space<vmem>>, vector<16xf32>,
        %add3A_209 = arith.addf %get3A_205, %get3A_208 : vector<16xf32>
        %swap3A_210 = arith.index_cast %scan3A_193 : i32 to index
        %swap3A_211 = arith.constant 16 : index
        %swap3A_212 = tpu.vector_load %arg13[%swap3A_210, %swap3A_211] {strides = array<i32>} : memref<128x128xf32, #tpu.memory_space<vmem>>, vector<16xf32>,
        tpu.vector_store %arg13[%swap3A_210, %swap3A_211], %add3A_209 {strides = array<i32>} : memref<128x128xf32, #tpu.memory_space<vmem>>, vector<16xf32>,
        %get3A_213 = arith.index_cast %scan3A_193 : i32 to index
        %get3A_214 = arith.constant 32 : index
        %get3A_215 = tpu.vector_load %arg13[%get3A_213, %get3A_214] {strides = array<i32>} : memref<128x128xf32, #tpu.memory_space<vmem>>, vector<16xf32>,
        %get3A_216 = arith.index_cast %scan3A_193 : i32 to index
        %get3A_217 = arith.constant 32 : index
        %get3A_218 = tpu.vector_load %arg14[%get3A_216, %get3A_217] {strides = array<i32>} : memref<128x128xf32, #tpu.memory_space<vmem>>, vector<16xf32>,
        %add3A_219 = arith.addf %get3A_215, %get3A_218 : vector<16xf32>
        %swap3A_220 = arith.index_cast %scan3A_193 : i32 to index
        %swap3A_221 = arith.constant 32 : index
        %swap3A_222 = tpu.vector_load %arg13[%swap3A_220, %swap3A_221] {strides = array<i32>} : memref<128x128xf32, #tpu.memory_space<vmem>>, vector<16xf32>,
        tpu.vector_store %arg13[%swap3A_220, %swap3A_221], %add3A_219 {strides = array<i32>} : memref<128x128xf32, #tpu.memory_space<vmem>>, vector<16xf32>,
        %get3A_223 = arith.index_cast %scan3A_193 : i32 to index
        %get3A_224 = arith.constant 48 : index
        %get3A_225 = tpu.vector_load %arg13[%get3A_223, %get3A_224] {strides = array<i32>} : memref<128x128xf32, #tpu.memory_space<vmem>>, vector<16xf32>,
        %get3A_226 = arith.index_cast %scan3A_193 : i32 to index
        %get3A_227 = arith.constant 48 : index
        %get3A_228 = tpu.vector_load %arg14[%get3A_226, %get3A_227] {strides = array<i32>} : memref<128x128xf32, #tpu.memory_space<vmem>>, vector<16xf32>,
        %add3A_229 = arith.addf %get3A_225, %get3A_228 : vector<16xf32>
        %swap3A_230 = arith.index_cast %scan3A_193 : i32 to index
        %swap3A_231 = arith.constant 48 : index
        %swap3A_232 = tpu.vector_load %arg13[%swap3A_230, %swap3A_231] {strides = array<i32>} : memref<128x128xf32, #tpu.memory_space<vmem>>, vector<16xf32>,
        tpu.vector_store %arg13[%swap3A_230, %swap3A_231], %add3A_229 {strides = array<i32>} : memref<128x128xf32, #tpu.memory_space<vmem>>, vector<16xf32>,
        %get3A_233 = arith.index_cast %scan3A_193 : i32 to index
        %get3A_234 = arith.constant 64 : index
        %get3A_235 = tpu.vector_load %arg13[%get3A_233, %get3A_234] {strides = array<i32>} : memref<128x128xf32, #tpu.memory_space<vmem>>, vector<16xf32>,
        %get3A_236 = arith.index_cast %scan3A_193 : i32 to index
        %get3A_237 = arith.constant 64 : index
        %get3A_238 = tpu.vector_load %arg14[%get3A_236, %get3A_237] {strides = array<i32>} : memref<128x128xf32, #tpu.memory_space<vmem>>, vector<16xf32>,
        %add3A_239 = arith.addf %get3A_235, %get3A_238 : vector<16xf32>
        %swap3A_240 = arith.index_cast %scan3A_193 : i32 to index
        %swap3A_241 = arith.constant 64 : index
        %swap3A_242 = tpu.vector_load %arg13[%swap3A_240, %swap3A_241] {strides = array<i32>} : memref<128x128xf32, #tpu.memory_space<vmem>>, vector<16xf32>,
        tpu.vector_store %arg13[%swap3A_240, %swap3A_241], %add3A_239 {strides = array<i32>} : memref<128x128xf32, #tpu.memory_space<vmem>>, vector<16xf32>,
        %get3A_243 = arith.index_cast %scan3A_193 : i32 to index
        %get3A_244 = arith.constant 80 : index
        %get3A_245 = tpu.vector_load %arg13[%get3A_243, %get3A_244] {strides = array<i32>} : memref<128x128xf32, #tpu.memory_space<vmem>>, vector<16xf32>,
        %get3A_246 = arith.index_cast %scan3A_193 : i32 to index
        %get3A_247 = arith.constant 80 : index
        %get3A_248 = tpu.vector_load %arg14[%get3A_246, %get3A_247] {strides = array<i32>} : memref<128x128xf32, #tpu.memory_space<vmem>>, vector<16xf32>,
        %add3A_249 = arith.addf %get3A_245, %get3A_248 : vector<16xf32>
        %swap3A_250 = arith.index_cast %scan3A_193 : i32 to index
        %swap3A_251 = arith.constant 80 : index
        %swap3A_252 = tpu.vector_load %arg13[%swap3A_250, %swap3A_251] {strides = array<i32>} : memref<128x128xf32, #tpu.memory_space<vmem>>, vector<16xf32>,
        tpu.vector_store %arg13[%swap3A_250, %swap3A_251], %add3A_249 {strides = array<i32>} : memref<128x128xf32, #tpu.memory_space<vmem>>, vector<16xf32>,
        %get3A_253 = arith.index_cast %scan3A_193 : i32 to index
        %get3A_254 = arith.constant 96 : index
        %get3A_255 = tpu.vector_load %arg13[%get3A_253, %get3A_254] {strides = array<i32>} : memref<128x128xf32, #tpu.memory_space<vmem>>, vector<16xf32>,
        %get3A_256 = arith.index_cast %scan3A_193 : i32 to index
        %get3A_257 = arith.constant 96 : index
        %get3A_258 = tpu.vector_load %arg14[%get3A_256, %get3A_257] {strides = array<i32>} : memref<128x128xf32, #tpu.memory_space<vmem>>, vector<16xf32>,
        %add3A_259 = arith.addf %get3A_255, %get3A_258 : vector<16xf32>
        %swap3A_260 = arith.index_cast %scan3A_193 : i32 to index
        %swap3A_261 = arith.constant 96 : index
        %swap3A_262 = tpu.vector_load %arg13[%swap3A_260, %swap3A_261] {strides = array<i32>} : memref<128x128xf32, #tpu.memory_space<vmem>>, vector<16xf32>,
        tpu.vector_store %arg13[%swap3A_260, %swap3A_261], %add3A_259 {strides = array<i32>} : memref<128x128xf32, #tpu.memory_space<vmem>>, vector<16xf32>,
        %get3A_263 = arith.index_cast %scan3A_193 : i32 to index
        %get3A_264 = arith.constant 112 : index
        %get3A_265 = tpu.vector_load %arg13[%get3A_263, %get3A_264] {strides = array<i32>} : memref<128x128xf32, #tpu.memory_space<vmem>>, vector<16xf32>,
        %get3A_266 = arith.index_cast %scan3A_193 : i32 to index
        %get3A_267 = arith.constant 112 : index
        %get3A_268 = tpu.vector_load %arg14[%get3A_266, %get3A_267] {strides = array<i32>} : memref<128x128xf32, #tpu.memory_space<vmem>>, vector<16xf32>,
        %add3A_269 = arith.addf %get3A_265, %get3A_268 : vector<16xf32>
        %swap3A_270 = arith.index_cast %scan3A_193 : i32 to index
        %swap3A_271 = arith.constant 112 : index
        %swap3A_272 = tpu.vector_load %arg13[%swap3A_270, %swap3A_271] {strides = array<i32>} : memref<128x128xf32, #tpu.memory_space<vmem>>, vector<16xf32>,
        tpu.vector_store %arg13[%swap3A_270, %swap3A_271], %add3A_269 {strides = array<i32>} : memref<128x128xf32, #tpu.memory_space<vmem>>, vector<16xf32>,
      }
      %scan3A_169 = arith.constant 128 : i32
      "tpu.region"() ({
        %run_scoped3A = tpu.sem_alloc : memref<!tpu.dma_semaphore, #tpu.memory_space<semaphore_mem>>
        %dma_start3A_193 = arith.constant 0 : i32
        %dma_start3A_194 = tpu.memref_slice %arg11[%scan3A_141, %dma_start3A_193] : memref<8x128xi32, #tpu.memory_space<vmem>> -> memref<1x128xi32, #tpu.memory_space<vmem>>
        %dma_start3A_195 = tpu.memref_squeeze %dma_start3A_194 : memref<1x128xi32, #tpu.memory_space<vmem>> -> memref<128xi32, #tpu.memory_space<vmem>>
        %dma_start3A_196 = arith.constant 0 : i32
        %dma_start3A_197 = arith.constant 0 : i32
        %dma_start3A_198 = tpu.memref_slice %arg16[%dma_start3A_196, %dma_start3A_197] : memref<10112x128xf32, #tpu.memory_space<vmem_shared>> -> memref<10112x128xf32, #tpu.memory_space<vmem_shared>>
        tpu.enqueue_indirect_dma source(%arg13 : memref<128x128xf32, #tpu.memory_space<vmem>>) target(%dma_start3A_198 : memref<10112x128xf32, #tpu.memory_space<vmem_shared>>) offsets(%dma_start3A_195 : memref<128xi32, #tpu.memory_space<vmem>>) semaphore(%run_scoped3A : memref<!tpu.dma_semaphore, #tpu.memory_space<semaphore_mem>>) {add = true}
        %dma_wait3A_199 = arith.constant 0 : i32
        %dma_wait3A_200 = tpu.memref_slice %arg11[%scan3A_141, %dma_wait3A_199] : memref<8x128xi32, #tpu.memory_space<vmem>> -> memref<1x128xi32, #tpu.memory_space<vmem>>
        %dma_wait3A_201 = tpu.memref_squeeze %dma_wait3A_200 : memref<1x128xi32, #tpu.memory_space<vmem>> -> memref<128xi32, #tpu.memory_space<vmem>>
        %dma_wait3A_202 = arith.constant 0 : i32
        %dma_wait3A_203 = arith.constant 0 : i32
        %dma_wait3A_204 = tpu.memref_slice %arg16[%dma_wait3A_202, %dma_wait3A_203] : memref<10112x128xf32, #tpu.memory_space<vmem_shared>> -> memref<10112x128xf32, #tpu.memory_space<vmem_shared>>
        tpu.wait_indirect_dma semaphore(%run_scoped3A : memref<!tpu.dma_semaphore, #tpu.memory_space<semaphore_mem>>) src(%arg13 : memref<128x128xf32, #tpu.memory_space<vmem>>) dst(%dma_wait3A_204 : memref<10112x128xf32, #tpu.memory_space<vmem_shared>>)
        tpu.yield
      }) : () -> ()
      %get3A = arith.index_cast %scan3A_141 : i32 to index
      %get3A_170 = arith.constant 0 : index
      %get3A_171 = tpu.vector_load %arg11[%get3A, %get3A_170] {strides = array<i32>} : memref<8x128xi32, #tpu.memory_space<vmem>>, vector<16xi32>,
      tpu.vector_store_idx %arg15[%get3A_171], %broadcast_in_dim3A_7 {add = true} : memref<10112xf32, #tpu.memory_space<vmem>>[vector<16xi32>], vector<16xf32>,
      %get3A_172 = arith.index_cast %scan3A_141 : i32 to index
      %get3A_173 = arith.constant 16 : index
      %get3A_174 = tpu.vector_load %arg11[%get3A_172, %get3A_173] {strides = array<i32>} : memref<8x128xi32, #tpu.memory_space<vmem>>, vector<16xi32>,
      tpu.vector_store_idx %arg15[%get3A_174], %broadcast_in_dim3A_7 {add = true} : memref<10112xf32, #tpu.memory_space<vmem>>[vector<16xi32>], vector<16xf32>,
      %get3A_175 = arith.index_cast %scan3A_141 : i32 to index
      %get3A_176 = arith.constant 32 : index
      %get3A_177 = tpu.vector_load %arg11[%get3A_175, %get3A_176] {strides = array<i32>} : memref<8x128xi32, #tpu.memory_space<vmem>>, vector<16xi32>,
      tpu.vector_store_idx %arg15[%get3A_177], %broadcast_in_dim3A_7 {add = true} : memref<10112xf32, #tpu.memory_space<vmem>>[vector<16xi32>], vector<16xf32>,
      %get3A_178 = arith.index_cast %scan3A_141 : i32 to index
      %get3A_179 = arith.constant 48 : index
      %get3A_180 = tpu.vector_load %arg11[%get3A_178, %get3A_179] {strides = array<i32>} : memref<8x128xi32, #tpu.memory_space<vmem>>, vector<16xi32>,
      tpu.vector_store_idx %arg15[%get3A_180], %broadcast_in_dim3A_7 {add = true} : memref<10112xf32, #tpu.memory_space<vmem>>[vector<16xi32>], vector<16xf32>,
      %get3A_181 = arith.index_cast %scan3A_141 : i32 to index
      %get3A_182 = arith.constant 64 : index
      %get3A_183 = tpu.vector_load %arg11[%get3A_181, %get3A_182] {strides = array<i32>} : memref<8x128xi32, #tpu.memory_space<vmem>>, vector<16xi32>,
      tpu.vector_store_idx %arg15[%get3A_183], %broadcast_in_dim3A_7 {add = true} : memref<10112xf32, #tpu.memory_space<vmem>>[vector<16xi32>], vector<16xf32>,
      %get3A_184 = arith.index_cast %scan3A_141 : i32 to index
      %get3A_185 = arith.constant 80 : index
      %get3A_186 = tpu.vector_load %arg11[%get3A_184, %get3A_185] {strides = array<i32>} : memref<8x128xi32, #tpu.memory_space<vmem>>, vector<16xi32>,
      tpu.vector_store_idx %arg15[%get3A_186], %broadcast_in_dim3A_7 {add = true} : memref<10112xf32, #tpu.memory_space<vmem>>[vector<16xi32>], vector<16xf32>,
      %get3A_187 = arith.index_cast %scan3A_141 : i32 to index
      %get3A_188 = arith.constant 96 : index
      %get3A_189 = tpu.vector_load %arg11[%get3A_187, %get3A_188] {strides = array<i32>} : memref<8x128xi32, #tpu.memory_space<vmem>>, vector<16xi32>,
      tpu.vector_store_idx %arg15[%get3A_189], %broadcast_in_dim3A_7 {add = true} : memref<10112xf32, #tpu.memory_space<vmem>>[vector<16xi32>], vector<16xf32>,
      %get3A_190 = arith.index_cast %scan3A_141 : i32 to index
      %get3A_191 = arith.constant 112 : index
      %get3A_192 = tpu.vector_load %arg11[%get3A_190, %get3A_191] {strides = array<i32>} : memref<8x128xi32, #tpu.memory_space<vmem>>, vector<16xi32>,
      tpu.vector_store_idx %arg15[%get3A_192], %broadcast_in_dim3A_7 {add = true} : memref<10112xf32, #tpu.memory_space<vmem>>[vector<16xi32>], vector<16xf32>,
    }
    %scan3A_122 = arith.constant 8 : i32
    %add3A_123 = arith.constant 72 : i32
    %add3A_124 = arith.addi %mul3A_14, %add3A_123 : i32
    "tpu.region"() ({
      %run_scoped3A = tpu.sem_alloc : memref<!tpu.dma_semaphore, #tpu.memory_space<semaphore_mem>>
      %dma_start3A = arith.constant 0 : i32
      %dma_start3A_141 = tpu.memref_slice %arg5[%add3A_124, %dma_start3A] : memref<2560x128xi32, #tpu.memory_space<hbm>> -> memref<8x128xi32, #tpu.memory_space<hbm>>
      %dma_start3A_142 = arith.constant 0 : i32
      %dma_start3A_143 = tpu.memref_slice %arg5[%add3A_124, %dma_start3A_142] : memref<2560x128xi32, #tpu.memory_space<hbm>> -> memref<8x128xi32, #tpu.memory_space<hbm>>
      tpu.enqueue_dma source(%dma_start3A_143 : memref<8x128xi32, #tpu.memory_space<hbm>>) target(%arg10 : memref<8x128xi32, #tpu.memory_space<vmem>>) target_semaphore(%run_scoped3A : memref<!tpu.dma_semaphore, #tpu.memory_space<semaphore_mem>>)
      %dma_wait3A = arith.constant 0 : i32
      %dma_wait3A_144 = tpu.memref_slice %arg5[%add3A_124, %dma_wait3A] : memref<2560x128xi32, #tpu.memory_space<hbm>> -> memref<8x128xi32, #tpu.memory_space<hbm>>
      %dma_wait3A_145 = arith.constant 0 : i32
      %dma_wait3A_146 = tpu.memref_slice %arg5[%add3A_124, %dma_wait3A_145] : memref<2560x128xi32, #tpu.memory_space<hbm>> -> memref<8x128xi32, #tpu.memory_space<hbm>>
      tpu.wait_dma2 semaphore(%run_scoped3A : memref<!tpu.dma_semaphore, #tpu.memory_space<semaphore_mem>>) src(%dma_wait3A_146 : memref<8x128xi32, #tpu.memory_space<hbm>>) dst(%arg10 : memref<8x128xi32, #tpu.memory_space<vmem>>)
      tpu.yield
    }) : () -> ()
    %add3A_125 = arith.constant 72 : i32
    %add3A_126 = arith.addi %mul3A_14, %add3A_125 : i32
    "tpu.region"() ({
      %run_scoped3A = tpu.sem_alloc : memref<!tpu.dma_semaphore, #tpu.memory_space<semaphore_mem>>
      %dma_start3A = arith.constant 0 : i32
      %dma_start3A_141 = tpu.memref_slice %arg6[%add3A_126, %dma_start3A] : memref<2560x128xi32, #tpu.memory_space<hbm>> -> memref<8x128xi32, #tpu.memory_space<hbm>>
      %dma_start3A_142 = arith.constant 0 : i32
      %dma_start3A_143 = tpu.memref_slice %arg6[%add3A_126, %dma_start3A_142] : memref<2560x128xi32, #tpu.memory_space<hbm>> -> memref<8x128xi32, #tpu.memory_space<hbm>>
      tpu.enqueue_dma source(%dma_start3A_143 : memref<8x128xi32, #tpu.memory_space<hbm>>) target(%arg11 : memref<8x128xi32, #tpu.memory_space<vmem>>) target_semaphore(%run_scoped3A : memref<!tpu.dma_semaphore, #tpu.memory_space<semaphore_mem>>)
      %dma_wait3A = arith.constant 0 : i32
      %dma_wait3A_144 = tpu.memref_slice %arg6[%add3A_126, %dma_wait3A] : memref<2560x128xi32, #tpu.memory_space<hbm>> -> memref<8x128xi32, #tpu.memory_space<hbm>>
      %dma_wait3A_145 = arith.constant 0 : i32
      %dma_wait3A_146 = tpu.memref_slice %arg6[%add3A_126, %dma_wait3A_145] : memref<2560x128xi32, #tpu.memory_space<hbm>> -> memref<8x128xi32, #tpu.memory_space<hbm>>
      tpu.wait_dma2 semaphore(%run_scoped3A : memref<!tpu.dma_semaphore, #tpu.memory_space<semaphore_mem>>) src(%dma_wait3A_146 : memref<8x128xi32, #tpu.memory_space<hbm>>) dst(%arg11 : memref<8x128xi32, #tpu.memory_space<vmem>>)
      tpu.yield
    }) : () -> ()
    %add3A_127 = arith.constant 72 : i32
    %add3A_128 = arith.addi %mul3A_14, %add3A_127 : i32
    "tpu.region"() ({
      %run_scoped3A = tpu.sem_alloc : memref<!tpu.dma_semaphore, #tpu.memory_space<semaphore_mem>>
      %dma_start3A = arith.constant 0 : i32
      %dma_start3A_141 = tpu.memref_slice %arg7[%add3A_128, %dma_start3A] : memref<2560x128xi32, #tpu.memory_space<hbm>> -> memref<8x128xi32, #tpu.memory_space<hbm>>
      %dma_start3A_142 = arith.constant 0 : i32
      %dma_start3A_143 = tpu.memref_slice %arg7[%add3A_128, %dma_start3A_142] : memref<2560x128xi32, #tpu.memory_space<hbm>> -> memref<8x128xi32, #tpu.memory_space<hbm>>
      tpu.enqueue_dma source(%dma_start3A_143 : memref<8x128xi32, #tpu.memory_space<hbm>>) target(%arg12 : memref<8x128xi32, #tpu.memory_space<vmem>>) target_semaphore(%run_scoped3A : memref<!tpu.dma_semaphore, #tpu.memory_space<semaphore_mem>>)
      %dma_wait3A = arith.constant 0 : i32
      %dma_wait3A_144 = tpu.memref_slice %arg7[%add3A_128, %dma_wait3A] : memref<2560x128xi32, #tpu.memory_space<hbm>> -> memref<8x128xi32, #tpu.memory_space<hbm>>
      %dma_wait3A_145 = arith.constant 0 : i32
      %dma_wait3A_146 = tpu.memref_slice %arg7[%add3A_128, %dma_wait3A_145] : memref<2560x128xi32, #tpu.memory_space<hbm>> -> memref<8x128xi32, #tpu.memory_space<hbm>>
      tpu.wait_dma2 semaphore(%run_scoped3A : memref<!tpu.dma_semaphore, #tpu.memory_space<semaphore_mem>>) src(%dma_wait3A_146 : memref<8x128xi32, #tpu.memory_space<hbm>>) dst(%arg12 : memref<8x128xi32, #tpu.memory_space<vmem>>)
      tpu.yield
    }) : () -> ()
    %scan3A_129 = arith.constant 0 : i32
    %scan3A_130 = arith.constant 0 : i32
    %scan3A_131 = arith.constant 8 : i32
    %scan3A_132 = arith.addi %scan3A_130, %scan3A_131 : i32
    %scan3A_133 = arith.constant 1 : i32
    scf.for %scan3A_141 = %scan3A_130 to %scan3A_132 step %scan3A_133  : i32 {
      %dma_start3A = arith.constant 0 : i32
      %dma_start3A_142 = tpu.memref_slice %arg10[%scan3A_141, %dma_start3A] : memref<8x128xi32, #tpu.memory_space<vmem>> -> memref<1x128xi32, #tpu.memory_space<vmem>>
      %dma_start3A_143 = tpu.memref_squeeze %dma_start3A_142 : memref<1x128xi32, #tpu.memory_space<vmem>> -> memref<128xi32, #tpu.memory_space<vmem>>
      %dma_start3A_144 = arith.constant 0 : i32
      %dma_start3A_145 = arith.constant 0 : i32
      %dma_start3A_146 = tpu.memref_slice %arg2[%dma_start3A_144, %dma_start3A_145] : memref<10000x128xf32, #tpu.memory_space<hbm>> -> memref<10000x128xf32, #tpu.memory_space<hbm>>
      tpu.enqueue_indirect_dma source(%dma_start3A_146 : memref<10000x128xf32, #tpu.memory_space<hbm>>) target(%arg13 : memref<128x128xf32, #tpu.memory_space<vmem>>) offsets(%dma_start3A_143 : memref<128xi32, #tpu.memory_space<vmem>>) semaphore(%arg18 : memref<!tpu.dma_semaphore, #tpu.memory_space<semaphore_mem>>)
      %dma_start3A_147 = arith.constant 0 : i32
      %dma_start3A_148 = tpu.memref_slice %arg12[%scan3A_141, %dma_start3A_147] : memref<8x128xi32, #tpu.memory_space<vmem>> -> memref<1x128xi32, #tpu.memory_space<vmem>>
      %dma_start3A_149 = tpu.memref_squeeze %dma_start3A_148 : memref<1x128xi32, #tpu.memory_space<vmem>> -> memref<128xi32, #tpu.memory_space<vmem>>
      %dma_start3A_150 = arith.constant 0 : i32
      %dma_start3A_151 = arith.constant 0 : i32
      %dma_start3A_152 = tpu.memref_slice %arg17[%dma_start3A_150, %dma_start3A_151] : memref<464x128xf32, #tpu.memory_space<vmem_shared>> -> memref<464x128xf32, #tpu.memory_space<vmem_shared>>
      tpu.enqueue_indirect_dma source(%dma_start3A_152 : memref<464x128xf32, #tpu.memory_space<vmem_shared>>) target(%arg14 : memref<128x128xf32, #tpu.memory_space<vmem>>) offsets(%dma_start3A_149 : memref<128xi32, #tpu.memory_space<vmem>>) semaphore(%arg19 : memref<!tpu.dma_semaphore, #tpu.memory_space<semaphore_mem>>)
      %dma_wait3A = arith.constant 0 : i32
      %dma_wait3A_153 = tpu.memref_slice %arg10[%scan3A_141, %dma_wait3A] : memref<8x128xi32, #tpu.memory_space<vmem>> -> memref<1x128xi32, #tpu.memory_space<vmem>>
      %dma_wait3A_154 = tpu.memref_squeeze %dma_wait3A_153 : memref<1x128xi32, #tpu.memory_space<vmem>> -> memref<128xi32, #tpu.memory_space<vmem>>
      %dma_wait3A_155 = arith.constant 0 : i32
      %dma_wait3A_156 = arith.constant 0 : i32
      %dma_wait3A_157 = tpu.memref_slice %arg2[%dma_wait3A_155, %dma_wait3A_156] : memref<10000x128xf32, #tpu.memory_space<hbm>> -> memref<10000x128xf32, #tpu.memory_space<hbm>>
      tpu.wait_indirect_dma semaphore(%arg18 : memref<!tpu.dma_semaphore, #tpu.memory_space<semaphore_mem>>) src(%dma_wait3A_157 : memref<10000x128xf32, #tpu.memory_space<hbm>>) dst(%arg13 : memref<128x128xf32, #tpu.memory_space<vmem>>)
      %dma_wait3A_158 = arith.constant 0 : i32
      %dma_wait3A_159 = tpu.memref_slice %arg12[%scan3A_141, %dma_wait3A_158] : memref<8x128xi32, #tpu.memory_space<vmem>> -> memref<1x128xi32, #tpu.memory_space<vmem>>
      %dma_wait3A_160 = tpu.memref_squeeze %dma_wait3A_159 : memref<1x128xi32, #tpu.memory_space<vmem>> -> memref<128xi32, #tpu.memory_space<vmem>>
      %dma_wait3A_161 = arith.constant 0 : i32
      %dma_wait3A_162 = arith.constant 0 : i32
      %dma_wait3A_163 = tpu.memref_slice %arg17[%dma_wait3A_161, %dma_wait3A_162] : memref<464x128xf32, #tpu.memory_space<vmem_shared>> -> memref<464x128xf32, #tpu.memory_space<vmem_shared>>
      tpu.wait_indirect_dma semaphore(%arg19 : memref<!tpu.dma_semaphore, #tpu.memory_space<semaphore_mem>>) src(%dma_wait3A_163 : memref<464x128xf32, #tpu.memory_space<vmem_shared>>) dst(%arg14 : memref<128x128xf32, #tpu.memory_space<vmem>>)
      %scan3A_164 = arith.constant 0 : i32
      %scan3A_165 = arith.constant 0 : i32
      %scan3A_166 = arith.constant 128 : i32
      %scan3A_167 = arith.addi %scan3A_165, %scan3A_166 : i32
      %scan3A_168 = arith.constant 1 : i32
      scf.for %scan3A_193 = %scan3A_165 to %scan3A_167 step %scan3A_168  : i32 {
        %get3A_194 = arith.index_cast %scan3A_193 : i32 to index
        %get3A_195 = arith.constant 0 : index
        %get3A_196 = tpu.vector_load %arg13[%get3A_194, %get3A_195] {strides = array<i32>} : memref<128x128xf32, #tpu.memory_space<vmem>>, vector<16xf32>,
        %get3A_197 = arith.index_cast %scan3A_193 : i32 to index
        %get3A_198 = arith.constant 0 : index
        %get3A_199 = tpu.vector_load %arg14[%get3A_197, %get3A_198] {strides = array<i32>} : memref<128x128xf32, #tpu.memory_space<vmem>>, vector<16xf32>,
        %add3A_200 = arith.addf %get3A_196, %get3A_199 : vector<16xf32>
        %swap3A = arith.index_cast %scan3A_193 : i32 to index
        %swap3A_201 = arith.constant 0 : index
        %swap3A_202 = tpu.vector_load %arg13[%swap3A, %swap3A_201] {strides = array<i32>} : memref<128x128xf32, #tpu.memory_space<vmem>>, vector<16xf32>,
        tpu.vector_store %arg13[%swap3A, %swap3A_201], %add3A_200 {strides = array<i32>} : memref<128x128xf32, #tpu.memory_space<vmem>>, vector<16xf32>,
        %get3A_203 = arith.index_cast %scan3A_193 : i32 to index
        %get3A_204 = arith.constant 16 : index
        %get3A_205 = tpu.vector_load %arg13[%get3A_203, %get3A_204] {strides = array<i32>} : memref<128x128xf32, #tpu.memory_space<vmem>>, vector<16xf32>,
        %get3A_206 = arith.index_cast %scan3A_193 : i32 to index
        %get3A_207 = arith.constant 16 : index
        %get3A_208 = tpu.vector_load %arg14[%get3A_206, %get3A_207] {strides = array<i32>} : memref<128x128xf32, #tpu.memory_space<vmem>>, vector<16xf32>,
        %add3A_209 = arith.addf %get3A_205, %get3A_208 : vector<16xf32>
        %swap3A_210 = arith.index_cast %scan3A_193 : i32 to index
        %swap3A_211 = arith.constant 16 : index
        %swap3A_212 = tpu.vector_load %arg13[%swap3A_210, %swap3A_211] {strides = array<i32>} : memref<128x128xf32, #tpu.memory_space<vmem>>, vector<16xf32>,
        tpu.vector_store %arg13[%swap3A_210, %swap3A_211], %add3A_209 {strides = array<i32>} : memref<128x128xf32, #tpu.memory_space<vmem>>, vector<16xf32>,
        %get3A_213 = arith.index_cast %scan3A_193 : i32 to index
        %get3A_214 = arith.constant 32 : index
        %get3A_215 = tpu.vector_load %arg13[%get3A_213, %get3A_214] {strides = array<i32>} : memref<128x128xf32, #tpu.memory_space<vmem>>, vector<16xf32>,
        %get3A_216 = arith.index_cast %scan3A_193 : i32 to index
        %get3A_217 = arith.constant 32 : index
        %get3A_218 = tpu.vector_load %arg14[%get3A_216, %get3A_217] {strides = array<i32>} : memref<128x128xf32, #tpu.memory_space<vmem>>, vector<16xf32>,
        %add3A_219 = arith.addf %get3A_215, %get3A_218 : vector<16xf32>
        %swap3A_220 = arith.index_cast %scan3A_193 : i32 to index
        %swap3A_221 = arith.constant 32 : index
        %swap3A_222 = tpu.vector_load %arg13[%swap3A_220, %swap3A_221] {strides = array<i32>} : memref<128x128xf32, #tpu.memory_space<vmem>>, vector<16xf32>,
        tpu.vector_store %arg13[%swap3A_220, %swap3A_221], %add3A_219 {strides = array<i32>} : memref<128x128xf32, #tpu.memory_space<vmem>>, vector<16xf32>,
        %get3A_223 = arith.index_cast %scan3A_193 : i32 to index
        %get3A_224 = arith.constant 48 : index
        %get3A_225 = tpu.vector_load %arg13[%get3A_223, %get3A_224] {strides = array<i32>} : memref<128x128xf32, #tpu.memory_space<vmem>>, vector<16xf32>,
        %get3A_226 = arith.index_cast %scan3A_193 : i32 to index
        %get3A_227 = arith.constant 48 : index
        %get3A_228 = tpu.vector_load %arg14[%get3A_226, %get3A_227] {strides = array<i32>} : memref<128x128xf32, #tpu.memory_space<vmem>>, vector<16xf32>,
        %add3A_229 = arith.addf %get3A_225, %get3A_228 : vector<16xf32>
        %swap3A_230 = arith.index_cast %scan3A_193 : i32 to index
        %swap3A_231 = arith.constant 48 : index
        %swap3A_232 = tpu.vector_load %arg13[%swap3A_230, %swap3A_231] {strides = array<i32>} : memref<128x128xf32, #tpu.memory_space<vmem>>, vector<16xf32>,
        tpu.vector_store %arg13[%swap3A_230, %swap3A_231], %add3A_229 {strides = array<i32>} : memref<128x128xf32, #tpu.memory_space<vmem>>, vector<16xf32>,
        %get3A_233 = arith.index_cast %scan3A_193 : i32 to index
        %get3A_234 = arith.constant 64 : index
        %get3A_235 = tpu.vector_load %arg13[%get3A_233, %get3A_234] {strides = array<i32>} : memref<128x128xf32, #tpu.memory_space<vmem>>, vector<16xf32>,
        %get3A_236 = arith.index_cast %scan3A_193 : i32 to index
        %get3A_237 = arith.constant 64 : index
        %get3A_238 = tpu.vector_load %arg14[%get3A_236, %get3A_237] {strides = array<i32>} : memref<128x128xf32, #tpu.memory_space<vmem>>, vector<16xf32>,
        %add3A_239 = arith.addf %get3A_235, %get3A_238 : vector<16xf32>
        %swap3A_240 = arith.index_cast %scan3A_193 : i32 to index
        %swap3A_241 = arith.constant 64 : index
        %swap3A_242 = tpu.vector_load %arg13[%swap3A_240, %swap3A_241] {strides = array<i32>} : memref<128x128xf32, #tpu.memory_space<vmem>>, vector<16xf32>,
        tpu.vector_store %arg13[%swap3A_240, %swap3A_241], %add3A_239 {strides = array<i32>} : memref<128x128xf32, #tpu.memory_space<vmem>>, vector<16xf32>,
        %get3A_243 = arith.index_cast %scan3A_193 : i32 to index
        %get3A_244 = arith.constant 80 : index
        %get3A_245 = tpu.vector_load %arg13[%get3A_243, %get3A_244] {strides = array<i32>} : memref<128x128xf32, #tpu.memory_space<vmem>>, vector<16xf32>,
        %get3A_246 = arith.index_cast %scan3A_193 : i32 to index
        %get3A_247 = arith.constant 80 : index
        %get3A_248 = tpu.vector_load %arg14[%get3A_246, %get3A_247] {strides = array<i32>} : memref<128x128xf32, #tpu.memory_space<vmem>>, vector<16xf32>,
        %add3A_249 = arith.addf %get3A_245, %get3A_248 : vector<16xf32>
        %swap3A_250 = arith.index_cast %scan3A_193 : i32 to index
        %swap3A_251 = arith.constant 80 : index
        %swap3A_252 = tpu.vector_load %arg13[%swap3A_250, %swap3A_251] {strides = array<i32>} : memref<128x128xf32, #tpu.memory_space<vmem>>, vector<16xf32>,
        tpu.vector_store %arg13[%swap3A_250, %swap3A_251], %add3A_249 {strides = array<i32>} : memref<128x128xf32, #tpu.memory_space<vmem>>, vector<16xf32>,
        %get3A_253 = arith.index_cast %scan3A_193 : i32 to index
        %get3A_254 = arith.constant 96 : index
        %get3A_255 = tpu.vector_load %arg13[%get3A_253, %get3A_254] {strides = array<i32>} : memref<128x128xf32, #tpu.memory_space<vmem>>, vector<16xf32>,
        %get3A_256 = arith.index_cast %scan3A_193 : i32 to index
        %get3A_257 = arith.constant 96 : index
        %get3A_258 = tpu.vector_load %arg14[%get3A_256, %get3A_257] {strides = array<i32>} : memref<128x128xf32, #tpu.memory_space<vmem>>, vector<16xf32>,
        %add3A_259 = arith.addf %get3A_255, %get3A_258 : vector<16xf32>
        %swap3A_260 = arith.index_cast %scan3A_193 : i32 to index
        %swap3A_261 = arith.constant 96 : index
        %swap3A_262 = tpu.vector_load %arg13[%swap3A_260, %swap3A_261] {strides = array<i32>} : memref<128x128xf32, #tpu.memory_space<vmem>>, vector<16xf32>,
        tpu.vector_store %arg13[%swap3A_260, %swap3A_261], %add3A_259 {strides = array<i32>} : memref<128x128xf32, #tpu.memory_space<vmem>>, vector<16xf32>,
        %get3A_263 = arith.index_cast %scan3A_193 : i32 to index
        %get3A_264 = arith.constant 112 : index
        %get3A_265 = tpu.vector_load %arg13[%get3A_263, %get3A_264] {strides = array<i32>} : memref<128x128xf32, #tpu.memory_space<vmem>>, vector<16xf32>,
        %get3A_266 = arith.index_cast %scan3A_193 : i32 to index
        %get3A_267 = arith.constant 112 : index
        %get3A_268 = tpu.vector_load %arg14[%get3A_266, %get3A_267] {strides = array<i32>} : memref<128x128xf32, #tpu.memory_space<vmem>>, vector<16xf32>,
        %add3A_269 = arith.addf %get3A_265, %get3A_268 : vector<16xf32>
        %swap3A_270 = arith.index_cast %scan3A_193 : i32 to index
        %swap3A_271 = arith.constant 112 : index
        %swap3A_272 = tpu.vector_load %arg13[%swap3A_270, %swap3A_271] {strides = array<i32>} : memref<128x128xf32, #tpu.memory_space<vmem>>, vector<16xf32>,
        tpu.vector_store %arg13[%swap3A_270, %swap3A_271], %add3A_269 {strides = array<i32>} : memref<128x128xf32, #tpu.memory_space<vmem>>, vector<16xf32>,
      }
      %scan3A_169 = arith.constant 128 : i32
      "tpu.region"() ({
        %run_scoped3A = tpu.sem_alloc : memref<!tpu.dma_semaphore, #tpu.memory_space<semaphore_mem>>
        %dma_start3A_193 = arith.constant 0 : i32
        %dma_start3A_194 = tpu.memref_slice %arg11[%scan3A_141, %dma_start3A_193] : memref<8x128xi32, #tpu.memory_space<vmem>> -> memref<1x128xi32, #tpu.memory_space<vmem>>
        %dma_start3A_195 = tpu.memref_squeeze %dma_start3A_194 : memref<1x128xi32, #tpu.memory_space<vmem>> -> memref<128xi32, #tpu.memory_space<vmem>>
        %dma_start3A_196 = arith.constant 0 : i32
        %dma_start3A_197 = arith.constant 0 : i32
        %dma_start3A_198 = tpu.memref_slice %arg16[%dma_start3A_196, %dma_start3A_197] : memref<10112x128xf32, #tpu.memory_space<vmem_shared>> -> memref<10112x128xf32, #tpu.memory_space<vmem_shared>>
        tpu.enqueue_indirect_dma source(%arg13 : memref<128x128xf32, #tpu.memory_space<vmem>>) target(%dma_start3A_198 : memref<10112x128xf32, #tpu.memory_space<vmem_shared>>) offsets(%dma_start3A_195 : memref<128xi32, #tpu.memory_space<vmem>>) semaphore(%run_scoped3A : memref<!tpu.dma_semaphore, #tpu.memory_space<semaphore_mem>>) {add = true}
        %dma_wait3A_199 = arith.constant 0 : i32
        %dma_wait3A_200 = tpu.memref_slice %arg11[%scan3A_141, %dma_wait3A_199] : memref<8x128xi32, #tpu.memory_space<vmem>> -> memref<1x128xi32, #tpu.memory_space<vmem>>
        %dma_wait3A_201 = tpu.memref_squeeze %dma_wait3A_200 : memref<1x128xi32, #tpu.memory_space<vmem>> -> memref<128xi32, #tpu.memory_space<vmem>>
        %dma_wait3A_202 = arith.constant 0 : i32
        %dma_wait3A_203 = arith.constant 0 : i32
        %dma_wait3A_204 = tpu.memref_slice %arg16[%dma_wait3A_202, %dma_wait3A_203] : memref<10112x128xf32, #tpu.memory_space<vmem_shared>> -> memref<10112x128xf32, #tpu.memory_space<vmem_shared>>
        tpu.wait_indirect_dma semaphore(%run_scoped3A : memref<!tpu.dma_semaphore, #tpu.memory_space<semaphore_mem>>) src(%arg13 : memref<128x128xf32, #tpu.memory_space<vmem>>) dst(%dma_wait3A_204 : memref<10112x128xf32, #tpu.memory_space<vmem_shared>>)
        tpu.yield
      }) : () -> ()
      %get3A = arith.index_cast %scan3A_141 : i32 to index
      %get3A_170 = arith.constant 0 : index
      %get3A_171 = tpu.vector_load %arg11[%get3A, %get3A_170] {strides = array<i32>} : memref<8x128xi32, #tpu.memory_space<vmem>>, vector<16xi32>,
      tpu.vector_store_idx %arg15[%get3A_171], %broadcast_in_dim3A_7 {add = true} : memref<10112xf32, #tpu.memory_space<vmem>>[vector<16xi32>], vector<16xf32>,
      %get3A_172 = arith.index_cast %scan3A_141 : i32 to index
      %get3A_173 = arith.constant 16 : index
      %get3A_174 = tpu.vector_load %arg11[%get3A_172, %get3A_173] {strides = array<i32>} : memref<8x128xi32, #tpu.memory_space<vmem>>, vector<16xi32>,
      tpu.vector_store_idx %arg15[%get3A_174], %broadcast_in_dim3A_7 {add = true} : memref<10112xf32, #tpu.memory_space<vmem>>[vector<16xi32>], vector<16xf32>,
      %get3A_175 = arith.index_cast %scan3A_141 : i32 to index
      %get3A_176 = arith.constant 32 : index
      %get3A_177 = tpu.vector_load %arg11[%get3A_175, %get3A_176] {strides = array<i32>} : memref<8x128xi32, #tpu.memory_space<vmem>>, vector<16xi32>,
      tpu.vector_store_idx %arg15[%get3A_177], %broadcast_in_dim3A_7 {add = true} : memref<10112xf32, #tpu.memory_space<vmem>>[vector<16xi32>], vector<16xf32>,
      %get3A_178 = arith.index_cast %scan3A_141 : i32 to index
      %get3A_179 = arith.constant 48 : index
      %get3A_180 = tpu.vector_load %arg11[%get3A_178, %get3A_179] {strides = array<i32>} : memref<8x128xi32, #tpu.memory_space<vmem>>, vector<16xi32>,
      tpu.vector_store_idx %arg15[%get3A_180], %broadcast_in_dim3A_7 {add = true} : memref<10112xf32, #tpu.memory_space<vmem>>[vector<16xi32>], vector<16xf32>,
      %get3A_181 = arith.index_cast %scan3A_141 : i32 to index
      %get3A_182 = arith.constant 64 : index
      %get3A_183 = tpu.vector_load %arg11[%get3A_181, %get3A_182] {strides = array<i32>} : memref<8x128xi32, #tpu.memory_space<vmem>>, vector<16xi32>,
      tpu.vector_store_idx %arg15[%get3A_183], %broadcast_in_dim3A_7 {add = true} : memref<10112xf32, #tpu.memory_space<vmem>>[vector<16xi32>], vector<16xf32>,
      %get3A_184 = arith.index_cast %scan3A_141 : i32 to index
      %get3A_185 = arith.constant 80 : index
      %get3A_186 = tpu.vector_load %arg11[%get3A_184, %get3A_185] {strides = array<i32>} : memref<8x128xi32, #tpu.memory_space<vmem>>, vector<16xi32>,
      tpu.vector_store_idx %arg15[%get3A_186], %broadcast_in_dim3A_7 {add = true} : memref<10112xf32, #tpu.memory_space<vmem>>[vector<16xi32>], vector<16xf32>,
      %get3A_187 = arith.index_cast %scan3A_141 : i32 to index
      %get3A_188 = arith.constant 96 : index
      %get3A_189 = tpu.vector_load %arg11[%get3A_187, %get3A_188] {strides = array<i32>} : memref<8x128xi32, #tpu.memory_space<vmem>>, vector<16xi32>,
      tpu.vector_store_idx %arg15[%get3A_189], %broadcast_in_dim3A_7 {add = true} : memref<10112xf32, #tpu.memory_space<vmem>>[vector<16xi32>], vector<16xf32>,
      %get3A_190 = arith.index_cast %scan3A_141 : i32 to index
      %get3A_191 = arith.constant 112 : index
      %get3A_192 = tpu.vector_load %arg11[%get3A_190, %get3A_191] {strides = array<i32>} : memref<8x128xi32, #tpu.memory_space<vmem>>, vector<16xi32>,
      tpu.vector_store_idx %arg15[%get3A_192], %broadcast_in_dim3A_7 {add = true} : memref<10112xf32, #tpu.memory_space<vmem>>[vector<16xi32>], vector<16xf32>,
    }
    %scan3A_134 = arith.constant 8 : i32
    %barrier3A_135 = arith.constant 0 : index
    tpu.barrier barrier_id(%barrier3A_135)
    %mul3A_136 = arith.constant 10112 : i32
    %mul3A_137 = arith.muli %arg0, %mul3A_136 : i32
    %add3A_138 = arith.addi %mul3A_137, %mul3A_2 : i32
    "tpu.region"() ({
      %run_scoped3A = tpu.sem_alloc : memref<!tpu.dma_semaphore, #tpu.memory_space<semaphore_mem>>
      %dma_start3A = arith.constant 0 : i32
      %dma_start3A_141 = tpu.memref_slice %arg8[%add3A_138, %dma_start3A] : memref<20224x128xf32, #tpu.memory_space<hbm>> -> memref<632x128xf32, #tpu.memory_space<hbm>>
      %dma_start3A_142 = arith.constant 0 : i32
      %dma_start3A_143 = tpu.memref_slice %arg16[%mul3A_2, %dma_start3A_142] : memref<10112x128xf32, #tpu.memory_space<vmem_shared>> -> memref<632x128xf32, #tpu.memory_space<vmem_shared>>
      tpu.enqueue_dma source(%dma_start3A_143 : memref<632x128xf32, #tpu.memory_space<vmem_shared>>) target(%dma_start3A_141 : memref<632x128xf32, #tpu.memory_space<hbm>>) target_semaphore(%run_scoped3A : memref<!tpu.dma_semaphore, #tpu.memory_space<semaphore_mem>>)
      %dma_wait3A = arith.constant 0 : i32
      %dma_wait3A_144 = tpu.memref_slice %arg8[%add3A_138, %dma_wait3A] : memref<20224x128xf32, #tpu.memory_space<hbm>> -> memref<632x128xf32, #tpu.memory_space<hbm>>
      %dma_wait3A_145 = arith.constant 0 : i32
      %dma_wait3A_146 = tpu.memref_slice %arg16[%mul3A_2, %dma_wait3A_145] : memref<10112x128xf32, #tpu.memory_space<vmem_shared>> -> memref<632x128xf32, #tpu.memory_space<vmem_shared>>
      tpu.wait_dma2 semaphore(%run_scoped3A : memref<!tpu.dma_semaphore, #tpu.memory_space<semaphore_mem>>) src(%dma_wait3A_146 : memref<632x128xf32, #tpu.memory_space<vmem_shared>>) dst(%dma_wait3A_144 : memref<632x128xf32, #tpu.memory_space<hbm>>)
      tpu.yield
    }) : () -> ()
    %mul3A_139 = arith.constant 10112 : i32
    %mul3A_140 = arith.muli %add3A, %mul3A_139 : i32
    "tpu.region"() ({
      %run_scoped3A = tpu.sem_alloc : memref<!tpu.dma_semaphore, #tpu.memory_space<semaphore_mem>>
      %dma_start3A = tpu.memref_slice %arg9[%mul3A_140] : memref<323584xf32, #tpu.memory_space<hbm>> -> memref<10112xf32, #tpu.memory_space<hbm>>
      %dma_start3A_141 = tpu.memref_slice %arg9[%mul3A_140] : memref<323584xf32, #tpu.memory_space<hbm>> -> memref<10112xf32, #tpu.memory_space<hbm>>
      tpu.enqueue_dma source(%arg15 : memref<10112xf32, #tpu.memory_space<vmem>>) target(%dma_start3A_141 : memref<10112xf32, #tpu.memory_space<hbm>>) target_semaphore(%run_scoped3A : memref<!tpu.dma_semaphore, #tpu.memory_space<semaphore_mem>>)
      %dma_wait3A = tpu.memref_slice %arg9[%mul3A_140] : memref<323584xf32, #tpu.memory_space<hbm>> -> memref<10112xf32, #tpu.memory_space<hbm>>
      %dma_wait3A_142 = tpu.memref_slice %arg9[%mul3A_140] : memref<323584xf32, #tpu.memory_space<hbm>> -> memref<10112xf32, #tpu.memory_space<hbm>>
      tpu.wait_dma2 semaphore(%run_scoped3A : memref<!tpu.dma_semaphore, #tpu.memory_space<semaphore_mem>>) src(%arg15 : memref<10112xf32, #tpu.memory_space<vmem>>) dst(%dma_wait3A_142 : memref<10112xf32, #tpu.memory_space<hbm>>)
      tpu.yield
    }) : () -> ()
    return
  }
}

module attributes {stable_mosaic.version = 14 : i64} {
  func.func @_tc_body(%arg0: i32, %arg1: memref<1x400x128xf32, #tpu.memory_space<vmem>>, %arg2: memref<1x400x128xf32, #tpu.memory_space<vmem>>, %arg3: memref<32x400x1xf32, #tpu.memory_space<vmem>>, %arg4: memref<400x128xf32, #tpu.memory_space<vmem>>, %arg5: memref<128x128xf32, #tpu.memory_space<vmem>>, %arg6: memref<128x128xf32, #tpu.memory_space<vmem>>, %arg7: memref<400x128xf32, #tpu.memory_space<vmem>>) attributes {dimension_semantics = [#tpu.dimension_semantics<arbitrary>], iteration_bounds = array<i64: 25>, scalar_prefetch = 0 : i64, scratch_operands = 0 : i64, tpu.core_type = #tpu.core_type<tc>, window_params = [{transform_indices = @transform_0, window_bounds = array<i64: 1, 400, 128>}, {transform_indices = @transform_1, window_bounds = array<i64: 1, 400, 128>}, {transform_indices = @transform_2, window_bounds = array<i64: 32, 400, 1>}, {transform_indices = @transform_3, window_bounds = array<i64: 400, 128>}, {pipeline_mode = #tpu.pipeline_mode<synchronous>, transform_indices = @transform_4, window_bounds = array<i64: 128, 128>}, {pipeline_mode = #tpu.pipeline_mode<synchronous>, transform_indices = @transform_5, window_bounds = array<i64: 128, 128>}, {transform_indices = @transform_6, window_bounds = array<i64: 400, 128>}]} {
    %get3A = arith.constant 0 : index
    %get3A_0 = arith.constant 0 : index
    %get3A_1 = arith.constant 0 : index
    %get3A_2 = vector.load %arg1[%get3A, %get3A_0, %get3A_1] : memref<1x400x128xf32, #tpu.memory_space<vmem>>, vector<1x400x128xf32>
    %get3A_3 = vector.shape_cast %get3A_2 : vector<1x400x128xf32> to vector<400x128xf32>
    %get3A_4 = arith.constant 0 : index
    %get3A_5 = arith.constant 0 : index
    %get3A_6 = arith.constant 0 : index
    %get3A_7 = vector.load %arg2[%get3A_4, %get3A_5, %get3A_6] : memref<1x400x128xf32, #tpu.memory_space<vmem>>, vector<1x400x128xf32>
    %get3A_8 = vector.shape_cast %get3A_7 : vector<1x400x128xf32> to vector<400x128xf32>
    %add3A = arith.addf %get3A_3, %get3A_8 : vector<400x128xf32>
    %get3A_9 = arith.constant 0 : index
    %get3A_10 = arith.constant 0 : index
    %get3A_11 = arith.constant 0 : index
    %get3A_12 = vector.load %arg3[%get3A_9, %get3A_10, %get3A_11] : memref<32x400x1xf32, #tpu.memory_space<vmem>>, vector<32x400x1xf32>
    %reduce_sum3A = arith.constant dense<0.000000e+00> : vector<400x1xf32>
    %reduce_sum3A_13 = vector.multi_reduction <add>, %get3A_12, %reduce_sum3A [0] : vector<32x400x1xf32> to vector<400x1xf32>
    %max3A = arith.constant 1.000000e+00 : f32
    %max3A_14 = vector.broadcast %max3A : f32 to vector<400x1xf32>
    %max3A_15 = arith.maximumf %reduce_sum3A_13, %max3A_14 : vector<400x1xf32>
    %div3A = arith.constant 1.000000e+00 : f32
    %div3A_16 = vector.broadcast %div3A : f32 to vector<400x1xf32>
    %div3A_17 = arith.divf %div3A_16, %max3A_15 : vector<400x1xf32>
    %mul3A = vector.broadcast %div3A_17 : vector<400x1xf32> to vector<400x128xf32>
    %mul3A_18 = arith.mulf %add3A, %mul3A : vector<400x128xf32>
    %get3A_19 = arith.constant 0 : index
    %get3A_20 = arith.constant 0 : index
    %get3A_21 = vector.load %arg5[%get3A_19, %get3A_20] : memref<128x128xf32, #tpu.memory_space<vmem>>, vector<128x128xf32>
    %dot_general3A = arith.constant dense<0.000000e+00> : vector<400x128xf32>
    %dot_general3A_22 = tpu.matmul %mul3A_18, %get3A_21, %dot_general3A {dimension_numbers = #tpu.dot_dimension_numbers<[1], [0], [0], [1], [0, 0, 1, 1], [], []>, transpose_lhs_hint = false} : vector<400x128xf32>, vector<128x128xf32>, vector<400x128xf32> -> vector<400x128xf32>
    %get3A_23 = arith.constant 0 : index
    %get3A_24 = arith.constant 0 : index
    %get3A_25 = vector.load %arg4[%get3A_23, %get3A_24] : memref<400x128xf32, #tpu.memory_space<vmem>>, vector<400x128xf32>
    %get3A_26 = arith.constant 0 : index
    %get3A_27 = arith.constant 0 : index
    %get3A_28 = vector.load %arg6[%get3A_26, %get3A_27] : memref<128x128xf32, #tpu.memory_space<vmem>>, vector<128x128xf32>
    %dot_general3A_29 = arith.constant dense<0.000000e+00> : vector<400x128xf32>
    %dot_general3A_30 = tpu.matmul %get3A_25, %get3A_28, %dot_general3A_29 {dimension_numbers = #tpu.dot_dimension_numbers<[1], [0], [0], [1], [0, 0, 1, 1], [], []>, transpose_lhs_hint = false} : vector<400x128xf32>, vector<128x128xf32>, vector<400x128xf32> -> vector<400x128xf32>
    %add3A_31 = arith.addf %dot_general3A_22, %dot_general3A_30 : vector<400x128xf32>
    %gt3A = arith.constant 0.000000e+00 : f32
    %gt3A_32 = vector.broadcast %gt3A : f32 to vector<400x128xf32>
    %gt3A_33 = arith.cmpf ogt, %add3A_31, %gt3A_32 : vector<400x128xf32>
    %mul3A_34 = arith.constant 0.229166672 : f32
    %mul3A_35 = vector.broadcast %mul3A_34 : f32 to vector<400x128xf32>
    %mul3A_36 = arith.mulf %add3A_31, %mul3A_35 : vector<400x128xf32>
    %select_n3A = arith.select %gt3A_33, %add3A_31, %mul3A_36 : vector<400x128xi1>, vector<400x128xf32>
    %swap3A = arith.constant 0 : index
    %swap3A_37 = arith.constant 0 : index
    %swap3A_38 = vector.load %arg7[%swap3A, %swap3A_37] : memref<400x128xf32, #tpu.memory_space<vmem>>, vector<400x128xf32>
    tpu.vector_store %arg7[%swap3A, %swap3A_37], %select_n3A {strides = array<i32>} : memref<400x128xf32, #tpu.memory_space<vmem>>, vector<400x128xf32>,
    return
  }
  func.func @transform_0(%arg0: i32) -> (i32, i32, i32) {
    %c0_i32 = arith.constant 0 : i32
    %c0_i32_0 = arith.constant 0 : i32
    %c0_i32_1 = arith.constant 0 : i32
    return %c0_i32, %arg0, %c0_i32_0 : i32, i32, i32
  }
  func.func @transform_1(%arg0: i32) -> (i32, i32, i32) {
    %c1_i32 = arith.constant 1 : i32
    %c0_i32 = arith.constant 0 : i32
    %c0_i32_0 = arith.constant 0 : i32
    return %c1_i32, %arg0, %c0_i32 : i32, i32, i32
  }
  func.func @transform_2(%arg0: i32) -> (i32, i32, i32) {
    %c0_i32 = arith.constant 0 : i32
    %c0_i32_0 = arith.constant 0 : i32
    %c0_i32_1 = arith.constant 0 : i32
    return %c0_i32, %arg0, %c0_i32_0 : i32, i32, i32
  }
  func.func @transform_3(%arg0: i32) -> (i32, i32) {
    %c0_i32 = arith.constant 0 : i32
    %c0_i32_0 = arith.constant 0 : i32
    return %arg0, %c0_i32 : i32, i32
  }
  func.func @transform_4(%arg0: i32) -> (i32, i32) {
    %c0_i32 = arith.constant 0 : i32
    %c0_i32_0 = arith.constant 0 : i32
    %c0_i32_1 = arith.constant 0 : i32
    return %c0_i32, %c0_i32_0 : i32, i32
  }
  func.func @transform_5(%arg0: i32) -> (i32, i32) {
    %c0_i32 = arith.constant 0 : i32
    %c0_i32_0 = arith.constant 0 : i32
    %c0_i32_1 = arith.constant 0 : i32
    return %c0_i32, %c0_i32_0 : i32, i32
  }
  func.func @transform_6(%arg0: i32) -> (i32, i32) {
    %c0_i32 = arith.constant 0 : i32
    %c0_i32_0 = arith.constant 0 : i32
    return %arg0, %c0_i32 : i32, i32
  }
}

</mosaic_0001>

<sc_bundles>
// kernel: kernel.4.cloned.1.call-start
scs
__scs_entry_jumppad:
0x0: {  	(pc) =	sbr.rel $0x88, $3  }
0x1: {  	(tag) =	ssettag $0x0;
	lr =	simm.s32 $0x1  }
0x2: {  	[smem:$0x3F9B] =	sst lr;
	_ =	strace $0xD0000000  }
0x3: {  	_ = 	snop  }
0x4: {  	_ = 	snop  }
0x5: {  	_ = 	snop  }
0x6: {  	_ = 	snop  }
0x7: {  	_ = 	snop  }
__scs_overlays_trampoline_lowered:
0x8: {  	[smem:$0x3FAA] =	sst s0  }
0x9: {  	[smem:$0x3FAB] =	sst s1  }
0xa: {  	[smem:$0x3FAC] =	sst s2  }
0xb: {  	[smem:$0x3FAD] =	sst s3  }
0xc: {  	[smem:$0x3FAE] =	sst s4  }
0xd: {  	[smem:$0x3FAF] =	sst s5  }
0xe: {  	[smem:$0x3FB0] =	sst s6  }
0xf: {  	[smem:$0x3FB1] =	sst s7  }
0x10: {  	[smem:$0x3FB2] =	sst s8  }
0x11: {  	[smem:$0x3FB3] =	sst s9;
	s0 =	simm.s32 @!p0 $0x0  }
0x12: {  	s1 =	sld [smem:$0x3F99];
	s0 =	simm.s32 @p0 $0x1  }
0x13: {  	[smem:$0x3FB4] =	sst s0;
	s0 =	simm.s32 @!p1 $0x0  }
0x14: {  	s2 =	sld [smem:$0x3F98];
	s0 =	simm.s32 @p1 $0x1  }
0x15: {  	[smem:$0x3FB5] =	sst s0;
	s0 =	simm.s32 @!p2 $0x0  }
0x16: {  	s3 =	sld [smem:$0x3FDB];
	s0 =	simm.s32 @p2 $0x1  }
0x17: {  	s4 =	simm.s32 $0x1BF5;
	[smem:$0x3FB7] =	sst s0  }
0x18: {  	s0 =	sld [smem:$0x3F9A];
	_ =	swait.ge [sflag:s4], $0x0  }
0x19: {  	s7 =	sld [smem:$0x3F9B]  }
0x1a: {  	s8 =	sadd.s32 $0xFFFFE003, lr  }
0x1b: {  	s9 =	sadd.s32 $0xFFFFFEF7, lr;
	s5 =	simm.s32 $0xFFFFFFFF;
	p2 =	slt.u32 s8, $0xFFFFF086  }
0x1c: {  	p1 =	slt.u32 s9, $0xF7A;
	s5 =	simm.s32 @!p2 $0x0  }
0x1d: {  	s5 =	simm.s32 @p1 $0x1;
	p0 =	seq.s32 s7, s2  }
0x1e: {  	s7 =	smul.u32 @!p0 $0xF7A, s2;
	p2 =	seq.s32 @!p0 s5, $0x0  }
0x1f: {  	s9 =	smul.u32 $0xF7A, s1;
	s8 =	simm.s32 @!p0 $0x1BF5;
	p2 =	por !p2, p0  }
0x20: {  	[sflag:s8] =	ssyncset.s32 @!p0 $0xFFFFF086;
	s6 =	sadd.s32 @!p0 s3, s7;
	s7 =	simm.s32 @!p0 $0x108  }
0x21: {  	s3 =	sadd.s32 s3, s9;
	s6 =	sadd.s32 @!p0 $0x88, s6;
	s7 =	simm.s32 @p2 $0x1082  }
0x22: {  	[simem:s7], [sflag:s8] =	dma.local @!p0 [hbm:s6], $0xF7A  }
0x23: {  	s9 =	sor.u32 $0xD0000000, s2;
	s6 =	simm.s32 $0x108;
	_ =	swait.ge @!p0 [sflag:s8], $0x0  }
0x24: {  	s3 =	sadd.s32 $0x88, s3;
	s6 =	simm.s32 @!p1 $0x1082;
	[sflag:s4] =	ssyncset.s32 $0xFFFFF086  }
0x25: {  	[simem:s6], [sflag:s4] =	dma.local [hbm:s3], $0xF7A  }
0x26: {  	[smem:$0x3F9B] =	sst s1;
	(tag) =	ssettag s2;
	_ =	strace s9  }
0x27: {  	s1 =	sld [smem:$0x3FAB]  }
0x28: {  	s2 =	sld [smem:$0x3FAC]  }
0x29: {  	s4 =	sld [smem:$0x3FAE]  }
0x2a: {  	p0 =	seq.s32 s5, $0x0;
	s5 =	sld [smem:$0x3FAF]  }
0x2b: {  	s6 =	sld [smem:$0x3FB0]  }
0x2c: {  	s7 =	sld [smem:$0x3FB1]  }
0x2d: {  	s3 =	simm.s32 $0x108;
	s8 =	sld [smem:$0x3FB2]  }
0x2e: {  	s3 =	simm.s32 @!p0 $0x1082;
	s9 =	sld [smem:$0x3FB3]  }
0x2f: {  	lr =	sadd.s32 s0, s3;
	s0 =	sld [smem:$0x3FAA]  }
0x30: {  	s3 =	sld [smem:$0x3FAD]  }
0x31: {  	[smem:$0x3FB6] =	sst s10  }
0x32: {  	s10 =	sld [smem:$0x3FB4];
	_ =	sdelay $0x3  }
0x33: {  	p0 =	seq.s32 s10, $0x1;
	s10 =	sld [smem:$0x3FB6];
	_ =	sdelay $0x3  }
0x34: {  	[smem:$0x3FB6] =	sst s10  }
0x35: {  	s10 =	sld [smem:$0x3FB5];
	_ =	sdelay $0x3  }
0x36: {  	p1 =	seq.s32 s10, $0x1;
	s10 =	sld [smem:$0x3FB6];
	_ =	sdelay $0x3  }
0x37: {  	[smem:$0x3FB6] =	sst s10  }
0x38: {  	s10 =	sld [smem:$0x3FB7]  }
0x39: {  	_ = 	snop;
	(pc) =	sbr.ind lr, $3  }
0x3a: {  	_ = 	snop  }
0x3b: {  	_ = 	snop  }
0x3c: {  	p2 =	seq.s32 s10, $0x1;
	s10 =	sld [smem:$0x3FB6]  }
0x3d: {  	_ =	shalt  }
0x3e: {  	_ =	shalt  }
0x3f: {  	_ =	shalt  }
0x40: {  	_ =	shalt  }
0x41: {  	_ =	shalt  }
0x42: {  	_ =	shalt  }
0x43: {  	_ =	shalt  }
0x44: {  	_ =	shalt  }
0x45: {  	_ =	shalt  }
0x46: {  	_ =	shalt  }
0x47: {  	_ =	shalt  }
0x48: {  	_ =	shalt  }
0x49: {  	_ =	shalt  }
0x4a: {  	_ =	shalt  }
0x4b: {  	_ =	shalt  }
0x4c: {  	_ =	shalt  }
0x4d: {  	_ =	shalt  }
0x4e: {  	_ =	shalt  }
0x4f: {  	_ =	shalt  }
0x50: {  	_ =	shalt  }
0x51: {  	_ =	shalt  }
0x52: {  	_ =	shalt  }
0x53: {  	_ =	shalt  }
0x54: {  	_ =	shalt  }
0x55: {  	_ =	shalt  }
0x56: {  	_ =	shalt  }
0x57: {  	_ =	shalt  }
0x58: {  	_ =	shalt  }
0x59: {  	_ =	shalt  }
0x5a: {  	_ =	shalt  }
0x5b: {  	_ =	shalt  }
0x5c: {  	_ =	shalt  }
0x5d: {  	_ =	shalt  }
0x5e: {  	_ =	shalt  }
0x5f: {  	_ =	shalt  }
0x60: {  	_ =	shalt  }
0x61: {  	_ =	shalt  }
0x62: {  	_ =	shalt  }
0x63: {  	_ =	shalt  }
0x64: {  	_ =	shalt  }
0x65: {  	_ =	shalt  }
0x66: {  	_ =	shalt  }
0x67: {  	_ =	shalt  }
0x68: {  	_ =	shalt  }
0x69: {  	_ =	shalt  }
0x6a: {  	_ =	shalt  }
0x6b: {  	_ =	shalt  }
0x6c: {  	_ =	shalt  }
0x6d: {  	_ =	shalt  }
0x6e: {  	_ =	shalt  }
0x6f: {  	_ =	shalt  }
0x70: {  	_ =	shalt  }
0x71: {  	_ =	shalt  }
0x72: {  	_ =	shalt  }
0x73: {  	_ =	shalt  }
0x74: {  	_ =	shalt  }
0x75: {  	_ =	shalt  }
0x76: {  	_ =	shalt  }
0x77: {  	_ =	shalt  }
0x78: {  	_ =	shalt  }
0x79: {  	_ =	shalt  }
0x7a: {  	_ =	shalt  }
0x7b: {  	_ =	shalt  }
0x7c: {  	_ =	shalt  }
0x7d: {  	_ =	shalt  }
0x7e: {  	_ =	shalt  }
0x7f: {  	_ =	shalt  }
0x80: {  	_ =	shalt  }
0x81: {  	_ =	shalt  }
0x82: {  	_ =	shalt  }
0x83: {  	_ =	shalt  }
0x84: {  	_ =	shalt  }
0x85: {  	_ =	shalt  }
0x86: {  	_ =	shalt  }
0x87: {  	_ =	shalt  }
.Lfunc_end0:
.L_simem_size_0:
called_computation_lowered:
.L_overlay_start_0:
0x88: {  	s2 =	sld [smem:$0x3FD9]  }
0x89: {  	s3 =	sld [smem:$0x3FFE];
	_ =	sdelay $0x1  }
0x8a: {  	s1 =	srdreg.scid  }
0x8b: {  	s0 =	sand.u32 $0x1, s1  }
0x8c: {  	s17 =	sshll.u32 s0, $0xA;
	s2 =	sadd.s32 s3, s2  }
0x8d: {  	s2 =	sadd.s32 s2, s17  }
0x8e: {  	[smem:$0x3FC2] =	sst s2  }
0x8f: {  	_ = 	snop  }
0x90: {  	s2 =	sld [smem:$0x3FC9]  }
0x91: {  	s18 =	sld [smem:$0x3FD0];
	(tm) =	ssettm $0x1  }
0x92: {  	s4 =	sld [smem:$0x3FFB];
	_ =	sdelay $0x3  }
0x93: {  	_ =	strace s4  }
0x94: {  	s4 =	sld [smem:$0x3FFC];
	_ =	sdelay $0x3  }
0x95: {  	_ =	strace s4  }
0x96: {  	s4 =	sld [smem:$0x3FFD];
	_ =	sdelay $0x3  }
0x97: {  	_ =	strace s4  }
0x98: {  	_ =	strace $0x8FFFFFFF  }
0x99: {  	s19 =	sld [smem:$0x3FDB];
	_ =	sdelay $0x1  }
0x9a: {  	s5 =	simm.s32 $_scs_section_size  }
0x9b: {  	s6 =	simm.s32 $_size__tile_overlayer_lowered;
	s7 =	simm.s32 $_tile_overlayer_lowered  }
0x9c: {  	s22 =	simm.s32 $0x1BFF;
	s21 =	sshll.u32 s7, $0x1;
	s4 =	sadd.s32 s5, s19  }
0x9d: {  	s8 =	simm.s32 $0x0;
	s20 =	sshll.u32 s6, $0x1;
	s6 =	sadd.s32 s21, s4  }
0x9e: {  	[timem:s8], [sflag:s22] =	dma.local [hbm:s6], s20  }
0x9f: {  	_ =	swait.ge [sflag:s22], s20  }
0xa0: {  	s5 =	ssub.s32 $0x0, s20;
	[sflag:s22] =	ssyncset.done $0x0  }
0xa1: {  	[sflag:s22] =	ssyncadd.s32 s5;
	_ =	sdelay $0x1  }
0xa2: {  	s23 =	simm.s32 $0x1B8B  }
0xa3: {  	_ =	swait.ge [sflag:s23], $0x1  }
0xa4: {  	[sflag:s23] =	ssyncset.done $0x0  }
0xa5: {  	s25 =	simm.s32 $0x1B8E;
	s24 =	sld [smem:$0x3FFE];
	[sflag:s23] =	ssyncadd.s32 $0xFFFFFFFF  }
0xa6: {  	s26 =	simm.s32 $execute0_lowered;
	[smem:$0x3FD2] =	sst s25  }
0xa7: {  	s6 =	sshll.u32 s26, $0x1;
	_ =	strace $0x80000046;
	[dreg:$0x1] =	wrdreg $0xFFFFFFFF  }
0xa8: {  	s28 =	simm.s32 $_size_execute0_lowered;
	s4 =	sadd.s32 s4, s6;
	[dreg:$0x0] =	wrdreg $0x0  }
0xa9: {  	s6 =	sshll.u32 s28, $0x1;
	[dreg:$0x2] =	wrdreg s4  }
0xaa: {  	[dreg:$0x3] =	wrdreg s6  }
0xab: {  	[dreg:$0x4] =	wrdreg $0xC0  }
0xac: {  	_ =	task [dreg:s8], $0x5FFFF  }
0xad: {  	[dreg:$0x1] =	wrdreg $0xFFFFFFFF  }
0xae: {  	[dreg:$0x0] =	wrdreg $0x60  }
0xaf: {  	[dreg:$0x2] =	wrdreg s2  }
0xb0: {  	[dreg:$0x3] =	wrdreg s24  }
0xb1: {  	[dreg:$0x4] =	wrdreg s18  }
0xb2: {  	[dreg:$0x5] =	wrdreg $0xB3800  }
0xb3: {  	[dreg:$0x6] =	wrdreg $0x1EF800  }
0xb4: {  	[dreg:$0x7] =	wrdreg $0x9  }
0xb5: {  	_ =	task.clear_ibuf [dreg:s8], $0x8FFFF;
	_ =	strace $0x90000046  }
0xb6: {  	s29 =	simm.s32 $0x9;
	_ =	strace $0x80000048  }
0xb7: {  	_ =	swait.ge [sflag:s29], $0x1  }
0xb8: {  	[sflag:s29] =	ssyncadd.s32 $0xFFFFFFFF  }
0xb9: {  	_ =	strace $0x90000048  }
0xba: {  	_ =	sfence  }
0xbb: {  	s30 =	sld [smem:$0x0];
	_ =	sdelay $0x2  }
0xbc: {  	s31 =	sshll.u32 s1, $0xD;
	s1 =	sshrl.u32 s1, $0x2  }
0xbd: {  	s3 =	sand.u32 $0x4000, s31;
	s1 =	sadd.s32 s1, s30  }
0xbe: {  	s0 =	sor.u32 s3, s0;
	s1 =	sshll.u32 s1, $0x11  }
0xbf: {  	s0 =	sor.u32 s1, s0  }
0xc0: {  	s0 =	sadd.s32 $0x8F2B, s0  }
0xc1: {  	[sflag:s0] =	ssyncadd.remote.s32 $0x1  }
0xc2: {  	_ =	sfence.sel $0xFFFF  }
0xc3: {  	[dreg:$0x0] =	wrdreg $0xFFFFFFFF;
	(pc) =	sbr.abs _section_cstart, $3  }
0xc4: {  	[dreg:$0x1] =	wrdreg $0xFFFFFFFF  }
0xc5: {  	_ =	task.clear_ibuf [dreg:s8], $0x2FFFF;
	_ =	strace $0x9FFFFFFF  }
0xc6: {  	(tm) =	ssettm $0x7FFFFFFF  }
0xc7: {  	_ =	shalt  }
tec
execute0_lowered:
.L_overlay_start_1:
0x0: {  	(tag) =	ssettag $0x1  }
0x1: {  	s4 =	rddreg [dreg:$0x1];
	s1 =	srdreg.scid  }
0x2: {  	s0 =	rddreg [dreg:$0x2];
	s5 =	stileid.u32;
	s1 =	sand.u32 $0x1, s1  }
0x3: {  	s2 =	simm.s32 $0x0;
	s3 =	smul.u32 $0x2780, s5;
	s6 =	sshll.u32 s1, $0x4  }
0x4: {  	s30 =	rddreg [dreg:$0x3];
	s7 =	smul.u32 $0x27800, s1;
	s6 =	sor.u32 s5, s6  }
0x5: {  	[smem:$0x7FF] =	sst s2;
	s10 =	smul.u32 $0x500, s6  }
0x6: {  	s2 =	sadd.s32 $0xDC00, s4;
	s8 =	sadd.s32 $0x1E00, s4;
	s1 =	ssub.s32 $0x2, s1  }
0x7: {  	s9 =	sshrl.u32 s1, $0x1;
	s3 =	sadd.s32 s3, s7;
	s12 =	sadd.s32 s2, s10  }
0x8: {  	s11 =	smul.u32 $0x2800, s6;
	s13 =	sadd.s32 s0, s10;
	[dreg:$0x6] =	wrdreg s12  }
0x9: {  	s14 =	sor.u32 $0x80, s10;
	s10 =	sadd.s32 s8, s10;
	[dreg:$0x7] =	wrdreg s13  }
0xa: {  	s9 =	ssub.s32 s1, s9;
	[dreg:$0x8] =	wrdreg s10;
	s15 =	sadd.s32 s2, s14  }
0xb: {  	s1 =	sshrl.u32 s11, $0x3;
	s16 =	sadd.s32 s0, s14;
	[dreg:$0x9] =	wrdreg s15  }
0xc: {  	s7 =	sadd.s32 s8, s14;
	s17 =	sadd.s32 $0x100, s1;
	[dreg:$0xa] =	wrdreg s16  }
0xd: {  	[dreg:$0xb] =	wrdreg s7;
	s18 =	sadd.s32 s2, s17  }
0xe: {  	s19 =	sadd.s32 s0, s17;
	[dreg:$0xc] =	wrdreg s18  }
0xf: {  	s20 =	sadd.s32 $0x180, s1;
	s7 =	sadd.s32 s8, s17;
	[dreg:$0xd] =	wrdreg s19  }
0x10: {  	s21 =	sadd.s32 s2, s20;
	[dreg:$0xe] =	wrdreg s7  }
0x11: {  	p0 =	sne.s32 s5, $0x0;
	s11 =	sadd.s32 s0, s20;
	[dreg:$0xf] =	wrdreg s21  }
0x12: {  	s22 =	sadd.s32 $0x200, s1;
	s10 =	sadd.s32 s8, s20;
	[dreg:$0x10] =	wrdreg s11  }
0x13: {  	s6 =	smul.u32 $0x4F0, s6;
	s23 =	sadd.s32 s2, s22;
	[dreg:$0x11] =	wrdreg s10  }
0x14: {  	s25 =	sadd.s32 $0x280, s1;
	s24 =	sadd.s32 s0, s22;
	[dreg:$0x12] =	wrdreg s23  }
0x15: {  	s12 =	sadd.s32 $0x300, s1;
	s26 =	sadd.s32 s2, s25;
	[dreg:$0x13] =	wrdreg s24  }
0x16: {  	s9 =	smax.u32 s9, $0x1;
	s13 =	sadd.s32 s2, s12;
	[dreg:$0x15] =	wrdreg s26  }
0x17: {  	s14 =	sadd.s32 $0x380, s1;
	s15 =	sadd.s32 s0, s12;
	[dreg:$0x18] =	wrdreg s13  }
0x18: {  	s16 =	sadd.s32 s2, s14;
	s17 =	sadd.s32 s0, s14;
	[dreg:$0x19] =	wrdreg s15  }
0x19: {  	s20 =	sadd.s32 $0x480, s1;
	s7 =	sadd.s32 s8, s22;
	[dreg:$0x1b] =	wrdreg s16  }
0x1a: {  	s11 =	sadd.s32 s0, s25;
	s10 =	sadd.s32 s8, s12;
	[dreg:$0x1c] =	wrdreg s17  }
0x1b: {  	s18 =	sadd.s32 $0x400, s1;
	s31 =	sadd.s32 s2, s20;
	s1 =	rddreg [dreg:$0x4]  }
0x1c: {  	s21 =	sadd.s32 s3, s4;
	s22 =	smul.u32 $0x4F000, s5;
	s23 =	sadd.s32 s6, s4  }
0x1d: {  	s3 =	sadd.s32 $0xBE00, s4;
	s4 =	sadd.s32 $0x17C00, s4;
	s26 =	sshll.u32 s5, $0x6  }
0x1e: {  	s12 =	simm.s32 $0x800;
	s13 =	simm.s32 $0x80;
	[dreg:$0x14] =	wrdreg s7  }
0x1f: {  	s15 =	simm.s32 $0x4C00;
	s16 =	simm.s32 $0x1;
	[dreg:$0x16] =	wrdreg s11  }
0x20: {  	s17 =	simm.s32 $0x2;
	s7 =	sadd.s32 s8, s25;
	[dreg:$0x1a] =	wrdreg s10  }
0x21: {  	s25 =	rddreg [dreg:$0x0];
	s19 =	sadd.s32 s2, s18;
	s28 =	sadd.s32 s0, s18  }
0x22: {  	s29 =	sadd.s32 s8, s18;
	s0 =	sadd.s32 s0, s20;
	s2 =	sadd.s32 s8, s20  }
0x23: {  	s6 =	sor.u32 $0x1C03, s26;
	s10 =	simm.s32 $0x3;
	s11 =	simm.s32 $0x400  }
0x24: {  	s18 =	simm.s32 $0x8C00;
	[dreg:$0x17] =	wrdreg s7;
	s7 =	sadd.s32 s8, s14  }
0x25: {  	[dreg:$0x1e] =	wrdreg s19;
	s24 =	sshrl.u32 s22, $0x2;
	s8 =	sadd.s32 $0x1A400, s23  }
0x26: {  	s14 =	simm.s32 $0xC00;
	s19 =	simm.s32 $0x0;
	[dreg:$0x1d] =	wrdreg s7  }
0x27: {  	v0 =	vimm.f32 $0.0e+00;
	v1 =	vimm.f32 $1.000000000e+00;
	s5 =	sadd.s32 s24, s30;
	s7 =	sadd.s32 $0x24200, s21;
	_ =	strace $0x80000047  }
.LBB2_1:
0x28: {  	s20 =	sshrl.u32 s5, $0x3  }
0x29: {  	[spmem:s20], [sflag:s6] =	dma.local [hbm:s4], $0x2780  }
0x2a: {  	_ =	swait.ge [sflag:s10], $0x2780  }
0x2b: {  	[sflag:s10] =	ssyncset.done $0x0  }
0x2c: {  	s21 =	sshrl.u32 @!p0 s1, $0x3;
	[sflag:s10] =	ssyncadd.s32 $0xFFFFD880  }
0x2d: {  	[spmem:s21], [sflag:s6] =	dma.local @!p0 [hbm:s3], $0x1D00  }
0x2e: {  	s21 =	simm.s32 @!p0 $0x3  }
0x2f: {  	_ =	swait.ge @!p0 [sflag:s21], $0x1D00  }
0x30: {  	[sflag:s21] =	ssyncset.done @!p0 $0x0  }
0x31: {  	s22 =	simm.s32 $0x0;
	[sflag:s21] =	ssyncadd.s32 @!p0 $0xFFFFE300;
	s21 =	simm.s32 $0x40  }
.LBB2_2:
0x32: {  	p1 =	sne.s32 s21, $0x9DC0;
	[tilespmem:s22+$0x8C00] =	vst v0;
	s22 =	smov.u32 s21;
	s21 =	sadd.s32 $0x40, s21  }
.Ltmp0:
0x33: {  	(pc) =	sbr.rel @p1 .LBB2_2-.Ltmp0, $2  }
0x34: {  	_ =	sdelay $0x2  }
0x35: {  	s22 =	sshra.s32 s22, $0x2  }
0x36: {  	[tilespmem:s22+$0x8C00] =	vst v0  }
0x37: {  	[bflag:$0x0] =	sbarrier.arrive $0xFFFF  }
0x38: {  	s21 =	simm.s32 $0x0;
	s23 =	rddreg [dreg:$0x6]  }
0x39: {  	[tilespmem:s21], [sflag:$0x3] =	stream.linear.gather [hbm4b:s23+s21], $0x400, $0x38;
	[tilespmem:$0x1FE00] =	vst v63  }
0x3a: {  	_ =	swait.ge [sflag:s10], $0x400  }
0x3b: {  	[sflag:s10] =	ssyncset.done $0x0  }
0x3c: {  	s24 =	rddreg [dreg:$0x7];
	[sflag:s10] =	ssyncadd.s32 $0xFFFFFC00  }
0x3d: {  	[tilespmem:s11], [sflag:$0x3] =	stream.linear.gather [hbm4b:s24+s21], $0x400, $0x38;
	[tilespmem:$0x1FE00] =	vst v63  }
0x3e: {  	_ =	swait.ge [sflag:s10], $0x400  }
0x3f: {  	[sflag:s10] =	ssyncset.done $0x0  }
0x40: {  	s26 =	rddreg [dreg:$0x8];
	[sflag:s10] =	ssyncadd.s32 $0xFFFFFC00  }
0x41: {  	[tilespmem:s12], [sflag:$0x3] =	stream.linear.gather [hbm4b:s26+s21], $0x400, $0x38;
	[tilespmem:$0x1FE00] =	vst v63  }
0x42: {  	_ =	swait.ge [sflag:s10], $0x400  }
0x43: {  	[sflag:s10] =	ssyncset.done $0x0  }
0x44: {  	[sflag:s10] =	ssyncadd.s32 $0xFFFFFC00  }
.LBB2_4:
0x45: {  	s22 =	sshll.u32 s21, $0x7  }
0x46: {  	[tilespmem:s14], [sflag:$0x1] =	stream.indirect.gather [hbm4b:s25+s13], $0x80, s22, s13, $0xb8;
	[tilespmem:$0x1FE00] =	vst v63  }
0x47: {  	s23 =	sadd.s32 $0x800, s22  }
0x48: {  	[tilespmem:s15], [sflag:$0x2] =	stream.indirect.gather [spmem:s1], $0x80, s23, s13, $0xb8;
	[tilespmem:$0x1FE00] =	vst v63  }
0x49: {  	_ =	swait.ge [sflag:s16], $0x4000  }
0x4a: {  	[sflag:s16] =	ssyncset.done $0x0  }
0x4b: {  	[sflag:s16] =	ssyncadd.s32 $0xFFFFC000  }
0x4c: {  	_ =	swait.ge [sflag:s17], $0x4000  }
0x4d: {  	[sflag:s17] =	ssyncset.done $0x0  }
0x4e: {  	s23 =	simm.s32 $0x0;
	[sflag:s17] =	ssyncadd.s32 $0xFFFFC000  }
0x4f: {  	v9 =	vld [tilespmem:s23+$0x4C00]  }
0x50: {  	v13 =	vld [tilespmem:s23+$0x4C10]  }
0x51: {  	v7 =	vld [tilespmem:s23+$0x4C20]  }
0x52: {  	v6 =	vld [tilespmem:s23+$0x4C30]  }
0x53: {  	v5 =	vld [tilespmem:s23+$0x4C40]  }
0x54: {  	v4 =	vld [tilespmem:s23+$0x4C50]  }
0x55: {  	v3 =	vld [tilespmem:s23+$0x4C60]  }
0x56: {  	v2 =	vld [tilespmem:s23+$0x4C70]  }
0x57: {  	v14 =	vld [tilespmem:s23+$0xC00]  }
0x58: {  	v15 =	vld [tilespmem:s23+$0xC10]  }
0x59: {  	v12 =	vld [tilespmem:s23+$0xC20]  }
0x5a: {  	v11 =	vld [tilespmem:s23+$0xC30]  }
0x5b: {  	v10 =	vld [tilespmem:s23+$0xC40]  }
0x5c: {  	v8 =	vld [tilespmem:s23+$0xC50];
	v14 =	vadd.f32 v9, v14  }
0x5d: {  	s24 =	simm.s32 $0x200;
	v13 =	vadd.f32 v13, v15;
	v9 =	vld [tilespmem:s23+$0xC60]  }
.LBB2_5:
0x5e: {  	s26 =	sshra.s32 s24, $0x2;
	p1 =	sne.s32 s24, $0xFE00;
	[tilespmem:s23+$0xC00] =	vst v14;
	v7 =	vadd.f32 v7, v12;
	v12 =	vld [tilespmem:s23+$0xC70]  }
0x5f: {  	v14 =	vld [tilespmem:s26+$0x4C00];
	[tilespmem:s23+$0xC10] =	vst v13;
	v6 =	vadd.f32 v6, v11  }
0x60: {  	v13 =	vld [tilespmem:s26+$0x4C10];
	[tilespmem:s23+$0xC20] =	vst v7;
	v5 =	vadd.f32 v5, v10  }
0x61: {  	v7 =	vld [tilespmem:s26+$0x4C20];
	[tilespmem:s23+$0xC30] =	vst v6;
	v4 =	vadd.f32 v4, v8  }
0x62: {  	v6 =	vld [tilespmem:s26+$0x4C30];
	[tilespmem:s23+$0xC40] =	vst v5;
	v3 =	vadd.f32 v3, v9  }
0x63: {  	v5 =	vld [tilespmem:s26+$0x4C40];
	[tilespmem:s23+$0xC50] =	vst v4;
	v2 =	vadd.f32 v2, v12  }
0x64: {  	v4 =	vld [tilespmem:s26+$0x4C50];
	[tilespmem:s23+$0xC60] =	vst v3  }
0x65: {  	v3 =	vld [tilespmem:s26+$0x4C60];
	[tilespmem:s23+$0xC70] =	vst v2;
	s23 =	smov.u32 s26  }
0x66: {  	v2 =	vld [tilespmem:s23+$0x4C70]  }
0x67: {  	v8 =	vld [tilespmem:s23+$0xC00]  }
0x68: {  	v9 =	vld [tilespmem:s23+$0xC10]  }
.Ltmp1:
0x69: {  	v12 =	vld [tilespmem:s23+$0xC20];
	(pc) =	sbr.rel @p1 .LBB2_5-.Ltmp1, $4  }
0x6a: {  	v11 =	vld [tilespmem:s23+$0xC30]  }
0x6b: {  	v10 =	vld [tilespmem:s23+$0xC40]  }
0x6c: {  	v14 =	vadd.f32 v14, v8;
	v8 =	vld [tilespmem:s23+$0xC50]  }
0x6d: {  	s24 =	sadd.s32 $0x200, s24;
	v13 =	vadd.f32 v13, v9;
	v9 =	vld [tilespmem:s23+$0xC60]  }
0x6e: {  	[tilespmem:s23+$0xC00] =	vst v14;
	v7 =	vadd.f32 v7, v12;
	v63 =	vld [tilespmem:s23+$0xC70]  }
0x6f: {  	[tilespmem:s23+$0xC10] =	vst v13;
	v6 =	vadd.f32 v6, v11  }
0x70: {  	[tilespmem:s23+$0xC20] =	vst v7;
	v5 =	vadd.f32 v5, v10  }
0x71: {  	[tilespmem:s23+$0xC30] =	vst v6;
	v4 =	vadd.f32 v4, v8  }
0x72: {  	[tilespmem:s23+$0xC40] =	vst v5;
	v3 =	vadd.f32 v3, v9  }
0x73: {  	[tilespmem:s23+$0xC50] =	vst v4;
	v2 =	vadd.f32 v2, v63  }
0x74: {  	[tilespmem:s23+$0xC60] =	vst v3  }
0x75: {  	s26 =	sadd.s32 $0x400, s22;
	[tilespmem:s23+$0xC70] =	vst v2  }
0x76: {  	[spmem:s30] =	stream.indirect.scatter.add.f32 [tilespmem:s14], [sflag:$0x3], $0x80, s26, s13, $0xb8;
	[tilespmem:$0x1FE00] =	vst v63  }
0x77: {  	_ =	swait.ge [sflag:s10], $0x4000  }
0x78: {  	[sflag:s10] =	ssyncset.done $0x0  }
0x79: {  	[sflag:s10] =	ssyncadd.s32 $0xFFFFC000  }
0x7a: {  	v2 =	vld [tilespmem:s22+$0x400];
	_ =	sdelay $0x7  }
0x7b: {  	[tilespmem:v2+s18+$0x0] =	vst.idx.add.f32.msk $0xffff, v1  }
0x7c: {  	v2 =	vld [tilespmem:s22+$0x410];
	_ =	sdelay $0x7  }
0x7d: {  	[tilespmem:v2+s18+$0x0] =	vst.idx.add.f32.msk $0xffff, v1  }
0x7e: {  	v2 =	vld [tilespmem:s22+$0x420];
	_ =	sdelay $0x7  }
0x7f: {  	[tilespmem:v2+s18+$0x0] =	vst.idx.add.f32.msk $0xffff, v1  }
0x80: {  	v2 =	vld [tilespmem:s22+$0x430];
	_ =	sdelay $0x7  }
0x81: {  	[tilespmem:v2+s18+$0x0] =	vst.idx.add.f32.msk $0xffff, v1  }
0x82: {  	v2 =	vld [tilespmem:s22+$0x440];
	_ =	sdelay $0x7  }
0x83: {  	[tilespmem:v2+s18+$0x0] =	vst.idx.add.f32.msk $0xffff, v1  }
0x84: {  	v2 =	vld [tilespmem:s22+$0x450];
	_ =	sdelay $0x7  }
0x85: {  	[tilespmem:v2+s18+$0x0] =	vst.idx.add.f32.msk $0xffff, v1  }
0x86: {  	v2 =	vld [tilespmem:s22+$0x460];
	_ =	sdelay $0x7  }
0x87: {  	[tilespmem:v2+s18+$0x0] =	vst.idx.add.f32.msk $0xffff, v1  }
0x88: {  	v2 =	vld [tilespmem:s22+$0x470];
	_ =	sdelay $0x1  }
0x89: {  	s21 =	sadd.s32 $0x1, s21  }
0x8a: {  	p1 =	sne.s32 s21, $0x8  }
.Ltmp2:
0x8b: {  	_ = 	snop;
	(pc) =	sbr.rel @p1 .LBB2_4-.Ltmp2, $2  }
0x8c: {  	_ =	sdelay $0x2  }
0x8d: {  	[tilespmem:v2+s18+$0x0] =	vst.idx.add.f32.msk $0xffff, v1  }
0x8e: {  	s21 =	simm.s32 $0x0;
	s22 =	rddreg [dreg:$0x9]  }
0x8f: {  	[tilespmem:s21], [sflag:$0x3] =	stream.linear.gather [hbm4b:s22+s21], $0x400, $0x38;
	[tilespmem:$0x1FE00] =	vst v63  }
0x90: {  	_ =	swait.ge [sflag:s10], $0x400  }
0x91: {  	[sflag:s10] =	ssyncset.done $0x0  }
0x92: {  	s24 =	rddreg [dreg:$0xa];
	[sflag:s10] =	ssyncadd.s32 $0xFFFFFC00  }
0x93: {  	[tilespmem:s11], [sflag:$0x3] =	stream.linear.gather [hbm4b:s24+s21], $0x400, $0x38;
	[tilespmem:$0x1FE00] =	vst v63  }
0x94: {  	_ =	swait.ge [sflag:s10], $0x400  }
0x95: {  	[sflag:s10] =	ssyncset.done $0x0  }
0x96: {  	s26 =	rddreg [dreg:$0xb];
	[sflag:s10] =	ssyncadd.s32 $0xFFFFFC00  }
0x97: {  	[tilespmem:s12], [sflag:$0x3] =	stream.linear.gather [hbm4b:s26+s21], $0x400, $0x38;
	[tilespmem:$0x1FE00] =	vst v63  }
0x98: {  	_ =	swait.ge [sflag:s10], $0x400  }
0x99: {  	[sflag:s10] =	ssyncset.done $0x0  }
0x9a: {  	[sflag:s10] =	ssyncadd.s32 $0xFFFFFC00  }
.LBB2_8:
0x9b: {  	s22 =	sshll.u32 s21, $0x7  }
0x9c: {  	[tilespmem:s14], [sflag:$0x1] =	stream.indirect.gather [hbm4b:s25+s13], $0x80, s22, s13, $0xb8;
	[tilespmem:$0x1FE00] =	vst v63  }
0x9d: {  	s23 =	sadd.s32 $0x800, s22  }
0x9e: {  	[tilespmem:s15], [sflag:$0x2] =	stream.indirect.gather [spmem:s1], $0x80, s23, s13, $0xb8;
	[tilespmem:$0x1FE00] =	vst v63  }
0x9f: {  	_ =	swait.ge [sflag:s16], $0x4000  }
0xa0: {  	[sflag:s16] =	ssyncset.done $0x0  }
0xa1: {  	[sflag:s16] =	ssyncadd.s32 $0xFFFFC000  }
0xa2: {  	_ =	swait.ge [sflag:s17], $0x4000  }
0xa3: {  	[sflag:s17] =	ssyncset.done $0x0  }
0xa4: {  	s23 =	simm.s32 $0x0;
	[sflag:s17] =	ssyncadd.s32 $0xFFFFC000  }
0xa5: {  	v9 =	vld [tilespmem:s23+$0x4C00]  }
0xa6: {  	v13 =	vld [tilespmem:s23+$0x4C10]  }
0xa7: {  	v7 =	vld [tilespmem:s23+$0x4C20]  }
0xa8: {  	v6 =	vld [tilespmem:s23+$0x4C30]  }
0xa9: {  	v5 =	vld [tilespmem:s23+$0x4C40]  }
0xaa: {  	v4 =	vld [tilespmem:s23+$0x4C50]  }
0xab: {  	v3 =	vld [tilespmem:s23+$0x4C60]  }
0xac: {  	v2 =	vld [tilespmem:s23+$0x4C70]  }
0xad: {  	v14 =	vld [tilespmem:s23+$0xC00]  }
0xae: {  	v15 =	vld [tilespmem:s23+$0xC10]  }
0xaf: {  	v12 =	vld [tilespmem:s23+$0xC20]  }
0xb0: {  	v11 =	vld [tilespmem:s23+$0xC30]  }
0xb1: {  	v10 =	vld [tilespmem:s23+$0xC40]  }
0xb2: {  	v8 =	vld [tilespmem:s23+$0xC50];
	v14 =	vadd.f32 v9, v14  }
0xb3: {  	s24 =	simm.s32 $0x200;
	v13 =	vadd.f32 v13, v15;
	v9 =	vld [tilespmem:s23+$0xC60]  }
.LBB2_9:
0xb4: {  	s26 =	sshra.s32 s24, $0x2;
	p1 =	sne.s32 s24, $0xFE00;
	[tilespmem:s23+$0xC00] =	vst v14;
	v7 =	vadd.f32 v7, v12;
	v12 =	vld [tilespmem:s23+$0xC70]  }
0xb5: {  	v14 =	vld [tilespmem:s26+$0x4C00];
	[tilespmem:s23+$0xC10] =	vst v13;
	v6 =	vadd.f32 v6, v11  }
0xb6: {  	v13 =	vld [tilespmem:s26+$0x4C10];
	[tilespmem:s23+$0xC20] =	vst v7;
	v5 =	vadd.f32 v5, v10  }
0xb7: {  	v7 =	vld [tilespmem:s26+$0x4C20];
	[tilespmem:s23+$0xC30] =	vst v6;
	v4 =	vadd.f32 v4, v8  }
0xb8: {  	v6 =	vld [tilespmem:s26+$0x4C30];
	[tilespmem:s23+$0xC40] =	vst v5;
	v3 =	vadd.f32 v3, v9  }
0xb9: {  	v5 =	vld [tilespmem:s26+$0x4C40];
	[tilespmem:s23+$0xC50] =	vst v4;
	v2 =	vadd.f32 v2, v12  }
0xba: {  	v4 =	vld [tilespmem:s26+$0x4C50];
	[tilespmem:s23+$0xC60] =	vst v3  }
0xbb: {  	v3 =	vld [tilespmem:s26+$0x4C60];
	[tilespmem:s23+$0xC70] =	vst v2;
	s23 =	smov.u32 s26  }
0xbc: {  	v2 =	vld [tilespmem:s23+$0x4C70]  }
0xbd: {  	v8 =	vld [tilespmem:s23+$0xC00]  }
0xbe: {  	v9 =	vld [tilespmem:s23+$0xC10]  }
.Ltmp3:
0xbf: {  	v12 =	vld [tilespmem:s23+$0xC20];
	(pc) =	sbr.rel @p1 .LBB2_9-.Ltmp3, $4  }
0xc0: {  	v11 =	vld [tilespmem:s23+$0xC30]  }
0xc1: {  	v10 =	vld [tilespmem:s23+$0xC40]  }
0xc2: {  	v14 =	vadd.f32 v14, v8;
	v8 =	vld [tilespmem:s23+$0xC50]  }
0xc3: {  	s24 =	sadd.s32 $0x200, s24;
	v13 =	vadd.f32 v13, v9;
	v9 =	vld [tilespmem:s23+$0xC60]  }
0xc4: {  	[tilespmem:s23+$0xC00] =	vst v14;
	v7 =	vadd.f32 v7, v12;
	v63 =	vld [tilespmem:s23+$0xC70]  }
0xc5: {  	[tilespmem:s23+$0xC10] =	vst v13;
	v6 =	vadd.f32 v6, v11  }
0xc6: {  	[tilespmem:s23+$0xC20] =	vst v7;
	v5 =	vadd.f32 v5, v10  }
0xc7: {  	[tilespmem:s23+$0xC30] =	vst v6;
	v4 =	vadd.f32 v4, v8  }
0xc8: {  	[tilespmem:s23+$0xC40] =	vst v5;
	v3 =	vadd.f32 v3, v9  }
0xc9: {  	[tilespmem:s23+$0xC50] =	vst v4;
	v2 =	vadd.f32 v2, v63  }
0xca: {  	[tilespmem:s23+$0xC60] =	vst v3  }
0xcb: {  	s26 =	sadd.s32 $0x400, s22;
	[tilespmem:s23+$0xC70] =	vst v2  }
0xcc: {  	[spmem:s30] =	stream.indirect.scatter.add.f32 [tilespmem:s14], [sflag:$0x3], $0x80, s26, s13, $0xb8;
	[tilespmem:$0x1FE00] =	vst v63  }
0xcd: {  	_ =	swait.ge [sflag:s10], $0x4000  }
0xce: {  	[sflag:s10] =	ssyncset.done $0x0  }
0xcf: {  	[sflag:s10] =	ssyncadd.s32 $0xFFFFC000  }
0xd0: {  	v2 =	vld [tilespmem:s22+$0x400];
	_ =	sdelay $0x7  }
0xd1: {  	[tilespmem:v2+s18+$0x0] =	vst.idx.add.f32.msk $0xffff, v1  }
0xd2: {  	v2 =	vld [tilespmem:s22+$0x410];
	_ =	sdelay $0x7  }
0xd3: {  	[tilespmem:v2+s18+$0x0] =	vst.idx.add.f32.msk $0xffff, v1  }
0xd4: {  	v2 =	vld [tilespmem:s22+$0x420];
	_ =	sdelay $0x7  }
0xd5: {  	[tilespmem:v2+s18+$0x0] =	vst.idx.add.f32.msk $0xffff, v1  }
0xd6: {  	v2 =	vld [tilespmem:s22+$0x430];
	_ =	sdelay $0x7  }
0xd7: {  	[tilespmem:v2+s18+$0x0] =	vst.idx.add.f32.msk $0xffff, v1  }
0xd8: {  	v2 =	vld [tilespmem:s22+$0x440];
	_ =	sdelay $0x7  }
0xd9: {  	[tilespmem:v2+s18+$0x0] =	vst.idx.add.f32.msk $0xffff, v1  }
0xda: {  	v2 =	vld [tilespmem:s22+$0x450];
	_ =	sdelay $0x7  }
0xdb: {  	[tilespmem:v2+s18+$0x0] =	vst.idx.add.f32.msk $0xffff, v1  }
0xdc: {  	v2 =	vld [tilespmem:s22+$0x460];
	_ =	sdelay $0x7  }
0xdd: {  	[tilespmem:v2+s18+$0x0] =	vst.idx.add.f32.msk $0xffff, v1  }
0xde: {  	v2 =	vld [tilespmem:s22+$0x470];
	_ =	sdelay $0x1  }
0xdf: {  	s21 =	sadd.s32 $0x1, s21  }
0xe0: {  	p1 =	sne.s32 s21, $0x8  }
.Ltmp4:
0xe1: {  	_ = 	snop;
	(pc) =	sbr.rel @p1 .LBB2_8-.Ltmp4, $2  }
0xe2: {  	_ =	sdelay $0x2  }
0xe3: {  	[tilespmem:v2+s18+$0x0] =	vst.idx.add.f32.msk $0xffff, v1  }
0xe4: {  	s21 =	simm.s32 $0x0;
	s22 =	rddreg [dreg:$0xc]  }
0xe5: {  	[tilespmem:s21], [sflag:$0x3] =	stream.linear.gather [hbm4b:s22+s21], $0x400, $0x38;
	[tilespmem:$0x1FE00] =	vst v63  }
0xe6: {  	_ =	swait.ge [sflag:s10], $0x400  }
0xe7: {  	[sflag:s10] =	ssyncset.done $0x0  }
0xe8: {  	s24 =	rddreg [dreg:$0xd];
	[sflag:s10] =	ssyncadd.s32 $0xFFFFFC00  }
0xe9: {  	[tilespmem:s11], [sflag:$0x3] =	stream.linear.gather [hbm4b:s24+s21], $0x400, $0x38;
	[tilespmem:$0x1FE00] =	vst v63  }
0xea: {  	_ =	swait.ge [sflag:s10], $0x400  }
0xeb: {  	[sflag:s10] =	ssyncset.done $0x0  }
0xec: {  	s26 =	rddreg [dreg:$0xe];
	[sflag:s10] =	ssyncadd.s32 $0xFFFFFC00  }
0xed: {  	[tilespmem:s12], [sflag:$0x3] =	stream.linear.gather [hbm4b:s26+s21], $0x400, $0x38;
	[tilespmem:$0x1FE00] =	vst v63  }
0xee: {  	_ =	swait.ge [sflag:s10], $0x400  }
0xef: {  	[sflag:s10] =	ssyncset.done $0x0  }
0xf0: {  	[sflag:s10] =	ssyncadd.s32 $0xFFFFFC00  }
.LBB2_12:
0xf1: {  	s22 =	sshll.u32 s21, $0x7  }
0xf2: {  	[tilespmem:s14], [sflag:$0x1] =	stream.indirect.gather [hbm4b:s25+s13], $0x80, s22, s13, $0xb8;
	[tilespmem:$0x1FE00] =	vst v63  }
0xf3: {  	s23 =	sadd.s32 $0x800, s22  }
0xf4: {  	[tilespmem:s15], [sflag:$0x2] =	stream.indirect.gather [spmem:s1], $0x80, s23, s13, $0xb8;
	[tilespmem:$0x1FE00] =	vst v63  }
0xf5: {  	_ =	swait.ge [sflag:s16], $0x4000  }
0xf6: {  	[sflag:s16] =	ssyncset.done $0x0  }
0xf7: {  	[sflag:s16] =	ssyncadd.s32 $0xFFFFC000  }
0xf8: {  	_ =	swait.ge [sflag:s17], $0x4000  }
0xf9: {  	[sflag:s17] =	ssyncset.done $0x0  }
0xfa: {  	s23 =	simm.s32 $0x0;
	[sflag:s17] =	ssyncadd.s32 $0xFFFFC000  }
0xfb: {  	v9 =	vld [tilespmem:s23+$0x4C00]  }
0xfc: {  	v13 =	vld [tilespmem:s23+$0x4C10]  }
0xfd: {  	v7 =	vld [tilespmem:s23+$0x4C20]  }
0xfe: {  	v6 =	vld [tilespmem:s23+$0x4C30]  }
0xff: {  	v5 =	vld [tilespmem:s23+$0x4C40]  }
0x100: {  	v4 =	vld [tilespmem:s23+$0x4C50]  }
0x101: {  	v3 =	vld [tilespmem:s23+$0x4C60]  }
0x102: {  	v2 =	vld [tilespmem:s23+$0x4C70]  }
0x103: {  	v14 =	vld [tilespmem:s23+$0xC00]  }
0x104: {  	v15 =	vld [tilespmem:s23+$0xC10]  }
0x105: {  	v12 =	vld [tilespmem:s23+$0xC20]  }
0x106: {  	v11 =	vld [tilespmem:s23+$0xC30]  }
0x107: {  	v10 =	vld [tilespmem:s23+$0xC40]  }
0x108: {  	v8 =	vld [tilespmem:s23+$0xC50];
	v14 =	vadd.f32 v9, v14  }
0x109: {  	s24 =	simm.s32 $0x200;
	v13 =	vadd.f32 v13, v15;
	v9 =	vld [tilespmem:s23+$0xC60]  }
.LBB2_13:
0x10a: {  	s26 =	sshra.s32 s24, $0x2;
	p1 =	sne.s32 s24, $0xFE00;
	[tilespmem:s23+$0xC00] =	vst v14;
	v7 =	vadd.f32 v7, v12;
	v12 =	vld [tilespmem:s23+$0xC70]  }
0x10b: {  	v14 =	vld [tilespmem:s26+$0x4C00];
	[tilespmem:s23+$0xC10] =	vst v13;
	v6 =	vadd.f32 v6, v11  }
0x10c: {  	v13 =	vld [tilespmem:s26+$0x4C10];
	[tilespmem:s23+$0xC20] =	vst v7;
	v5 =	vadd.f32 v5, v10  }
0x10d: {  	v7 =	vld [tilespmem:s26+$0x4C20];
	[tilespmem:s23+$0xC30] =	vst v6;
	v4 =	vadd.f32 v4, v8  }
0x10e: {  	v6 =	vld [tilespmem:s26+$0x4C30];
	[tilespmem:s23+$0xC40] =	vst v5;
	v3 =	vadd.f32 v3, v9  }
0x10f: {  	v5 =	vld [tilespmem:s26+$0x4C40];
	[tilespmem:s23+$0xC50] =	vst v4;
	v2 =	vadd.f32 v2, v12  }
0x110: {  	v4 =	vld [tilespmem:s26+$0x4C50];
	[tilespmem:s23+$0xC60] =	vst v3  }
0x111: {  	v3 =	vld [tilespmem:s26+$0x4C60];
	[tilespmem:s23+$0xC70] =	vst v2;
	s23 =	smov.u32 s26  }
0x112: {  	v2 =	vld [tilespmem:s23+$0x4C70]  }
0x113: {  	v8 =	vld [tilespmem:s23+$0xC00]  }
0x114: {  	v9 =	vld [tilespmem:s23+$0xC10]  }
.Ltmp5:
0x115: {  	v12 =	vld [tilespmem:s23+$0xC20];
	(pc) =	sbr.rel @p1 .LBB2_13-.Ltmp5, $4  }
0x116: {  	v11 =	vld [tilespmem:s23+$0xC30]  }
0x117: {  	v10 =	vld [tilespmem:s23+$0xC40]  }
0x118: {  	v14 =	vadd.f32 v14, v8;
	v8 =	vld [tilespmem:s23+$0xC50]  }
0x119: {  	s24 =	sadd.s32 $0x200, s24;
	v13 =	vadd.f32 v13, v9;
	v9 =	vld [tilespmem:s23+$0xC60]  }
0x11a: {  	[tilespmem:s23+$0xC00] =	vst v14;
	v7 =	vadd.f32 v7, v12;
	v63 =	vld [tilespmem:s23+$0xC70]  }
0x11b: {  	[tilespmem:s23+$0xC10] =	vst v13;
	v6 =	vadd.f32 v6, v11  }
0x11c: {  	[tilespmem:s23+$0xC20] =	vst v7;
	v5 =	vadd.f32 v5, v10  }
0x11d: {  	[tilespmem:s23+$0xC30] =	vst v6;
	v4 =	vadd.f32 v4, v8  }
0x11e: {  	[tilespmem:s23+$0xC40] =	vst v5;
	v3 =	vadd.f32 v3, v9  }
0x11f: {  	[tilespmem:s23+$0xC50] =	vst v4;
	v2 =	vadd.f32 v2, v63  }
0x120: {  	[tilespmem:s23+$0xC60] =	vst v3  }
0x121: {  	s26 =	sadd.s32 $0x400, s22;
	[tilespmem:s23+$0xC70] =	vst v2  }
0x122: {  	[spmem:s30] =	stream.indirect.scatter.add.f32 [tilespmem:s14], [sflag:$0x3], $0x80, s26, s13, $0xb8;
	[tilespmem:$0x1FE00] =	vst v63  }
0x123: {  	_ =	swait.ge [sflag:s10], $0x4000  }
0x124: {  	[sflag:s10] =	ssyncset.done $0x0  }
0x125: {  	[sflag:s10] =	ssyncadd.s32 $0xFFFFC000  }
0x126: {  	v2 =	vld [tilespmem:s22+$0x400];
	_ =	sdelay $0x7  }
0x127: {  	[tilespmem:v2+s18+$0x0] =	vst.idx.add.f32.msk $0xffff, v1  }
0x128: {  	v2 =	vld [tilespmem:s22+$0x410];
	_ =	sdelay $0x7  }
0x129: {  	[tilespmem:v2+s18+$0x0] =	vst.idx.add.f32.msk $0xffff, v1  }
0x12a: {  	v2 =	vld [tilespmem:s22+$0x420];
	_ =	sdelay $0x7  }
0x12b: {  	[tilespmem:v2+s18+$0x0] =	vst.idx.add.f32.msk $0xffff, v1  }
0x12c: {  	v2 =	vld [tilespmem:s22+$0x430];
	_ =	sdelay $0x7  }
0x12d: {  	[tilespmem:v2+s18+$0x0] =	vst.idx.add.f32.msk $0xffff, v1  }
0x12e: {  	v2 =	vld [tilespmem:s22+$0x440];
	_ =	sdelay $0x7  }
0x12f: {  	[tilespmem:v2+s18+$0x0] =	vst.idx.add.f32.msk $0xffff, v1  }
0x130: {  	v2 =	vld [tilespmem:s22+$0x450];
	_ =	sdelay $0x7  }
0x131: {  	[tilespmem:v2+s18+$0x0] =	vst.idx.add.f32.msk $0xffff, v1  }
0x132: {  	v2 =	vld [tilespmem:s22+$0x460];
	_ =	sdelay $0x7  }
0x133: {  	[tilespmem:v2+s18+$0x0] =	vst.idx.add.f32.msk $0xffff, v1  }
0x134: {  	v2 =	vld [tilespmem:s22+$0x470];
	_ =	sdelay $0x1  }
0x135: {  	s21 =	sadd.s32 $0x1, s21  }
0x136: {  	p1 =	sne.s32 s21, $0x8  }
.Ltmp6:
0x137: {  	_ = 	snop;
	(pc) =	sbr.rel @p1 .LBB2_12-.Ltmp6, $2  }
0x138: {  	_ =	sdelay $0x2  }
0x139: {  	[tilespmem:v2+s18+$0x0] =	vst.idx.add.f32.msk $0xffff, v1  }
0x13a: {  	s21 =	simm.s32 $0x0;
	s22 =	rddreg [dreg:$0xf]  }
0x13b: {  	[tilespmem:s21], [sflag:$0x3] =	stream.linear.gather [hbm4b:s22+s21], $0x400, $0x38;
	[tilespmem:$0x1FE00] =	vst v63  }
0x13c: {  	_ =	swait.ge [sflag:s10], $0x400  }
0x13d: {  	[sflag:s10] =	ssyncset.done $0x0  }
0x13e: {  	s24 =	rddreg [dreg:$0x10];
	[sflag:s10] =	ssyncadd.s32 $0xFFFFFC00  }
0x13f: {  	[tilespmem:s11], [sflag:$0x3] =	stream.linear.gather [hbm4b:s24+s21], $0x400, $0x38;
	[tilespmem:$0x1FE00] =	vst v63  }
0x140: {  	_ =	swait.ge [sflag:s10], $0x400  }
0x141: {  	[sflag:s10] =	ssyncset.done $0x0  }
0x142: {  	s26 =	rddreg [dreg:$0x11];
	[sflag:s10] =	ssyncadd.s32 $0xFFFFFC00  }
0x143: {  	[tilespmem:s12], [sflag:$0x3] =	stream.linear.gather [hbm4b:s26+s21], $0x400, $0x38;
	[tilespmem:$0x1FE00] =	vst v63  }
0x144: {  	_ =	swait.ge [sflag:s10], $0x400  }
0x145: {  	[sflag:s10] =	ssyncset.done $0x0  }
0x146: {  	[sflag:s10] =	ssyncadd.s32 $0xFFFFFC00  }
.LBB2_16:
0x147: {  	s22 =	sshll.u32 s21, $0x7  }
0x148: {  	[tilespmem:s14], [sflag:$0x1] =	stream.indirect.gather [hbm4b:s25+s13], $0x80, s22, s13, $0xb8;
	[tilespmem:$0x1FE00] =	vst v63  }
0x149: {  	s23 =	sadd.s32 $0x800, s22  }
0x14a: {  	[tilespmem:s15], [sflag:$0x2] =	stream.indirect.gather [spmem:s1], $0x80, s23, s13, $0xb8;
	[tilespmem:$0x1FE00] =	vst v63  }
0x14b: {  	_ =	swait.ge [sflag:s16], $0x4000  }
0x14c: {  	[sflag:s16] =	ssyncset.done $0x0  }
0x14d: {  	[sflag:s16] =	ssyncadd.s32 $0xFFFFC000  }
0x14e: {  	_ =	swait.ge [sflag:s17], $0x4000  }
0x14f: {  	[sflag:s17] =	ssyncset.done $0x0  }
0x150: {  	s23 =	simm.s32 $0x0;
	[sflag:s17] =	ssyncadd.s32 $0xFFFFC000  }
0x151: {  	v9 =	vld [tilespmem:s23+$0x4C00]  }
0x152: {  	v13 =	vld [tilespmem:s23+$0x4C10]  }
0x153: {  	v7 =	vld [tilespmem:s23+$0x4C20]  }
0x154: {  	v6 =	vld [tilespmem:s23+$0x4C30]  }
0x155: {  	v5 =	vld [tilespmem:s23+$0x4C40]  }
0x156: {  	v4 =	vld [tilespmem:s23+$0x4C50]  }
0x157: {  	v3 =	vld [tilespmem:s23+$0x4C60]  }
0x158: {  	v2 =	vld [tilespmem:s23+$0x4C70]  }
0x159: {  	v14 =	vld [tilespmem:s23+$0xC00]  }
0x15a: {  	v15 =	vld [tilespmem:s23+$0xC10]  }
0x15b: {  	v12 =	vld [tilespmem:s23+$0xC20]  }
0x15c: {  	v11 =	vld [tilespmem:s23+$0xC30]  }
0x15d: {  	v10 =	vld [tilespmem:s23+$0xC40]  }
0x15e: {  	v8 =	vld [tilespmem:s23+$0xC50];
	v14 =	vadd.f32 v9, v14  }
0x15f: {  	s24 =	simm.s32 $0x200;
	v13 =	vadd.f32 v13, v15;
	v9 =	vld [tilespmem:s23+$0xC60]  }
.LBB2_17:
0x160: {  	s26 =	sshra.s32 s24, $0x2;
	p1 =	sne.s32 s24, $0xFE00;
	[tilespmem:s23+$0xC00] =	vst v14;
	v7 =	vadd.f32 v7, v12;
	v12 =	vld [tilespmem:s23+$0xC70]  }
0x161: {  	v14 =	vld [tilespmem:s26+$0x4C00];
	[tilespmem:s23+$0xC10] =	vst v13;
	v6 =	vadd.f32 v6, v11  }
0x162: {  	v13 =	vld [tilespmem:s26+$0x4C10];
	[tilespmem:s23+$0xC20] =	vst v7;
	v5 =	vadd.f32 v5, v10  }
0x163: {  	v7 =	vld [tilespmem:s26+$0x4C20];
	[tilespmem:s23+$0xC30] =	vst v6;
	v4 =	vadd.f32 v4, v8  }
0x164: {  	v6 =	vld [tilespmem:s26+$0x4C30];
	[tilespmem:s23+$0xC40] =	vst v5;
	v3 =	vadd.f32 v3, v9  }
0x165: {  	v5 =	vld [tilespmem:s26+$0x4C40];
	[tilespmem:s23+$0xC50] =	vst v4;
	v2 =	vadd.f32 v2, v12  }
0x166: {  	v4 =	vld [tilespmem:s26+$0x4C50];
	[tilespmem:s23+$0xC60] =	vst v3  }
0x167: {  	v3 =	vld [tilespmem:s26+$0x4C60];
	[tilespmem:s23+$0xC70] =	vst v2;
	s23 =	smov.u32 s26  }
0x168: {  	v2 =	vld [tilespmem:s23+$0x4C70]  }
0x169: {  	v8 =	vld [tilespmem:s23+$0xC00]  }
0x16a: {  	v9 =	vld [tilespmem:s23+$0xC10]  }
.Ltmp7:
0x16b: {  	v12 =	vld [tilespmem:s23+$0xC20];
	(pc) =	sbr.rel @p1 .LBB2_17-.Ltmp7, $4  }
0x16c: {  	v11 =	vld [tilespmem:s23+$0xC30]  }
0x16d: {  	v10 =	vld [tilespmem:s23+$0xC40]  }
0x16e: {  	v14 =	vadd.f32 v14, v8;
	v8 =	vld [tilespmem:s23+$0xC50]  }
0x16f: {  	s24 =	sadd.s32 $0x200, s24;
	v13 =	vadd.f32 v13, v9;
	v9 =	vld [tilespmem:s23+$0xC60]  }
0x170: {  	[tilespmem:s23+$0xC00] =	vst v14;
	v7 =	vadd.f32 v7, v12;
	v63 =	vld [tilespmem:s23+$0xC70]  }
0x171: {  	[tilespmem:s23+$0xC10] =	vst v13;
	v6 =	vadd.f32 v6, v11  }
0x172: {  	[tilespmem:s23+$0xC20] =	vst v7;
	v5 =	vadd.f32 v5, v10  }
0x173: {  	[tilespmem:s23+$0xC30] =	vst v6;
	v4 =	vadd.f32 v4, v8  }
0x174: {  	[tilespmem:s23+$0xC40] =	vst v5;
	v3 =	vadd.f32 v3, v9  }
0x175: {  	[tilespmem:s23+$0xC50] =	vst v4;
	v2 =	vadd.f32 v2, v63  }
0x176: {  	[tilespmem:s23+$0xC60] =	vst v3  }
0x177: {  	s26 =	sadd.s32 $0x400, s22;
	[tilespmem:s23+$0xC70] =	vst v2  }
0x178: {  	[spmem:s30] =	stream.indirect.scatter.add.f32 [tilespmem:s14], [sflag:$0x3], $0x80, s26, s13, $0xb8;
	[tilespmem:$0x1FE00] =	vst v63  }
0x179: {  	_ =	swait.ge [sflag:s10], $0x4000  }
0x17a: {  	[sflag:s10] =	ssyncset.done $0x0  }
0x17b: {  	[sflag:s10] =	ssyncadd.s32 $0xFFFFC000  }
0x17c: {  	v2 =	vld [tilespmem:s22+$0x400];
	_ =	sdelay $0x7  }
0x17d: {  	[tilespmem:v2+s18+$0x0] =	vst.idx.add.f32.msk $0xffff, v1  }
0x17e: {  	v2 =	vld [tilespmem:s22+$0x410];
	_ =	sdelay $0x7  }
0x17f: {  	[tilespmem:v2+s18+$0x0] =	vst.idx.add.f32.msk $0xffff, v1  }
0x180: {  	v2 =	vld [tilespmem:s22+$0x420];
	_ =	sdelay $0x7  }
0x181: {  	[tilespmem:v2+s18+$0x0] =	vst.idx.add.f32.msk $0xffff, v1  }
0x182: {  	v2 =	vld [tilespmem:s22+$0x430];
	_ =	sdelay $0x7  }
0x183: {  	[tilespmem:v2+s18+$0x0] =	vst.idx.add.f32.msk $0xffff, v1  }
0x184: {  	v2 =	vld [tilespmem:s22+$0x440];
	_ =	sdelay $0x7  }
0x185: {  	[tilespmem:v2+s18+$0x0] =	vst.idx.add.f32.msk $0xffff, v1  }
0x186: {  	v2 =	vld [tilespmem:s22+$0x450];
	_ =	sdelay $0x7  }
0x187: {  	[tilespmem:v2+s18+$0x0] =	vst.idx.add.f32.msk $0xffff, v1  }
0x188: {  	v2 =	vld [tilespmem:s22+$0x460];
	_ =	sdelay $0x7  }
0x189: {  	[tilespmem:v2+s18+$0x0] =	vst.idx.add.f32.msk $0xffff, v1  }
0x18a: {  	v2 =	vld [tilespmem:s22+$0x470];
	_ =	sdelay $0x1  }
0x18b: {  	s21 =	sadd.s32 $0x1, s21  }
0x18c: {  	p1 =	sne.s32 s21, $0x8  }
.Ltmp8:
0x18d: {  	_ = 	snop;
	(pc) =	sbr.rel @p1 .LBB2_16-.Ltmp8, $2  }
0x18e: {  	_ =	sdelay $0x2  }
0x18f: {  	[tilespmem:v2+s18+$0x0] =	vst.idx.add.f32.msk $0xffff, v1  }
0x190: {  	s21 =	simm.s32 $0x0;
	s22 =	rddreg [dreg:$0x12]  }
0x191: {  	[tilespmem:s21], [sflag:$0x3] =	stream.linear.gather [hbm4b:s22+s21], $0x400, $0x38;
	[tilespmem:$0x1FE00] =	vst v63  }
0x192: {  	_ =	swait.ge [sflag:s10], $0x400  }
0x193: {  	[sflag:s10] =	ssyncset.done $0x0  }
0x194: {  	s24 =	rddreg [dreg:$0x13];
	[sflag:s10] =	ssyncadd.s32 $0xFFFFFC00  }
0x195: {  	[tilespmem:s11], [sflag:$0x3] =	stream.linear.gather [hbm4b:s24+s21], $0x400, $0x38;
	[tilespmem:$0x1FE00] =	vst v63  }
0x196: {  	_ =	swait.ge [sflag:s10], $0x400  }
0x197: {  	[sflag:s10] =	ssyncset.done $0x0  }
0x198: {  	s26 =	rddreg [dreg:$0x14];
	[sflag:s10] =	ssyncadd.s32 $0xFFFFFC00  }
0x199: {  	[tilespmem:s12], [sflag:$0x3] =	stream.linear.gather [hbm4b:s26+s21], $0x400, $0x38;
	[tilespmem:$0x1FE00] =	vst v63  }
0x19a: {  	_ =	swait.ge [sflag:s10], $0x400  }
0x19b: {  	[sflag:s10] =	ssyncset.done $0x0  }
0x19c: {  	[sflag:s10] =	ssyncadd.s32 $0xFFFFFC00  }
.LBB2_20:
0x19d: {  	s22 =	sshll.u32 s21, $0x7  }
0x19e: {  	[tilespmem:s14], [sflag:$0x1] =	stream.indirect.gather [hbm4b:s25+s13], $0x80, s22, s13, $0xb8;
	[tilespmem:$0x1FE00] =	vst v63  }
0x19f: {  	s23 =	sadd.s32 $0x800, s22  }
0x1a0: {  	[tilespmem:s15], [sflag:$0x2] =	stream.indirect.gather [spmem:s1], $0x80, s23, s13, $0xb8;
	[tilespmem:$0x1FE00] =	vst v63  }
0x1a1: {  	_ =	swait.ge [sflag:s16], $0x4000  }
0x1a2: {  	[sflag:s16] =	ssyncset.done $0x0  }
0x1a3: {  	[sflag:s16] =	ssyncadd.s32 $0xFFFFC000  }
0x1a4: {  	_ =	swait.ge [sflag:s17], $0x4000  }
0x1a5: {  	[sflag:s17] =	ssyncset.done $0x0  }
0x1a6: {  	s23 =	simm.s32 $0x0;
	[sflag:s17] =	ssyncadd.s32 $0xFFFFC000  }
0x1a7: {  	v9 =	vld [tilespmem:s23+$0x4C00]  }
0x1a8: {  	v13 =	vld [tilespmem:s23+$0x4C10]  }
0x1a9: {  	v7 =	vld [tilespmem:s23+$0x4C20]  }
0x1aa: {  	v6 =	vld [tilespmem:s23+$0x4C30]  }
0x1ab: {  	v5 =	vld [tilespmem:s23+$0x4C40]  }
0x1ac: {  	v4 =	vld [tilespmem:s23+$0x4C50]  }
0x1ad: {  	v3 =	vld [tilespmem:s23+$0x4C60]  }
0x1ae: {  	v2 =	vld [tilespmem:s23+$0x4C70]  }
0x1af: {  	v14 =	vld [tilespmem:s23+$0xC00]  }
0x1b0: {  	v15 =	vld [tilespmem:s23+$0xC10]  }
0x1b1: {  	v12 =	vld [tilespmem:s23+$0xC20]  }
0x1b2: {  	v11 =	vld [tilespmem:s23+$0xC30]  }
0x1b3: {  	v10 =	vld [tilespmem:s23+$0xC40]  }
0x1b4: {  	v8 =	vld [tilespmem:s23+$0xC50];
	v14 =	vadd.f32 v9, v14  }
0x1b5: {  	s24 =	simm.s32 $0x200;
	v13 =	vadd.f32 v13, v15;
	v9 =	vld [tilespmem:s23+$0xC60]  }
.LBB2_21:
0x1b6: {  	s26 =	sshra.s32 s24, $0x2;
	p1 =	sne.s32 s24, $0xFE00;
	[tilespmem:s23+$0xC00] =	vst v14;
	v7 =	vadd.f32 v7, v12;
	v12 =	vld [tilespmem:s23+$0xC70]  }
0x1b7: {  	v14 =	vld [tilespmem:s26+$0x4C00];
	[tilespmem:s23+$0xC10] =	vst v13;
	v6 =	vadd.f32 v6, v11  }
0x1b8: {  	v13 =	vld [tilespmem:s26+$0x4C10];
	[tilespmem:s23+$0xC20] =	vst v7;
	v5 =	vadd.f32 v5, v10  }
0x1b9: {  	v7 =	vld [tilespmem:s26+$0x4C20];
	[tilespmem:s23+$0xC30] =	vst v6;
	v4 =	vadd.f32 v4, v8  }
0x1ba: {  	v6 =	vld [tilespmem:s26+$0x4C30];
	[tilespmem:s23+$0xC40] =	vst v5;
	v3 =	vadd.f32 v3, v9  }
0x1bb: {  	v5 =	vld [tilespmem:s26+$0x4C40];
	[tilespmem:s23+$0xC50] =	vst v4;
	v2 =	vadd.f32 v2, v12  }
0x1bc: {  	v4 =	vld [tilespmem:s26+$0x4C50];
	[tilespmem:s23+$0xC60] =	vst v3  }
0x1bd: {  	v3 =	vld [tilespmem:s26+$0x4C60];
	[tilespmem:s23+$0xC70] =	vst v2;
	s23 =	smov.u32 s26  }
0x1be: {  	v2 =	vld [tilespmem:s23+$0x4C70]  }
0x1bf: {  	v8 =	vld [tilespmem:s23+$0xC00]  }
0x1c0: {  	v9 =	vld [tilespmem:s23+$0xC10]  }
.Ltmp9:
0x1c1: {  	v12 =	vld [tilespmem:s23+$0xC20];
	(pc) =	sbr.rel @p1 .LBB2_21-.Ltmp9, $4  }
0x1c2: {  	v11 =	vld [tilespmem:s23+$0xC30]  }
0x1c3: {  	v10 =	vld [tilespmem:s23+$0xC40]  }
0x1c4: {  	v14 =	vadd.f32 v14, v8;
	v8 =	vld [tilespmem:s23+$0xC50]  }
0x1c5: {  	s24 =	sadd.s32 $0x200, s24;
	v13 =	vadd.f32 v13, v9;
	v9 =	vld [tilespmem:s23+$0xC60]  }
0x1c6: {  	[tilespmem:s23+$0xC00] =	vst v14;
	v7 =	vadd.f32 v7, v12;
	v63 =	vld [tilespmem:s23+$0xC70]  }
0x1c7: {  	[tilespmem:s23+$0xC10] =	vst v13;
	v6 =	vadd.f32 v6, v11  }
0x1c8: {  	[tilespmem:s23+$0xC20] =	vst v7;
	v5 =	vadd.f32 v5, v10  }
0x1c9: {  	[tilespmem:s23+$0xC30] =	vst v6;
	v4 =	vadd.f32 v4, v8  }
0x1ca: {  	[tilespmem:s23+$0xC40] =	vst v5;
	v3 =	vadd.f32 v3, v9  }
0x1cb: {  	[tilespmem:s23+$0xC50] =	vst v4;
	v2 =	vadd.f32 v2, v63  }
0x1cc: {  	[tilespmem:s23+$0xC60] =	vst v3  }
0x1cd: {  	s26 =	sadd.s32 $0x400, s22;
	[tilespmem:s23+$0xC70] =	vst v2  }
0x1ce: {  	[spmem:s30] =	stream.indirect.scatter.add.f32 [tilespmem:s14], [sflag:$0x3], $0x80, s26, s13, $0xb8;
	[tilespmem:$0x1FE00] =	vst v63  }
0x1cf: {  	_ =	swait.ge [sflag:s10], $0x4000  }
0x1d0: {  	[sflag:s10] =	ssyncset.done $0x0  }
0x1d1: {  	[sflag:s10] =	ssyncadd.s32 $0xFFFFC000  }
0x1d2: {  	v2 =	vld [tilespmem:s22+$0x400];
	_ =	sdelay $0x7  }
0x1d3: {  	[tilespmem:v2+s18+$0x0] =	vst.idx.add.f32.msk $0xffff, v1  }
0x1d4: {  	v2 =	vld [tilespmem:s22+$0x410];
	_ =	sdelay $0x7  }
0x1d5: {  	[tilespmem:v2+s18+$0x0] =	vst.idx.add.f32.msk $0xffff, v1  }
0x1d6: {  	v2 =	vld [tilespmem:s22+$0x420];
	_ =	sdelay $0x7  }
0x1d7: {  	[tilespmem:v2+s18+$0x0] =	vst.idx.add.f32.msk $0xffff, v1  }
0x1d8: {  	v2 =	vld [tilespmem:s22+$0x430];
	_ =	sdelay $0x7  }
0x1d9: {  	[tilespmem:v2+s18+$0x0] =	vst.idx.add.f32.msk $0xffff, v1  }
0x1da: {  	v2 =	vld [tilespmem:s22+$0x440];
	_ =	sdelay $0x7  }
0x1db: {  	[tilespmem:v2+s18+$0x0] =	vst.idx.add.f32.msk $0xffff, v1  }
0x1dc: {  	v2 =	vld [tilespmem:s22+$0x450];
	_ =	sdelay $0x7  }
0x1dd: {  	[tilespmem:v2+s18+$0x0] =	vst.idx.add.f32.msk $0xffff, v1  }
0x1de: {  	v2 =	vld [tilespmem:s22+$0x460];
	_ =	sdelay $0x7  }
0x1df: {  	[tilespmem:v2+s18+$0x0] =	vst.idx.add.f32.msk $0xffff, v1  }
0x1e0: {  	v2 =	vld [tilespmem:s22+$0x470];
	_ =	sdelay $0x1  }
0x1e1: {  	s21 =	sadd.s32 $0x1, s21  }
0x1e2: {  	p1 =	sne.s32 s21, $0x8  }
.Ltmp10:
0x1e3: {  	_ = 	snop;
	(pc) =	sbr.rel @p1 .LBB2_20-.Ltmp10, $2  }
0x1e4: {  	_ =	sdelay $0x2  }
0x1e5: {  	[tilespmem:v2+s18+$0x0] =	vst.idx.add.f32.msk $0xffff, v1  }
0x1e6: {  	s21 =	simm.s32 $0x0;
	s22 =	rddreg [dreg:$0x15]  }
0x1e7: {  	[tilespmem:s21], [sflag:$0x3] =	stream.linear.gather [hbm4b:s22+s21], $0x400, $0x38;
	[tilespmem:$0x1FE00] =	vst v63  }
0x1e8: {  	_ =	swait.ge [sflag:s10], $0x400  }
0x1e9: {  	[sflag:s10] =	ssyncset.done $0x0  }
0x1ea: {  	s24 =	rddreg [dreg:$0x16];
	[sflag:s10] =	ssyncadd.s32 $0xFFFFFC00  }
0x1eb: {  	[tilespmem:s11], [sflag:$0x3] =	stream.linear.gather [hbm4b:s24+s21], $0x400, $0x38;
	[tilespmem:$0x1FE00] =	vst v63  }
0x1ec: {  	_ =	swait.ge [sflag:s10], $0x400  }
0x1ed: {  	[sflag:s10] =	ssyncset.done $0x0  }
0x1ee: {  	s26 =	rddreg [dreg:$0x17];
	[sflag:s10] =	ssyncadd.s32 $0xFFFFFC00  }
0x1ef: {  	[tilespmem:s12], [sflag:$0x3] =	stream.linear.gather [hbm4b:s26+s21], $0x400, $0x38;
	[tilespmem:$0x1FE00] =	vst v63  }
0x1f0: {  	_ =	swait.ge [sflag:s10], $0x400  }
0x1f1: {  	[sflag:s10] =	ssyncset.done $0x0  }
0x1f2: {  	[sflag:s10] =	ssyncadd.s32 $0xFFFFFC00  }
.LBB2_24:
0x1f3: {  	s22 =	sshll.u32 s21, $0x7  }
0x1f4: {  	[tilespmem:s14], [sflag:$0x1] =	stream.indirect.gather [hbm4b:s25+s13], $0x80, s22, s13, $0xb8;
	[tilespmem:$0x1FE00] =	vst v63  }
0x1f5: {  	s23 =	sadd.s32 $0x800, s22  }
0x1f6: {  	[tilespmem:s15], [sflag:$0x2] =	stream.indirect.gather [spmem:s1], $0x80, s23, s13, $0xb8;
	[tilespmem:$0x1FE00] =	vst v63  }
0x1f7: {  	_ =	swait.ge [sflag:s16], $0x4000  }
0x1f8: {  	[sflag:s16] =	ssyncset.done $0x0  }
0x1f9: {  	[sflag:s16] =	ssyncadd.s32 $0xFFFFC000  }
0x1fa: {  	_ =	swait.ge [sflag:s17], $0x4000  }
0x1fb: {  	[sflag:s17] =	ssyncset.done $0x0  }
0x1fc: {  	s23 =	simm.s32 $0x0;
	[sflag:s17] =	ssyncadd.s32 $0xFFFFC000  }
0x1fd: {  	v9 =	vld [tilespmem:s23+$0x4C00]  }
0x1fe: {  	v13 =	vld [tilespmem:s23+$0x4C10]  }
0x1ff: {  	v7 =	vld [tilespmem:s23+$0x4C20]  }
0x200: {  	v6 =	vld [tilespmem:s23+$0x4C30]  }
0x201: {  	v5 =	vld [tilespmem:s23+$0x4C40]  }
0x202: {  	v4 =	vld [tilespmem:s23+$0x4C50]  }
0x203: {  	v3 =	vld [tilespmem:s23+$0x4C60]  }
0x204: {  	v2 =	vld [tilespmem:s23+$0x4C70]  }
0x205: {  	v14 =	vld [tilespmem:s23+$0xC00]  }
0x206: {  	v15 =	vld [tilespmem:s23+$0xC10]  }
0x207: {  	v12 =	vld [tilespmem:s23+$0xC20]  }
0x208: {  	v11 =	vld [tilespmem:s23+$0xC30]  }
0x209: {  	v10 =	vld [tilespmem:s23+$0xC40]  }
0x20a: {  	v8 =	vld [tilespmem:s23+$0xC50];
	v14 =	vadd.f32 v9, v14  }
0x20b: {  	s24 =	simm.s32 $0x200;
	v13 =	vadd.f32 v13, v15;
	v9 =	vld [tilespmem:s23+$0xC60]  }
.LBB2_25:
0x20c: {  	s26 =	sshra.s32 s24, $0x2;
	p1 =	sne.s32 s24, $0xFE00;
	[tilespmem:s23+$0xC00] =	vst v14;
	v7 =	vadd.f32 v7, v12;
	v12 =	vld [tilespmem:s23+$0xC70]  }
0x20d: {  	v14 =	vld [tilespmem:s26+$0x4C00];
	[tilespmem:s23+$0xC10] =	vst v13;
	v6 =	vadd.f32 v6, v11  }
0x20e: {  	v13 =	vld [tilespmem:s26+$0x4C10];
	[tilespmem:s23+$0xC20] =	vst v7;
	v5 =	vadd.f32 v5, v10  }
0x20f: {  	v7 =	vld [tilespmem:s26+$0x4C20];
	[tilespmem:s23+$0xC30] =	vst v6;
	v4 =	vadd.f32 v4, v8  }
0x210: {  	v6 =	vld [tilespmem:s26+$0x4C30];
	[tilespmem:s23+$0xC40] =	vst v5;
	v3 =	vadd.f32 v3, v9  }
0x211: {  	v5 =	vld [tilespmem:s26+$0x4C40];
	[tilespmem:s23+$0xC50] =	vst v4;
	v2 =	vadd.f32 v2, v12  }
0x212: {  	v4 =	vld [tilespmem:s26+$0x4C50];
	[tilespmem:s23+$0xC60] =	vst v3  }
0x213: {  	v3 =	vld [tilespmem:s26+$0x4C60];
	[tilespmem:s23+$0xC70] =	vst v2;
	s23 =	smov.u32 s26  }
0x214: {  	v2 =	vld [tilespmem:s23+$0x4C70]  }
0x215: {  	v8 =	vld [tilespmem:s23+$0xC00]  }
0x216: {  	v9 =	vld [tilespmem:s23+$0xC10]  }
.Ltmp11:
0x217: {  	v12 =	vld [tilespmem:s23+$0xC20];
	(pc) =	sbr.rel @p1 .LBB2_25-.Ltmp11, $4  }
0x218: {  	v11 =	vld [tilespmem:s23+$0xC30]  }
0x219: {  	v10 =	vld [tilespmem:s23+$0xC40]  }
0x21a: {  	v14 =	vadd.f32 v14, v8;
	v8 =	vld [tilespmem:s23+$0xC50]  }
0x21b: {  	s24 =	sadd.s32 $0x200, s24;
	v13 =	vadd.f32 v13, v9;
	v9 =	vld [tilespmem:s23+$0xC60]  }
0x21c: {  	[tilespmem:s23+$0xC00] =	vst v14;
	v7 =	vadd.f32 v7, v12;
	v63 =	vld [tilespmem:s23+$0xC70]  }
0x21d: {  	[tilespmem:s23+$0xC10] =	vst v13;
	v6 =	vadd.f32 v6, v11  }
0x21e: {  	[tilespmem:s23+$0xC20] =	vst v7;
	v5 =	vadd.f32 v5, v10  }
0x21f: {  	[tilespmem:s23+$0xC30] =	vst v6;
	v4 =	vadd.f32 v4, v8  }
0x220: {  	[tilespmem:s23+$0xC40] =	vst v5;
	v3 =	vadd.f32 v3, v9  }
0x221: {  	[tilespmem:s23+$0xC50] =	vst v4;
	v2 =	vadd.f32 v2, v63  }
0x222: {  	[tilespmem:s23+$0xC60] =	vst v3  }
0x223: {  	s26 =	sadd.s32 $0x400, s22;
	[tilespmem:s23+$0xC70] =	vst v2  }
0x224: {  	[spmem:s30] =	stream.indirect.scatter.add.f32 [tilespmem:s14], [sflag:$0x3], $0x80, s26, s13, $0xb8;
	[tilespmem:$0x1FE00] =	vst v63  }
0x225: {  	_ =	swait.ge [sflag:s10], $0x4000  }
0x226: {  	[sflag:s10] =	ssyncset.done $0x0  }
0x227: {  	[sflag:s10] =	ssyncadd.s32 $0xFFFFC000  }
0x228: {  	v2 =	vld [tilespmem:s22+$0x400];
	_ =	sdelay $0x7  }
0x229: {  	[tilespmem:v2+s18+$0x0] =	vst.idx.add.f32.msk $0xffff, v1  }
0x22a: {  	v2 =	vld [tilespmem:s22+$0x410];
	_ =	sdelay $0x7  }
0x22b: {  	[tilespmem:v2+s18+$0x0] =	vst.idx.add.f32.msk $0xffff, v1  }
0x22c: {  	v2 =	vld [tilespmem:s22+$0x420];
	_ =	sdelay $0x7  }
0x22d: {  	[tilespmem:v2+s18+$0x0] =	vst.idx.add.f32.msk $0xffff, v1  }
0x22e: {  	v2 =	vld [tilespmem:s22+$0x430];
	_ =	sdelay $0x7  }
0x22f: {  	[tilespmem:v2+s18+$0x0] =	vst.idx.add.f32.msk $0xffff, v1  }
0x230: {  	v2 =	vld [tilespmem:s22+$0x440];
	_ =	sdelay $0x7  }
0x231: {  	[tilespmem:v2+s18+$0x0] =	vst.idx.add.f32.msk $0xffff, v1  }
0x232: {  	v2 =	vld [tilespmem:s22+$0x450];
	_ =	sdelay $0x7  }
0x233: {  	[tilespmem:v2+s18+$0x0] =	vst.idx.add.f32.msk $0xffff, v1  }
0x234: {  	v2 =	vld [tilespmem:s22+$0x460];
	_ =	sdelay $0x7  }
0x235: {  	[tilespmem:v2+s18+$0x0] =	vst.idx.add.f32.msk $0xffff, v1  }
0x236: {  	v2 =	vld [tilespmem:s22+$0x470];
	_ =	sdelay $0x1  }
0x237: {  	s21 =	sadd.s32 $0x1, s21  }
0x238: {  	p1 =	sne.s32 s21, $0x8  }
.Ltmp12:
0x239: {  	_ = 	snop;
	(pc) =	sbr.rel @p1 .LBB2_24-.Ltmp12, $2  }
0x23a: {  	_ =	sdelay $0x2  }
0x23b: {  	[tilespmem:v2+s18+$0x0] =	vst.idx.add.f32.msk $0xffff, v1  }
0x23c: {  	s21 =	simm.s32 $0x0;
	s22 =	rddreg [dreg:$0x18]  }
0x23d: {  	[tilespmem:s21], [sflag:$0x3] =	stream.linear.gather [hbm4b:s22+s21], $0x400, $0x38;
	[tilespmem:$0x1FE00] =	vst v63  }
0x23e: {  	_ =	swait.ge [sflag:s10], $0x400  }
0x23f: {  	[sflag:s10] =	ssyncset.done $0x0  }
0x240: {  	s24 =	rddreg [dreg:$0x19];
	[sflag:s10] =	ssyncadd.s32 $0xFFFFFC00  }
0x241: {  	[tilespmem:s11], [sflag:$0x3] =	stream.linear.gather [hbm4b:s24+s21], $0x400, $0x38;
	[tilespmem:$0x1FE00] =	vst v63  }
0x242: {  	_ =	swait.ge [sflag:s10], $0x400  }
0x243: {  	[sflag:s10] =	ssyncset.done $0x0  }
0x244: {  	s26 =	rddreg [dreg:$0x1a];
	[sflag:s10] =	ssyncadd.s32 $0xFFFFFC00  }
0x245: {  	[tilespmem:s12], [sflag:$0x3] =	stream.linear.gather [hbm4b:s26+s21], $0x400, $0x38;
	[tilespmem:$0x1FE00] =	vst v63  }
0x246: {  	_ =	swait.ge [sflag:s10], $0x400  }
0x247: {  	[sflag:s10] =	ssyncset.done $0x0  }
0x248: {  	[sflag:s10] =	ssyncadd.s32 $0xFFFFFC00  }
.LBB2_28:
0x249: {  	s22 =	sshll.u32 s21, $0x7  }
0x24a: {  	[tilespmem:s14], [sflag:$0x1] =	stream.indirect.gather [hbm4b:s25+s13], $0x80, s22, s13, $0xb8;
	[tilespmem:$0x1FE00] =	vst v63  }
0x24b: {  	s23 =	sadd.s32 $0x800, s22  }
0x24c: {  	[tilespmem:s15], [sflag:$0x2] =	stream.indirect.gather [spmem:s1], $0x80, s23, s13, $0xb8;
	[tilespmem:$0x1FE00] =	vst v63  }
0x24d: {  	_ =	swait.ge [sflag:s16], $0x4000  }
0x24e: {  	[sflag:s16] =	ssyncset.done $0x0  }
0x24f: {  	[sflag:s16] =	ssyncadd.s32 $0xFFFFC000  }
0x250: {  	_ =	swait.ge [sflag:s17], $0x4000  }
0x251: {  	[sflag:s17] =	ssyncset.done $0x0  }
0x252: {  	s23 =	simm.s32 $0x0;
	[sflag:s17] =	ssyncadd.s32 $0xFFFFC000  }
0x253: {  	v9 =	vld [tilespmem:s23+$0x4C00]  }
0x254: {  	v13 =	vld [tilespmem:s23+$0x4C10]  }
0x255: {  	v7 =	vld [tilespmem:s23+$0x4C20]  }
0x256: {  	v6 =	vld [tilespmem:s23+$0x4C30]  }
0x257: {  	v5 =	vld [tilespmem:s23+$0x4C40]  }
0x258: {  	v4 =	vld [tilespmem:s23+$0x4C50]  }
0x259: {  	v3 =	vld [tilespmem:s23+$0x4C60]  }
0x25a: {  	v2 =	vld [tilespmem:s23+$0x4C70]  }
0x25b: {  	v14 =	vld [tilespmem:s23+$0xC00]  }
0x25c: {  	v15 =	vld [tilespmem:s23+$0xC10]  }
0x25d: {  	v12 =	vld [tilespmem:s23+$0xC20]  }
0x25e: {  	v11 =	vld [tilespmem:s23+$0xC30]  }
0x25f: {  	v10 =	vld [tilespmem:s23+$0xC40]  }
0x260: {  	v8 =	vld [tilespmem:s23+$0xC50];
	v14 =	vadd.f32 v9, v14  }
0x261: {  	s24 =	simm.s32 $0x200;
	v13 =	vadd.f32 v13, v15;
	v9 =	vld [tilespmem:s23+$0xC60]  }
.LBB2_29:
0x262: {  	s26 =	sshra.s32 s24, $0x2;
	p1 =	sne.s32 s24, $0xFE00;
	[tilespmem:s23+$0xC00] =	vst v14;
	v7 =	vadd.f32 v7, v12;
	v12 =	vld [tilespmem:s23+$0xC70]  }
0x263: {  	v14 =	vld [tilespmem:s26+$0x4C00];
	[tilespmem:s23+$0xC10] =	vst v13;
	v6 =	vadd.f32 v6, v11  }
0x264: {  	v13 =	vld [tilespmem:s26+$0x4C10];
	[tilespmem:s23+$0xC20] =	vst v7;
	v5 =	vadd.f32 v5, v10  }
0x265: {  	v7 =	vld [tilespmem:s26+$0x4C20];
	[tilespmem:s23+$0xC30] =	vst v6;
	v4 =	vadd.f32 v4, v8  }
0x266: {  	v6 =	vld [tilespmem:s26+$0x4C30];
	[tilespmem:s23+$0xC40] =	vst v5;
	v3 =	vadd.f32 v3, v9  }
0x267: {  	v5 =	vld [tilespmem:s26+$0x4C40];
	[tilespmem:s23+$0xC50] =	vst v4;
	v2 =	vadd.f32 v2, v12  }
0x268: {  	v4 =	vld [tilespmem:s26+$0x4C50];
	[tilespmem:s23+$0xC60] =	vst v3  }
0x269: {  	v3 =	vld [tilespmem:s26+$0x4C60];
	[tilespmem:s23+$0xC70] =	vst v2;
	s23 =	smov.u32 s26  }
0x26a: {  	v2 =	vld [tilespmem:s23+$0x4C70]  }
0x26b: {  	v8 =	vld [tilespmem:s23+$0xC00]  }
0x26c: {  	v9 =	vld [tilespmem:s23+$0xC10]  }
.Ltmp13:
0x26d: {  	v12 =	vld [tilespmem:s23+$0xC20];
	(pc) =	sbr.rel @p1 .LBB2_29-.Ltmp13, $4  }
0x26e: {  	v11 =	vld [tilespmem:s23+$0xC30]  }
0x26f: {  	v10 =	vld [tilespmem:s23+$0xC40]  }
0x270: {  	v14 =	vadd.f32 v14, v8;
	v8 =	vld [tilespmem:s23+$0xC50]  }
0x271: {  	s24 =	sadd.s32 $0x200, s24;
	v13 =	vadd.f32 v13, v9;
	v9 =	vld [tilespmem:s23+$0xC60]  }
0x272: {  	[tilespmem:s23+$0xC00] =	vst v14;
	v7 =	vadd.f32 v7, v12;
	v63 =	vld [tilespmem:s23+$0xC70]  }
0x273: {  	[tilespmem:s23+$0xC10] =	vst v13;
	v6 =	vadd.f32 v6, v11  }
0x274: {  	[tilespmem:s23+$0xC20] =	vst v7;
	v5 =	vadd.f32 v5, v10  }
0x275: {  	[tilespmem:s23+$0xC30] =	vst v6;
	v4 =	vadd.f32 v4, v8  }
0x276: {  	[tilespmem:s23+$0xC40] =	vst v5;
	v3 =	vadd.f32 v3, v9  }
0x277: {  	[tilespmem:s23+$0xC50] =	vst v4;
	v2 =	vadd.f32 v2, v63  }
0x278: {  	[tilespmem:s23+$0xC60] =	vst v3  }
0x279: {  	s26 =	sadd.s32 $0x400, s22;
	[tilespmem:s23+$0xC70] =	vst v2  }
0x27a: {  	[spmem:s30] =	stream.indirect.scatter.add.f32 [tilespmem:s14], [sflag:$0x3], $0x80, s26, s13, $0xb8;
	[tilespmem:$0x1FE00] =	vst v63  }
0x27b: {  	_ =	swait.ge [sflag:s10], $0x4000  }
0x27c: {  	[sflag:s10] =	ssyncset.done $0x0  }
0x27d: {  	[sflag:s10] =	ssyncadd.s32 $0xFFFFC000  }
0x27e: {  	v2 =	vld [tilespmem:s22+$0x400];
	_ =	sdelay $0x7  }
0x27f: {  	[tilespmem:v2+s18+$0x0] =	vst.idx.add.f32.msk $0xffff, v1  }
0x280: {  	v2 =	vld [tilespmem:s22+$0x410];
	_ =	sdelay $0x7  }
0x281: {  	[tilespmem:v2+s18+$0x0] =	vst.idx.add.f32.msk $0xffff, v1  }
0x282: {  	v2 =	vld [tilespmem:s22+$0x420];
	_ =	sdelay $0x7  }
0x283: {  	[tilespmem:v2+s18+$0x0] =	vst.idx.add.f32.msk $0xffff, v1  }
0x284: {  	v2 =	vld [tilespmem:s22+$0x430];
	_ =	sdelay $0x7  }
0x285: {  	[tilespmem:v2+s18+$0x0] =	vst.idx.add.f32.msk $0xffff, v1  }
0x286: {  	v2 =	vld [tilespmem:s22+$0x440];
	_ =	sdelay $0x7  }
0x287: {  	[tilespmem:v2+s18+$0x0] =	vst.idx.add.f32.msk $0xffff, v1  }
0x288: {  	v2 =	vld [tilespmem:s22+$0x450];
	_ =	sdelay $0x7  }
0x289: {  	[tilespmem:v2+s18+$0x0] =	vst.idx.add.f32.msk $0xffff, v1  }
0x28a: {  	v2 =	vld [tilespmem:s22+$0x460];
	_ =	sdelay $0x7  }
0x28b: {  	[tilespmem:v2+s18+$0x0] =	vst.idx.add.f32.msk $0xffff, v1  }
0x28c: {  	v2 =	vld [tilespmem:s22+$0x470];
	_ =	sdelay $0x1  }
0x28d: {  	s21 =	sadd.s32 $0x1, s21  }
0x28e: {  	p1 =	sne.s32 s21, $0x8  }
.Ltmp14:
0x28f: {  	_ = 	snop;
	(pc) =	sbr.rel @p1 .LBB2_28-.Ltmp14, $2  }
0x290: {  	_ =	sdelay $0x2  }
0x291: {  	[tilespmem:v2+s18+$0x0] =	vst.idx.add.f32.msk $0xffff, v1  }
0x292: {  	s21 =	simm.s32 $0x0;
	s22 =	rddreg [dreg:$0x1b]  }
0x293: {  	[tilespmem:s21], [sflag:$0x3] =	stream.linear.gather [hbm4b:s22+s21], $0x400, $0x38;
	[tilespmem:$0x1FE00] =	vst v63  }
0x294: {  	_ =	swait.ge [sflag:s10], $0x400  }
0x295: {  	[sflag:s10] =	ssyncset.done $0x0  }
0x296: {  	s24 =	rddreg [dreg:$0x1c];
	[sflag:s10] =	ssyncadd.s32 $0xFFFFFC00  }
0x297: {  	[tilespmem:s11], [sflag:$0x3] =	stream.linear.gather [hbm4b:s24+s21], $0x400, $0x38;
	[tilespmem:$0x1FE00] =	vst v63  }
0x298: {  	_ =	swait.ge [sflag:s10], $0x400  }
0x299: {  	[sflag:s10] =	ssyncset.done $0x0  }
0x29a: {  	s26 =	rddreg [dreg:$0x1d];
	[sflag:s10] =	ssyncadd.s32 $0xFFFFFC00  }
0x29b: {  	[tilespmem:s12], [sflag:$0x3] =	stream.linear.gather [hbm4b:s26+s21], $0x400, $0x38;
	[tilespmem:$0x1FE00] =	vst v63  }
0x29c: {  	_ =	swait.ge [sflag:s10], $0x400  }
0x29d: {  	[sflag:s10] =	ssyncset.done $0x0  }
0x29e: {  	[sflag:s10] =	ssyncadd.s32 $0xFFFFFC00  }
.LBB2_32:
0x29f: {  	s22 =	sshll.u32 s21, $0x7  }
0x2a0: {  	[tilespmem:s14], [sflag:$0x1] =	stream.indirect.gather [hbm4b:s25+s13], $0x80, s22, s13, $0xb8;
	[tilespmem:$0x1FE00] =	vst v63  }
0x2a1: {  	s23 =	sadd.s32 $0x800, s22  }
0x2a2: {  	[tilespmem:s15], [sflag:$0x2] =	stream.indirect.gather [spmem:s1], $0x80, s23, s13, $0xb8;
	[tilespmem:$0x1FE00] =	vst v63  }
0x2a3: {  	_ =	swait.ge [sflag:s16], $0x4000  }
0x2a4: {  	[sflag:s16] =	ssyncset.done $0x0  }
0x2a5: {  	[sflag:s16] =	ssyncadd.s32 $0xFFFFC000  }
0x2a6: {  	_ =	swait.ge [sflag:s17], $0x4000  }
0x2a7: {  	[sflag:s17] =	ssyncset.done $0x0  }
0x2a8: {  	s23 =	simm.s32 $0x0;
	[sflag:s17] =	ssyncadd.s32 $0xFFFFC000  }
0x2a9: {  	v9 =	vld [tilespmem:s23+$0x4C00]  }
0x2aa: {  	v13 =	vld [tilespmem:s23+$0x4C10]  }
0x2ab: {  	v7 =	vld [tilespmem:s23+$0x4C20]  }
0x2ac: {  	v6 =	vld [tilespmem:s23+$0x4C30]  }
0x2ad: {  	v5 =	vld [tilespmem:s23+$0x4C40]  }
0x2ae: {  	v4 =	vld [tilespmem:s23+$0x4C50]  }
0x2af: {  	v3 =	vld [tilespmem:s23+$0x4C60]  }
0x2b0: {  	v2 =	vld [tilespmem:s23+$0x4C70]  }
0x2b1: {  	v14 =	vld [tilespmem:s23+$0xC00]  }
0x2b2: {  	v15 =	vld [tilespmem:s23+$0xC10]  }
0x2b3: {  	v12 =	vld [tilespmem:s23+$0xC20]  }
0x2b4: {  	v11 =	vld [tilespmem:s23+$0xC30]  }
0x2b5: {  	v10 =	vld [tilespmem:s23+$0xC40]  }
0x2b6: {  	v8 =	vld [tilespmem:s23+$0xC50];
	v14 =	vadd.f32 v9, v14  }
0x2b7: {  	s24 =	simm.s32 $0x200;
	v13 =	vadd.f32 v13, v15;
	v9 =	vld [tilespmem:s23+$0xC60]  }
.LBB2_33:
0x2b8: {  	s26 =	sshra.s32 s24, $0x2;
	p1 =	sne.s32 s24, $0xFE00;
	[tilespmem:s23+$0xC00] =	vst v14;
	v7 =	vadd.f32 v7, v12;
	v12 =	vld [tilespmem:s23+$0xC70]  }
0x2b9: {  	v14 =	vld [tilespmem:s26+$0x4C00];
	[tilespmem:s23+$0xC10] =	vst v13;
	v6 =	vadd.f32 v6, v11  }
0x2ba: {  	v13 =	vld [tilespmem:s26+$0x4C10];
	[tilespmem:s23+$0xC20] =	vst v7;
	v5 =	vadd.f32 v5, v10  }
0x2bb: {  	v7 =	vld [tilespmem:s26+$0x4C20];
	[tilespmem:s23+$0xC30] =	vst v6;
	v4 =	vadd.f32 v4, v8  }
0x2bc: {  	v6 =	vld [tilespmem:s26+$0x4C30];
	[tilespmem:s23+$0xC40] =	vst v5;
	v3 =	vadd.f32 v3, v9  }
0x2bd: {  	v5 =	vld [tilespmem:s26+$0x4C40];
	[tilespmem:s23+$0xC50] =	vst v4;
	v2 =	vadd.f32 v2, v12  }
0x2be: {  	v4 =	vld [tilespmem:s26+$0x4C50];
	[tilespmem:s23+$0xC60] =	vst v3  }
0x2bf: {  	v3 =	vld [tilespmem:s26+$0x4C60];
	[tilespmem:s23+$0xC70] =	vst v2;
	s23 =	smov.u32 s26  }
0x2c0: {  	v2 =	vld [tilespmem:s23+$0x4C70]  }
0x2c1: {  	v8 =	vld [tilespmem:s23+$0xC00]  }
0x2c2: {  	v9 =	vld [tilespmem:s23+$0xC10]  }
.Ltmp15:
0x2c3: {  	v12 =	vld [tilespmem:s23+$0xC20];
	(pc) =	sbr.rel @p1 .LBB2_33-.Ltmp15, $4  }
0x2c4: {  	v11 =	vld [tilespmem:s23+$0xC30]  }
0x2c5: {  	v10 =	vld [tilespmem:s23+$0xC40]  }
0x2c6: {  	v14 =	vadd.f32 v14, v8;
	v8 =	vld [tilespmem:s23+$0xC50]  }
0x2c7: {  	s24 =	sadd.s32 $0x200, s24;
	v13 =	vadd.f32 v13, v9;
	v9 =	vld [tilespmem:s23+$0xC60]  }
0x2c8: {  	[tilespmem:s23+$0xC00] =	vst v14;
	v7 =	vadd.f32 v7, v12;
	v63 =	vld [tilespmem:s23+$0xC70]  }
0x2c9: {  	[tilespmem:s23+$0xC10] =	vst v13;
	v6 =	vadd.f32 v6, v11  }
0x2ca: {  	[tilespmem:s23+$0xC20] =	vst v7;
	v5 =	vadd.f32 v5, v10  }
0x2cb: {  	[tilespmem:s23+$0xC30] =	vst v6;
	v4 =	vadd.f32 v4, v8  }
0x2cc: {  	[tilespmem:s23+$0xC40] =	vst v5;
	v3 =	vadd.f32 v3, v9  }
0x2cd: {  	[tilespmem:s23+$0xC50] =	vst v4;
	v2 =	vadd.f32 v2, v63  }
0x2ce: {  	[tilespmem:s23+$0xC60] =	vst v3  }
0x2cf: {  	s26 =	sadd.s32 $0x400, s22;
	[tilespmem:s23+$0xC70] =	vst v2  }
0x2d0: {  	[spmem:s30] =	stream.indirect.scatter.add.f32 [tilespmem:s14], [sflag:$0x3], $0x80, s26, s13, $0xb8;
	[tilespmem:$0x1FE00] =	vst v63  }
0x2d1: {  	_ =	swait.ge [sflag:s10], $0x4000  }
0x2d2: {  	[sflag:s10] =	ssyncset.done $0x0  }
0x2d3: {  	[sflag:s10] =	ssyncadd.s32 $0xFFFFC000  }
0x2d4: {  	v2 =	vld [tilespmem:s22+$0x400];
	_ =	sdelay $0x7  }
0x2d5: {  	[tilespmem:v2+s18+$0x0] =	vst.idx.add.f32.msk $0xffff, v1  }
0x2d6: {  	v2 =	vld [tilespmem:s22+$0x410];
	_ =	sdelay $0x7  }
0x2d7: {  	[tilespmem:v2+s18+$0x0] =	vst.idx.add.f32.msk $0xffff, v1  }
0x2d8: {  	v2 =	vld [tilespmem:s22+$0x420];
	_ =	sdelay $0x7  }
0x2d9: {  	[tilespmem:v2+s18+$0x0] =	vst.idx.add.f32.msk $0xffff, v1  }
0x2da: {  	v2 =	vld [tilespmem:s22+$0x430];
	_ =	sdelay $0x7  }
0x2db: {  	[tilespmem:v2+s18+$0x0] =	vst.idx.add.f32.msk $0xffff, v1  }
0x2dc: {  	v2 =	vld [tilespmem:s22+$0x440];
	_ =	sdelay $0x7  }
0x2dd: {  	[tilespmem:v2+s18+$0x0] =	vst.idx.add.f32.msk $0xffff, v1  }
0x2de: {  	v2 =	vld [tilespmem:s22+$0x450];
	_ =	sdelay $0x7  }
0x2df: {  	[tilespmem:v2+s18+$0x0] =	vst.idx.add.f32.msk $0xffff, v1  }
0x2e0: {  	v2 =	vld [tilespmem:s22+$0x460];
	_ =	sdelay $0x7  }
0x2e1: {  	[tilespmem:v2+s18+$0x0] =	vst.idx.add.f32.msk $0xffff, v1  }
0x2e2: {  	v2 =	vld [tilespmem:s22+$0x470];
	_ =	sdelay $0x1  }
0x2e3: {  	s21 =	sadd.s32 $0x1, s21  }
0x2e4: {  	p1 =	sne.s32 s21, $0x8  }
.Ltmp16:
0x2e5: {  	_ = 	snop;
	(pc) =	sbr.rel @p1 .LBB2_32-.Ltmp16, $2  }
0x2e6: {  	_ =	sdelay $0x2  }
0x2e7: {  	[tilespmem:v2+s18+$0x0] =	vst.idx.add.f32.msk $0xffff, v1  }
0x2e8: {  	s21 =	simm.s32 $0x0;
	s22 =	rddreg [dreg:$0x1e]  }
0x2e9: {  	[tilespmem:s21], [sflag:$0x3] =	stream.linear.gather [hbm4b:s22+s21], $0x400, $0x38;
	[tilespmem:$0x1FE00] =	vst v63  }
0x2ea: {  	_ =	swait.ge [sflag:s10], $0x400  }
0x2eb: {  	[sflag:s10] =	ssyncset.done $0x0  }
0x2ec: {  	[sflag:s10] =	ssyncadd.s32 $0xFFFFFC00  }
0x2ed: {  	[tilespmem:s11], [sflag:$0x3] =	stream.linear.gather [hbm4b:s28+s21], $0x400, $0x38;
	[tilespmem:$0x1FE00] =	vst v63  }
0x2ee: {  	_ =	swait.ge [sflag:s10], $0x400  }
0x2ef: {  	[sflag:s10] =	ssyncset.done $0x0  }
0x2f0: {  	[sflag:s10] =	ssyncadd.s32 $0xFFFFFC00  }
0x2f1: {  	[tilespmem:s12], [sflag:$0x3] =	stream.linear.gather [hbm4b:s29+s21], $0x400, $0x38;
	[tilespmem:$0x1FE00] =	vst v63  }
0x2f2: {  	_ =	swait.ge [sflag:s10], $0x400  }
0x2f3: {  	[sflag:s10] =	ssyncset.done $0x0  }
0x2f4: {  	[sflag:s10] =	ssyncadd.s32 $0xFFFFFC00  }
.LBB2_36:
0x2f5: {  	s22 =	sshll.u32 s21, $0x7  }
0x2f6: {  	[tilespmem:s14], [sflag:$0x1] =	stream.indirect.gather [hbm4b:s25+s13], $0x80, s22, s13, $0xb8;
	[tilespmem:$0x1FE00] =	vst v63  }
0x2f7: {  	s23 =	sadd.s32 $0x800, s22  }
0x2f8: {  	[tilespmem:s15], [sflag:$0x2] =	stream.indirect.gather [spmem:s1], $0x80, s23, s13, $0xb8;
	[tilespmem:$0x1FE00] =	vst v63  }
0x2f9: {  	_ =	swait.ge [sflag:s16], $0x4000  }
0x2fa: {  	[sflag:s16] =	ssyncset.done $0x0  }
0x2fb: {  	[sflag:s16] =	ssyncadd.s32 $0xFFFFC000  }
0x2fc: {  	_ =	swait.ge [sflag:s17], $0x4000  }
0x2fd: {  	[sflag:s17] =	ssyncset.done $0x0  }
0x2fe: {  	s23 =	simm.s32 $0x0;
	[sflag:s17] =	ssyncadd.s32 $0xFFFFC000  }
0x2ff: {  	v9 =	vld [tilespmem:s23+$0x4C00]  }
0x300: {  	v13 =	vld [tilespmem:s23+$0x4C10]  }
0x301: {  	v7 =	vld [tilespmem:s23+$0x4C20]  }
0x302: {  	v6 =	vld [tilespmem:s23+$0x4C30]  }
0x303: {  	v5 =	vld [tilespmem:s23+$0x4C40]  }
0x304: {  	v4 =	vld [tilespmem:s23+$0x4C50]  }
0x305: {  	v3 =	vld [tilespmem:s23+$0x4C60]  }
0x306: {  	v2 =	vld [tilespmem:s23+$0x4C70]  }
0x307: {  	v14 =	vld [tilespmem:s23+$0xC00]  }
0x308: {  	v15 =	vld [tilespmem:s23+$0xC10]  }
0x309: {  	v12 =	vld [tilespmem:s23+$0xC20]  }
0x30a: {  	v11 =	vld [tilespmem:s23+$0xC30]  }
0x30b: {  	v10 =	vld [tilespmem:s23+$0xC40]  }
0x30c: {  	v8 =	vld [tilespmem:s23+$0xC50];
	v14 =	vadd.f32 v9, v14  }
0x30d: {  	s24 =	simm.s32 $0x200;
	v13 =	vadd.f32 v13, v15;
	v9 =	vld [tilespmem:s23+$0xC60]  }
.LBB2_37:
0x30e: {  	s26 =	sshra.s32 s24, $0x2;
	p1 =	sne.s32 s24, $0xFE00;
	[tilespmem:s23+$0xC00] =	vst v14;
	v7 =	vadd.f32 v7, v12;
	v12 =	vld [tilespmem:s23+$0xC70]  }
0x30f: {  	v14 =	vld [tilespmem:s26+$0x4C00];
	[tilespmem:s23+$0xC10] =	vst v13;
	v6 =	vadd.f32 v6, v11  }
0x310: {  	v13 =	vld [tilespmem:s26+$0x4C10];
	[tilespmem:s23+$0xC20] =	vst v7;
	v5 =	vadd.f32 v5, v10  }
0x311: {  	v7 =	vld [tilespmem:s26+$0x4C20];
	[tilespmem:s23+$0xC30] =	vst v6;
	v4 =	vadd.f32 v4, v8  }
0x312: {  	v6 =	vld [tilespmem:s26+$0x4C30];
	[tilespmem:s23+$0xC40] =	vst v5;
	v3 =	vadd.f32 v3, v9  }
0x313: {  	v5 =	vld [tilespmem:s26+$0x4C40];
	[tilespmem:s23+$0xC50] =	vst v4;
	v2 =	vadd.f32 v2, v12  }
0x314: {  	v4 =	vld [tilespmem:s26+$0x4C50];
	[tilespmem:s23+$0xC60] =	vst v3  }
0x315: {  	v3 =	vld [tilespmem:s26+$0x4C60];
	[tilespmem:s23+$0xC70] =	vst v2;
	s23 =	smov.u32 s26  }
0x316: {  	v2 =	vld [tilespmem:s23+$0x4C70]  }
0x317: {  	v8 =	vld [tilespmem:s23+$0xC00]  }
0x318: {  	v9 =	vld [tilespmem:s23+$0xC10]  }
.Ltmp17:
0x319: {  	v12 =	vld [tilespmem:s23+$0xC20];
	(pc) =	sbr.rel @p1 .LBB2_37-.Ltmp17, $4  }
0x31a: {  	v11 =	vld [tilespmem:s23+$0xC30]  }
0x31b: {  	v10 =	vld [tilespmem:s23+$0xC40]  }
0x31c: {  	v14 =	vadd.f32 v14, v8;
	v8 =	vld [tilespmem:s23+$0xC50]  }
0x31d: {  	s24 =	sadd.s32 $0x200, s24;
	v13 =	vadd.f32 v13, v9;
	v9 =	vld [tilespmem:s23+$0xC60]  }
0x31e: {  	[tilespmem:s23+$0xC00] =	vst v14;
	v7 =	vadd.f32 v7, v12;
	v63 =	vld [tilespmem:s23+$0xC70]  }
0x31f: {  	[tilespmem:s23+$0xC10] =	vst v13;
	v6 =	vadd.f32 v6, v11  }
0x320: {  	[tilespmem:s23+$0xC20] =	vst v7;
	v5 =	vadd.f32 v5, v10  }
0x321: {  	[tilespmem:s23+$0xC30] =	vst v6;
	v4 =	vadd.f32 v4, v8  }
0x322: {  	[tilespmem:s23+$0xC40] =	vst v5;
	v3 =	vadd.f32 v3, v9  }
0x323: {  	[tilespmem:s23+$0xC50] =	vst v4;
	v2 =	vadd.f32 v2, v63  }
0x324: {  	[tilespmem:s23+$0xC60] =	vst v3  }
0x325: {  	s26 =	sadd.s32 $0x400, s22;
	[tilespmem:s23+$0xC70] =	vst v2  }
0x326: {  	[spmem:s30] =	stream.indirect.scatter.add.f32 [tilespmem:s14], [sflag:$0x3], $0x80, s26, s13, $0xb8;
	[tilespmem:$0x1FE00] =	vst v63  }
0x327: {  	_ =	swait.ge [sflag:s10], $0x4000  }
0x328: {  	[sflag:s10] =	ssyncset.done $0x0  }
0x329: {  	[sflag:s10] =	ssyncadd.s32 $0xFFFFC000  }
0x32a: {  	v2 =	vld [tilespmem:s22+$0x400];
	_ =	sdelay $0x7  }
0x32b: {  	[tilespmem:v2+s18+$0x0] =	vst.idx.add.f32.msk $0xffff, v1  }
0x32c: {  	v2 =	vld [tilespmem:s22+$0x410];
	_ =	sdelay $0x7  }
0x32d: {  	[tilespmem:v2+s18+$0x0] =	vst.idx.add.f32.msk $0xffff, v1  }
0x32e: {  	v2 =	vld [tilespmem:s22+$0x420];
	_ =	sdelay $0x7  }
0x32f: {  	[tilespmem:v2+s18+$0x0] =	vst.idx.add.f32.msk $0xffff, v1  }
0x330: {  	v2 =	vld [tilespmem:s22+$0x430];
	_ =	sdelay $0x7  }
0x331: {  	[tilespmem:v2+s18+$0x0] =	vst.idx.add.f32.msk $0xffff, v1  }
0x332: {  	v2 =	vld [tilespmem:s22+$0x440];
	_ =	sdelay $0x7  }
0x333: {  	[tilespmem:v2+s18+$0x0] =	vst.idx.add.f32.msk $0xffff, v1  }
0x334: {  	v2 =	vld [tilespmem:s22+$0x450];
	_ =	sdelay $0x7  }
0x335: {  	[tilespmem:v2+s18+$0x0] =	vst.idx.add.f32.msk $0xffff, v1  }
0x336: {  	v2 =	vld [tilespmem:s22+$0x460];
	_ =	sdelay $0x7  }
0x337: {  	[tilespmem:v2+s18+$0x0] =	vst.idx.add.f32.msk $0xffff, v1  }
0x338: {  	v2 =	vld [tilespmem:s22+$0x470];
	_ =	sdelay $0x1  }
0x339: {  	s21 =	sadd.s32 $0x1, s21  }
0x33a: {  	p1 =	sne.s32 s21, $0x8  }
.Ltmp18:
0x33b: {  	_ = 	snop;
	(pc) =	sbr.rel @p1 .LBB2_36-.Ltmp18, $2  }
0x33c: {  	_ =	sdelay $0x2  }
0x33d: {  	[tilespmem:v2+s18+$0x0] =	vst.idx.add.f32.msk $0xffff, v1  }
0x33e: {  	s21 =	simm.s32 $0x0  }
0x33f: {  	[tilespmem:s21], [sflag:$0x3] =	stream.linear.gather [hbm4b:s31+s21], $0x400, $0x38;
	[tilespmem:$0x1FE00] =	vst v63  }
0x340: {  	_ =	swait.ge [sflag:s10], $0x400  }
0x341: {  	[sflag:s10] =	ssyncset.done $0x0  }
0x342: {  	[sflag:s10] =	ssyncadd.s32 $0xFFFFFC00  }
0x343: {  	[tilespmem:s11], [sflag:$0x3] =	stream.linear.gather [hbm4b:s0+s21], $0x400, $0x38;
	[tilespmem:$0x1FE00] =	vst v63  }
0x344: {  	_ =	swait.ge [sflag:s10], $0x400  }
0x345: {  	[sflag:s10] =	ssyncset.done $0x0  }
0x346: {  	[sflag:s10] =	ssyncadd.s32 $0xFFFFFC00  }
0x347: {  	[tilespmem:s12], [sflag:$0x3] =	stream.linear.gather [hbm4b:s2+s21], $0x400, $0x38;
	[tilespmem:$0x1FE00] =	vst v63  }
0x348: {  	_ =	swait.ge [sflag:s10], $0x400  }
0x349: {  	[sflag:s10] =	ssyncset.done $0x0  }
0x34a: {  	[sflag:s10] =	ssyncadd.s32 $0xFFFFFC00  }
.LBB2_40:
0x34b: {  	s22 =	sshll.u32 s21, $0x7  }
0x34c: {  	[tilespmem:s14], [sflag:$0x1] =	stream.indirect.gather [hbm4b:s25+s13], $0x80, s22, s13, $0xb8;
	[tilespmem:$0x1FE00] =	vst v63  }
0x34d: {  	s23 =	sadd.s32 $0x800, s22  }
0x34e: {  	[tilespmem:s15], [sflag:$0x2] =	stream.indirect.gather [spmem:s1], $0x80, s23, s13, $0xb8;
	[tilespmem:$0x1FE00] =	vst v63  }
0x34f: {  	_ =	swait.ge [sflag:s16], $0x4000  }
0x350: {  	[sflag:s16] =	ssyncset.done $0x0  }
0x351: {  	[sflag:s16] =	ssyncadd.s32 $0xFFFFC000  }
0x352: {  	_ =	swait.ge [sflag:s17], $0x4000  }
0x353: {  	[sflag:s17] =	ssyncset.done $0x0  }
0x354: {  	s23 =	simm.s32 $0x0;
	[sflag:s17] =	ssyncadd.s32 $0xFFFFC000  }
0x355: {  	v9 =	vld [tilespmem:s23+$0x4C00]  }
0x356: {  	v13 =	vld [tilespmem:s23+$0x4C10]  }
0x357: {  	v7 =	vld [tilespmem:s23+$0x4C20]  }
0x358: {  	v6 =	vld [tilespmem:s23+$0x4C30]  }
0x359: {  	v5 =	vld [tilespmem:s23+$0x4C40]  }
0x35a: {  	v4 =	vld [tilespmem:s23+$0x4C50]  }
0x35b: {  	v3 =	vld [tilespmem:s23+$0x4C60]  }
0x35c: {  	v2 =	vld [tilespmem:s23+$0x4C70]  }
0x35d: {  	v14 =	vld [tilespmem:s23+$0xC00]  }
0x35e: {  	v15 =	vld [tilespmem:s23+$0xC10]  }
0x35f: {  	v12 =	vld [tilespmem:s23+$0xC20]  }
0x360: {  	v11 =	vld [tilespmem:s23+$0xC30]  }
0x361: {  	v10 =	vld [tilespmem:s23+$0xC40]  }
0x362: {  	v8 =	vld [tilespmem:s23+$0xC50];
	v14 =	vadd.f32 v9, v14  }
0x363: {  	s24 =	simm.s32 $0x200;
	v13 =	vadd.f32 v13, v15;
	v9 =	vld [tilespmem:s23+$0xC60]  }
.LBB2_41:
0x364: {  	s26 =	sshra.s32 s24, $0x2;
	p1 =	sne.s32 s24, $0xFE00;
	[tilespmem:s23+$0xC00] =	vst v14;
	v7 =	vadd.f32 v7, v12;
	v12 =	vld [tilespmem:s23+$0xC70]  }
0x365: {  	v14 =	vld [tilespmem:s26+$0x4C00];
	[tilespmem:s23+$0xC10] =	vst v13;
	v6 =	vadd.f32 v6, v11  }
0x366: {  	v13 =	vld [tilespmem:s26+$0x4C10];
	[tilespmem:s23+$0xC20] =	vst v7;
	v5 =	vadd.f32 v5, v10  }
0x367: {  	v7 =	vld [tilespmem:s26+$0x4C20];
	[tilespmem:s23+$0xC30] =	vst v6;
	v4 =	vadd.f32 v4, v8  }
0x368: {  	v6 =	vld [tilespmem:s26+$0x4C30];
	[tilespmem:s23+$0xC40] =	vst v5;
	v3 =	vadd.f32 v3, v9  }
0x369: {  	v5 =	vld [tilespmem:s26+$0x4C40];
	[tilespmem:s23+$0xC50] =	vst v4;
	v2 =	vadd.f32 v2, v12  }
0x36a: {  	v4 =	vld [tilespmem:s26+$0x4C50];
	[tilespmem:s23+$0xC60] =	vst v3  }
0x36b: {  	v3 =	vld [tilespmem:s26+$0x4C60];
	[tilespmem:s23+$0xC70] =	vst v2;
	s23 =	smov.u32 s26  }
0x36c: {  	v2 =	vld [tilespmem:s23+$0x4C70]  }
0x36d: {  	v8 =	vld [tilespmem:s23+$0xC00]  }
0x36e: {  	v9 =	vld [tilespmem:s23+$0xC10]  }
.Ltmp19:
0x36f: {  	v12 =	vld [tilespmem:s23+$0xC20];
	(pc) =	sbr.rel @p1 .LBB2_41-.Ltmp19, $4  }
0x370: {  	v11 =	vld [tilespmem:s23+$0xC30]  }
0x371: {  	v10 =	vld [tilespmem:s23+$0xC40]  }
0x372: {  	v14 =	vadd.f32 v14, v8;
	v8 =	vld [tilespmem:s23+$0xC50]  }
0x373: {  	s24 =	sadd.s32 $0x200, s24;
	v13 =	vadd.f32 v13, v9;
	v9 =	vld [tilespmem:s23+$0xC60]  }
0x374: {  	[tilespmem:s23+$0xC00] =	vst v14;
	v7 =	vadd.f32 v7, v12;
	v63 =	vld [tilespmem:s23+$0xC70]  }
0x375: {  	[tilespmem:s23+$0xC10] =	vst v13;
	v6 =	vadd.f32 v6, v11  }
0x376: {  	[tilespmem:s23+$0xC20] =	vst v7;
	v5 =	vadd.f32 v5, v10  }
0x377: {  	[tilespmem:s23+$0xC30] =	vst v6;
	v4 =	vadd.f32 v4, v8  }
0x378: {  	[tilespmem:s23+$0xC40] =	vst v5;
	v3 =	vadd.f32 v3, v9  }
0x379: {  	[tilespmem:s23+$0xC50] =	vst v4;
	v2 =	vadd.f32 v2, v63  }
0x37a: {  	[tilespmem:s23+$0xC60] =	vst v3  }
0x37b: {  	s26 =	sadd.s32 $0x400, s22;
	[tilespmem:s23+$0xC70] =	vst v2  }
0x37c: {  	[spmem:s30] =	stream.indirect.scatter.add.f32 [tilespmem:s14], [sflag:$0x3], $0x80, s26, s13, $0xb8;
	[tilespmem:$0x1FE00] =	vst v63  }
0x37d: {  	_ =	swait.ge [sflag:s10], $0x4000  }
0x37e: {  	[sflag:s10] =	ssyncset.done $0x0  }
0x37f: {  	[sflag:s10] =	ssyncadd.s32 $0xFFFFC000  }
0x380: {  	v2 =	vld [tilespmem:s22+$0x400];
	_ =	sdelay $0x7  }
0x381: {  	[tilespmem:v2+s18+$0x0] =	vst.idx.add.f32.msk $0xffff, v1  }
0x382: {  	v2 =	vld [tilespmem:s22+$0x410];
	_ =	sdelay $0x7  }
0x383: {  	[tilespmem:v2+s18+$0x0] =	vst.idx.add.f32.msk $0xffff, v1  }
0x384: {  	v2 =	vld [tilespmem:s22+$0x420];
	_ =	sdelay $0x7  }
0x385: {  	[tilespmem:v2+s18+$0x0] =	vst.idx.add.f32.msk $0xffff, v1  }
0x386: {  	v2 =	vld [tilespmem:s22+$0x430];
	_ =	sdelay $0x7  }
0x387: {  	[tilespmem:v2+s18+$0x0] =	vst.idx.add.f32.msk $0xffff, v1  }
0x388: {  	v2 =	vld [tilespmem:s22+$0x440];
	_ =	sdelay $0x7  }
0x389: {  	[tilespmem:v2+s18+$0x0] =	vst.idx.add.f32.msk $0xffff, v1  }
0x38a: {  	v2 =	vld [tilespmem:s22+$0x450];
	_ =	sdelay $0x7  }
0x38b: {  	[tilespmem:v2+s18+$0x0] =	vst.idx.add.f32.msk $0xffff, v1  }
0x38c: {  	v2 =	vld [tilespmem:s22+$0x460];
	_ =	sdelay $0x7  }
0x38d: {  	[tilespmem:v2+s18+$0x0] =	vst.idx.add.f32.msk $0xffff, v1  }
0x38e: {  	v2 =	vld [tilespmem:s22+$0x470];
	_ =	sdelay $0x1  }
0x38f: {  	s21 =	sadd.s32 $0x1, s21  }
0x390: {  	p1 =	sne.s32 s21, $0x8  }
.Ltmp20:
0x391: {  	_ = 	snop;
	(pc) =	sbr.rel @p1 .LBB2_40-.Ltmp20, $2  }
0x392: {  	_ =	sdelay $0x2  }
0x393: {  	[tilespmem:v2+s18+$0x0] =	vst.idx.add.f32.msk $0xffff, v1  }
0x394: {  	[bflag:$0x0] =	sbarrier.arrive $0xFFFF  }
0x395: {  	[hbm:s7], [sflag:s6] =	dma.local [spmem:s20], $0x2780  }
0x396: {  	s19 =	sadd.s32 $0x1, s19;
	_ =	swait.ge [sflag:s10], $0x2780  }
0x397: {  	p1 =	sne.s32 s19, s9;
	[sflag:s10] =	ssyncset.done $0x0  }
.Ltmp21:
0x398: {  	s26 =	simm.s32 $0x0;
	[sflag:s10] =	ssyncadd.s32 $0xFFFFD880;
	(pc) =	sbr.rel @p1 .LBB2_1-.Ltmp21, $4  }
0x399: {  	[hbm4b:s8+s26] =	stream.linear.scatter [tilespmem:s18], [sflag:$0x3], $0x2780, $0x38;
	[tilespmem:$0x1FE00] =	vst v63  }
0x39a: {  	_ =	swait.ge [sflag:s10], $0x2780  }
0x39b: {  	[sflag:s10] =	ssyncset.done $0x0  }
0x39c: {  	[sflag:s10] =	ssyncadd.s32 $0xFFFFD880  }
0x39d: {  	_ =	sfence.sel $0x180000  }
0x39e: {  	[bflag:$0x0] =	sbarrier.arrive $0xFFFF  }
0x39f: {  	_ =	strace $0x90000047  }
0x3a0: {  	[bflag:$0x2] =	sbarrier.arrive $0xFFFF  }
0x3a1: {  	s0 =	rddreg [dreg:$0x5]  }
0x3a2: {  	s0 =	sadd.s32 @!p0 $0x100000, s0  }
0x3a3: {  	[sflag:s0] =	ssyncadd.tile.s32 @!p0 $0x1;
	_ =	shalt  }
.Lfunc_end2:
_tile_overlayer_lowered:
.L_overlay_start_2:
0x3a4: {  	(tag) =	ssettag $0x2  }
0x3a5: {  	s0 =	rddreg [dreg:$0x0];
	s2 =	stileid.u32  }
0x3a6: {  	s1 =	rddreg [dreg:$0x1];
	p0 =	sne.s32 s2, $0x0  }
0x3a7: {  	s3 =	rddreg [dreg:$0x2];
	[bflag:$0x3] =	sbarrier.arrive $0xFFFF;
	s2 =	simm.s32 @!p0 $0x1C03  }
0x3a8: {  	[timem:s3], [sflag:s2] =	dma.local @!p0 [hbm:s0], s1  }
0x3a9: {  	s0 =	simm.s32 @!p0 $0x3  }
0x3aa: {  	_ =	swait.ge @!p0 [sflag:s0], s1  }
0x3ab: {  	s1 =	ssub.s32 @!p0 $0x0, s1;
	[sflag:s0] =	ssyncset.done @!p0 $0x0  }
0x3ac: {  	[sflag:s0] =	ssyncadd.s32 @!p0 s1  }
0x3ad: {  	[bflag:$0x3] =	sbarrier.arrive $0xFFFF  }
0x3ae: {  	_ =	shalt  }

</sc_bundles>
